<compile_context>
chip_gen: v7x
topology: tpu7x:2x2x1
jax: 0.10.2.dev20260603
libtpu: 0.0.44.dev20260713+nightly
codegen_flags: <defaults>
</compile_context>

<pallas_src>
import functools

import jax
import jax.numpy as jnp
from jax import lax
from jax.experimental import pallas as pl
from jax.experimental.pallas import tpu as pltpu
from jax.experimental.pallas import tpu_sc as plsc

D = 64
S = 128
B = 2
NF = 2
HEADS = 8
REPS = HEADS // NF
VOCAB = 34

NC, NS, L = 2, 16, 16
NW = NC * NS

IDX_ROWS = NF * B * S
ROWS_PER_TILE = IDX_ROWS // NW
CHUNK = 256
N_CHUNK = ROWS_PER_TILE * S // CHUNK
GATHERS_PER_CHUNK = CHUNK // S
SLAB_SZ = S * S
OUT_ROWS = B * HEADS * SLAB_SZ


def _body(idx_hbm, tk_hbm, tv_hbm, outk_hbm, outv_hbm,
          idx_v, k_rows, v_rows, gsem, wsem0, wsem1):
    wid = lax.axis_index("s") * NC + lax.axis_index("c")
    slab = wid // (NW // (NF * B))
    part = wid % (NW // (NF * B))
    f = slab // B
    b = slab % B

    pltpu.sync_copy(idx_hbm.at[pl.ds(wid * ROWS_PER_TILE, ROWS_PER_TILE)],
                    idx_v)

    off = f * VOCAB
    for r in range(ROWS_PER_TILE):
        for c in range(S // L):
            sl = (r, pl.ds(c * L, L))
            idx_v[sl] = idx_v[sl] + off

    wsems = (wsem0, wsem1)
    pending = [[], []]

    for ci in range(N_CHUNK):
        sel = ci % 2
        bsl = pl.ds(sel * CHUNK, CHUNK)

        for c in pending[sel]:
            c.wait()
        pending[sel] = []

        copies = []
        for j in range(GATHERS_PER_CHUNK):
            row = ci * GATHERS_PER_CHUNK + j
            dst = pl.ds(sel * CHUNK + j * S, S)
            copies.append(pltpu.async_copy(
                tk_hbm.at[idx_v.at[row]], k_rows.at[dst], gsem))
            copies.append(pltpu.async_copy(
                tv_hbm.at[idx_v.at[row]], v_rows.at[dst], gsem))
        for c in copies:
            c.wait()

        base = part * (N_CHUNK * CHUNK) + ci * CHUNK
        for rep in range(REPS):
            head_row = (b * HEADS + f * REPS + rep) * SLAB_SZ + base
            pending[sel].append(pltpu.async_copy(
                k_rows.at[bsl], outk_hbm.at[pl.ds(head_row, CHUNK)],
                wsems[sel]))
            pending[sel].append(pltpu.async_copy(
                v_rows.at[bsl], outv_hbm.at[pl.ds(head_row, CHUNK)],
                wsems[sel]))

    for sel in range(2):
        for c in pending[sel]:
            c.wait()


@jax.jit
def _sc_lookup(idx, t_k, t_v):
    run = pl.kernel(
        _body,
        out_type=[jax.ShapeDtypeStruct((OUT_ROWS, D), jnp.float32),
                  jax.ShapeDtypeStruct((OUT_ROWS, D), jnp.float32)],
        mesh=plsc.VectorSubcoreMesh(core_axis_name="c", subcore_axis_name="s",
                                    num_cores=NC, num_subcores=NS),
        scratch_types=[
            pltpu.VMEM((ROWS_PER_TILE, S), jnp.int32),
            pltpu.VMEM((2 * CHUNK, D), jnp.float32),
            pltpu.VMEM((2 * CHUNK, D), jnp.float32),
            pltpu.SemaphoreType.DMA,
            pltpu.SemaphoreType.DMA,
            pltpu.SemaphoreType.DMA,
        ],
        compiler_params=pltpu.CompilerParams(use_tc_tiling_on_sc=False),
    )
    return run(idx, t_k, t_v)


def kernel(inputs, emb0, emb1):
    scale = jnp.float32(8.0)
    t_k = jnp.concatenate([emb0[:, :D], emb1[:, :D]], axis=0) * scale
    t_v = jnp.concatenate([emb0[:, D:], emb1[:, D:]], axis=0) * scale
    idx = inputs.reshape(IDX_ROWS, S)
    out_k, out_v = _sc_lookup(idx, t_k, t_v)
    return (out_k.reshape(B, HEADS, S, S, D),
            out_v.reshape(B, HEADS, S, S, D))

# --- scband reference (transcript-rebuilt; emitter-appended) ---
"""Pipeline reference for scband-tree-relative-position-38972533244454 (READ-ONLY COPY).

The authoritative reference and input builder live on the scoring server;
editing this copy changes nothing except your own understanding.
"""

import jax, jax.numpy as jnp
import numpy as np
import math

D_MODEL = 64
K = 16
NUM_HEADS = 8
NUM_FEATURES = 2
VOCAB = 2 * K + 2  # 34
B = 2
S = 128


def setup_inputs(seed: int = 0) -> dict:
    key = jax.random.key(seed)
    k1, k2, k3 = jax.random.split(key, 3)
    # list of per-feature index tensors, stacked on dim 0 (iterating dim 0 matches the torch list)
    inputs = jax.random.randint(k1, (NUM_FEATURES, B, S, S), 0, VOCAB, dtype=jnp.int32)
    # nn.Embedding(2k+2, d_model*2, padding_idx=0): row 0 is zeros
    emb0 = jax.random.normal(k2, (VOCAB, 2 * D_MODEL), dtype=jnp.float32).at[0].set(0.0)
    emb1 = jax.random.normal(k3, (VOCAB, 2 * D_MODEL), dtype=jnp.float32).at[0].set(0.0)
    return {"inputs": inputs, "emb0": emb0, "emb1": emb1}


def _repeat_for_each_feature(emb):
    # emb: [B, S, S, d_model] -> [B, num_heads // num_features, S, S, d_model]
    reps = NUM_HEADS // NUM_FEATURES
    b, s = emb.shape[0], emb.shape[1]
    emb = jnp.tile(emb, (1, 1, 1, reps))
    emb = emb.reshape(b, s, s, reps, D_MODEL)
    return jnp.transpose(emb, (0, 3, 1, 2, 4))


def reference(inputs, emb0, emb1):
    tables = [emb0, emb1]
    k_emb_list = []
    v_emb_list = []
    for i in range(NUM_FEATURES):
        v = inputs[i]  # [B, S, S]
        batch_size, max_size = v.shape[0], v.shape[1]
        # v.unsqueeze(3) then embedding lookup -> [B, S, S, 1, 2*d_model]
        position_emb = jnp.take(tables[i], v, axis=0)  # [B, S, S, 2*d_model]
        # dropout is p=0 -> identity
        position_emb = position_emb.reshape(batch_size, max_size, max_size, 2, D_MODEL) * math.sqrt(D_MODEL)
        k_emb = position_emb[:, :, :, 0, :]
        v_emb = position_emb[:, :, :, 1, :]
        k_emb_list.append(_repeat_for_each_feature(k_emb))
        v_emb_list.append(_repeat_for_each_feature(v_emb))
    k_emb_n = jnp.concatenate(k_emb_list, axis=1)
    v_emb_n = jnp.concatenate(v_emb_list, axis=1)
    return (k_emb_n, v_emb_n)

if __name__ == "__main__":
    import jax
    _d = setup_inputs()
    print(jax.jit(kernel)(*tuple(_d.values())))

</pallas_src>

<mosaic_0001>
#map = affine_map<(d0, d1) -> (0, 0)>
module attributes {stable_mosaic.version = 14 : i64} {
  func.func @_body(%arg0: i32, %arg1: i32, %arg2: memref<512x128xi32, #tpu.memory_space<hbm>>, %arg3: memref<68x64xf32, #tpu.memory_space<hbm>>, %arg4: memref<68x64xf32, #tpu.memory_space<hbm>>, %arg5: memref<262144x64xf32, #tpu.memory_space<hbm>>, %arg6: memref<262144x64xf32, #tpu.memory_space<hbm>>, %arg7: memref<16x128xi32, #tpu.memory_space<vmem>>, %arg8: memref<512x64xf32, #tpu.memory_space<vmem>>, %arg9: memref<512x64xf32, #tpu.memory_space<vmem>>, %arg10: memref<!tpu.dma_semaphore, #tpu.memory_space<semaphore_mem>>, %arg11: memref<!tpu.dma_semaphore, #tpu.memory_space<semaphore_mem>>, %arg12: memref<!tpu.dma_semaphore, #tpu.memory_space<semaphore_mem>>) attributes {dimension_semantics = [#tpu.dimension_semantics<core_parallel>, #tpu.dimension_semantics<subcore_parallel>], iteration_bounds = array<i64: 2, 16>, scalar_prefetch = 0 : i64, scratch_operands = 6 : i64, tpu.core_type = #tpu.core_type<sc_vector_subcore>, window_params = [{transform_indices = #map}, {transform_indices = #map}, {transform_indices = #map}, {transform_indices = #map}, {transform_indices = #map}]} {
    %mul3A = arith.constant 2 : i32
    %mul3A_0 = arith.muli %arg1, %mul3A : i32
    %add3A = arith.addi %mul3A_0, %arg0 : i32
    %jit3A = arith.constant 8 : i32
    %div3A = arith.divsi %add3A, %jit3A : i32
    %sign3A = arith.constant 0 : i32
    %sign3A_1 = arith.cmpi sgt, %add3A, %sign3A : i32
    %sign3A_2 = arith.extui %sign3A_1 : i1 to i32
    %sign3A_3 = arith.constant 0 : i32
    %sign3A_4 = arith.cmpi slt, %add3A, %sign3A_3 : i32
    %sign3A_5 = arith.extui %sign3A_4 : i1 to i32
    %sign3A_6 = arith.subi %sign3A_2, %sign3A_5 : i32
    %sign3A_7 = arith.constant 0 : i32
    %sign3A_8 = arith.cmpi sgt, %jit3A, %sign3A_7 : i32
    %sign3A_9 = arith.extui %sign3A_8 : i1 to i32
    %sign3A_10 = arith.constant 0 : i32
    %sign3A_11 = arith.cmpi slt, %jit3A, %sign3A_10 : i32
    %sign3A_12 = arith.extui %sign3A_11 : i1 to i32
    %sign3A_13 = arith.subi %sign3A_9, %sign3A_12 : i32
    %ne3A = arith.cmpi ne, %sign3A_6, %sign3A_13 : i32
    %rem3A = arith.remsi %add3A, %jit3A : i32
    %ne3A_14 = arith.constant 0 : i32
    %ne3A_15 = arith.cmpi ne, %rem3A, %ne3A_14 : i32
    %and3A = arith.andi %ne3A, %ne3A_15 : i1
    %sub3A = arith.constant 1 : i32
    %sub3A_16 = arith.subi %div3A, %sub3A : i32
    %select_n3A = arith.select %and3A, %sub3A_16, %div3A : i32
    %jit3A_17 = arith.constant 8 : i32
    %eq3A = arith.constant 0 : i32
    %eq3A_18 = arith.cmpi eq, %jit3A_17, %eq3A : i32
    %jit3A_19 = arith.constant 1 : i32
    %select_n3A_20 = arith.select %eq3A_18, %jit3A_19, %jit3A_17 : i32
    %rem3A_21 = arith.remsi %add3A, %select_n3A_20 : i32
    %ne3A_22 = arith.constant 0 : i32
    %ne3A_23 = arith.cmpi ne, %rem3A_21, %ne3A_22 : i32
    %lt3A = arith.constant 0 : i32
    %lt3A_24 = arith.cmpi slt, %rem3A_21, %lt3A : i32
    %lt3A_25 = arith.constant 0 : i32
    %lt3A_26 = arith.cmpi slt, %select_n3A_20, %lt3A_25 : i32
    %ne3A_27 = arith.xori %lt3A_24, %lt3A_26 : i1
    %and3A_28 = arith.andi %ne3A_27, %ne3A_23 : i1
    %add3A_29 = arith.addi %rem3A_21, %select_n3A_20 : i32
    %select_n3A_30 = arith.select %and3A_28, %add3A_29, %rem3A_21 : i32
    %jit3A_31 = arith.constant 2 : i32
    %div3A_32 = arith.divsi %select_n3A, %jit3A_31 : i32
    %sign3A_33 = arith.constant 0 : i32
    %sign3A_34 = arith.cmpi sgt, %select_n3A, %sign3A_33 : i32
    %sign3A_35 = arith.extui %sign3A_34 : i1 to i32
    %sign3A_36 = arith.constant 0 : i32
    %sign3A_37 = arith.cmpi slt, %select_n3A, %sign3A_36 : i32
    %sign3A_38 = arith.extui %sign3A_37 : i1 to i32
    %sign3A_39 = arith.subi %sign3A_35, %sign3A_38 : i32
    %sign3A_40 = arith.constant 0 : i32
    %sign3A_41 = arith.cmpi sgt, %jit3A_31, %sign3A_40 : i32
    %sign3A_42 = arith.extui %sign3A_41 : i1 to i32
    %sign3A_43 = arith.constant 0 : i32
    %sign3A_44 = arith.cmpi slt, %jit3A_31, %sign3A_43 : i32
    %sign3A_45 = arith.extui %sign3A_44 : i1 to i32
    %sign3A_46 = arith.subi %sign3A_42, %sign3A_45 : i32
    %ne3A_47 = arith.cmpi ne, %sign3A_39, %sign3A_46 : i32
    %rem3A_48 = arith.remsi %select_n3A, %jit3A_31 : i32
    %ne3A_49 = arith.constant 0 : i32
    %ne3A_50 = arith.cmpi ne, %rem3A_48, %ne3A_49 : i32
    %and3A_51 = arith.andi %ne3A_47, %ne3A_50 : i1
    %sub3A_52 = arith.constant 1 : i32
    %sub3A_53 = arith.subi %div3A_32, %sub3A_52 : i32
    %select_n3A_54 = arith.select %and3A_51, %sub3A_53, %div3A_32 : i32
    %jit3A_55 = arith.constant 2 : i32
    %eq3A_56 = arith.constant 0 : i32
    %eq3A_57 = arith.cmpi eq, %jit3A_55, %eq3A_56 : i32
    %jit3A_58 = arith.constant 1 : i32
    %select_n3A_59 = arith.select %eq3A_57, %jit3A_58, %jit3A_55 : i32
    %rem3A_60 = arith.remsi %select_n3A, %select_n3A_59 : i32
    %ne3A_61 = arith.constant 0 : i32
    %ne3A_62 = arith.cmpi ne, %rem3A_60, %ne3A_61 : i32
    %lt3A_63 = arith.constant 0 : i32
    %lt3A_64 = arith.cmpi slt, %rem3A_60, %lt3A_63 : i32
    %lt3A_65 = arith.constant 0 : i32
    %lt3A_66 = arith.cmpi slt, %select_n3A_59, %lt3A_65 : i32
    %ne3A_67 = arith.xori %lt3A_64, %lt3A_66 : i1
    %and3A_68 = arith.andi %ne3A_67, %ne3A_62 : i1
    %add3A_69 = arith.addi %rem3A_60, %select_n3A_59 : i32
    %select_n3A_70 = arith.select %and3A_68, %add3A_69, %rem3A_60 : i32
    %mul3A_71 = arith.constant 16 : i32
    %mul3A_72 = arith.muli %add3A, %mul3A_71 : i32
    "tpu.region"() ({
      %run_scoped3A = tpu.sem_alloc : memref<!tpu.dma_semaphore, #tpu.memory_space<semaphore_mem>>
      %dma_start3A_4007 = arith.constant 0 : i32
      %dma_start3A_4008 = tpu.memref_slice %arg2[%mul3A_72, %dma_start3A_4007] : memref<512x128xi32, #tpu.memory_space<hbm>> -> memref<16x128xi32, #tpu.memory_space<hbm>>
      %dma_start3A_4009 = arith.constant 0 : i32
      %dma_start3A_4010 = tpu.memref_slice %arg2[%mul3A_72, %dma_start3A_4009] : memref<512x128xi32, #tpu.memory_space<hbm>> -> memref<16x128xi32, #tpu.memory_space<hbm>>
      tpu.enqueue_dma source(%dma_start3A_4010 : memref<16x128xi32, #tpu.memory_space<hbm>>) target(%arg7 : memref<16x128xi32, #tpu.memory_space<vmem>>) target_semaphore(%run_scoped3A : memref<!tpu.dma_semaphore, #tpu.memory_space<semaphore_mem>>)
      %dma_wait3A_4011 = arith.constant 0 : i32
      %dma_wait3A_4012 = tpu.memref_slice %arg2[%mul3A_72, %dma_wait3A_4011] : memref<512x128xi32, #tpu.memory_space<hbm>> -> memref<16x128xi32, #tpu.memory_space<hbm>>
      %dma_wait3A_4013 = arith.constant 0 : i32
      %dma_wait3A_4014 = tpu.memref_slice %arg2[%mul3A_72, %dma_wait3A_4013] : memref<512x128xi32, #tpu.memory_space<hbm>> -> memref<16x128xi32, #tpu.memory_space<hbm>>
      tpu.wait_dma2 semaphore(%run_scoped3A : memref<!tpu.dma_semaphore, #tpu.memory_space<semaphore_mem>>) src(%dma_wait3A_4014 : memref<16x128xi32, #tpu.memory_space<hbm>>) dst(%arg7 : memref<16x128xi32, #tpu.memory_space<vmem>>)
      tpu.yield
    }) : () -> ()
    %mul3A_73 = arith.constant 34 : i32
    %mul3A_74 = arith.muli %select_n3A_54, %mul3A_73 : i32
    %get3A = arith.constant 0 : i32
    %get3A_75 = arith.index_cast %get3A : i32 to index
    %get3A_76 = arith.constant 0 : index
    %get3A_77 = tpu.vector_load %arg7[%get3A_75, %get3A_76] {strides = array<i32>} : memref<16x128xi32, #tpu.memory_space<vmem>>, vector<1x16xi32>,
    %get3A_78 = vector.shape_cast %get3A_77 : vector<1x16xi32> to vector<16xi32>
    %add3A_79 = vector.broadcast %mul3A_74 : i32 to vector<16xi32>
    %add3A_80 = arith.addi %get3A_78, %add3A_79 : vector<16xi32>
    %swap3A = arith.constant 0 : i32
    %swap3A_81 = arith.index_cast %swap3A : i32 to index
    %swap3A_82 = arith.constant 0 : index
    %swap3A_83 = tpu.vector_load %arg7[%swap3A_81, %swap3A_82] {strides = array<i32>} : memref<16x128xi32, #tpu.memory_space<vmem>>, vector<1x16xi32>,
    %swap3A_84 = vector.shape_cast %swap3A_83 : vector<1x16xi32> to vector<16xi32>
    %swap3A_85 = vector.shape_cast %add3A_80 : vector<16xi32> to vector<1x16xi32>
    tpu.vector_store %arg7[%swap3A_81, %swap3A_82], %swap3A_85 {strides = array<i32>} : memref<16x128xi32, #tpu.memory_space<vmem>>, vector<1x16xi32>,
    %get3A_86 = arith.constant 0 : i32
    %get3A_87 = arith.index_cast %get3A_86 : i32 to index
    %get3A_88 = arith.constant 16 : index
    %get3A_89 = tpu.vector_load %arg7[%get3A_87, %get3A_88] {strides = array<i32>} : memref<16x128xi32, #tpu.memory_space<vmem>>, vector<1x16xi32>,
    %get3A_90 = vector.shape_cast %get3A_89 : vector<1x16xi32> to vector<16xi32>
    %add3A_91 = vector.broadcast %mul3A_74 : i32 to vector<16xi32>
    %add3A_92 = arith.addi %get3A_90, %add3A_91 : vector<16xi32>
    %swap3A_93 = arith.constant 0 : i32
    %swap3A_94 = arith.index_cast %swap3A_93 : i32 to index
    %swap3A_95 = arith.constant 16 : index
    %swap3A_96 = tpu.vector_load %arg7[%swap3A_94, %swap3A_95] {strides = array<i32>} : memref<16x128xi32, #tpu.memory_space<vmem>>, vector<1x16xi32>,
    %swap3A_97 = vector.shape_cast %swap3A_96 : vector<1x16xi32> to vector<16xi32>
    %swap3A_98 = vector.shape_cast %add3A_92 : vector<16xi32> to vector<1x16xi32>
    tpu.vector_store %arg7[%swap3A_94, %swap3A_95], %swap3A_98 {strides = array<i32>} : memref<16x128xi32, #tpu.memory_space<vmem>>, vector<1x16xi32>,
    %get3A_99 = arith.constant 0 : i32
    %get3A_100 = arith.index_cast %get3A_99 : i32 to index
    %get3A_101 = arith.constant 32 : index
    %get3A_102 = tpu.vector_load %arg7[%get3A_100, %get3A_101] {strides = array<i32>} : memref<16x128xi32, #tpu.memory_space<vmem>>, vector<1x16xi32>,
    %get3A_103 = vector.shape_cast %get3A_102 : vector<1x16xi32> to vector<16xi32>
    %add3A_104 = vector.broadcast %mul3A_74 : i32 to vector<16xi32>
    %add3A_105 = arith.addi %get3A_103, %add3A_104 : vector<16xi32>
    %swap3A_106 = arith.constant 0 : i32
    %swap3A_107 = arith.index_cast %swap3A_106 : i32 to index
    %swap3A_108 = arith.constant 32 : index
    %swap3A_109 = tpu.vector_load %arg7[%swap3A_107, %swap3A_108] {strides = array<i32>} : memref<16x128xi32, #tpu.memory_space<vmem>>, vector<1x16xi32>,
    %swap3A_110 = vector.shape_cast %swap3A_109 : vector<1x16xi32> to vector<16xi32>
    %swap3A_111 = vector.shape_cast %add3A_105 : vector<16xi32> to vector<1x16xi32>
    tpu.vector_store %arg7[%swap3A_107, %swap3A_108], %swap3A_111 {strides = array<i32>} : memref<16x128xi32, #tpu.memory_space<vmem>>, vector<1x16xi32>,
    %get3A_112 = arith.constant 0 : i32
    %get3A_113 = arith.index_cast %get3A_112 : i32 to index
    %get3A_114 = arith.constant 48 : index
    %get3A_115 = tpu.vector_load %arg7[%get3A_113, %get3A_114] {strides = array<i32>} : memref<16x128xi32, #tpu.memory_space<vmem>>, vector<1x16xi32>,
    %get3A_116 = vector.shape_cast %get3A_115 : vector<1x16xi32> to vector<16xi32>
    %add3A_117 = vector.broadcast %mul3A_74 : i32 to vector<16xi32>
    %add3A_118 = arith.addi %get3A_116, %add3A_117 : vector<16xi32>
    %swap3A_119 = arith.constant 0 : i32
    %swap3A_120 = arith.index_cast %swap3A_119 : i32 to index
    %swap3A_121 = arith.constant 48 : index
    %swap3A_122 = tpu.vector_load %arg7[%swap3A_120, %swap3A_121] {strides = array<i32>} : memref<16x128xi32, #tpu.memory_space<vmem>>, vector<1x16xi32>,
    %swap3A_123 = vector.shape_cast %swap3A_122 : vector<1x16xi32> to vector<16xi32>
    %swap3A_124 = vector.shape_cast %add3A_118 : vector<16xi32> to vector<1x16xi32>
    tpu.vector_store %arg7[%swap3A_120, %swap3A_121], %swap3A_124 {strides = array<i32>} : memref<16x128xi32, #tpu.memory_space<vmem>>, vector<1x16xi32>,
    %get3A_125 = arith.constant 0 : i32
    %get3A_126 = arith.index_cast %get3A_125 : i32 to index
    %get3A_127 = arith.constant 64 : index
    %get3A_128 = tpu.vector_load %arg7[%get3A_126, %get3A_127] {strides = array<i32>} : memref<16x128xi32, #tpu.memory_space<vmem>>, vector<1x16xi32>,
    %get3A_129 = vector.shape_cast %get3A_128 : vector<1x16xi32> to vector<16xi32>
    %add3A_130 = vector.broadcast %mul3A_74 : i32 to vector<16xi32>
    %add3A_131 = arith.addi %get3A_129, %add3A_130 : vector<16xi32>
    %swap3A_132 = arith.constant 0 : i32
    %swap3A_133 = arith.index_cast %swap3A_132 : i32 to index
    %swap3A_134 = arith.constant 64 : index
    %swap3A_135 = tpu.vector_load %arg7[%swap3A_133, %swap3A_134] {strides = array<i32>} : memref<16x128xi32, #tpu.memory_space<vmem>>, vector<1x16xi32>,
    %swap3A_136 = vector.shape_cast %swap3A_135 : vector<1x16xi32> to vector<16xi32>
    %swap3A_137 = vector.shape_cast %add3A_131 : vector<16xi32> to vector<1x16xi32>
    tpu.vector_store %arg7[%swap3A_133, %swap3A_134], %swap3A_137 {strides = array<i32>} : memref<16x128xi32, #tpu.memory_space<vmem>>, vector<1x16xi32>,
    %get3A_138 = arith.constant 0 : i32
    %get3A_139 = arith.index_cast %get3A_138 : i32 to index
    %get3A_140 = arith.constant 80 : index
    %get3A_141 = tpu.vector_load %arg7[%get3A_139, %get3A_140] {strides = array<i32>} : memref<16x128xi32, #tpu.memory_space<vmem>>, vector<1x16xi32>,
    %get3A_142 = vector.shape_cast %get3A_141 : vector<1x16xi32> to vector<16xi32>
    %add3A_143 = vector.broadcast %mul3A_74 : i32 to vector<16xi32>
    %add3A_144 = arith.addi %get3A_142, %add3A_143 : vector<16xi32>
    %swap3A_145 = arith.constant 0 : i32
    %swap3A_146 = arith.index_cast %swap3A_145 : i32 to index
    %swap3A_147 = arith.constant 80 : index
    %swap3A_148 = tpu.vector_load %arg7[%swap3A_146, %swap3A_147] {strides = array<i32>} : memref<16x128xi32, #tpu.memory_space<vmem>>, vector<1x16xi32>,
    %swap3A_149 = vector.shape_cast %swap3A_148 : vector<1x16xi32> to vector<16xi32>
    %swap3A_150 = vector.shape_cast %add3A_144 : vector<16xi32> to vector<1x16xi32>
    tpu.vector_store %arg7[%swap3A_146, %swap3A_147], %swap3A_150 {strides = array<i32>} : memref<16x128xi32, #tpu.memory_space<vmem>>, vector<1x16xi32>,
    %get3A_151 = arith.constant 0 : i32
    %get3A_152 = arith.index_cast %get3A_151 : i32 to index
    %get3A_153 = arith.constant 96 : index
    %get3A_154 = tpu.vector_load %arg7[%get3A_152, %get3A_153] {strides = array<i32>} : memref<16x128xi32, #tpu.memory_space<vmem>>, vector<1x16xi32>,
    %get3A_155 = vector.shape_cast %get3A_154 : vector<1x16xi32> to vector<16xi32>
    %add3A_156 = vector.broadcast %mul3A_74 : i32 to vector<16xi32>
    %add3A_157 = arith.addi %get3A_155, %add3A_156 : vector<16xi32>
    %swap3A_158 = arith.constant 0 : i32
    %swap3A_159 = arith.index_cast %swap3A_158 : i32 to index
    %swap3A_160 = arith.constant 96 : index
    %swap3A_161 = tpu.vector_load %arg7[%swap3A_159, %swap3A_160] {strides = array<i32>} : memref<16x128xi32, #tpu.memory_space<vmem>>, vector<1x16xi32>,
    %swap3A_162 = vector.shape_cast %swap3A_161 : vector<1x16xi32> to vector<16xi32>
    %swap3A_163 = vector.shape_cast %add3A_157 : vector<16xi32> to vector<1x16xi32>
    tpu.vector_store %arg7[%swap3A_159, %swap3A_160], %swap3A_163 {strides = array<i32>} : memref<16x128xi32, #tpu.memory_space<vmem>>, vector<1x16xi32>,
    %get3A_164 = arith.constant 0 : i32
    %get3A_165 = arith.index_cast %get3A_164 : i32 to index
    %get3A_166 = arith.constant 112 : index
    %get3A_167 = tpu.vector_load %arg7[%get3A_165, %get3A_166] {strides = array<i32>} : memref<16x128xi32, #tpu.memory_space<vmem>>, vector<1x16xi32>,
    %get3A_168 = vector.shape_cast %get3A_167 : vector<1x16xi32> to vector<16xi32>
    %add3A_169 = vector.broadcast %mul3A_74 : i32 to vector<16xi32>
    %add3A_170 = arith.addi %get3A_168, %add3A_169 : vector<16xi32>
    %swap3A_171 = arith.constant 0 : i32
    %swap3A_172 = arith.index_cast %swap3A_171 : i32 to index
    %swap3A_173 = arith.constant 112 : index
    %swap3A_174 = tpu.vector_load %arg7[%swap3A_172, %swap3A_173] {strides = array<i32>} : memref<16x128xi32, #tpu.memory_space<vmem>>, vector<1x16xi32>,
    %swap3A_175 = vector.shape_cast %swap3A_174 : vector<1x16xi32> to vector<16xi32>
    %swap3A_176 = vector.shape_cast %add3A_170 : vector<16xi32> to vector<1x16xi32>
    tpu.vector_store %arg7[%swap3A_172, %swap3A_173], %swap3A_176 {strides = array<i32>} : memref<16x128xi32, #tpu.memory_space<vmem>>, vector<1x16xi32>,
    %get3A_177 = arith.constant 1 : i32
    %get3A_178 = arith.index_cast %get3A_177 : i32 to index
    %get3A_179 = arith.constant 0 : index
    %get3A_180 = tpu.vector_load %arg7[%get3A_178, %get3A_179] {strides = array<i32>} : memref<16x128xi32, #tpu.memory_space<vmem>>, vector<1x16xi32>,
    %get3A_181 = vector.shape_cast %get3A_180 : vector<1x16xi32> to vector<16xi32>
    %add3A_182 = vector.broadcast %mul3A_74 : i32 to vector<16xi32>
    %add3A_183 = arith.addi %get3A_181, %add3A_182 : vector<16xi32>
    %swap3A_184 = arith.constant 1 : i32
    %swap3A_185 = arith.index_cast %swap3A_184 : i32 to index
    %swap3A_186 = arith.constant 0 : index
    %swap3A_187 = tpu.vector_load %arg7[%swap3A_185, %swap3A_186] {strides = array<i32>} : memref<16x128xi32, #tpu.memory_space<vmem>>, vector<1x16xi32>,
    %swap3A_188 = vector.shape_cast %swap3A_187 : vector<1x16xi32> to vector<16xi32>
    %swap3A_189 = vector.shape_cast %add3A_183 : vector<16xi32> to vector<1x16xi32>
    tpu.vector_store %arg7[%swap3A_185, %swap3A_186], %swap3A_189 {strides = array<i32>} : memref<16x128xi32, #tpu.memory_space<vmem>>, vector<1x16xi32>,
    %get3A_190 = arith.constant 1 : i32
    %get3A_191 = arith.index_cast %get3A_190 : i32 to index
    %get3A_192 = arith.constant 16 : index
    %get3A_193 = tpu.vector_load %arg7[%get3A_191, %get3A_192] {strides = array<i32>} : memref<16x128xi32, #tpu.memory_space<vmem>>, vector<1x16xi32>,
    %get3A_194 = vector.shape_cast %get3A_193 : vector<1x16xi32> to vector<16xi32>
    %add3A_195 = vector.broadcast %mul3A_74 : i32 to vector<16xi32>
    %add3A_196 = arith.addi %get3A_194, %add3A_195 : vector<16xi32>
    %swap3A_197 = arith.constant 1 : i32
    %swap3A_198 = arith.index_cast %swap3A_197 : i32 to index
    %swap3A_199 = arith.constant 16 : index
    %swap3A_200 = tpu.vector_load %arg7[%swap3A_198, %swap3A_199] {strides = array<i32>} : memref<16x128xi32, #tpu.memory_space<vmem>>, vector<1x16xi32>,
    %swap3A_201 = vector.shape_cast %swap3A_200 : vector<1x16xi32> to vector<16xi32>
    %swap3A_202 = vector.shape_cast %add3A_196 : vector<16xi32> to vector<1x16xi32>
    tpu.vector_store %arg7[%swap3A_198, %swap3A_199], %swap3A_202 {strides = array<i32>} : memref<16x128xi32, #tpu.memory_space<vmem>>, vector<1x16xi32>,
    %get3A_203 = arith.constant 1 : i32
    %get3A_204 = arith.index_cast %get3A_203 : i32 to index
    %get3A_205 = arith.constant 32 : index
    %get3A_206 = tpu.vector_load %arg7[%get3A_204, %get3A_205] {strides = array<i32>} : memref<16x128xi32, #tpu.memory_space<vmem>>, vector<1x16xi32>,
    %get3A_207 = vector.shape_cast %get3A_206 : vector<1x16xi32> to vector<16xi32>
    %add3A_208 = vector.broadcast %mul3A_74 : i32 to vector<16xi32>
    %add3A_209 = arith.addi %get3A_207, %add3A_208 : vector<16xi32>
    %swap3A_210 = arith.constant 1 : i32
    %swap3A_211 = arith.index_cast %swap3A_210 : i32 to index
    %swap3A_212 = arith.constant 32 : index
    %swap3A_213 = tpu.vector_load %arg7[%swap3A_211, %swap3A_212] {strides = array<i32>} : memref<16x128xi32, #tpu.memory_space<vmem>>, vector<1x16xi32>,
    %swap3A_214 = vector.shape_cast %swap3A_213 : vector<1x16xi32> to vector<16xi32>
    %swap3A_215 = vector.shape_cast %add3A_209 : vector<16xi32> to vector<1x16xi32>
    tpu.vector_store %arg7[%swap3A_211, %swap3A_212], %swap3A_215 {strides = array<i32>} : memref<16x128xi32, #tpu.memory_space<vmem>>, vector<1x16xi32>,
    %get3A_216 = arith.constant 1 : i32
    %get3A_217 = arith.index_cast %get3A_216 : i32 to index
    %get3A_218 = arith.constant 48 : index
    %get3A_219 = tpu.vector_load %arg7[%get3A_217, %get3A_218] {strides = array<i32>} : memref<16x128xi32, #tpu.memory_space<vmem>>, vector<1x16xi32>,
    %get3A_220 = vector.shape_cast %get3A_219 : vector<1x16xi32> to vector<16xi32>
    %add3A_221 = vector.broadcast %mul3A_74 : i32 to vector<16xi32>
    %add3A_222 = arith.addi %get3A_220, %add3A_221 : vector<16xi32>
    %swap3A_223 = arith.constant 1 : i32
    %swap3A_224 = arith.index_cast %swap3A_223 : i32 to index
    %swap3A_225 = arith.constant 48 : index
    %swap3A_226 = tpu.vector_load %arg7[%swap3A_224, %swap3A_225] {strides = array<i32>} : memref<16x128xi32, #tpu.memory_space<vmem>>, vector<1x16xi32>,
    %swap3A_227 = vector.shape_cast %swap3A_226 : vector<1x16xi32> to vector<16xi32>
    %swap3A_228 = vector.shape_cast %add3A_222 : vector<16xi32> to vector<1x16xi32>
    tpu.vector_store %arg7[%swap3A_224, %swap3A_225], %swap3A_228 {strides = array<i32>} : memref<16x128xi32, #tpu.memory_space<vmem>>, vector<1x16xi32>,
    %get3A_229 = arith.constant 1 : i32
    %get3A_230 = arith.index_cast %get3A_229 : i32 to index
    %get3A_231 = arith.constant 64 : index
    %get3A_232 = tpu.vector_load %arg7[%get3A_230, %get3A_231] {strides = array<i32>} : memref<16x128xi32, #tpu.memory_space<vmem>>, vector<1x16xi32>,
    %get3A_233 = vector.shape_cast %get3A_232 : vector<1x16xi32> to vector<16xi32>
    %add3A_234 = vector.broadcast %mul3A_74 : i32 to vector<16xi32>
    %add3A_235 = arith.addi %get3A_233, %add3A_234 : vector<16xi32>
    %swap3A_236 = arith.constant 1 : i32
    %swap3A_237 = arith.index_cast %swap3A_236 : i32 to index
    %swap3A_238 = arith.constant 64 : index
    %swap3A_239 = tpu.vector_load %arg7[%swap3A_237, %swap3A_238] {strides = array<i32>} : memref<16x128xi32, #tpu.memory_space<vmem>>, vector<1x16xi32>,
    %swap3A_240 = vector.shape_cast %swap3A_239 : vector<1x16xi32> to vector<16xi32>
    %swap3A_241 = vector.shape_cast %add3A_235 : vector<16xi32> to vector<1x16xi32>
    tpu.vector_store %arg7[%swap3A_237, %swap3A_238], %swap3A_241 {strides = array<i32>} : memref<16x128xi32, #tpu.memory_space<vmem>>, vector<1x16xi32>,
    %get3A_242 = arith.constant 1 : i32
    %get3A_243 = arith.index_cast %get3A_242 : i32 to index
    %get3A_244 = arith.constant 80 : index
    %get3A_245 = tpu.vector_load %arg7[%get3A_243, %get3A_244] {strides = array<i32>} : memref<16x128xi32, #tpu.memory_space<vmem>>, vector<1x16xi32>,
    %get3A_246 = vector.shape_cast %get3A_245 : vector<1x16xi32> to vector<16xi32>
    %add3A_247 = vector.broadcast %mul3A_74 : i32 to vector<16xi32>
    %add3A_248 = arith.addi %get3A_246, %add3A_247 : vector<16xi32>
    %swap3A_249 = arith.constant 1 : i32
    %swap3A_250 = arith.index_cast %swap3A_249 : i32 to index
    %swap3A_251 = arith.constant 80 : index
    %swap3A_252 = tpu.vector_load %arg7[%swap3A_250, %swap3A_251] {strides = array<i32>} : memref<16x128xi32, #tpu.memory_space<vmem>>, vector<1x16xi32>,
    %swap3A_253 = vector.shape_cast %swap3A_252 : vector<1x16xi32> to vector<16xi32>
    %swap3A_254 = vector.shape_cast %add3A_248 : vector<16xi32> to vector<1x16xi32>
    tpu.vector_store %arg7[%swap3A_250, %swap3A_251], %swap3A_254 {strides = array<i32>} : memref<16x128xi32, #tpu.memory_space<vmem>>, vector<1x16xi32>,
    %get3A_255 = arith.constant 1 : i32
    %get3A_256 = arith.index_cast %get3A_255 : i32 to index
    %get3A_257 = arith.constant 96 : index
    %get3A_258 = tpu.vector_load %arg7[%get3A_256, %get3A_257] {strides = array<i32>} : memref<16x128xi32, #tpu.memory_space<vmem>>, vector<1x16xi32>,
    %get3A_259 = vector.shape_cast %get3A_258 : vector<1x16xi32> to vector<16xi32>
    %add3A_260 = vector.broadcast %mul3A_74 : i32 to vector<16xi32>
    %add3A_261 = arith.addi %get3A_259, %add3A_260 : vector<16xi32>
    %swap3A_262 = arith.constant 1 : i32
    %swap3A_263 = arith.index_cast %swap3A_262 : i32 to index
    %swap3A_264 = arith.constant 96 : index
    %swap3A_265 = tpu.vector_load %arg7[%swap3A_263, %swap3A_264] {strides = array<i32>} : memref<16x128xi32, #tpu.memory_space<vmem>>, vector<1x16xi32>,
    %swap3A_266 = vector.shape_cast %swap3A_265 : vector<1x16xi32> to vector<16xi32>
    %swap3A_267 = vector.shape_cast %add3A_261 : vector<16xi32> to vector<1x16xi32>
    tpu.vector_store %arg7[%swap3A_263, %swap3A_264], %swap3A_267 {strides = array<i32>} : memref<16x128xi32, #tpu.memory_space<vmem>>, vector<1x16xi32>,
    %get3A_268 = arith.constant 1 : i32
    %get3A_269 = arith.index_cast %get3A_268 : i32 to index
    %get3A_270 = arith.constant 112 : index
    %get3A_271 = tpu.vector_load %arg7[%get3A_269, %get3A_270] {strides = array<i32>} : memref<16x128xi32, #tpu.memory_space<vmem>>, vector<1x16xi32>,
    %get3A_272 = vector.shape_cast %get3A_271 : vector<1x16xi32> to vector<16xi32>
    %add3A_273 = vector.broadcast %mul3A_74 : i32 to vector<16xi32>
    %add3A_274 = arith.addi %get3A_272, %add3A_273 : vector<16xi32>
    %swap3A_275 = arith.constant 1 : i32
    %swap3A_276 = arith.index_cast %swap3A_275 : i32 to index
    %swap3A_277 = arith.constant 112 : index
    %swap3A_278 = tpu.vector_load %arg7[%swap3A_276, %swap3A_277] {strides = array<i32>} : memref<16x128xi32, #tpu.memory_space<vmem>>, vector<1x16xi32>,
    %swap3A_279 = vector.shape_cast %swap3A_278 : vector<1x16xi32> to vector<16xi32>
    %swap3A_280 = vector.shape_cast %add3A_274 : vector<16xi32> to vector<1x16xi32>
    tpu.vector_store %arg7[%swap3A_276, %swap3A_277], %swap3A_280 {strides = array<i32>} : memref<16x128xi32, #tpu.memory_space<vmem>>, vector<1x16xi32>,
    %get3A_281 = arith.constant 2 : i32
    %get3A_282 = arith.index_cast %get3A_281 : i32 to index
    %get3A_283 = arith.constant 0 : index
    %get3A_284 = tpu.vector_load %arg7[%get3A_282, %get3A_283] {strides = array<i32>} : memref<16x128xi32, #tpu.memory_space<vmem>>, vector<1x16xi32>,
    %get3A_285 = vector.shape_cast %get3A_284 : vector<1x16xi32> to vector<16xi32>
    %add3A_286 = vector.broadcast %mul3A_74 : i32 to vector<16xi32>
    %add3A_287 = arith.addi %get3A_285, %add3A_286 : vector<16xi32>
    %swap3A_288 = arith.constant 2 : i32
    %swap3A_289 = arith.index_cast %swap3A_288 : i32 to index
    %swap3A_290 = arith.constant 0 : index
    %swap3A_291 = tpu.vector_load %arg7[%swap3A_289, %swap3A_290] {strides = array<i32>} : memref<16x128xi32, #tpu.memory_space<vmem>>, vector<1x16xi32>,
    %swap3A_292 = vector.shape_cast %swap3A_291 : vector<1x16xi32> to vector<16xi32>
    %swap3A_293 = vector.shape_cast %add3A_287 : vector<16xi32> to vector<1x16xi32>
    tpu.vector_store %arg7[%swap3A_289, %swap3A_290], %swap3A_293 {strides = array<i32>} : memref<16x128xi32, #tpu.memory_space<vmem>>, vector<1x16xi32>,
    %get3A_294 = arith.constant 2 : i32
    %get3A_295 = arith.index_cast %get3A_294 : i32 to index
    %get3A_296 = arith.constant 16 : index
    %get3A_297 = tpu.vector_load %arg7[%get3A_295, %get3A_296] {strides = array<i32>} : memref<16x128xi32, #tpu.memory_space<vmem>>, vector<1x16xi32>,
    %get3A_298 = vector.shape_cast %get3A_297 : vector<1x16xi32> to vector<16xi32>
    %add3A_299 = vector.broadcast %mul3A_74 : i32 to vector<16xi32>
    %add3A_300 = arith.addi %get3A_298, %add3A_299 : vector<16xi32>
    %swap3A_301 = arith.constant 2 : i32
    %swap3A_302 = arith.index_cast %swap3A_301 : i32 to index
    %swap3A_303 = arith.constant 16 : index
    %swap3A_304 = tpu.vector_load %arg7[%swap3A_302, %swap3A_303] {strides = array<i32>} : memref<16x128xi32, #tpu.memory_space<vmem>>, vector<1x16xi32>,
    %swap3A_305 = vector.shape_cast %swap3A_304 : vector<1x16xi32> to vector<16xi32>
    %swap3A_306 = vector.shape_cast %add3A_300 : vector<16xi32> to vector<1x16xi32>
    tpu.vector_store %arg7[%swap3A_302, %swap3A_303], %swap3A_306 {strides = array<i32>} : memref<16x128xi32, #tpu.memory_space<vmem>>, vector<1x16xi32>,
    %get3A_307 = arith.constant 2 : i32
    %get3A_308 = arith.index_cast %get3A_307 : i32 to index
    %get3A_309 = arith.constant 32 : index
    %get3A_310 = tpu.vector_load %arg7[%get3A_308, %get3A_309] {strides = array<i32>} : memref<16x128xi32, #tpu.memory_space<vmem>>, vector<1x16xi32>,
    %get3A_311 = vector.shape_cast %get3A_310 : vector<1x16xi32> to vector<16xi32>
    %add3A_312 = vector.broadcast %mul3A_74 : i32 to vector<16xi32>
    %add3A_313 = arith.addi %get3A_311, %add3A_312 : vector<16xi32>
    %swap3A_314 = arith.constant 2 : i32
    %swap3A_315 = arith.index_cast %swap3A_314 : i32 to index
    %swap3A_316 = arith.constant 32 : index
    %swap3A_317 = tpu.vector_load %arg7[%swap3A_315, %swap3A_316] {strides = array<i32>} : memref<16x128xi32, #tpu.memory_space<vmem>>, vector<1x16xi32>,
    %swap3A_318 = vector.shape_cast %swap3A_317 : vector<1x16xi32> to vector<16xi32>
    %swap3A_319 = vector.shape_cast %add3A_313 : vector<16xi32> to vector<1x16xi32>
    tpu.vector_store %arg7[%swap3A_315, %swap3A_316], %swap3A_319 {strides = array<i32>} : memref<16x128xi32, #tpu.memory_space<vmem>>, vector<1x16xi32>,
    %get3A_320 = arith.constant 2 : i32
    %get3A_321 = arith.index_cast %get3A_320 : i32 to index
    %get3A_322 = arith.constant 48 : index
    %get3A_323 = tpu.vector_load %arg7[%get3A_321, %get3A_322] {strides = array<i32>} : memref<16x128xi32, #tpu.memory_space<vmem>>, vector<1x16xi32>,
    %get3A_324 = vector.shape_cast %get3A_323 : vector<1x16xi32> to vector<16xi32>
    %add3A_325 = vector.broadcast %mul3A_74 : i32 to vector<16xi32>
    %add3A_326 = arith.addi %get3A_324, %add3A_325 : vector<16xi32>
    %swap3A_327 = arith.constant 2 : i32
    %swap3A_328 = arith.index_cast %swap3A_327 : i32 to index
    %swap3A_329 = arith.constant 48 : index
    %swap3A_330 = tpu.vector_load %arg7[%swap3A_328, %swap3A_329] {strides = array<i32>} : memref<16x128xi32, #tpu.memory_space<vmem>>, vector<1x16xi32>,
    %swap3A_331 = vector.shape_cast %swap3A_330 : vector<1x16xi32> to vector<16xi32>
    %swap3A_332 = vector.shape_cast %add3A_326 : vector<16xi32> to vector<1x16xi32>
    tpu.vector_store %arg7[%swap3A_328, %swap3A_329], %swap3A_332 {strides = array<i32>} : memref<16x128xi32, #tpu.memory_space<vmem>>, vector<1x16xi32>,
    %get3A_333 = arith.constant 2 : i32
    %get3A_334 = arith.index_cast %get3A_333 : i32 to index
    %get3A_335 = arith.constant 64 : index
    %get3A_336 = tpu.vector_load %arg7[%get3A_334, %get3A_335] {strides = array<i32>} : memref<16x128xi32, #tpu.memory_space<vmem>>, vector<1x16xi32>,
    %get3A_337 = vector.shape_cast %get3A_336 : vector<1x16xi32> to vector<16xi32>
    %add3A_338 = vector.broadcast %mul3A_74 : i32 to vector<16xi32>
    %add3A_339 = arith.addi %get3A_337, %add3A_338 : vector<16xi32>
    %swap3A_340 = arith.constant 2 : i32
    %swap3A_341 = arith.index_cast %swap3A_340 : i32 to index
    %swap3A_342 = arith.constant 64 : index
    %swap3A_343 = tpu.vector_load %arg7[%swap3A_341, %swap3A_342] {strides = array<i32>} : memref<16x128xi32, #tpu.memory_space<vmem>>, vector<1x16xi32>,
    %swap3A_344 = vector.shape_cast %swap3A_343 : vector<1x16xi32> to vector<16xi32>
    %swap3A_345 = vector.shape_cast %add3A_339 : vector<16xi32> to vector<1x16xi32>
    tpu.vector_store %arg7[%swap3A_341, %swap3A_342], %swap3A_345 {strides = array<i32>} : memref<16x128xi32, #tpu.memory_space<vmem>>, vector<1x16xi32>,
    %get3A_346 = arith.constant 2 : i32
    %get3A_347 = arith.index_cast %get3A_346 : i32 to index
    %get3A_348 = arith.constant 80 : index
    %get3A_349 = tpu.vector_load %arg7[%get3A_347, %get3A_348] {strides = array<i32>} : memref<16x128xi32, #tpu.memory_space<vmem>>, vector<1x16xi32>,
    %get3A_350 = vector.shape_cast %get3A_349 : vector<1x16xi32> to vector<16xi32>
    %add3A_351 = vector.broadcast %mul3A_74 : i32 to vector<16xi32>
    %add3A_352 = arith.addi %get3A_350, %add3A_351 : vector<16xi32>
    %swap3A_353 = arith.constant 2 : i32
    %swap3A_354 = arith.index_cast %swap3A_353 : i32 to index
    %swap3A_355 = arith.constant 80 : index
    %swap3A_356 = tpu.vector_load %arg7[%swap3A_354, %swap3A_355] {strides = array<i32>} : memref<16x128xi32, #tpu.memory_space<vmem>>, vector<1x16xi32>,
    %swap3A_357 = vector.shape_cast %swap3A_356 : vector<1x16xi32> to vector<16xi32>
    %swap3A_358 = vector.shape_cast %add3A_352 : vector<16xi32> to vector<1x16xi32>
    tpu.vector_store %arg7[%swap3A_354, %swap3A_355], %swap3A_358 {strides = array<i32>} : memref<16x128xi32, #tpu.memory_space<vmem>>, vector<1x16xi32>,
    %get3A_359 = arith.constant 2 : i32
    %get3A_360 = arith.index_cast %get3A_359 : i32 to index
    %get3A_361 = arith.constant 96 : index
    %get3A_362 = tpu.vector_load %arg7[%get3A_360, %get3A_361] {strides = array<i32>} : memref<16x128xi32, #tpu.memory_space<vmem>>, vector<1x16xi32>,
    %get3A_363 = vector.shape_cast %get3A_362 : vector<1x16xi32> to vector<16xi32>
    %add3A_364 = vector.broadcast %mul3A_74 : i32 to vector<16xi32>
    %add3A_365 = arith.addi %get3A_363, %add3A_364 : vector<16xi32>
    %swap3A_366 = arith.constant 2 : i32
    %swap3A_367 = arith.index_cast %swap3A_366 : i32 to index
    %swap3A_368 = arith.constant 96 : index
    %swap3A_369 = tpu.vector_load %arg7[%swap3A_367, %swap3A_368] {strides = array<i32>} : memref<16x128xi32, #tpu.memory_space<vmem>>, vector<1x16xi32>,
    %swap3A_370 = vector.shape_cast %swap3A_369 : vector<1x16xi32> to vector<16xi32>
    %swap3A_371 = vector.shape_cast %add3A_365 : vector<16xi32> to vector<1x16xi32>
    tpu.vector_store %arg7[%swap3A_367, %swap3A_368], %swap3A_371 {strides = array<i32>} : memref<16x128xi32, #tpu.memory_space<vmem>>, vector<1x16xi32>,
    %get3A_372 = arith.constant 2 : i32
    %get3A_373 = arith.index_cast %get3A_372 : i32 to index
    %get3A_374 = arith.constant 112 : index
    %get3A_375 = tpu.vector_load %arg7[%get3A_373, %get3A_374] {strides = array<i32>} : memref<16x128xi32, #tpu.memory_space<vmem>>, vector<1x16xi32>,
    %get3A_376 = vector.shape_cast %get3A_375 : vector<1x16xi32> to vector<16xi32>
    %add3A_377 = vector.broadcast %mul3A_74 : i32 to vector<16xi32>
    %add3A_378 = arith.addi %get3A_376, %add3A_377 : vector<16xi32>
    %swap3A_379 = arith.constant 2 : i32
    %swap3A_380 = arith.index_cast %swap3A_379 : i32 to index
    %swap3A_381 = arith.constant 112 : index
    %swap3A_382 = tpu.vector_load %arg7[%swap3A_380, %swap3A_381] {strides = array<i32>} : memref<16x128xi32, #tpu.memory_space<vmem>>, vector<1x16xi32>,
    %swap3A_383 = vector.shape_cast %swap3A_382 : vector<1x16xi32> to vector<16xi32>
    %swap3A_384 = vector.shape_cast %add3A_378 : vector<16xi32> to vector<1x16xi32>
    tpu.vector_store %arg7[%swap3A_380, %swap3A_381], %swap3A_384 {strides = array<i32>} : memref<16x128xi32, #tpu.memory_space<vmem>>, vector<1x16xi32>,
    %get3A_385 = arith.constant 3 : i32
    %get3A_386 = arith.index_cast %get3A_385 : i32 to index
    %get3A_387 = arith.constant 0 : index
    %get3A_388 = tpu.vector_load %arg7[%get3A_386, %get3A_387] {strides = array<i32>} : memref<16x128xi32, #tpu.memory_space<vmem>>, vector<1x16xi32>,
    %get3A_389 = vector.shape_cast %get3A_388 : vector<1x16xi32> to vector<16xi32>
    %add3A_390 = vector.broadcast %mul3A_74 : i32 to vector<16xi32>
    %add3A_391 = arith.addi %get3A_389, %add3A_390 : vector<16xi32>
    %swap3A_392 = arith.constant 3 : i32
    %swap3A_393 = arith.index_cast %swap3A_392 : i32 to index
    %swap3A_394 = arith.constant 0 : index
    %swap3A_395 = tpu.vector_load %arg7[%swap3A_393, %swap3A_394] {strides = array<i32>} : memref<16x128xi32, #tpu.memory_space<vmem>>, vector<1x16xi32>,
    %swap3A_396 = vector.shape_cast %swap3A_395 : vector<1x16xi32> to vector<16xi32>
    %swap3A_397 = vector.shape_cast %add3A_391 : vector<16xi32> to vector<1x16xi32>
    tpu.vector_store %arg7[%swap3A_393, %swap3A_394], %swap3A_397 {strides = array<i32>} : memref<16x128xi32, #tpu.memory_space<vmem>>, vector<1x16xi32>,
    %get3A_398 = arith.constant 3 : i32
    %get3A_399 = arith.index_cast %get3A_398 : i32 to index
    %get3A_400 = arith.constant 16 : index
    %get3A_401 = tpu.vector_load %arg7[%get3A_399, %get3A_400] {strides = array<i32>} : memref<16x128xi32, #tpu.memory_space<vmem>>, vector<1x16xi32>,
    %get3A_402 = vector.shape_cast %get3A_401 : vector<1x16xi32> to vector<16xi32>
    %add3A_403 = vector.broadcast %mul3A_74 : i32 to vector<16xi32>
    %add3A_404 = arith.addi %get3A_402, %add3A_403 : vector<16xi32>
    %swap3A_405 = arith.constant 3 : i32
    %swap3A_406 = arith.index_cast %swap3A_405 : i32 to index
    %swap3A_407 = arith.constant 16 : index
    %swap3A_408 = tpu.vector_load %arg7[%swap3A_406, %swap3A_407] {strides = array<i32>} : memref<16x128xi32, #tpu.memory_space<vmem>>, vector<1x16xi32>,
    %swap3A_409 = vector.shape_cast %swap3A_408 : vector<1x16xi32> to vector<16xi32>
    %swap3A_410 = vector.shape_cast %add3A_404 : vector<16xi32> to vector<1x16xi32>
    tpu.vector_store %arg7[%swap3A_406, %swap3A_407], %swap3A_410 {strides = array<i32>} : memref<16x128xi32, #tpu.memory_space<vmem>>, vector<1x16xi32>,
    %get3A_411 = arith.constant 3 : i32
    %get3A_412 = arith.index_cast %get3A_411 : i32 to index
    %get3A_413 = arith.constant 32 : index
    %get3A_414 = tpu.vector_load %arg7[%get3A_412, %get3A_413] {strides = array<i32>} : memref<16x128xi32, #tpu.memory_space<vmem>>, vector<1x16xi32>,
    %get3A_415 = vector.shape_cast %get3A_414 : vector<1x16xi32> to vector<16xi32>
    %add3A_416 = vector.broadcast %mul3A_74 : i32 to vector<16xi32>
    %add3A_417 = arith.addi %get3A_415, %add3A_416 : vector<16xi32>
    %swap3A_418 = arith.constant 3 : i32
    %swap3A_419 = arith.index_cast %swap3A_418 : i32 to index
    %swap3A_420 = arith.constant 32 : index
    %swap3A_421 = tpu.vector_load %arg7[%swap3A_419, %swap3A_420] {strides = array<i32>} : memref<16x128xi32, #tpu.memory_space<vmem>>, vector<1x16xi32>,
    %swap3A_422 = vector.shape_cast %swap3A_421 : vector<1x16xi32> to vector<16xi32>
    %swap3A_423 = vector.shape_cast %add3A_417 : vector<16xi32> to vector<1x16xi32>
    tpu.vector_store %arg7[%swap3A_419, %swap3A_420], %swap3A_423 {strides = array<i32>} : memref<16x128xi32, #tpu.memory_space<vmem>>, vector<1x16xi32>,
    %get3A_424 = arith.constant 3 : i32
    %get3A_425 = arith.index_cast %get3A_424 : i32 to index
    %get3A_426 = arith.constant 48 : index
    %get3A_427 = tpu.vector_load %arg7[%get3A_425, %get3A_426] {strides = array<i32>} : memref<16x128xi32, #tpu.memory_space<vmem>>, vector<1x16xi32>,
    %get3A_428 = vector.shape_cast %get3A_427 : vector<1x16xi32> to vector<16xi32>
    %add3A_429 = vector.broadcast %mul3A_74 : i32 to vector<16xi32>
    %add3A_430 = arith.addi %get3A_428, %add3A_429 : vector<16xi32>
    %swap3A_431 = arith.constant 3 : i32
    %swap3A_432 = arith.index_cast %swap3A_431 : i32 to index
    %swap3A_433 = arith.constant 48 : index
    %swap3A_434 = tpu.vector_load %arg7[%swap3A_432, %swap3A_433] {strides = array<i32>} : memref<16x128xi32, #tpu.memory_space<vmem>>, vector<1x16xi32>,
    %swap3A_435 = vector.shape_cast %swap3A_434 : vector<1x16xi32> to vector<16xi32>
    %swap3A_436 = vector.shape_cast %add3A_430 : vector<16xi32> to vector<1x16xi32>
    tpu.vector_store %arg7[%swap3A_432, %swap3A_433], %swap3A_436 {strides = array<i32>} : memref<16x128xi32, #tpu.memory_space<vmem>>, vector<1x16xi32>,
    %get3A_437 = arith.constant 3 : i32
    %get3A_438 = arith.index_cast %get3A_437 : i32 to index
    %get3A_439 = arith.constant 64 : index
    %get3A_440 = tpu.vector_load %arg7[%get3A_438, %get3A_439] {strides = array<i32>} : memref<16x128xi32, #tpu.memory_space<vmem>>, vector<1x16xi32>,
    %get3A_441 = vector.shape_cast %get3A_440 : vector<1x16xi32> to vector<16xi32>
    %add3A_442 = vector.broadcast %mul3A_74 : i32 to vector<16xi32>
    %add3A_443 = arith.addi %get3A_441, %add3A_442 : vector<16xi32>
    %swap3A_444 = arith.constant 3 : i32
    %swap3A_445 = arith.index_cast %swap3A_444 : i32 to index
    %swap3A_446 = arith.constant 64 : index
    %swap3A_447 = tpu.vector_load %arg7[%swap3A_445, %swap3A_446] {strides = array<i32>} : memref<16x128xi32, #tpu.memory_space<vmem>>, vector<1x16xi32>,
    %swap3A_448 = vector.shape_cast %swap3A_447 : vector<1x16xi32> to vector<16xi32>
    %swap3A_449 = vector.shape_cast %add3A_443 : vector<16xi32> to vector<1x16xi32>
    tpu.vector_store %arg7[%swap3A_445, %swap3A_446], %swap3A_449 {strides = array<i32>} : memref<16x128xi32, #tpu.memory_space<vmem>>, vector<1x16xi32>,
    %get3A_450 = arith.constant 3 : i32
    %get3A_451 = arith.index_cast %get3A_450 : i32 to index
    %get3A_452 = arith.constant 80 : index
    %get3A_453 = tpu.vector_load %arg7[%get3A_451, %get3A_452] {strides = array<i32>} : memref<16x128xi32, #tpu.memory_space<vmem>>, vector<1x16xi32>,
    %get3A_454 = vector.shape_cast %get3A_453 : vector<1x16xi32> to vector<16xi32>
    %add3A_455 = vector.broadcast %mul3A_74 : i32 to vector<16xi32>
    %add3A_456 = arith.addi %get3A_454, %add3A_455 : vector<16xi32>
    %swap3A_457 = arith.constant 3 : i32
    %swap3A_458 = arith.index_cast %swap3A_457 : i32 to index
    %swap3A_459 = arith.constant 80 : index
    %swap3A_460 = tpu.vector_load %arg7[%swap3A_458, %swap3A_459] {strides = array<i32>} : memref<16x128xi32, #tpu.memory_space<vmem>>, vector<1x16xi32>,
    %swap3A_461 = vector.shape_cast %swap3A_460 : vector<1x16xi32> to vector<16xi32>
    %swap3A_462 = vector.shape_cast %add3A_456 : vector<16xi32> to vector<1x16xi32>
    tpu.vector_store %arg7[%swap3A_458, %swap3A_459], %swap3A_462 {strides = array<i32>} : memref<16x128xi32, #tpu.memory_space<vmem>>, vector<1x16xi32>,
    %get3A_463 = arith.constant 3 : i32
    %get3A_464 = arith.index_cast %get3A_463 : i32 to index
    %get3A_465 = arith.constant 96 : index
    %get3A_466 = tpu.vector_load %arg7[%get3A_464, %get3A_465] {strides = array<i32>} : memref<16x128xi32, #tpu.memory_space<vmem>>, vector<1x16xi32>,
    %get3A_467 = vector.shape_cast %get3A_466 : vector<1x16xi32> to vector<16xi32>
    %add3A_468 = vector.broadcast %mul3A_74 : i32 to vector<16xi32>
    %add3A_469 = arith.addi %get3A_467, %add3A_468 : vector<16xi32>
    %swap3A_470 = arith.constant 3 : i32
    %swap3A_471 = arith.index_cast %swap3A_470 : i32 to index
    %swap3A_472 = arith.constant 96 : index
    %swap3A_473 = tpu.vector_load %arg7[%swap3A_471, %swap3A_472] {strides = array<i32>} : memref<16x128xi32, #tpu.memory_space<vmem>>, vector<1x16xi32>,
    %swap3A_474 = vector.shape_cast %swap3A_473 : vector<1x16xi32> to vector<16xi32>
    %swap3A_475 = vector.shape_cast %add3A_469 : vector<16xi32> to vector<1x16xi32>
    tpu.vector_store %arg7[%swap3A_471, %swap3A_472], %swap3A_475 {strides = array<i32>} : memref<16x128xi32, #tpu.memory_space<vmem>>, vector<1x16xi32>,
    %get3A_476 = arith.constant 3 : i32
    %get3A_477 = arith.index_cast %get3A_476 : i32 to index
    %get3A_478 = arith.constant 112 : index
    %get3A_479 = tpu.vector_load %arg7[%get3A_477, %get3A_478] {strides = array<i32>} : memref<16x128xi32, #tpu.memory_space<vmem>>, vector<1x16xi32>,
    %get3A_480 = vector.shape_cast %get3A_479 : vector<1x16xi32> to vector<16xi32>
    %add3A_481 = vector.broadcast %mul3A_74 : i32 to vector<16xi32>
    %add3A_482 = arith.addi %get3A_480, %add3A_481 : vector<16xi32>
    %swap3A_483 = arith.constant 3 : i32
    %swap3A_484 = arith.index_cast %swap3A_483 : i32 to index
    %swap3A_485 = arith.constant 112 : index
    %swap3A_486 = tpu.vector_load %arg7[%swap3A_484, %swap3A_485] {strides = array<i32>} : memref<16x128xi32, #tpu.memory_space<vmem>>, vector<1x16xi32>,
    %swap3A_487 = vector.shape_cast %swap3A_486 : vector<1x16xi32> to vector<16xi32>
    %swap3A_488 = vector.shape_cast %add3A_482 : vector<16xi32> to vector<1x16xi32>
    tpu.vector_store %arg7[%swap3A_484, %swap3A_485], %swap3A_488 {strides = array<i32>} : memref<16x128xi32, #tpu.memory_space<vmem>>, vector<1x16xi32>,
    %get3A_489 = arith.constant 4 : i32
    %get3A_490 = arith.index_cast %get3A_489 : i32 to index
    %get3A_491 = arith.constant 0 : index
    %get3A_492 = tpu.vector_load %arg7[%get3A_490, %get3A_491] {strides = array<i32>} : memref<16x128xi32, #tpu.memory_space<vmem>>, vector<1x16xi32>,
    %get3A_493 = vector.shape_cast %get3A_492 : vector<1x16xi32> to vector<16xi32>
    %add3A_494 = vector.broadcast %mul3A_74 : i32 to vector<16xi32>
    %add3A_495 = arith.addi %get3A_493, %add3A_494 : vector<16xi32>
    %swap3A_496 = arith.constant 4 : i32
    %swap3A_497 = arith.index_cast %swap3A_496 : i32 to index
    %swap3A_498 = arith.constant 0 : index
    %swap3A_499 = tpu.vector_load %arg7[%swap3A_497, %swap3A_498] {strides = array<i32>} : memref<16x128xi32, #tpu.memory_space<vmem>>, vector<1x16xi32>,
    %swap3A_500 = vector.shape_cast %swap3A_499 : vector<1x16xi32> to vector<16xi32>
    %swap3A_501 = vector.shape_cast %add3A_495 : vector<16xi32> to vector<1x16xi32>
    tpu.vector_store %arg7[%swap3A_497, %swap3A_498], %swap3A_501 {strides = array<i32>} : memref<16x128xi32, #tpu.memory_space<vmem>>, vector<1x16xi32>,
    %get3A_502 = arith.constant 4 : i32
    %get3A_503 = arith.index_cast %get3A_502 : i32 to index
    %get3A_504 = arith.constant 16 : index
    %get3A_505 = tpu.vector_load %arg7[%get3A_503, %get3A_504] {strides = array<i32>} : memref<16x128xi32, #tpu.memory_space<vmem>>, vector<1x16xi32>,
    %get3A_506 = vector.shape_cast %get3A_505 : vector<1x16xi32> to vector<16xi32>
    %add3A_507 = vector.broadcast %mul3A_74 : i32 to vector<16xi32>
    %add3A_508 = arith.addi %get3A_506, %add3A_507 : vector<16xi32>
    %swap3A_509 = arith.constant 4 : i32
    %swap3A_510 = arith.index_cast %swap3A_509 : i32 to index
    %swap3A_511 = arith.constant 16 : index
    %swap3A_512 = tpu.vector_load %arg7[%swap3A_510, %swap3A_511] {strides = array<i32>} : memref<16x128xi32, #tpu.memory_space<vmem>>, vector<1x16xi32>,
    %swap3A_513 = vector.shape_cast %swap3A_512 : vector<1x16xi32> to vector<16xi32>
    %swap3A_514 = vector.shape_cast %add3A_508 : vector<16xi32> to vector<1x16xi32>
    tpu.vector_store %arg7[%swap3A_510, %swap3A_511], %swap3A_514 {strides = array<i32>} : memref<16x128xi32, #tpu.memory_space<vmem>>, vector<1x16xi32>,
    %get3A_515 = arith.constant 4 : i32
    %get3A_516 = arith.index_cast %get3A_515 : i32 to index
    %get3A_517 = arith.constant 32 : index
    %get3A_518 = tpu.vector_load %arg7[%get3A_516, %get3A_517] {strides = array<i32>} : memref<16x128xi32, #tpu.memory_space<vmem>>, vector<1x16xi32>,
    %get3A_519 = vector.shape_cast %get3A_518 : vector<1x16xi32> to vector<16xi32>
    %add3A_520 = vector.broadcast %mul3A_74 : i32 to vector<16xi32>
    %add3A_521 = arith.addi %get3A_519, %add3A_520 : vector<16xi32>
    %swap3A_522 = arith.constant 4 : i32
    %swap3A_523 = arith.index_cast %swap3A_522 : i32 to index
    %swap3A_524 = arith.constant 32 : index
    %swap3A_525 = tpu.vector_load %arg7[%swap3A_523, %swap3A_524] {strides = array<i32>} : memref<16x128xi32, #tpu.memory_space<vmem>>, vector<1x16xi32>,
    %swap3A_526 = vector.shape_cast %swap3A_525 : vector<1x16xi32> to vector<16xi32>
    %swap3A_527 = vector.shape_cast %add3A_521 : vector<16xi32> to vector<1x16xi32>
    tpu.vector_store %arg7[%swap3A_523, %swap3A_524], %swap3A_527 {strides = array<i32>} : memref<16x128xi32, #tpu.memory_space<vmem>>, vector<1x16xi32>,
    %get3A_528 = arith.constant 4 : i32
    %get3A_529 = arith.index_cast %get3A_528 : i32 to index
    %get3A_530 = arith.constant 48 : index
    %get3A_531 = tpu.vector_load %arg7[%get3A_529, %get3A_530] {strides = array<i32>} : memref<16x128xi32, #tpu.memory_space<vmem>>, vector<1x16xi32>,
    %get3A_532 = vector.shape_cast %get3A_531 : vector<1x16xi32> to vector<16xi32>
    %add3A_533 = vector.broadcast %mul3A_74 : i32 to vector<16xi32>
    %add3A_534 = arith.addi %get3A_532, %add3A_533 : vector<16xi32>
    %swap3A_535 = arith.constant 4 : i32
    %swap3A_536 = arith.index_cast %swap3A_535 : i32 to index
    %swap3A_537 = arith.constant 48 : index
    %swap3A_538 = tpu.vector_load %arg7[%swap3A_536, %swap3A_537] {strides = array<i32>} : memref<16x128xi32, #tpu.memory_space<vmem>>, vector<1x16xi32>,
    %swap3A_539 = vector.shape_cast %swap3A_538 : vector<1x16xi32> to vector<16xi32>
    %swap3A_540 = vector.shape_cast %add3A_534 : vector<16xi32> to vector<1x16xi32>
    tpu.vector_store %arg7[%swap3A_536, %swap3A_537], %swap3A_540 {strides = array<i32>} : memref<16x128xi32, #tpu.memory_space<vmem>>, vector<1x16xi32>,
    %get3A_541 = arith.constant 4 : i32
    %get3A_542 = arith.index_cast %get3A_541 : i32 to index
    %get3A_543 = arith.constant 64 : index
    %get3A_544 = tpu.vector_load %arg7[%get3A_542, %get3A_543] {strides = array<i32>} : memref<16x128xi32, #tpu.memory_space<vmem>>, vector<1x16xi32>,
    %get3A_545 = vector.shape_cast %get3A_544 : vector<1x16xi32> to vector<16xi32>
    %add3A_546 = vector.broadcast %mul3A_74 : i32 to vector<16xi32>
    %add3A_547 = arith.addi %get3A_545, %add3A_546 : vector<16xi32>
    %swap3A_548 = arith.constant 4 : i32
    %swap3A_549 = arith.index_cast %swap3A_548 : i32 to index
    %swap3A_550 = arith.constant 64 : index
    %swap3A_551 = tpu.vector_load %arg7[%swap3A_549, %swap3A_550] {strides = array<i32>} : memref<16x128xi32, #tpu.memory_space<vmem>>, vector<1x16xi32>,
    %swap3A_552 = vector.shape_cast %swap3A_551 : vector<1x16xi32> to vector<16xi32>
    %swap3A_553 = vector.shape_cast %add3A_547 : vector<16xi32> to vector<1x16xi32>
    tpu.vector_store %arg7[%swap3A_549, %swap3A_550], %swap3A_553 {strides = array<i32>} : memref<16x128xi32, #tpu.memory_space<vmem>>, vector<1x16xi32>,
    %get3A_554 = arith.constant 4 : i32
    %get3A_555 = arith.index_cast %get3A_554 : i32 to index
    %get3A_556 = arith.constant 80 : index
    %get3A_557 = tpu.vector_load %arg7[%get3A_555, %get3A_556] {strides = array<i32>} : memref<16x128xi32, #tpu.memory_space<vmem>>, vector<1x16xi32>,
    %get3A_558 = vector.shape_cast %get3A_557 : vector<1x16xi32> to vector<16xi32>
    %add3A_559 = vector.broadcast %mul3A_74 : i32 to vector<16xi32>
    %add3A_560 = arith.addi %get3A_558, %add3A_559 : vector<16xi32>
    %swap3A_561 = arith.constant 4 : i32
    %swap3A_562 = arith.index_cast %swap3A_561 : i32 to index
    %swap3A_563 = arith.constant 80 : index
    %swap3A_564 = tpu.vector_load %arg7[%swap3A_562, %swap3A_563] {strides = array<i32>} : memref<16x128xi32, #tpu.memory_space<vmem>>, vector<1x16xi32>,
    %swap3A_565 = vector.shape_cast %swap3A_564 : vector<1x16xi32> to vector<16xi32>
    %swap3A_566 = vector.shape_cast %add3A_560 : vector<16xi32> to vector<1x16xi32>
    tpu.vector_store %arg7[%swap3A_562, %swap3A_563], %swap3A_566 {strides = array<i32>} : memref<16x128xi32, #tpu.memory_space<vmem>>, vector<1x16xi32>,
    %get3A_567 = arith.constant 4 : i32
    %get3A_568 = arith.index_cast %get3A_567 : i32 to index
    %get3A_569 = arith.constant 96 : index
    %get3A_570 = tpu.vector_load %arg7[%get3A_568, %get3A_569] {strides = array<i32>} : memref<16x128xi32, #tpu.memory_space<vmem>>, vector<1x16xi32>,
    %get3A_571 = vector.shape_cast %get3A_570 : vector<1x16xi32> to vector<16xi32>
    %add3A_572 = vector.broadcast %mul3A_74 : i32 to vector<16xi32>
    %add3A_573 = arith.addi %get3A_571, %add3A_572 : vector<16xi32>
    %swap3A_574 = arith.constant 4 : i32
    %swap3A_575 = arith.index_cast %swap3A_574 : i32 to index
    %swap3A_576 = arith.constant 96 : index
    %swap3A_577 = tpu.vector_load %arg7[%swap3A_575, %swap3A_576] {strides = array<i32>} : memref<16x128xi32, #tpu.memory_space<vmem>>, vector<1x16xi32>,
    %swap3A_578 = vector.shape_cast %swap3A_577 : vector<1x16xi32> to vector<16xi32>
    %swap3A_579 = vector.shape_cast %add3A_573 : vector<16xi32> to vector<1x16xi32>
    tpu.vector_store %arg7[%swap3A_575, %swap3A_576], %swap3A_579 {strides = array<i32>} : memref<16x128xi32, #tpu.memory_space<vmem>>, vector<1x16xi32>,
    %get3A_580 = arith.constant 4 : i32
    %get3A_581 = arith.index_cast %get3A_580 : i32 to index
    %get3A_582 = arith.constant 112 : index
    %get3A_583 = tpu.vector_load %arg7[%get3A_581, %get3A_582] {strides = array<i32>} : memref<16x128xi32, #tpu.memory_space<vmem>>, vector<1x16xi32>,
    %get3A_584 = vector.shape_cast %get3A_583 : vector<1x16xi32> to vector<16xi32>
    %add3A_585 = vector.broadcast %mul3A_74 : i32 to vector<16xi32>
    %add3A_586 = arith.addi %get3A_584, %add3A_585 : vector<16xi32>
    %swap3A_587 = arith.constant 4 : i32
    %swap3A_588 = arith.index_cast %swap3A_587 : i32 to index
    %swap3A_589 = arith.constant 112 : index
    %swap3A_590 = tpu.vector_load %arg7[%swap3A_588, %swap3A_589] {strides = array<i32>} : memref<16x128xi32, #tpu.memory_space<vmem>>, vector<1x16xi32>,
    %swap3A_591 = vector.shape_cast %swap3A_590 : vector<1x16xi32> to vector<16xi32>
    %swap3A_592 = vector.shape_cast %add3A_586 : vector<16xi32> to vector<1x16xi32>
    tpu.vector_store %arg7[%swap3A_588, %swap3A_589], %swap3A_592 {strides = array<i32>} : memref<16x128xi32, #tpu.memory_space<vmem>>, vector<1x16xi32>,
    %get3A_593 = arith.constant 5 : i32
    %get3A_594 = arith.index_cast %get3A_593 : i32 to index
    %get3A_595 = arith.constant 0 : index
    %get3A_596 = tpu.vector_load %arg7[%get3A_594, %get3A_595] {strides = array<i32>} : memref<16x128xi32, #tpu.memory_space<vmem>>, vector<1x16xi32>,
    %get3A_597 = vector.shape_cast %get3A_596 : vector<1x16xi32> to vector<16xi32>
    %add3A_598 = vector.broadcast %mul3A_74 : i32 to vector<16xi32>
    %add3A_599 = arith.addi %get3A_597, %add3A_598 : vector<16xi32>
    %swap3A_600 = arith.constant 5 : i32
    %swap3A_601 = arith.index_cast %swap3A_600 : i32 to index
    %swap3A_602 = arith.constant 0 : index
    %swap3A_603 = tpu.vector_load %arg7[%swap3A_601, %swap3A_602] {strides = array<i32>} : memref<16x128xi32, #tpu.memory_space<vmem>>, vector<1x16xi32>,
    %swap3A_604 = vector.shape_cast %swap3A_603 : vector<1x16xi32> to vector<16xi32>
    %swap3A_605 = vector.shape_cast %add3A_599 : vector<16xi32> to vector<1x16xi32>
    tpu.vector_store %arg7[%swap3A_601, %swap3A_602], %swap3A_605 {strides = array<i32>} : memref<16x128xi32, #tpu.memory_space<vmem>>, vector<1x16xi32>,
    %get3A_606 = arith.constant 5 : i32
    %get3A_607 = arith.index_cast %get3A_606 : i32 to index
    %get3A_608 = arith.constant 16 : index
    %get3A_609 = tpu.vector_load %arg7[%get3A_607, %get3A_608] {strides = array<i32>} : memref<16x128xi32, #tpu.memory_space<vmem>>, vector<1x16xi32>,
    %get3A_610 = vector.shape_cast %get3A_609 : vector<1x16xi32> to vector<16xi32>
    %add3A_611 = vector.broadcast %mul3A_74 : i32 to vector<16xi32>
    %add3A_612 = arith.addi %get3A_610, %add3A_611 : vector<16xi32>
    %swap3A_613 = arith.constant 5 : i32
    %swap3A_614 = arith.index_cast %swap3A_613 : i32 to index
    %swap3A_615 = arith.constant 16 : index
    %swap3A_616 = tpu.vector_load %arg7[%swap3A_614, %swap3A_615] {strides = array<i32>} : memref<16x128xi32, #tpu.memory_space<vmem>>, vector<1x16xi32>,
    %swap3A_617 = vector.shape_cast %swap3A_616 : vector<1x16xi32> to vector<16xi32>
    %swap3A_618 = vector.shape_cast %add3A_612 : vector<16xi32> to vector<1x16xi32>
    tpu.vector_store %arg7[%swap3A_614, %swap3A_615], %swap3A_618 {strides = array<i32>} : memref<16x128xi32, #tpu.memory_space<vmem>>, vector<1x16xi32>,
    %get3A_619 = arith.constant 5 : i32
    %get3A_620 = arith.index_cast %get3A_619 : i32 to index
    %get3A_621 = arith.constant 32 : index
    %get3A_622 = tpu.vector_load %arg7[%get3A_620, %get3A_621] {strides = array<i32>} : memref<16x128xi32, #tpu.memory_space<vmem>>, vector<1x16xi32>,
    %get3A_623 = vector.shape_cast %get3A_622 : vector<1x16xi32> to vector<16xi32>
    %add3A_624 = vector.broadcast %mul3A_74 : i32 to vector<16xi32>
    %add3A_625 = arith.addi %get3A_623, %add3A_624 : vector<16xi32>
    %swap3A_626 = arith.constant 5 : i32
    %swap3A_627 = arith.index_cast %swap3A_626 : i32 to index
    %swap3A_628 = arith.constant 32 : index
    %swap3A_629 = tpu.vector_load %arg7[%swap3A_627, %swap3A_628] {strides = array<i32>} : memref<16x128xi32, #tpu.memory_space<vmem>>, vector<1x16xi32>,
    %swap3A_630 = vector.shape_cast %swap3A_629 : vector<1x16xi32> to vector<16xi32>
    %swap3A_631 = vector.shape_cast %add3A_625 : vector<16xi32> to vector<1x16xi32>
    tpu.vector_store %arg7[%swap3A_627, %swap3A_628], %swap3A_631 {strides = array<i32>} : memref<16x128xi32, #tpu.memory_space<vmem>>, vector<1x16xi32>,
    %get3A_632 = arith.constant 5 : i32
    %get3A_633 = arith.index_cast %get3A_632 : i32 to index
    %get3A_634 = arith.constant 48 : index
    %get3A_635 = tpu.vector_load %arg7[%get3A_633, %get3A_634] {strides = array<i32>} : memref<16x128xi32, #tpu.memory_space<vmem>>, vector<1x16xi32>,
    %get3A_636 = vector.shape_cast %get3A_635 : vector<1x16xi32> to vector<16xi32>
    %add3A_637 = vector.broadcast %mul3A_74 : i32 to vector<16xi32>
    %add3A_638 = arith.addi %get3A_636, %add3A_637 : vector<16xi32>
    %swap3A_639 = arith.constant 5 : i32
    %swap3A_640 = arith.index_cast %swap3A_639 : i32 to index
    %swap3A_641 = arith.constant 48 : index
    %swap3A_642 = tpu.vector_load %arg7[%swap3A_640, %swap3A_641] {strides = array<i32>} : memref<16x128xi32, #tpu.memory_space<vmem>>, vector<1x16xi32>,
    %swap3A_643 = vector.shape_cast %swap3A_642 : vector<1x16xi32> to vector<16xi32>
    %swap3A_644 = vector.shape_cast %add3A_638 : vector<16xi32> to vector<1x16xi32>
    tpu.vector_store %arg7[%swap3A_640, %swap3A_641], %swap3A_644 {strides = array<i32>} : memref<16x128xi32, #tpu.memory_space<vmem>>, vector<1x16xi32>,
    %get3A_645 = arith.constant 5 : i32
    %get3A_646 = arith.index_cast %get3A_645 : i32 to index
    %get3A_647 = arith.constant 64 : index
    %get3A_648 = tpu.vector_load %arg7[%get3A_646, %get3A_647] {strides = array<i32>} : memref<16x128xi32, #tpu.memory_space<vmem>>, vector<1x16xi32>,
    %get3A_649 = vector.shape_cast %get3A_648 : vector<1x16xi32> to vector<16xi32>
    %add3A_650 = vector.broadcast %mul3A_74 : i32 to vector<16xi32>
    %add3A_651 = arith.addi %get3A_649, %add3A_650 : vector<16xi32>
    %swap3A_652 = arith.constant 5 : i32
    %swap3A_653 = arith.index_cast %swap3A_652 : i32 to index
    %swap3A_654 = arith.constant 64 : index
    %swap3A_655 = tpu.vector_load %arg7[%swap3A_653, %swap3A_654] {strides = array<i32>} : memref<16x128xi32, #tpu.memory_space<vmem>>, vector<1x16xi32>,
    %swap3A_656 = vector.shape_cast %swap3A_655 : vector<1x16xi32> to vector<16xi32>
    %swap3A_657 = vector.shape_cast %add3A_651 : vector<16xi32> to vector<1x16xi32>
    tpu.vector_store %arg7[%swap3A_653, %swap3A_654], %swap3A_657 {strides = array<i32>} : memref<16x128xi32, #tpu.memory_space<vmem>>, vector<1x16xi32>,
    %get3A_658 = arith.constant 5 : i32
    %get3A_659 = arith.index_cast %get3A_658 : i32 to index
    %get3A_660 = arith.constant 80 : index
    %get3A_661 = tpu.vector_load %arg7[%get3A_659, %get3A_660] {strides = array<i32>} : memref<16x128xi32, #tpu.memory_space<vmem>>, vector<1x16xi32>,
    %get3A_662 = vector.shape_cast %get3A_661 : vector<1x16xi32> to vector<16xi32>
    %add3A_663 = vector.broadcast %mul3A_74 : i32 to vector<16xi32>
    %add3A_664 = arith.addi %get3A_662, %add3A_663 : vector<16xi32>
    %swap3A_665 = arith.constant 5 : i32
    %swap3A_666 = arith.index_cast %swap3A_665 : i32 to index
    %swap3A_667 = arith.constant 80 : index
    %swap3A_668 = tpu.vector_load %arg7[%swap3A_666, %swap3A_667] {strides = array<i32>} : memref<16x128xi32, #tpu.memory_space<vmem>>, vector<1x16xi32>,
    %swap3A_669 = vector.shape_cast %swap3A_668 : vector<1x16xi32> to vector<16xi32>
    %swap3A_670 = vector.shape_cast %add3A_664 : vector<16xi32> to vector<1x16xi32>
    tpu.vector_store %arg7[%swap3A_666, %swap3A_667], %swap3A_670 {strides = array<i32>} : memref<16x128xi32, #tpu.memory_space<vmem>>, vector<1x16xi32>,
    %get3A_671 = arith.constant 5 : i32
    %get3A_672 = arith.index_cast %get3A_671 : i32 to index
    %get3A_673 = arith.constant 96 : index
    %get3A_674 = tpu.vector_load %arg7[%get3A_672, %get3A_673] {strides = array<i32>} : memref<16x128xi32, #tpu.memory_space<vmem>>, vector<1x16xi32>,
    %get3A_675 = vector.shape_cast %get3A_674 : vector<1x16xi32> to vector<16xi32>
    %add3A_676 = vector.broadcast %mul3A_74 : i32 to vector<16xi32>
    %add3A_677 = arith.addi %get3A_675, %add3A_676 : vector<16xi32>
    %swap3A_678 = arith.constant 5 : i32
    %swap3A_679 = arith.index_cast %swap3A_678 : i32 to index
    %swap3A_680 = arith.constant 96 : index
    %swap3A_681 = tpu.vector_load %arg7[%swap3A_679, %swap3A_680] {strides = array<i32>} : memref<16x128xi32, #tpu.memory_space<vmem>>, vector<1x16xi32>,
    %swap3A_682 = vector.shape_cast %swap3A_681 : vector<1x16xi32> to vector<16xi32>
    %swap3A_683 = vector.shape_cast %add3A_677 : vector<16xi32> to vector<1x16xi32>
    tpu.vector_store %arg7[%swap3A_679, %swap3A_680], %swap3A_683 {strides = array<i32>} : memref<16x128xi32, #tpu.memory_space<vmem>>, vector<1x16xi32>,
    %get3A_684 = arith.constant 5 : i32
    %get3A_685 = arith.index_cast %get3A_684 : i32 to index
    %get3A_686 = arith.constant 112 : index
    %get3A_687 = tpu.vector_load %arg7[%get3A_685, %get3A_686] {strides = array<i32>} : memref<16x128xi32, #tpu.memory_space<vmem>>, vector<1x16xi32>,
    %get3A_688 = vector.shape_cast %get3A_687 : vector<1x16xi32> to vector<16xi32>
    %add3A_689 = vector.broadcast %mul3A_74 : i32 to vector<16xi32>
    %add3A_690 = arith.addi %get3A_688, %add3A_689 : vector<16xi32>
    %swap3A_691 = arith.constant 5 : i32
    %swap3A_692 = arith.index_cast %swap3A_691 : i32 to index
    %swap3A_693 = arith.constant 112 : index
    %swap3A_694 = tpu.vector_load %arg7[%swap3A_692, %swap3A_693] {strides = array<i32>} : memref<16x128xi32, #tpu.memory_space<vmem>>, vector<1x16xi32>,
    %swap3A_695 = vector.shape_cast %swap3A_694 : vector<1x16xi32> to vector<16xi32>
    %swap3A_696 = vector.shape_cast %add3A_690 : vector<16xi32> to vector<1x16xi32>
    tpu.vector_store %arg7[%swap3A_692, %swap3A_693], %swap3A_696 {strides = array<i32>} : memref<16x128xi32, #tpu.memory_space<vmem>>, vector<1x16xi32>,
    %get3A_697 = arith.constant 6 : i32
    %get3A_698 = arith.index_cast %get3A_697 : i32 to index
    %get3A_699 = arith.constant 0 : index
    %get3A_700 = tpu.vector_load %arg7[%get3A_698, %get3A_699] {strides = array<i32>} : memref<16x128xi32, #tpu.memory_space<vmem>>, vector<1x16xi32>,
    %get3A_701 = vector.shape_cast %get3A_700 : vector<1x16xi32> to vector<16xi32>
    %add3A_702 = vector.broadcast %mul3A_74 : i32 to vector<16xi32>
    %add3A_703 = arith.addi %get3A_701, %add3A_702 : vector<16xi32>
    %swap3A_704 = arith.constant 6 : i32
    %swap3A_705 = arith.index_cast %swap3A_704 : i32 to index
    %swap3A_706 = arith.constant 0 : index
    %swap3A_707 = tpu.vector_load %arg7[%swap3A_705, %swap3A_706] {strides = array<i32>} : memref<16x128xi32, #tpu.memory_space<vmem>>, vector<1x16xi32>,
    %swap3A_708 = vector.shape_cast %swap3A_707 : vector<1x16xi32> to vector<16xi32>
    %swap3A_709 = vector.shape_cast %add3A_703 : vector<16xi32> to vector<1x16xi32>
    tpu.vector_store %arg7[%swap3A_705, %swap3A_706], %swap3A_709 {strides = array<i32>} : memref<16x128xi32, #tpu.memory_space<vmem>>, vector<1x16xi32>,
    %get3A_710 = arith.constant 6 : i32
    %get3A_711 = arith.index_cast %get3A_710 : i32 to index
    %get3A_712 = arith.constant 16 : index
    %get3A_713 = tpu.vector_load %arg7[%get3A_711, %get3A_712] {strides = array<i32>} : memref<16x128xi32, #tpu.memory_space<vmem>>, vector<1x16xi32>,
    %get3A_714 = vector.shape_cast %get3A_713 : vector<1x16xi32> to vector<16xi32>
    %add3A_715 = vector.broadcast %mul3A_74 : i32 to vector<16xi32>
    %add3A_716 = arith.addi %get3A_714, %add3A_715 : vector<16xi32>
    %swap3A_717 = arith.constant 6 : i32
    %swap3A_718 = arith.index_cast %swap3A_717 : i32 to index
    %swap3A_719 = arith.constant 16 : index
    %swap3A_720 = tpu.vector_load %arg7[%swap3A_718, %swap3A_719] {strides = array<i32>} : memref<16x128xi32, #tpu.memory_space<vmem>>, vector<1x16xi32>,
    %swap3A_721 = vector.shape_cast %swap3A_720 : vector<1x16xi32> to vector<16xi32>
    %swap3A_722 = vector.shape_cast %add3A_716 : vector<16xi32> to vector<1x16xi32>
    tpu.vector_store %arg7[%swap3A_718, %swap3A_719], %swap3A_722 {strides = array<i32>} : memref<16x128xi32, #tpu.memory_space<vmem>>, vector<1x16xi32>,
    %get3A_723 = arith.constant 6 : i32
    %get3A_724 = arith.index_cast %get3A_723 : i32 to index
    %get3A_725 = arith.constant 32 : index
    %get3A_726 = tpu.vector_load %arg7[%get3A_724, %get3A_725] {strides = array<i32>} : memref<16x128xi32, #tpu.memory_space<vmem>>, vector<1x16xi32>,
    %get3A_727 = vector.shape_cast %get3A_726 : vector<1x16xi32> to vector<16xi32>
    %add3A_728 = vector.broadcast %mul3A_74 : i32 to vector<16xi32>
    %add3A_729 = arith.addi %get3A_727, %add3A_728 : vector<16xi32>
    %swap3A_730 = arith.constant 6 : i32
    %swap3A_731 = arith.index_cast %swap3A_730 : i32 to index
    %swap3A_732 = arith.constant 32 : index
    %swap3A_733 = tpu.vector_load %arg7[%swap3A_731, %swap3A_732] {strides = array<i32>} : memref<16x128xi32, #tpu.memory_space<vmem>>, vector<1x16xi32>,
    %swap3A_734 = vector.shape_cast %swap3A_733 : vector<1x16xi32> to vector<16xi32>
    %swap3A_735 = vector.shape_cast %add3A_729 : vector<16xi32> to vector<1x16xi32>
    tpu.vector_store %arg7[%swap3A_731, %swap3A_732], %swap3A_735 {strides = array<i32>} : memref<16x128xi32, #tpu.memory_space<vmem>>, vector<1x16xi32>,
    %get3A_736 = arith.constant 6 : i32
    %get3A_737 = arith.index_cast %get3A_736 : i32 to index
    %get3A_738 = arith.constant 48 : index
    %get3A_739 = tpu.vector_load %arg7[%get3A_737, %get3A_738] {strides = array<i32>} : memref<16x128xi32, #tpu.memory_space<vmem>>, vector<1x16xi32>,
    %get3A_740 = vector.shape_cast %get3A_739 : vector<1x16xi32> to vector<16xi32>
    %add3A_741 = vector.broadcast %mul3A_74 : i32 to vector<16xi32>
    %add3A_742 = arith.addi %get3A_740, %add3A_741 : vector<16xi32>
    %swap3A_743 = arith.constant 6 : i32
    %swap3A_744 = arith.index_cast %swap3A_743 : i32 to index
    %swap3A_745 = arith.constant 48 : index
    %swap3A_746 = tpu.vector_load %arg7[%swap3A_744, %swap3A_745] {strides = array<i32>} : memref<16x128xi32, #tpu.memory_space<vmem>>, vector<1x16xi32>,
    %swap3A_747 = vector.shape_cast %swap3A_746 : vector<1x16xi32> to vector<16xi32>
    %swap3A_748 = vector.shape_cast %add3A_742 : vector<16xi32> to vector<1x16xi32>
    tpu.vector_store %arg7[%swap3A_744, %swap3A_745], %swap3A_748 {strides = array<i32>} : memref<16x128xi32, #tpu.memory_space<vmem>>, vector<1x16xi32>,
    %get3A_749 = arith.constant 6 : i32
    %get3A_750 = arith.index_cast %get3A_749 : i32 to index
    %get3A_751 = arith.constant 64 : index
    %get3A_752 = tpu.vector_load %arg7[%get3A_750, %get3A_751] {strides = array<i32>} : memref<16x128xi32, #tpu.memory_space<vmem>>, vector<1x16xi32>,
    %get3A_753 = vector.shape_cast %get3A_752 : vector<1x16xi32> to vector<16xi32>
    %add3A_754 = vector.broadcast %mul3A_74 : i32 to vector<16xi32>
    %add3A_755 = arith.addi %get3A_753, %add3A_754 : vector<16xi32>
    %swap3A_756 = arith.constant 6 : i32
    %swap3A_757 = arith.index_cast %swap3A_756 : i32 to index
    %swap3A_758 = arith.constant 64 : index
    %swap3A_759 = tpu.vector_load %arg7[%swap3A_757, %swap3A_758] {strides = array<i32>} : memref<16x128xi32, #tpu.memory_space<vmem>>, vector<1x16xi32>,
    %swap3A_760 = vector.shape_cast %swap3A_759 : vector<1x16xi32> to vector<16xi32>
    %swap3A_761 = vector.shape_cast %add3A_755 : vector<16xi32> to vector<1x16xi32>
    tpu.vector_store %arg7[%swap3A_757, %swap3A_758], %swap3A_761 {strides = array<i32>} : memref<16x128xi32, #tpu.memory_space<vmem>>, vector<1x16xi32>,
    %get3A_762 = arith.constant 6 : i32
    %get3A_763 = arith.index_cast %get3A_762 : i32 to index
    %get3A_764 = arith.constant 80 : index
    %get3A_765 = tpu.vector_load %arg7[%get3A_763, %get3A_764] {strides = array<i32>} : memref<16x128xi32, #tpu.memory_space<vmem>>, vector<1x16xi32>,
    %get3A_766 = vector.shape_cast %get3A_765 : vector<1x16xi32> to vector<16xi32>
    %add3A_767 = vector.broadcast %mul3A_74 : i32 to vector<16xi32>
    %add3A_768 = arith.addi %get3A_766, %add3A_767 : vector<16xi32>
    %swap3A_769 = arith.constant 6 : i32
    %swap3A_770 = arith.index_cast %swap3A_769 : i32 to index
    %swap3A_771 = arith.constant 80 : index
    %swap3A_772 = tpu.vector_load %arg7[%swap3A_770, %swap3A_771] {strides = array<i32>} : memref<16x128xi32, #tpu.memory_space<vmem>>, vector<1x16xi32>,
    %swap3A_773 = vector.shape_cast %swap3A_772 : vector<1x16xi32> to vector<16xi32>
    %swap3A_774 = vector.shape_cast %add3A_768 : vector<16xi32> to vector<1x16xi32>
    tpu.vector_store %arg7[%swap3A_770, %swap3A_771], %swap3A_774 {strides = array<i32>} : memref<16x128xi32, #tpu.memory_space<vmem>>, vector<1x16xi32>,
    %get3A_775 = arith.constant 6 : i32
    %get3A_776 = arith.index_cast %get3A_775 : i32 to index
    %get3A_777 = arith.constant 96 : index
    %get3A_778 = tpu.vector_load %arg7[%get3A_776, %get3A_777] {strides = array<i32>} : memref<16x128xi32, #tpu.memory_space<vmem>>, vector<1x16xi32>,
    %get3A_779 = vector.shape_cast %get3A_778 : vector<1x16xi32> to vector<16xi32>
    %add3A_780 = vector.broadcast %mul3A_74 : i32 to vector<16xi32>
    %add3A_781 = arith.addi %get3A_779, %add3A_780 : vector<16xi32>
    %swap3A_782 = arith.constant 6 : i32
    %swap3A_783 = arith.index_cast %swap3A_782 : i32 to index
    %swap3A_784 = arith.constant 96 : index
    %swap3A_785 = tpu.vector_load %arg7[%swap3A_783, %swap3A_784] {strides = array<i32>} : memref<16x128xi32, #tpu.memory_space<vmem>>, vector<1x16xi32>,
    %swap3A_786 = vector.shape_cast %swap3A_785 : vector<1x16xi32> to vector<16xi32>
    %swap3A_787 = vector.shape_cast %add3A_781 : vector<16xi32> to vector<1x16xi32>
    tpu.vector_store %arg7[%swap3A_783, %swap3A_784], %swap3A_787 {strides = array<i32>} : memref<16x128xi32, #tpu.memory_space<vmem>>, vector<1x16xi32>,
    %get3A_788 = arith.constant 6 : i32
    %get3A_789 = arith.index_cast %get3A_788 : i32 to index
    %get3A_790 = arith.constant 112 : index
    %get3A_791 = tpu.vector_load %arg7[%get3A_789, %get3A_790] {strides = array<i32>} : memref<16x128xi32, #tpu.memory_space<vmem>>, vector<1x16xi32>,
    %get3A_792 = vector.shape_cast %get3A_791 : vector<1x16xi32> to vector<16xi32>
    %add3A_793 = vector.broadcast %mul3A_74 : i32 to vector<16xi32>
    %add3A_794 = arith.addi %get3A_792, %add3A_793 : vector<16xi32>
    %swap3A_795 = arith.constant 6 : i32
    %swap3A_796 = arith.index_cast %swap3A_795 : i32 to index
    %swap3A_797 = arith.constant 112 : index
    %swap3A_798 = tpu.vector_load %arg7[%swap3A_796, %swap3A_797] {strides = array<i32>} : memref<16x128xi32, #tpu.memory_space<vmem>>, vector<1x16xi32>,
    %swap3A_799 = vector.shape_cast %swap3A_798 : vector<1x16xi32> to vector<16xi32>
    %swap3A_800 = vector.shape_cast %add3A_794 : vector<16xi32> to vector<1x16xi32>
    tpu.vector_store %arg7[%swap3A_796, %swap3A_797], %swap3A_800 {strides = array<i32>} : memref<16x128xi32, #tpu.memory_space<vmem>>, vector<1x16xi32>,
    %get3A_801 = arith.constant 7 : i32
    %get3A_802 = arith.index_cast %get3A_801 : i32 to index
    %get3A_803 = arith.constant 0 : index
    %get3A_804 = tpu.vector_load %arg7[%get3A_802, %get3A_803] {strides = array<i32>} : memref<16x128xi32, #tpu.memory_space<vmem>>, vector<1x16xi32>,
    %get3A_805 = vector.shape_cast %get3A_804 : vector<1x16xi32> to vector<16xi32>
    %add3A_806 = vector.broadcast %mul3A_74 : i32 to vector<16xi32>
    %add3A_807 = arith.addi %get3A_805, %add3A_806 : vector<16xi32>
    %swap3A_808 = arith.constant 7 : i32
    %swap3A_809 = arith.index_cast %swap3A_808 : i32 to index
    %swap3A_810 = arith.constant 0 : index
    %swap3A_811 = tpu.vector_load %arg7[%swap3A_809, %swap3A_810] {strides = array<i32>} : memref<16x128xi32, #tpu.memory_space<vmem>>, vector<1x16xi32>,
    %swap3A_812 = vector.shape_cast %swap3A_811 : vector<1x16xi32> to vector<16xi32>
    %swap3A_813 = vector.shape_cast %add3A_807 : vector<16xi32> to vector<1x16xi32>
    tpu.vector_store %arg7[%swap3A_809, %swap3A_810], %swap3A_813 {strides = array<i32>} : memref<16x128xi32, #tpu.memory_space<vmem>>, vector<1x16xi32>,
    %get3A_814 = arith.constant 7 : i32
    %get3A_815 = arith.index_cast %get3A_814 : i32 to index
    %get3A_816 = arith.constant 16 : index
    %get3A_817 = tpu.vector_load %arg7[%get3A_815, %get3A_816] {strides = array<i32>} : memref<16x128xi32, #tpu.memory_space<vmem>>, vector<1x16xi32>,
    %get3A_818 = vector.shape_cast %get3A_817 : vector<1x16xi32> to vector<16xi32>
    %add3A_819 = vector.broadcast %mul3A_74 : i32 to vector<16xi32>
    %add3A_820 = arith.addi %get3A_818, %add3A_819 : vector<16xi32>
    %swap3A_821 = arith.constant 7 : i32
    %swap3A_822 = arith.index_cast %swap3A_821 : i32 to index
    %swap3A_823 = arith.constant 16 : index
    %swap3A_824 = tpu.vector_load %arg7[%swap3A_822, %swap3A_823] {strides = array<i32>} : memref<16x128xi32, #tpu.memory_space<vmem>>, vector<1x16xi32>,
    %swap3A_825 = vector.shape_cast %swap3A_824 : vector<1x16xi32> to vector<16xi32>
    %swap3A_826 = vector.shape_cast %add3A_820 : vector<16xi32> to vector<1x16xi32>
    tpu.vector_store %arg7[%swap3A_822, %swap3A_823], %swap3A_826 {strides = array<i32>} : memref<16x128xi32, #tpu.memory_space<vmem>>, vector<1x16xi32>,
    %get3A_827 = arith.constant 7 : i32
    %get3A_828 = arith.index_cast %get3A_827 : i32 to index
    %get3A_829 = arith.constant 32 : index
    %get3A_830 = tpu.vector_load %arg7[%get3A_828, %get3A_829] {strides = array<i32>} : memref<16x128xi32, #tpu.memory_space<vmem>>, vector<1x16xi32>,
    %get3A_831 = vector.shape_cast %get3A_830 : vector<1x16xi32> to vector<16xi32>
    %add3A_832 = vector.broadcast %mul3A_74 : i32 to vector<16xi32>
    %add3A_833 = arith.addi %get3A_831, %add3A_832 : vector<16xi32>
    %swap3A_834 = arith.constant 7 : i32
    %swap3A_835 = arith.index_cast %swap3A_834 : i32 to index
    %swap3A_836 = arith.constant 32 : index
    %swap3A_837 = tpu.vector_load %arg7[%swap3A_835, %swap3A_836] {strides = array<i32>} : memref<16x128xi32, #tpu.memory_space<vmem>>, vector<1x16xi32>,
    %swap3A_838 = vector.shape_cast %swap3A_837 : vector<1x16xi32> to vector<16xi32>
    %swap3A_839 = vector.shape_cast %add3A_833 : vector<16xi32> to vector<1x16xi32>
    tpu.vector_store %arg7[%swap3A_835, %swap3A_836], %swap3A_839 {strides = array<i32>} : memref<16x128xi32, #tpu.memory_space<vmem>>, vector<1x16xi32>,
    %get3A_840 = arith.constant 7 : i32
    %get3A_841 = arith.index_cast %get3A_840 : i32 to index
    %get3A_842 = arith.constant 48 : index
    %get3A_843 = tpu.vector_load %arg7[%get3A_841, %get3A_842] {strides = array<i32>} : memref<16x128xi32, #tpu.memory_space<vmem>>, vector<1x16xi32>,
    %get3A_844 = vector.shape_cast %get3A_843 : vector<1x16xi32> to vector<16xi32>
    %add3A_845 = vector.broadcast %mul3A_74 : i32 to vector<16xi32>
    %add3A_846 = arith.addi %get3A_844, %add3A_845 : vector<16xi32>
    %swap3A_847 = arith.constant 7 : i32
    %swap3A_848 = arith.index_cast %swap3A_847 : i32 to index
    %swap3A_849 = arith.constant 48 : index
    %swap3A_850 = tpu.vector_load %arg7[%swap3A_848, %swap3A_849] {strides = array<i32>} : memref<16x128xi32, #tpu.memory_space<vmem>>, vector<1x16xi32>,
    %swap3A_851 = vector.shape_cast %swap3A_850 : vector<1x16xi32> to vector<16xi32>
    %swap3A_852 = vector.shape_cast %add3A_846 : vector<16xi32> to vector<1x16xi32>
    tpu.vector_store %arg7[%swap3A_848, %swap3A_849], %swap3A_852 {strides = array<i32>} : memref<16x128xi32, #tpu.memory_space<vmem>>, vector<1x16xi32>,
    %get3A_853 = arith.constant 7 : i32
    %get3A_854 = arith.index_cast %get3A_853 : i32 to index
    %get3A_855 = arith.constant 64 : index
    %get3A_856 = tpu.vector_load %arg7[%get3A_854, %get3A_855] {strides = array<i32>} : memref<16x128xi32, #tpu.memory_space<vmem>>, vector<1x16xi32>,
    %get3A_857 = vector.shape_cast %get3A_856 : vector<1x16xi32> to vector<16xi32>
    %add3A_858 = vector.broadcast %mul3A_74 : i32 to vector<16xi32>
    %add3A_859 = arith.addi %get3A_857, %add3A_858 : vector<16xi32>
    %swap3A_860 = arith.constant 7 : i32
    %swap3A_861 = arith.index_cast %swap3A_860 : i32 to index
    %swap3A_862 = arith.constant 64 : index
    %swap3A_863 = tpu.vector_load %arg7[%swap3A_861, %swap3A_862] {strides = array<i32>} : memref<16x128xi32, #tpu.memory_space<vmem>>, vector<1x16xi32>,
    %swap3A_864 = vector.shape_cast %swap3A_863 : vector<1x16xi32> to vector<16xi32>
    %swap3A_865 = vector.shape_cast %add3A_859 : vector<16xi32> to vector<1x16xi32>
    tpu.vector_store %arg7[%swap3A_861, %swap3A_862], %swap3A_865 {strides = array<i32>} : memref<16x128xi32, #tpu.memory_space<vmem>>, vector<1x16xi32>,
    %get3A_866 = arith.constant 7 : i32
    %get3A_867 = arith.index_cast %get3A_866 : i32 to index
    %get3A_868 = arith.constant 80 : index
    %get3A_869 = tpu.vector_load %arg7[%get3A_867, %get3A_868] {strides = array<i32>} : memref<16x128xi32, #tpu.memory_space<vmem>>, vector<1x16xi32>,
    %get3A_870 = vector.shape_cast %get3A_869 : vector<1x16xi32> to vector<16xi32>
    %add3A_871 = vector.broadcast %mul3A_74 : i32 to vector<16xi32>
    %add3A_872 = arith.addi %get3A_870, %add3A_871 : vector<16xi32>
    %swap3A_873 = arith.constant 7 : i32
    %swap3A_874 = arith.index_cast %swap3A_873 : i32 to index
    %swap3A_875 = arith.constant 80 : index
    %swap3A_876 = tpu.vector_load %arg7[%swap3A_874, %swap3A_875] {strides = array<i32>} : memref<16x128xi32, #tpu.memory_space<vmem>>, vector<1x16xi32>,
    %swap3A_877 = vector.shape_cast %swap3A_876 : vector<1x16xi32> to vector<16xi32>
    %swap3A_878 = vector.shape_cast %add3A_872 : vector<16xi32> to vector<1x16xi32>
    tpu.vector_store %arg7[%swap3A_874, %swap3A_875], %swap3A_878 {strides = array<i32>} : memref<16x128xi32, #tpu.memory_space<vmem>>, vector<1x16xi32>,
    %get3A_879 = arith.constant 7 : i32
    %get3A_880 = arith.index_cast %get3A_879 : i32 to index
    %get3A_881 = arith.constant 96 : index
    %get3A_882 = tpu.vector_load %arg7[%get3A_880, %get3A_881] {strides = array<i32>} : memref<16x128xi32, #tpu.memory_space<vmem>>, vector<1x16xi32>,
    %get3A_883 = vector.shape_cast %get3A_882 : vector<1x16xi32> to vector<16xi32>
    %add3A_884 = vector.broadcast %mul3A_74 : i32 to vector<16xi32>
    %add3A_885 = arith.addi %get3A_883, %add3A_884 : vector<16xi32>
    %swap3A_886 = arith.constant 7 : i32
    %swap3A_887 = arith.index_cast %swap3A_886 : i32 to index
    %swap3A_888 = arith.constant 96 : index
    %swap3A_889 = tpu.vector_load %arg7[%swap3A_887, %swap3A_888] {strides = array<i32>} : memref<16x128xi32, #tpu.memory_space<vmem>>, vector<1x16xi32>,
    %swap3A_890 = vector.shape_cast %swap3A_889 : vector<1x16xi32> to vector<16xi32>
    %swap3A_891 = vector.shape_cast %add3A_885 : vector<16xi32> to vector<1x16xi32>
    tpu.vector_store %arg7[%swap3A_887, %swap3A_888], %swap3A_891 {strides = array<i32>} : memref<16x128xi32, #tpu.memory_space<vmem>>, vector<1x16xi32>,
    %get3A_892 = arith.constant 7 : i32
    %get3A_893 = arith.index_cast %get3A_892 : i32 to index
    %get3A_894 = arith.constant 112 : index
    %get3A_895 = tpu.vector_load %arg7[%get3A_893, %get3A_894] {strides = array<i32>} : memref<16x128xi32, #tpu.memory_space<vmem>>, vector<1x16xi32>,
    %get3A_896 = vector.shape_cast %get3A_895 : vector<1x16xi32> to vector<16xi32>
    %add3A_897 = vector.broadcast %mul3A_74 : i32 to vector<16xi32>
    %add3A_898 = arith.addi %get3A_896, %add3A_897 : vector<16xi32>
    %swap3A_899 = arith.constant 7 : i32
    %swap3A_900 = arith.index_cast %swap3A_899 : i32 to index
    %swap3A_901 = arith.constant 112 : index
    %swap3A_902 = tpu.vector_load %arg7[%swap3A_900, %swap3A_901] {strides = array<i32>} : memref<16x128xi32, #tpu.memory_space<vmem>>, vector<1x16xi32>,
    %swap3A_903 = vector.shape_cast %swap3A_902 : vector<1x16xi32> to vector<16xi32>
    %swap3A_904 = vector.shape_cast %add3A_898 : vector<16xi32> to vector<1x16xi32>
    tpu.vector_store %arg7[%swap3A_900, %swap3A_901], %swap3A_904 {strides = array<i32>} : memref<16x128xi32, #tpu.memory_space<vmem>>, vector<1x16xi32>,
    %get3A_905 = arith.constant 8 : i32
    %get3A_906 = arith.index_cast %get3A_905 : i32 to index
    %get3A_907 = arith.constant 0 : index
    %get3A_908 = tpu.vector_load %arg7[%get3A_906, %get3A_907] {strides = array<i32>} : memref<16x128xi32, #tpu.memory_space<vmem>>, vector<1x16xi32>,
    %get3A_909 = vector.shape_cast %get3A_908 : vector<1x16xi32> to vector<16xi32>
    %add3A_910 = vector.broadcast %mul3A_74 : i32 to vector<16xi32>
    %add3A_911 = arith.addi %get3A_909, %add3A_910 : vector<16xi32>
    %swap3A_912 = arith.constant 8 : i32
    %swap3A_913 = arith.index_cast %swap3A_912 : i32 to index
    %swap3A_914 = arith.constant 0 : index
    %swap3A_915 = tpu.vector_load %arg7[%swap3A_913, %swap3A_914] {strides = array<i32>} : memref<16x128xi32, #tpu.memory_space<vmem>>, vector<1x16xi32>,
    %swap3A_916 = vector.shape_cast %swap3A_915 : vector<1x16xi32> to vector<16xi32>
    %swap3A_917 = vector.shape_cast %add3A_911 : vector<16xi32> to vector<1x16xi32>
    tpu.vector_store %arg7[%swap3A_913, %swap3A_914], %swap3A_917 {strides = array<i32>} : memref<16x128xi32, #tpu.memory_space<vmem>>, vector<1x16xi32>,
    %get3A_918 = arith.constant 8 : i32
    %get3A_919 = arith.index_cast %get3A_918 : i32 to index
    %get3A_920 = arith.constant 16 : index
    %get3A_921 = tpu.vector_load %arg7[%get3A_919, %get3A_920] {strides = array<i32>} : memref<16x128xi32, #tpu.memory_space<vmem>>, vector<1x16xi32>,
    %get3A_922 = vector.shape_cast %get3A_921 : vector<1x16xi32> to vector<16xi32>
    %add3A_923 = vector.broadcast %mul3A_74 : i32 to vector<16xi32>
    %add3A_924 = arith.addi %get3A_922, %add3A_923 : vector<16xi32>
    %swap3A_925 = arith.constant 8 : i32
    %swap3A_926 = arith.index_cast %swap3A_925 : i32 to index
    %swap3A_927 = arith.constant 16 : index
    %swap3A_928 = tpu.vector_load %arg7[%swap3A_926, %swap3A_927] {strides = array<i32>} : memref<16x128xi32, #tpu.memory_space<vmem>>, vector<1x16xi32>,
    %swap3A_929 = vector.shape_cast %swap3A_928 : vector<1x16xi32> to vector<16xi32>
    %swap3A_930 = vector.shape_cast %add3A_924 : vector<16xi32> to vector<1x16xi32>
    tpu.vector_store %arg7[%swap3A_926, %swap3A_927], %swap3A_930 {strides = array<i32>} : memref<16x128xi32, #tpu.memory_space<vmem>>, vector<1x16xi32>,
    %get3A_931 = arith.constant 8 : i32
    %get3A_932 = arith.index_cast %get3A_931 : i32 to index
    %get3A_933 = arith.constant 32 : index
    %get3A_934 = tpu.vector_load %arg7[%get3A_932, %get3A_933] {strides = array<i32>} : memref<16x128xi32, #tpu.memory_space<vmem>>, vector<1x16xi32>,
    %get3A_935 = vector.shape_cast %get3A_934 : vector<1x16xi32> to vector<16xi32>
    %add3A_936 = vector.broadcast %mul3A_74 : i32 to vector<16xi32>
    %add3A_937 = arith.addi %get3A_935, %add3A_936 : vector<16xi32>
    %swap3A_938 = arith.constant 8 : i32
    %swap3A_939 = arith.index_cast %swap3A_938 : i32 to index
    %swap3A_940 = arith.constant 32 : index
    %swap3A_941 = tpu.vector_load %arg7[%swap3A_939, %swap3A_940] {strides = array<i32>} : memref<16x128xi32, #tpu.memory_space<vmem>>, vector<1x16xi32>,
    %swap3A_942 = vector.shape_cast %swap3A_941 : vector<1x16xi32> to vector<16xi32>
    %swap3A_943 = vector.shape_cast %add3A_937 : vector<16xi32> to vector<1x16xi32>
    tpu.vector_store %arg7[%swap3A_939, %swap3A_940], %swap3A_943 {strides = array<i32>} : memref<16x128xi32, #tpu.memory_space<vmem>>, vector<1x16xi32>,
    %get3A_944 = arith.constant 8 : i32
    %get3A_945 = arith.index_cast %get3A_944 : i32 to index
    %get3A_946 = arith.constant 48 : index
    %get3A_947 = tpu.vector_load %arg7[%get3A_945, %get3A_946] {strides = array<i32>} : memref<16x128xi32, #tpu.memory_space<vmem>>, vector<1x16xi32>,
    %get3A_948 = vector.shape_cast %get3A_947 : vector<1x16xi32> to vector<16xi32>
    %add3A_949 = vector.broadcast %mul3A_74 : i32 to vector<16xi32>
    %add3A_950 = arith.addi %get3A_948, %add3A_949 : vector<16xi32>
    %swap3A_951 = arith.constant 8 : i32
    %swap3A_952 = arith.index_cast %swap3A_951 : i32 to index
    %swap3A_953 = arith.constant 48 : index
    %swap3A_954 = tpu.vector_load %arg7[%swap3A_952, %swap3A_953] {strides = array<i32>} : memref<16x128xi32, #tpu.memory_space<vmem>>, vector<1x16xi32>,
    %swap3A_955 = vector.shape_cast %swap3A_954 : vector<1x16xi32> to vector<16xi32>
    %swap3A_956 = vector.shape_cast %add3A_950 : vector<16xi32> to vector<1x16xi32>
    tpu.vector_store %arg7[%swap3A_952, %swap3A_953], %swap3A_956 {strides = array<i32>} : memref<16x128xi32, #tpu.memory_space<vmem>>, vector<1x16xi32>,
    %get3A_957 = arith.constant 8 : i32
    %get3A_958 = arith.index_cast %get3A_957 : i32 to index
    %get3A_959 = arith.constant 64 : index
    %get3A_960 = tpu.vector_load %arg7[%get3A_958, %get3A_959] {strides = array<i32>} : memref<16x128xi32, #tpu.memory_space<vmem>>, vector<1x16xi32>,
    %get3A_961 = vector.shape_cast %get3A_960 : vector<1x16xi32> to vector<16xi32>
    %add3A_962 = vector.broadcast %mul3A_74 : i32 to vector<16xi32>
    %add3A_963 = arith.addi %get3A_961, %add3A_962 : vector<16xi32>
    %swap3A_964 = arith.constant 8 : i32
    %swap3A_965 = arith.index_cast %swap3A_964 : i32 to index
    %swap3A_966 = arith.constant 64 : index
    %swap3A_967 = tpu.vector_load %arg7[%swap3A_965, %swap3A_966] {strides = array<i32>} : memref<16x128xi32, #tpu.memory_space<vmem>>, vector<1x16xi32>,
    %swap3A_968 = vector.shape_cast %swap3A_967 : vector<1x16xi32> to vector<16xi32>
    %swap3A_969 = vector.shape_cast %add3A_963 : vector<16xi32> to vector<1x16xi32>
    tpu.vector_store %arg7[%swap3A_965, %swap3A_966], %swap3A_969 {strides = array<i32>} : memref<16x128xi32, #tpu.memory_space<vmem>>, vector<1x16xi32>,
    %get3A_970 = arith.constant 8 : i32
    %get3A_971 = arith.index_cast %get3A_970 : i32 to index
    %get3A_972 = arith.constant 80 : index
    %get3A_973 = tpu.vector_load %arg7[%get3A_971, %get3A_972] {strides = array<i32>} : memref<16x128xi32, #tpu.memory_space<vmem>>, vector<1x16xi32>,
    %get3A_974 = vector.shape_cast %get3A_973 : vector<1x16xi32> to vector<16xi32>
    %add3A_975 = vector.broadcast %mul3A_74 : i32 to vector<16xi32>
    %add3A_976 = arith.addi %get3A_974, %add3A_975 : vector<16xi32>
    %swap3A_977 = arith.constant 8 : i32
    %swap3A_978 = arith.index_cast %swap3A_977 : i32 to index
    %swap3A_979 = arith.constant 80 : index
    %swap3A_980 = tpu.vector_load %arg7[%swap3A_978, %swap3A_979] {strides = array<i32>} : memref<16x128xi32, #tpu.memory_space<vmem>>, vector<1x16xi32>,
    %swap3A_981 = vector.shape_cast %swap3A_980 : vector<1x16xi32> to vector<16xi32>
    %swap3A_982 = vector.shape_cast %add3A_976 : vector<16xi32> to vector<1x16xi32>
    tpu.vector_store %arg7[%swap3A_978, %swap3A_979], %swap3A_982 {strides = array<i32>} : memref<16x128xi32, #tpu.memory_space<vmem>>, vector<1x16xi32>,
    %get3A_983 = arith.constant 8 : i32
    %get3A_984 = arith.index_cast %get3A_983 : i32 to index
    %get3A_985 = arith.constant 96 : index
    %get3A_986 = tpu.vector_load %arg7[%get3A_984, %get3A_985] {strides = array<i32>} : memref<16x128xi32, #tpu.memory_space<vmem>>, vector<1x16xi32>,
    %get3A_987 = vector.shape_cast %get3A_986 : vector<1x16xi32> to vector<16xi32>
    %add3A_988 = vector.broadcast %mul3A_74 : i32 to vector<16xi32>
    %add3A_989 = arith.addi %get3A_987, %add3A_988 : vector<16xi32>
    %swap3A_990 = arith.constant 8 : i32
    %swap3A_991 = arith.index_cast %swap3A_990 : i32 to index
    %swap3A_992 = arith.constant 96 : index
    %swap3A_993 = tpu.vector_load %arg7[%swap3A_991, %swap3A_992] {strides = array<i32>} : memref<16x128xi32, #tpu.memory_space<vmem>>, vector<1x16xi32>,
    %swap3A_994 = vector.shape_cast %swap3A_993 : vector<1x16xi32> to vector<16xi32>
    %swap3A_995 = vector.shape_cast %add3A_989 : vector<16xi32> to vector<1x16xi32>
    tpu.vector_store %arg7[%swap3A_991, %swap3A_992], %swap3A_995 {strides = array<i32>} : memref<16x128xi32, #tpu.memory_space<vmem>>, vector<1x16xi32>,
    %get3A_996 = arith.constant 8 : i32
    %get3A_997 = arith.index_cast %get3A_996 : i32 to index
    %get3A_998 = arith.constant 112 : index
    %get3A_999 = tpu.vector_load %arg7[%get3A_997, %get3A_998] {strides = array<i32>} : memref<16x128xi32, #tpu.memory_space<vmem>>, vector<1x16xi32>,
    %get3A_1000 = vector.shape_cast %get3A_999 : vector<1x16xi32> to vector<16xi32>
    %add3A_1001 = vector.broadcast %mul3A_74 : i32 to vector<16xi32>
    %add3A_1002 = arith.addi %get3A_1000, %add3A_1001 : vector<16xi32>
    %swap3A_1003 = arith.constant 8 : i32
    %swap3A_1004 = arith.index_cast %swap3A_1003 : i32 to index
    %swap3A_1005 = arith.constant 112 : index
    %swap3A_1006 = tpu.vector_load %arg7[%swap3A_1004, %swap3A_1005] {strides = array<i32>} : memref<16x128xi32, #tpu.memory_space<vmem>>, vector<1x16xi32>,
    %swap3A_1007 = vector.shape_cast %swap3A_1006 : vector<1x16xi32> to vector<16xi32>
    %swap3A_1008 = vector.shape_cast %add3A_1002 : vector<16xi32> to vector<1x16xi32>
    tpu.vector_store %arg7[%swap3A_1004, %swap3A_1005], %swap3A_1008 {strides = array<i32>} : memref<16x128xi32, #tpu.memory_space<vmem>>, vector<1x16xi32>,
    %get3A_1009 = arith.constant 9 : i32
    %get3A_1010 = arith.index_cast %get3A_1009 : i32 to index
    %get3A_1011 = arith.constant 0 : index
    %get3A_1012 = tpu.vector_load %arg7[%get3A_1010, %get3A_1011] {strides = array<i32>} : memref<16x128xi32, #tpu.memory_space<vmem>>, vector<1x16xi32>,
    %get3A_1013 = vector.shape_cast %get3A_1012 : vector<1x16xi32> to vector<16xi32>
    %add3A_1014 = vector.broadcast %mul3A_74 : i32 to vector<16xi32>
    %add3A_1015 = arith.addi %get3A_1013, %add3A_1014 : vector<16xi32>
    %swap3A_1016 = arith.constant 9 : i32
    %swap3A_1017 = arith.index_cast %swap3A_1016 : i32 to index
    %swap3A_1018 = arith.constant 0 : index
    %swap3A_1019 = tpu.vector_load %arg7[%swap3A_1017, %swap3A_1018] {strides = array<i32>} : memref<16x128xi32, #tpu.memory_space<vmem>>, vector<1x16xi32>,
    %swap3A_1020 = vector.shape_cast %swap3A_1019 : vector<1x16xi32> to vector<16xi32>
    %swap3A_1021 = vector.shape_cast %add3A_1015 : vector<16xi32> to vector<1x16xi32>
    tpu.vector_store %arg7[%swap3A_1017, %swap3A_1018], %swap3A_1021 {strides = array<i32>} : memref<16x128xi32, #tpu.memory_space<vmem>>, vector<1x16xi32>,
    %get3A_1022 = arith.constant 9 : i32
    %get3A_1023 = arith.index_cast %get3A_1022 : i32 to index
    %get3A_1024 = arith.constant 16 : index
    %get3A_1025 = tpu.vector_load %arg7[%get3A_1023, %get3A_1024] {strides = array<i32>} : memref<16x128xi32, #tpu.memory_space<vmem>>, vector<1x16xi32>,
    %get3A_1026 = vector.shape_cast %get3A_1025 : vector<1x16xi32> to vector<16xi32>
    %add3A_1027 = vector.broadcast %mul3A_74 : i32 to vector<16xi32>
    %add3A_1028 = arith.addi %get3A_1026, %add3A_1027 : vector<16xi32>
    %swap3A_1029 = arith.constant 9 : i32
    %swap3A_1030 = arith.index_cast %swap3A_1029 : i32 to index
    %swap3A_1031 = arith.constant 16 : index
    %swap3A_1032 = tpu.vector_load %arg7[%swap3A_1030, %swap3A_1031] {strides = array<i32>} : memref<16x128xi32, #tpu.memory_space<vmem>>, vector<1x16xi32>,
    %swap3A_1033 = vector.shape_cast %swap3A_1032 : vector<1x16xi32> to vector<16xi32>
    %swap3A_1034 = vector.shape_cast %add3A_1028 : vector<16xi32> to vector<1x16xi32>
    tpu.vector_store %arg7[%swap3A_1030, %swap3A_1031], %swap3A_1034 {strides = array<i32>} : memref<16x128xi32, #tpu.memory_space<vmem>>, vector<1x16xi32>,
    %get3A_1035 = arith.constant 9 : i32
    %get3A_1036 = arith.index_cast %get3A_1035 : i32 to index
    %get3A_1037 = arith.constant 32 : index
    %get3A_1038 = tpu.vector_load %arg7[%get3A_1036, %get3A_1037] {strides = array<i32>} : memref<16x128xi32, #tpu.memory_space<vmem>>, vector<1x16xi32>,
    %get3A_1039 = vector.shape_cast %get3A_1038 : vector<1x16xi32> to vector<16xi32>
    %add3A_1040 = vector.broadcast %mul3A_74 : i32 to vector<16xi32>
    %add3A_1041 = arith.addi %get3A_1039, %add3A_1040 : vector<16xi32>
    %swap3A_1042 = arith.constant 9 : i32
    %swap3A_1043 = arith.index_cast %swap3A_1042 : i32 to index
    %swap3A_1044 = arith.constant 32 : index
    %swap3A_1045 = tpu.vector_load %arg7[%swap3A_1043, %swap3A_1044] {strides = array<i32>} : memref<16x128xi32, #tpu.memory_space<vmem>>, vector<1x16xi32>,
    %swap3A_1046 = vector.shape_cast %swap3A_1045 : vector<1x16xi32> to vector<16xi32>
    %swap3A_1047 = vector.shape_cast %add3A_1041 : vector<16xi32> to vector<1x16xi32>
    tpu.vector_store %arg7[%swap3A_1043, %swap3A_1044], %swap3A_1047 {strides = array<i32>} : memref<16x128xi32, #tpu.memory_space<vmem>>, vector<1x16xi32>,
    %get3A_1048 = arith.constant 9 : i32
    %get3A_1049 = arith.index_cast %get3A_1048 : i32 to index
    %get3A_1050 = arith.constant 48 : index
    %get3A_1051 = tpu.vector_load %arg7[%get3A_1049, %get3A_1050] {strides = array<i32>} : memref<16x128xi32, #tpu.memory_space<vmem>>, vector<1x16xi32>,
    %get3A_1052 = vector.shape_cast %get3A_1051 : vector<1x16xi32> to vector<16xi32>
    %add3A_1053 = vector.broadcast %mul3A_74 : i32 to vector<16xi32>
    %add3A_1054 = arith.addi %get3A_1052, %add3A_1053 : vector<16xi32>
    %swap3A_1055 = arith.constant 9 : i32
    %swap3A_1056 = arith.index_cast %swap3A_1055 : i32 to index
    %swap3A_1057 = arith.constant 48 : index
    %swap3A_1058 = tpu.vector_load %arg7[%swap3A_1056, %swap3A_1057] {strides = array<i32>} : memref<16x128xi32, #tpu.memory_space<vmem>>, vector<1x16xi32>,
    %swap3A_1059 = vector.shape_cast %swap3A_1058 : vector<1x16xi32> to vector<16xi32>
    %swap3A_1060 = vector.shape_cast %add3A_1054 : vector<16xi32> to vector<1x16xi32>
    tpu.vector_store %arg7[%swap3A_1056, %swap3A_1057], %swap3A_1060 {strides = array<i32>} : memref<16x128xi32, #tpu.memory_space<vmem>>, vector<1x16xi32>,
    %get3A_1061 = arith.constant 9 : i32
    %get3A_1062 = arith.index_cast %get3A_1061 : i32 to index
    %get3A_1063 = arith.constant 64 : index
    %get3A_1064 = tpu.vector_load %arg7[%get3A_1062, %get3A_1063] {strides = array<i32>} : memref<16x128xi32, #tpu.memory_space<vmem>>, vector<1x16xi32>,
    %get3A_1065 = vector.shape_cast %get3A_1064 : vector<1x16xi32> to vector<16xi32>
    %add3A_1066 = vector.broadcast %mul3A_74 : i32 to vector<16xi32>
    %add3A_1067 = arith.addi %get3A_1065, %add3A_1066 : vector<16xi32>
    %swap3A_1068 = arith.constant 9 : i32
    %swap3A_1069 = arith.index_cast %swap3A_1068 : i32 to index
    %swap3A_1070 = arith.constant 64 : index
    %swap3A_1071 = tpu.vector_load %arg7[%swap3A_1069, %swap3A_1070] {strides = array<i32>} : memref<16x128xi32, #tpu.memory_space<vmem>>, vector<1x16xi32>,
    %swap3A_1072 = vector.shape_cast %swap3A_1071 : vector<1x16xi32> to vector<16xi32>
    %swap3A_1073 = vector.shape_cast %add3A_1067 : vector<16xi32> to vector<1x16xi32>
    tpu.vector_store %arg7[%swap3A_1069, %swap3A_1070], %swap3A_1073 {strides = array<i32>} : memref<16x128xi32, #tpu.memory_space<vmem>>, vector<1x16xi32>,
    %get3A_1074 = arith.constant 9 : i32
    %get3A_1075 = arith.index_cast %get3A_1074 : i32 to index
    %get3A_1076 = arith.constant 80 : index
    %get3A_1077 = tpu.vector_load %arg7[%get3A_1075, %get3A_1076] {strides = array<i32>} : memref<16x128xi32, #tpu.memory_space<vmem>>, vector<1x16xi32>,
    %get3A_1078 = vector.shape_cast %get3A_1077 : vector<1x16xi32> to vector<16xi32>
    %add3A_1079 = vector.broadcast %mul3A_74 : i32 to vector<16xi32>
    %add3A_1080 = arith.addi %get3A_1078, %add3A_1079 : vector<16xi32>
    %swap3A_1081 = arith.constant 9 : i32
    %swap3A_1082 = arith.index_cast %swap3A_1081 : i32 to index
    %swap3A_1083 = arith.constant 80 : index
    %swap3A_1084 = tpu.vector_load %arg7[%swap3A_1082, %swap3A_1083] {strides = array<i32>} : memref<16x128xi32, #tpu.memory_space<vmem>>, vector<1x16xi32>,
    %swap3A_1085 = vector.shape_cast %swap3A_1084 : vector<1x16xi32> to vector<16xi32>
    %swap3A_1086 = vector.shape_cast %add3A_1080 : vector<16xi32> to vector<1x16xi32>
    tpu.vector_store %arg7[%swap3A_1082, %swap3A_1083], %swap3A_1086 {strides = array<i32>} : memref<16x128xi32, #tpu.memory_space<vmem>>, vector<1x16xi32>,
    %get3A_1087 = arith.constant 9 : i32
    %get3A_1088 = arith.index_cast %get3A_1087 : i32 to index
    %get3A_1089 = arith.constant 96 : index
    %get3A_1090 = tpu.vector_load %arg7[%get3A_1088, %get3A_1089] {strides = array<i32>} : memref<16x128xi32, #tpu.memory_space<vmem>>, vector<1x16xi32>,
    %get3A_1091 = vector.shape_cast %get3A_1090 : vector<1x16xi32> to vector<16xi32>
    %add3A_1092 = vector.broadcast %mul3A_74 : i32 to vector<16xi32>
    %add3A_1093 = arith.addi %get3A_1091, %add3A_1092 : vector<16xi32>
    %swap3A_1094 = arith.constant 9 : i32
    %swap3A_1095 = arith.index_cast %swap3A_1094 : i32 to index
    %swap3A_1096 = arith.constant 96 : index
    %swap3A_1097 = tpu.vector_load %arg7[%swap3A_1095, %swap3A_1096] {strides = array<i32>} : memref<16x128xi32, #tpu.memory_space<vmem>>, vector<1x16xi32>,
    %swap3A_1098 = vector.shape_cast %swap3A_1097 : vector<1x16xi32> to vector<16xi32>
    %swap3A_1099 = vector.shape_cast %add3A_1093 : vector<16xi32> to vector<1x16xi32>
    tpu.vector_store %arg7[%swap3A_1095, %swap3A_1096], %swap3A_1099 {strides = array<i32>} : memref<16x128xi32, #tpu.memory_space<vmem>>, vector<1x16xi32>,
    %get3A_1100 = arith.constant 9 : i32
    %get3A_1101 = arith.index_cast %get3A_1100 : i32 to index
    %get3A_1102 = arith.constant 112 : index
    %get3A_1103 = tpu.vector_load %arg7[%get3A_1101, %get3A_1102] {strides = array<i32>} : memref<16x128xi32, #tpu.memory_space<vmem>>, vector<1x16xi32>,
    %get3A_1104 = vector.shape_cast %get3A_1103 : vector<1x16xi32> to vector<16xi32>
    %add3A_1105 = vector.broadcast %mul3A_74 : i32 to vector<16xi32>
    %add3A_1106 = arith.addi %get3A_1104, %add3A_1105 : vector<16xi32>
    %swap3A_1107 = arith.constant 9 : i32
    %swap3A_1108 = arith.index_cast %swap3A_1107 : i32 to index
    %swap3A_1109 = arith.constant 112 : index
    %swap3A_1110 = tpu.vector_load %arg7[%swap3A_1108, %swap3A_1109] {strides = array<i32>} : memref<16x128xi32, #tpu.memory_space<vmem>>, vector<1x16xi32>,
    %swap3A_1111 = vector.shape_cast %swap3A_1110 : vector<1x16xi32> to vector<16xi32>
    %swap3A_1112 = vector.shape_cast %add3A_1106 : vector<16xi32> to vector<1x16xi32>
    tpu.vector_store %arg7[%swap3A_1108, %swap3A_1109], %swap3A_1112 {strides = array<i32>} : memref<16x128xi32, #tpu.memory_space<vmem>>, vector<1x16xi32>,
    %get3A_1113 = arith.constant 10 : i32
    %get3A_1114 = arith.index_cast %get3A_1113 : i32 to index
    %get3A_1115 = arith.constant 0 : index
    %get3A_1116 = tpu.vector_load %arg7[%get3A_1114, %get3A_1115] {strides = array<i32>} : memref<16x128xi32, #tpu.memory_space<vmem>>, vector<1x16xi32>,
    %get3A_1117 = vector.shape_cast %get3A_1116 : vector<1x16xi32> to vector<16xi32>
    %add3A_1118 = vector.broadcast %mul3A_74 : i32 to vector<16xi32>
    %add3A_1119 = arith.addi %get3A_1117, %add3A_1118 : vector<16xi32>
    %swap3A_1120 = arith.constant 10 : i32
    %swap3A_1121 = arith.index_cast %swap3A_1120 : i32 to index
    %swap3A_1122 = arith.constant 0 : index
    %swap3A_1123 = tpu.vector_load %arg7[%swap3A_1121, %swap3A_1122] {strides = array<i32>} : memref<16x128xi32, #tpu.memory_space<vmem>>, vector<1x16xi32>,
    %swap3A_1124 = vector.shape_cast %swap3A_1123 : vector<1x16xi32> to vector<16xi32>
    %swap3A_1125 = vector.shape_cast %add3A_1119 : vector<16xi32> to vector<1x16xi32>
    tpu.vector_store %arg7[%swap3A_1121, %swap3A_1122], %swap3A_1125 {strides = array<i32>} : memref<16x128xi32, #tpu.memory_space<vmem>>, vector<1x16xi32>,
    %get3A_1126 = arith.constant 10 : i32
    %get3A_1127 = arith.index_cast %get3A_1126 : i32 to index
    %get3A_1128 = arith.constant 16 : index
    %get3A_1129 = tpu.vector_load %arg7[%get3A_1127, %get3A_1128] {strides = array<i32>} : memref<16x128xi32, #tpu.memory_space<vmem>>, vector<1x16xi32>,
    %get3A_1130 = vector.shape_cast %get3A_1129 : vector<1x16xi32> to vector<16xi32>
    %add3A_1131 = vector.broadcast %mul3A_74 : i32 to vector<16xi32>
    %add3A_1132 = arith.addi %get3A_1130, %add3A_1131 : vector<16xi32>
    %swap3A_1133 = arith.constant 10 : i32
    %swap3A_1134 = arith.index_cast %swap3A_1133 : i32 to index
    %swap3A_1135 = arith.constant 16 : index
    %swap3A_1136 = tpu.vector_load %arg7[%swap3A_1134, %swap3A_1135] {strides = array<i32>} : memref<16x128xi32, #tpu.memory_space<vmem>>, vector<1x16xi32>,
    %swap3A_1137 = vector.shape_cast %swap3A_1136 : vector<1x16xi32> to vector<16xi32>
    %swap3A_1138 = vector.shape_cast %add3A_1132 : vector<16xi32> to vector<1x16xi32>
    tpu.vector_store %arg7[%swap3A_1134, %swap3A_1135], %swap3A_1138 {strides = array<i32>} : memref<16x128xi32, #tpu.memory_space<vmem>>, vector<1x16xi32>,
    %get3A_1139 = arith.constant 10 : i32
    %get3A_1140 = arith.index_cast %get3A_1139 : i32 to index
    %get3A_1141 = arith.constant 32 : index
    %get3A_1142 = tpu.vector_load %arg7[%get3A_1140, %get3A_1141] {strides = array<i32>} : memref<16x128xi32, #tpu.memory_space<vmem>>, vector<1x16xi32>,
    %get3A_1143 = vector.shape_cast %get3A_1142 : vector<1x16xi32> to vector<16xi32>
    %add3A_1144 = vector.broadcast %mul3A_74 : i32 to vector<16xi32>
    %add3A_1145 = arith.addi %get3A_1143, %add3A_1144 : vector<16xi32>
    %swap3A_1146 = arith.constant 10 : i32
    %swap3A_1147 = arith.index_cast %swap3A_1146 : i32 to index
    %swap3A_1148 = arith.constant 32 : index
    %swap3A_1149 = tpu.vector_load %arg7[%swap3A_1147, %swap3A_1148] {strides = array<i32>} : memref<16x128xi32, #tpu.memory_space<vmem>>, vector<1x16xi32>,
    %swap3A_1150 = vector.shape_cast %swap3A_1149 : vector<1x16xi32> to vector<16xi32>
    %swap3A_1151 = vector.shape_cast %add3A_1145 : vector<16xi32> to vector<1x16xi32>
    tpu.vector_store %arg7[%swap3A_1147, %swap3A_1148], %swap3A_1151 {strides = array<i32>} : memref<16x128xi32, #tpu.memory_space<vmem>>, vector<1x16xi32>,
    %get3A_1152 = arith.constant 10 : i32
    %get3A_1153 = arith.index_cast %get3A_1152 : i32 to index
    %get3A_1154 = arith.constant 48 : index
    %get3A_1155 = tpu.vector_load %arg7[%get3A_1153, %get3A_1154] {strides = array<i32>} : memref<16x128xi32, #tpu.memory_space<vmem>>, vector<1x16xi32>,
    %get3A_1156 = vector.shape_cast %get3A_1155 : vector<1x16xi32> to vector<16xi32>
    %add3A_1157 = vector.broadcast %mul3A_74 : i32 to vector<16xi32>
    %add3A_1158 = arith.addi %get3A_1156, %add3A_1157 : vector<16xi32>
    %swap3A_1159 = arith.constant 10 : i32
    %swap3A_1160 = arith.index_cast %swap3A_1159 : i32 to index
    %swap3A_1161 = arith.constant 48 : index
    %swap3A_1162 = tpu.vector_load %arg7[%swap3A_1160, %swap3A_1161] {strides = array<i32>} : memref<16x128xi32, #tpu.memory_space<vmem>>, vector<1x16xi32>,
    %swap3A_1163 = vector.shape_cast %swap3A_1162 : vector<1x16xi32> to vector<16xi32>
    %swap3A_1164 = vector.shape_cast %add3A_1158 : vector<16xi32> to vector<1x16xi32>
    tpu.vector_store %arg7[%swap3A_1160, %swap3A_1161], %swap3A_1164 {strides = array<i32>} : memref<16x128xi32, #tpu.memory_space<vmem>>, vector<1x16xi32>,
    %get3A_1165 = arith.constant 10 : i32
    %get3A_1166 = arith.index_cast %get3A_1165 : i32 to index
    %get3A_1167 = arith.constant 64 : index
    %get3A_1168 = tpu.vector_load %arg7[%get3A_1166, %get3A_1167] {strides = array<i32>} : memref<16x128xi32, #tpu.memory_space<vmem>>, vector<1x16xi32>,
    %get3A_1169 = vector.shape_cast %get3A_1168 : vector<1x16xi32> to vector<16xi32>
    %add3A_1170 = vector.broadcast %mul3A_74 : i32 to vector<16xi32>
    %add3A_1171 = arith.addi %get3A_1169, %add3A_1170 : vector<16xi32>
    %swap3A_1172 = arith.constant 10 : i32
    %swap3A_1173 = arith.index_cast %swap3A_1172 : i32 to index
    %swap3A_1174 = arith.constant 64 : index
    %swap3A_1175 = tpu.vector_load %arg7[%swap3A_1173, %swap3A_1174] {strides = array<i32>} : memref<16x128xi32, #tpu.memory_space<vmem>>, vector<1x16xi32>,
    %swap3A_1176 = vector.shape_cast %swap3A_1175 : vector<1x16xi32> to vector<16xi32>
    %swap3A_1177 = vector.shape_cast %add3A_1171 : vector<16xi32> to vector<1x16xi32>
    tpu.vector_store %arg7[%swap3A_1173, %swap3A_1174], %swap3A_1177 {strides = array<i32>} : memref<16x128xi32, #tpu.memory_space<vmem>>, vector<1x16xi32>,
    %get3A_1178 = arith.constant 10 : i32
    %get3A_1179 = arith.index_cast %get3A_1178 : i32 to index
    %get3A_1180 = arith.constant 80 : index
    %get3A_1181 = tpu.vector_load %arg7[%get3A_1179, %get3A_1180] {strides = array<i32>} : memref<16x128xi32, #tpu.memory_space<vmem>>, vector<1x16xi32>,
    %get3A_1182 = vector.shape_cast %get3A_1181 : vector<1x16xi32> to vector<16xi32>
    %add3A_1183 = vector.broadcast %mul3A_74 : i32 to vector<16xi32>
    %add3A_1184 = arith.addi %get3A_1182, %add3A_1183 : vector<16xi32>
    %swap3A_1185 = arith.constant 10 : i32
    %swap3A_1186 = arith.index_cast %swap3A_1185 : i32 to index
    %swap3A_1187 = arith.constant 80 : index
    %swap3A_1188 = tpu.vector_load %arg7[%swap3A_1186, %swap3A_1187] {strides = array<i32>} : memref<16x128xi32, #tpu.memory_space<vmem>>, vector<1x16xi32>,
    %swap3A_1189 = vector.shape_cast %swap3A_1188 : vector<1x16xi32> to vector<16xi32>
    %swap3A_1190 = vector.shape_cast %add3A_1184 : vector<16xi32> to vector<1x16xi32>
    tpu.vector_store %arg7[%swap3A_1186, %swap3A_1187], %swap3A_1190 {strides = array<i32>} : memref<16x128xi32, #tpu.memory_space<vmem>>, vector<1x16xi32>,
    %get3A_1191 = arith.constant 10 : i32
    %get3A_1192 = arith.index_cast %get3A_1191 : i32 to index
    %get3A_1193 = arith.constant 96 : index
    %get3A_1194 = tpu.vector_load %arg7[%get3A_1192, %get3A_1193] {strides = array<i32>} : memref<16x128xi32, #tpu.memory_space<vmem>>, vector<1x16xi32>,
    %get3A_1195 = vector.shape_cast %get3A_1194 : vector<1x16xi32> to vector<16xi32>
    %add3A_1196 = vector.broadcast %mul3A_74 : i32 to vector<16xi32>
    %add3A_1197 = arith.addi %get3A_1195, %add3A_1196 : vector<16xi32>
    %swap3A_1198 = arith.constant 10 : i32
    %swap3A_1199 = arith.index_cast %swap3A_1198 : i32 to index
    %swap3A_1200 = arith.constant 96 : index
    %swap3A_1201 = tpu.vector_load %arg7[%swap3A_1199, %swap3A_1200] {strides = array<i32>} : memref<16x128xi32, #tpu.memory_space<vmem>>, vector<1x16xi32>,
    %swap3A_1202 = vector.shape_cast %swap3A_1201 : vector<1x16xi32> to vector<16xi32>
    %swap3A_1203 = vector.shape_cast %add3A_1197 : vector<16xi32> to vector<1x16xi32>
    tpu.vector_store %arg7[%swap3A_1199, %swap3A_1200], %swap3A_1203 {strides = array<i32>} : memref<16x128xi32, #tpu.memory_space<vmem>>, vector<1x16xi32>,
    %get3A_1204 = arith.constant 10 : i32
    %get3A_1205 = arith.index_cast %get3A_1204 : i32 to index
    %get3A_1206 = arith.constant 112 : index
    %get3A_1207 = tpu.vector_load %arg7[%get3A_1205, %get3A_1206] {strides = array<i32>} : memref<16x128xi32, #tpu.memory_space<vmem>>, vector<1x16xi32>,
    %get3A_1208 = vector.shape_cast %get3A_1207 : vector<1x16xi32> to vector<16xi32>
    %add3A_1209 = vector.broadcast %mul3A_74 : i32 to vector<16xi32>
    %add3A_1210 = arith.addi %get3A_1208, %add3A_1209 : vector<16xi32>
    %swap3A_1211 = arith.constant 10 : i32
    %swap3A_1212 = arith.index_cast %swap3A_1211 : i32 to index
    %swap3A_1213 = arith.constant 112 : index
    %swap3A_1214 = tpu.vector_load %arg7[%swap3A_1212, %swap3A_1213] {strides = array<i32>} : memref<16x128xi32, #tpu.memory_space<vmem>>, vector<1x16xi32>,
    %swap3A_1215 = vector.shape_cast %swap3A_1214 : vector<1x16xi32> to vector<16xi32>
    %swap3A_1216 = vector.shape_cast %add3A_1210 : vector<16xi32> to vector<1x16xi32>
    tpu.vector_store %arg7[%swap3A_1212, %swap3A_1213], %swap3A_1216 {strides = array<i32>} : memref<16x128xi32, #tpu.memory_space<vmem>>, vector<1x16xi32>,
    %get3A_1217 = arith.constant 11 : i32
    %get3A_1218 = arith.index_cast %get3A_1217 : i32 to index
    %get3A_1219 = arith.constant 0 : index
    %get3A_1220 = tpu.vector_load %arg7[%get3A_1218, %get3A_1219] {strides = array<i32>} : memref<16x128xi32, #tpu.memory_space<vmem>>, vector<1x16xi32>,
    %get3A_1221 = vector.shape_cast %get3A_1220 : vector<1x16xi32> to vector<16xi32>
    %add3A_1222 = vector.broadcast %mul3A_74 : i32 to vector<16xi32>
    %add3A_1223 = arith.addi %get3A_1221, %add3A_1222 : vector<16xi32>
    %swap3A_1224 = arith.constant 11 : i32
    %swap3A_1225 = arith.index_cast %swap3A_1224 : i32 to index
    %swap3A_1226 = arith.constant 0 : index
    %swap3A_1227 = tpu.vector_load %arg7[%swap3A_1225, %swap3A_1226] {strides = array<i32>} : memref<16x128xi32, #tpu.memory_space<vmem>>, vector<1x16xi32>,
    %swap3A_1228 = vector.shape_cast %swap3A_1227 : vector<1x16xi32> to vector<16xi32>
    %swap3A_1229 = vector.shape_cast %add3A_1223 : vector<16xi32> to vector<1x16xi32>
    tpu.vector_store %arg7[%swap3A_1225, %swap3A_1226], %swap3A_1229 {strides = array<i32>} : memref<16x128xi32, #tpu.memory_space<vmem>>, vector<1x16xi32>,
    %get3A_1230 = arith.constant 11 : i32
    %get3A_1231 = arith.index_cast %get3A_1230 : i32 to index
    %get3A_1232 = arith.constant 16 : index
    %get3A_1233 = tpu.vector_load %arg7[%get3A_1231, %get3A_1232] {strides = array<i32>} : memref<16x128xi32, #tpu.memory_space<vmem>>, vector<1x16xi32>,
    %get3A_1234 = vector.shape_cast %get3A_1233 : vector<1x16xi32> to vector<16xi32>
    %add3A_1235 = vector.broadcast %mul3A_74 : i32 to vector<16xi32>
    %add3A_1236 = arith.addi %get3A_1234, %add3A_1235 : vector<16xi32>
    %swap3A_1237 = arith.constant 11 : i32
    %swap3A_1238 = arith.index_cast %swap3A_1237 : i32 to index
    %swap3A_1239 = arith.constant 16 : index
    %swap3A_1240 = tpu.vector_load %arg7[%swap3A_1238, %swap3A_1239] {strides = array<i32>} : memref<16x128xi32, #tpu.memory_space<vmem>>, vector<1x16xi32>,
    %swap3A_1241 = vector.shape_cast %swap3A_1240 : vector<1x16xi32> to vector<16xi32>
    %swap3A_1242 = vector.shape_cast %add3A_1236 : vector<16xi32> to vector<1x16xi32>
    tpu.vector_store %arg7[%swap3A_1238, %swap3A_1239], %swap3A_1242 {strides = array<i32>} : memref<16x128xi32, #tpu.memory_space<vmem>>, vector<1x16xi32>,
    %get3A_1243 = arith.constant 11 : i32
    %get3A_1244 = arith.index_cast %get3A_1243 : i32 to index
    %get3A_1245 = arith.constant 32 : index
    %get3A_1246 = tpu.vector_load %arg7[%get3A_1244, %get3A_1245] {strides = array<i32>} : memref<16x128xi32, #tpu.memory_space<vmem>>, vector<1x16xi32>,
    %get3A_1247 = vector.shape_cast %get3A_1246 : vector<1x16xi32> to vector<16xi32>
    %add3A_1248 = vector.broadcast %mul3A_74 : i32 to vector<16xi32>
    %add3A_1249 = arith.addi %get3A_1247, %add3A_1248 : vector<16xi32>
    %swap3A_1250 = arith.constant 11 : i32
    %swap3A_1251 = arith.index_cast %swap3A_1250 : i32 to index
    %swap3A_1252 = arith.constant 32 : index
    %swap3A_1253 = tpu.vector_load %arg7[%swap3A_1251, %swap3A_1252] {strides = array<i32>} : memref<16x128xi32, #tpu.memory_space<vmem>>, vector<1x16xi32>,
    %swap3A_1254 = vector.shape_cast %swap3A_1253 : vector<1x16xi32> to vector<16xi32>
    %swap3A_1255 = vector.shape_cast %add3A_1249 : vector<16xi32> to vector<1x16xi32>
    tpu.vector_store %arg7[%swap3A_1251, %swap3A_1252], %swap3A_1255 {strides = array<i32>} : memref<16x128xi32, #tpu.memory_space<vmem>>, vector<1x16xi32>,
    %get3A_1256 = arith.constant 11 : i32
    %get3A_1257 = arith.index_cast %get3A_1256 : i32 to index
    %get3A_1258 = arith.constant 48 : index
    %get3A_1259 = tpu.vector_load %arg7[%get3A_1257, %get3A_1258] {strides = array<i32>} : memref<16x128xi32, #tpu.memory_space<vmem>>, vector<1x16xi32>,
    %get3A_1260 = vector.shape_cast %get3A_1259 : vector<1x16xi32> to vector<16xi32>
    %add3A_1261 = vector.broadcast %mul3A_74 : i32 to vector<16xi32>
    %add3A_1262 = arith.addi %get3A_1260, %add3A_1261 : vector<16xi32>
    %swap3A_1263 = arith.constant 11 : i32
    %swap3A_1264 = arith.index_cast %swap3A_1263 : i32 to index
    %swap3A_1265 = arith.constant 48 : index
    %swap3A_1266 = tpu.vector_load %arg7[%swap3A_1264, %swap3A_1265] {strides = array<i32>} : memref<16x128xi32, #tpu.memory_space<vmem>>, vector<1x16xi32>,
    %swap3A_1267 = vector.shape_cast %swap3A_1266 : vector<1x16xi32> to vector<16xi32>
    %swap3A_1268 = vector.shape_cast %add3A_1262 : vector<16xi32> to vector<1x16xi32>
    tpu.vector_store %arg7[%swap3A_1264, %swap3A_1265], %swap3A_1268 {strides = array<i32>} : memref<16x128xi32, #tpu.memory_space<vmem>>, vector<1x16xi32>,
    %get3A_1269 = arith.constant 11 : i32
    %get3A_1270 = arith.index_cast %get3A_1269 : i32 to index
    %get3A_1271 = arith.constant 64 : index
    %get3A_1272 = tpu.vector_load %arg7[%get3A_1270, %get3A_1271] {strides = array<i32>} : memref<16x128xi32, #tpu.memory_space<vmem>>, vector<1x16xi32>,
    %get3A_1273 = vector.shape_cast %get3A_1272 : vector<1x16xi32> to vector<16xi32>
    %add3A_1274 = vector.broadcast %mul3A_74 : i32 to vector<16xi32>
    %add3A_1275 = arith.addi %get3A_1273, %add3A_1274 : vector<16xi32>
    %swap3A_1276 = arith.constant 11 : i32
    %swap3A_1277 = arith.index_cast %swap3A_1276 : i32 to index
    %swap3A_1278 = arith.constant 64 : index
    %swap3A_1279 = tpu.vector_load %arg7[%swap3A_1277, %swap3A_1278] {strides = array<i32>} : memref<16x128xi32, #tpu.memory_space<vmem>>, vector<1x16xi32>,
    %swap3A_1280 = vector.shape_cast %swap3A_1279 : vector<1x16xi32> to vector<16xi32>
    %swap3A_1281 = vector.shape_cast %add3A_1275 : vector<16xi32> to vector<1x16xi32>
    tpu.vector_store %arg7[%swap3A_1277, %swap3A_1278], %swap3A_1281 {strides = array<i32>} : memref<16x128xi32, #tpu.memory_space<vmem>>, vector<1x16xi32>,
    %get3A_1282 = arith.constant 11 : i32
    %get3A_1283 = arith.index_cast %get3A_1282 : i32 to index
    %get3A_1284 = arith.constant 80 : index
    %get3A_1285 = tpu.vector_load %arg7[%get3A_1283, %get3A_1284] {strides = array<i32>} : memref<16x128xi32, #tpu.memory_space<vmem>>, vector<1x16xi32>,
    %get3A_1286 = vector.shape_cast %get3A_1285 : vector<1x16xi32> to vector<16xi32>
    %add3A_1287 = vector.broadcast %mul3A_74 : i32 to vector<16xi32>
    %add3A_1288 = arith.addi %get3A_1286, %add3A_1287 : vector<16xi32>
    %swap3A_1289 = arith.constant 11 : i32
    %swap3A_1290 = arith.index_cast %swap3A_1289 : i32 to index
    %swap3A_1291 = arith.constant 80 : index
    %swap3A_1292 = tpu.vector_load %arg7[%swap3A_1290, %swap3A_1291] {strides = array<i32>} : memref<16x128xi32, #tpu.memory_space<vmem>>, vector<1x16xi32>,
    %swap3A_1293 = vector.shape_cast %swap3A_1292 : vector<1x16xi32> to vector<16xi32>
    %swap3A_1294 = vector.shape_cast %add3A_1288 : vector<16xi32> to vector<1x16xi32>
    tpu.vector_store %arg7[%swap3A_1290, %swap3A_1291], %swap3A_1294 {strides = array<i32>} : memref<16x128xi32, #tpu.memory_space<vmem>>, vector<1x16xi32>,
    %get3A_1295 = arith.constant 11 : i32
    %get3A_1296 = arith.index_cast %get3A_1295 : i32 to index
    %get3A_1297 = arith.constant 96 : index
    %get3A_1298 = tpu.vector_load %arg7[%get3A_1296, %get3A_1297] {strides = array<i32>} : memref<16x128xi32, #tpu.memory_space<vmem>>, vector<1x16xi32>,
    %get3A_1299 = vector.shape_cast %get3A_1298 : vector<1x16xi32> to vector<16xi32>
    %add3A_1300 = vector.broadcast %mul3A_74 : i32 to vector<16xi32>
    %add3A_1301 = arith.addi %get3A_1299, %add3A_1300 : vector<16xi32>
    %swap3A_1302 = arith.constant 11 : i32
    %swap3A_1303 = arith.index_cast %swap3A_1302 : i32 to index
    %swap3A_1304 = arith.constant 96 : index
    %swap3A_1305 = tpu.vector_load %arg7[%swap3A_1303, %swap3A_1304] {strides = array<i32>} : memref<16x128xi32, #tpu.memory_space<vmem>>, vector<1x16xi32>,
    %swap3A_1306 = vector.shape_cast %swap3A_1305 : vector<1x16xi32> to vector<16xi32>
    %swap3A_1307 = vector.shape_cast %add3A_1301 : vector<16xi32> to vector<1x16xi32>
    tpu.vector_store %arg7[%swap3A_1303, %swap3A_1304], %swap3A_1307 {strides = array<i32>} : memref<16x128xi32, #tpu.memory_space<vmem>>, vector<1x16xi32>,
    %get3A_1308 = arith.constant 11 : i32
    %get3A_1309 = arith.index_cast %get3A_1308 : i32 to index
    %get3A_1310 = arith.constant 112 : index
    %get3A_1311 = tpu.vector_load %arg7[%get3A_1309, %get3A_1310] {strides = array<i32>} : memref<16x128xi32, #tpu.memory_space<vmem>>, vector<1x16xi32>,
    %get3A_1312 = vector.shape_cast %get3A_1311 : vector<1x16xi32> to vector<16xi32>
    %add3A_1313 = vector.broadcast %mul3A_74 : i32 to vector<16xi32>
    %add3A_1314 = arith.addi %get3A_1312, %add3A_1313 : vector<16xi32>
    %swap3A_1315 = arith.constant 11 : i32
    %swap3A_1316 = arith.index_cast %swap3A_1315 : i32 to index
    %swap3A_1317 = arith.constant 112 : index
    %swap3A_1318 = tpu.vector_load %arg7[%swap3A_1316, %swap3A_1317] {strides = array<i32>} : memref<16x128xi32, #tpu.memory_space<vmem>>, vector<1x16xi32>,
    %swap3A_1319 = vector.shape_cast %swap3A_1318 : vector<1x16xi32> to vector<16xi32>
    %swap3A_1320 = vector.shape_cast %add3A_1314 : vector<16xi32> to vector<1x16xi32>
    tpu.vector_store %arg7[%swap3A_1316, %swap3A_1317], %swap3A_1320 {strides = array<i32>} : memref<16x128xi32, #tpu.memory_space<vmem>>, vector<1x16xi32>,
    %get3A_1321 = arith.constant 12 : i32
    %get3A_1322 = arith.index_cast %get3A_1321 : i32 to index
    %get3A_1323 = arith.constant 0 : index
    %get3A_1324 = tpu.vector_load %arg7[%get3A_1322, %get3A_1323] {strides = array<i32>} : memref<16x128xi32, #tpu.memory_space<vmem>>, vector<1x16xi32>,
    %get3A_1325 = vector.shape_cast %get3A_1324 : vector<1x16xi32> to vector<16xi32>
    %add3A_1326 = vector.broadcast %mul3A_74 : i32 to vector<16xi32>
    %add3A_1327 = arith.addi %get3A_1325, %add3A_1326 : vector<16xi32>
    %swap3A_1328 = arith.constant 12 : i32
    %swap3A_1329 = arith.index_cast %swap3A_1328 : i32 to index
    %swap3A_1330 = arith.constant 0 : index
    %swap3A_1331 = tpu.vector_load %arg7[%swap3A_1329, %swap3A_1330] {strides = array<i32>} : memref<16x128xi32, #tpu.memory_space<vmem>>, vector<1x16xi32>,
    %swap3A_1332 = vector.shape_cast %swap3A_1331 : vector<1x16xi32> to vector<16xi32>
    %swap3A_1333 = vector.shape_cast %add3A_1327 : vector<16xi32> to vector<1x16xi32>
    tpu.vector_store %arg7[%swap3A_1329, %swap3A_1330], %swap3A_1333 {strides = array<i32>} : memref<16x128xi32, #tpu.memory_space<vmem>>, vector<1x16xi32>,
    %get3A_1334 = arith.constant 12 : i32
    %get3A_1335 = arith.index_cast %get3A_1334 : i32 to index
    %get3A_1336 = arith.constant 16 : index
    %get3A_1337 = tpu.vector_load %arg7[%get3A_1335, %get3A_1336] {strides = array<i32>} : memref<16x128xi32, #tpu.memory_space<vmem>>, vector<1x16xi32>,
    %get3A_1338 = vector.shape_cast %get3A_1337 : vector<1x16xi32> to vector<16xi32>
    %add3A_1339 = vector.broadcast %mul3A_74 : i32 to vector<16xi32>
    %add3A_1340 = arith.addi %get3A_1338, %add3A_1339 : vector<16xi32>
    %swap3A_1341 = arith.constant 12 : i32
    %swap3A_1342 = arith.index_cast %swap3A_1341 : i32 to index
    %swap3A_1343 = arith.constant 16 : index
    %swap3A_1344 = tpu.vector_load %arg7[%swap3A_1342, %swap3A_1343] {strides = array<i32>} : memref<16x128xi32, #tpu.memory_space<vmem>>, vector<1x16xi32>,
    %swap3A_1345 = vector.shape_cast %swap3A_1344 : vector<1x16xi32> to vector<16xi32>
    %swap3A_1346 = vector.shape_cast %add3A_1340 : vector<16xi32> to vector<1x16xi32>
    tpu.vector_store %arg7[%swap3A_1342, %swap3A_1343], %swap3A_1346 {strides = array<i32>} : memref<16x128xi32, #tpu.memory_space<vmem>>, vector<1x16xi32>,
    %get3A_1347 = arith.constant 12 : i32
    %get3A_1348 = arith.index_cast %get3A_1347 : i32 to index
    %get3A_1349 = arith.constant 32 : index
    %get3A_1350 = tpu.vector_load %arg7[%get3A_1348, %get3A_1349] {strides = array<i32>} : memref<16x128xi32, #tpu.memory_space<vmem>>, vector<1x16xi32>,
    %get3A_1351 = vector.shape_cast %get3A_1350 : vector<1x16xi32> to vector<16xi32>
    %add3A_1352 = vector.broadcast %mul3A_74 : i32 to vector<16xi32>
    %add3A_1353 = arith.addi %get3A_1351, %add3A_1352 : vector<16xi32>
    %swap3A_1354 = arith.constant 12 : i32
    %swap3A_1355 = arith.index_cast %swap3A_1354 : i32 to index
    %swap3A_1356 = arith.constant 32 : index
    %swap3A_1357 = tpu.vector_load %arg7[%swap3A_1355, %swap3A_1356] {strides = array<i32>} : memref<16x128xi32, #tpu.memory_space<vmem>>, vector<1x16xi32>,
    %swap3A_1358 = vector.shape_cast %swap3A_1357 : vector<1x16xi32> to vector<16xi32>
    %swap3A_1359 = vector.shape_cast %add3A_1353 : vector<16xi32> to vector<1x16xi32>
    tpu.vector_store %arg7[%swap3A_1355, %swap3A_1356], %swap3A_1359 {strides = array<i32>} : memref<16x128xi32, #tpu.memory_space<vmem>>, vector<1x16xi32>,
    %get3A_1360 = arith.constant 12 : i32
    %get3A_1361 = arith.index_cast %get3A_1360 : i32 to index
    %get3A_1362 = arith.constant 48 : index
    %get3A_1363 = tpu.vector_load %arg7[%get3A_1361, %get3A_1362] {strides = array<i32>} : memref<16x128xi32, #tpu.memory_space<vmem>>, vector<1x16xi32>,
    %get3A_1364 = vector.shape_cast %get3A_1363 : vector<1x16xi32> to vector<16xi32>
    %add3A_1365 = vector.broadcast %mul3A_74 : i32 to vector<16xi32>
    %add3A_1366 = arith.addi %get3A_1364, %add3A_1365 : vector<16xi32>
    %swap3A_1367 = arith.constant 12 : i32
    %swap3A_1368 = arith.index_cast %swap3A_1367 : i32 to index
    %swap3A_1369 = arith.constant 48 : index
    %swap3A_1370 = tpu.vector_load %arg7[%swap3A_1368, %swap3A_1369] {strides = array<i32>} : memref<16x128xi32, #tpu.memory_space<vmem>>, vector<1x16xi32>,
    %swap3A_1371 = vector.shape_cast %swap3A_1370 : vector<1x16xi32> to vector<16xi32>
    %swap3A_1372 = vector.shape_cast %add3A_1366 : vector<16xi32> to vector<1x16xi32>
    tpu.vector_store %arg7[%swap3A_1368, %swap3A_1369], %swap3A_1372 {strides = array<i32>} : memref<16x128xi32, #tpu.memory_space<vmem>>, vector<1x16xi32>,
    %get3A_1373 = arith.constant 12 : i32
    %get3A_1374 = arith.index_cast %get3A_1373 : i32 to index
    %get3A_1375 = arith.constant 64 : index
    %get3A_1376 = tpu.vector_load %arg7[%get3A_1374, %get3A_1375] {strides = array<i32>} : memref<16x128xi32, #tpu.memory_space<vmem>>, vector<1x16xi32>,
    %get3A_1377 = vector.shape_cast %get3A_1376 : vector<1x16xi32> to vector<16xi32>
    %add3A_1378 = vector.broadcast %mul3A_74 : i32 to vector<16xi32>
    %add3A_1379 = arith.addi %get3A_1377, %add3A_1378 : vector<16xi32>
    %swap3A_1380 = arith.constant 12 : i32
    %swap3A_1381 = arith.index_cast %swap3A_1380 : i32 to index
    %swap3A_1382 = arith.constant 64 : index
    %swap3A_1383 = tpu.vector_load %arg7[%swap3A_1381, %swap3A_1382] {strides = array<i32>} : memref<16x128xi32, #tpu.memory_space<vmem>>, vector<1x16xi32>,
    %swap3A_1384 = vector.shape_cast %swap3A_1383 : vector<1x16xi32> to vector<16xi32>
    %swap3A_1385 = vector.shape_cast %add3A_1379 : vector<16xi32> to vector<1x16xi32>
    tpu.vector_store %arg7[%swap3A_1381, %swap3A_1382], %swap3A_1385 {strides = array<i32>} : memref<16x128xi32, #tpu.memory_space<vmem>>, vector<1x16xi32>,
    %get3A_1386 = arith.constant 12 : i32
    %get3A_1387 = arith.index_cast %get3A_1386 : i32 to index
    %get3A_1388 = arith.constant 80 : index
    %get3A_1389 = tpu.vector_load %arg7[%get3A_1387, %get3A_1388] {strides = array<i32>} : memref<16x128xi32, #tpu.memory_space<vmem>>, vector<1x16xi32>,
    %get3A_1390 = vector.shape_cast %get3A_1389 : vector<1x16xi32> to vector<16xi32>
    %add3A_1391 = vector.broadcast %mul3A_74 : i32 to vector<16xi32>
    %add3A_1392 = arith.addi %get3A_1390, %add3A_1391 : vector<16xi32>
    %swap3A_1393 = arith.constant 12 : i32
    %swap3A_1394 = arith.index_cast %swap3A_1393 : i32 to index
    %swap3A_1395 = arith.constant 80 : index
    %swap3A_1396 = tpu.vector_load %arg7[%swap3A_1394, %swap3A_1395] {strides = array<i32>} : memref<16x128xi32, #tpu.memory_space<vmem>>, vector<1x16xi32>,
    %swap3A_1397 = vector.shape_cast %swap3A_1396 : vector<1x16xi32> to vector<16xi32>
    %swap3A_1398 = vector.shape_cast %add3A_1392 : vector<16xi32> to vector<1x16xi32>
    tpu.vector_store %arg7[%swap3A_1394, %swap3A_1395], %swap3A_1398 {strides = array<i32>} : memref<16x128xi32, #tpu.memory_space<vmem>>, vector<1x16xi32>,
    %get3A_1399 = arith.constant 12 : i32
    %get3A_1400 = arith.index_cast %get3A_1399 : i32 to index
    %get3A_1401 = arith.constant 96 : index
    %get3A_1402 = tpu.vector_load %arg7[%get3A_1400, %get3A_1401] {strides = array<i32>} : memref<16x128xi32, #tpu.memory_space<vmem>>, vector<1x16xi32>,
    %get3A_1403 = vector.shape_cast %get3A_1402 : vector<1x16xi32> to vector<16xi32>
    %add3A_1404 = vector.broadcast %mul3A_74 : i32 to vector<16xi32>
    %add3A_1405 = arith.addi %get3A_1403, %add3A_1404 : vector<16xi32>
    %swap3A_1406 = arith.constant 12 : i32
    %swap3A_1407 = arith.index_cast %swap3A_1406 : i32 to index
    %swap3A_1408 = arith.constant 96 : index
    %swap3A_1409 = tpu.vector_load %arg7[%swap3A_1407, %swap3A_1408] {strides = array<i32>} : memref<16x128xi32, #tpu.memory_space<vmem>>, vector<1x16xi32>,
    %swap3A_1410 = vector.shape_cast %swap3A_1409 : vector<1x16xi32> to vector<16xi32>
    %swap3A_1411 = vector.shape_cast %add3A_1405 : vector<16xi32> to vector<1x16xi32>
    tpu.vector_store %arg7[%swap3A_1407, %swap3A_1408], %swap3A_1411 {strides = array<i32>} : memref<16x128xi32, #tpu.memory_space<vmem>>, vector<1x16xi32>,
    %get3A_1412 = arith.constant 12 : i32
    %get3A_1413 = arith.index_cast %get3A_1412 : i32 to index
    %get3A_1414 = arith.constant 112 : index
    %get3A_1415 = tpu.vector_load %arg7[%get3A_1413, %get3A_1414] {strides = array<i32>} : memref<16x128xi32, #tpu.memory_space<vmem>>, vector<1x16xi32>,
    %get3A_1416 = vector.shape_cast %get3A_1415 : vector<1x16xi32> to vector<16xi32>
    %add3A_1417 = vector.broadcast %mul3A_74 : i32 to vector<16xi32>
    %add3A_1418 = arith.addi %get3A_1416, %add3A_1417 : vector<16xi32>
    %swap3A_1419 = arith.constant 12 : i32
    %swap3A_1420 = arith.index_cast %swap3A_1419 : i32 to index
    %swap3A_1421 = arith.constant 112 : index
    %swap3A_1422 = tpu.vector_load %arg7[%swap3A_1420, %swap3A_1421] {strides = array<i32>} : memref<16x128xi32, #tpu.memory_space<vmem>>, vector<1x16xi32>,
    %swap3A_1423 = vector.shape_cast %swap3A_1422 : vector<1x16xi32> to vector<16xi32>
    %swap3A_1424 = vector.shape_cast %add3A_1418 : vector<16xi32> to vector<1x16xi32>
    tpu.vector_store %arg7[%swap3A_1420, %swap3A_1421], %swap3A_1424 {strides = array<i32>} : memref<16x128xi32, #tpu.memory_space<vmem>>, vector<1x16xi32>,
    %get3A_1425 = arith.constant 13 : i32
    %get3A_1426 = arith.index_cast %get3A_1425 : i32 to index
    %get3A_1427 = arith.constant 0 : index
    %get3A_1428 = tpu.vector_load %arg7[%get3A_1426, %get3A_1427] {strides = array<i32>} : memref<16x128xi32, #tpu.memory_space<vmem>>, vector<1x16xi32>,
    %get3A_1429 = vector.shape_cast %get3A_1428 : vector<1x16xi32> to vector<16xi32>
    %add3A_1430 = vector.broadcast %mul3A_74 : i32 to vector<16xi32>
    %add3A_1431 = arith.addi %get3A_1429, %add3A_1430 : vector<16xi32>
    %swap3A_1432 = arith.constant 13 : i32
    %swap3A_1433 = arith.index_cast %swap3A_1432 : i32 to index
    %swap3A_1434 = arith.constant 0 : index
    %swap3A_1435 = tpu.vector_load %arg7[%swap3A_1433, %swap3A_1434] {strides = array<i32>} : memref<16x128xi32, #tpu.memory_space<vmem>>, vector<1x16xi32>,
    %swap3A_1436 = vector.shape_cast %swap3A_1435 : vector<1x16xi32> to vector<16xi32>
    %swap3A_1437 = vector.shape_cast %add3A_1431 : vector<16xi32> to vector<1x16xi32>
    tpu.vector_store %arg7[%swap3A_1433, %swap3A_1434], %swap3A_1437 {strides = array<i32>} : memref<16x128xi32, #tpu.memory_space<vmem>>, vector<1x16xi32>,
    %get3A_1438 = arith.constant 13 : i32
    %get3A_1439 = arith.index_cast %get3A_1438 : i32 to index
    %get3A_1440 = arith.constant 16 : index
    %get3A_1441 = tpu.vector_load %arg7[%get3A_1439, %get3A_1440] {strides = array<i32>} : memref<16x128xi32, #tpu.memory_space<vmem>>, vector<1x16xi32>,
    %get3A_1442 = vector.shape_cast %get3A_1441 : vector<1x16xi32> to vector<16xi32>
    %add3A_1443 = vector.broadcast %mul3A_74 : i32 to vector<16xi32>
    %add3A_1444 = arith.addi %get3A_1442, %add3A_1443 : vector<16xi32>
    %swap3A_1445 = arith.constant 13 : i32
    %swap3A_1446 = arith.index_cast %swap3A_1445 : i32 to index
    %swap3A_1447 = arith.constant 16 : index
    %swap3A_1448 = tpu.vector_load %arg7[%swap3A_1446, %swap3A_1447] {strides = array<i32>} : memref<16x128xi32, #tpu.memory_space<vmem>>, vector<1x16xi32>,
    %swap3A_1449 = vector.shape_cast %swap3A_1448 : vector<1x16xi32> to vector<16xi32>
    %swap3A_1450 = vector.shape_cast %add3A_1444 : vector<16xi32> to vector<1x16xi32>
    tpu.vector_store %arg7[%swap3A_1446, %swap3A_1447], %swap3A_1450 {strides = array<i32>} : memref<16x128xi32, #tpu.memory_space<vmem>>, vector<1x16xi32>,
    %get3A_1451 = arith.constant 13 : i32
    %get3A_1452 = arith.index_cast %get3A_1451 : i32 to index
    %get3A_1453 = arith.constant 32 : index
    %get3A_1454 = tpu.vector_load %arg7[%get3A_1452, %get3A_1453] {strides = array<i32>} : memref<16x128xi32, #tpu.memory_space<vmem>>, vector<1x16xi32>,
    %get3A_1455 = vector.shape_cast %get3A_1454 : vector<1x16xi32> to vector<16xi32>
    %add3A_1456 = vector.broadcast %mul3A_74 : i32 to vector<16xi32>
    %add3A_1457 = arith.addi %get3A_1455, %add3A_1456 : vector<16xi32>
    %swap3A_1458 = arith.constant 13 : i32
    %swap3A_1459 = arith.index_cast %swap3A_1458 : i32 to index
    %swap3A_1460 = arith.constant 32 : index
    %swap3A_1461 = tpu.vector_load %arg7[%swap3A_1459, %swap3A_1460] {strides = array<i32>} : memref<16x128xi32, #tpu.memory_space<vmem>>, vector<1x16xi32>,
    %swap3A_1462 = vector.shape_cast %swap3A_1461 : vector<1x16xi32> to vector<16xi32>
    %swap3A_1463 = vector.shape_cast %add3A_1457 : vector<16xi32> to vector<1x16xi32>
    tpu.vector_store %arg7[%swap3A_1459, %swap3A_1460], %swap3A_1463 {strides = array<i32>} : memref<16x128xi32, #tpu.memory_space<vmem>>, vector<1x16xi32>,
    %get3A_1464 = arith.constant 13 : i32
    %get3A_1465 = arith.index_cast %get3A_1464 : i32 to index
    %get3A_1466 = arith.constant 48 : index
    %get3A_1467 = tpu.vector_load %arg7[%get3A_1465, %get3A_1466] {strides = array<i32>} : memref<16x128xi32, #tpu.memory_space<vmem>>, vector<1x16xi32>,
    %get3A_1468 = vector.shape_cast %get3A_1467 : vector<1x16xi32> to vector<16xi32>
    %add3A_1469 = vector.broadcast %mul3A_74 : i32 to vector<16xi32>
    %add3A_1470 = arith.addi %get3A_1468, %add3A_1469 : vector<16xi32>
    %swap3A_1471 = arith.constant 13 : i32
    %swap3A_1472 = arith.index_cast %swap3A_1471 : i32 to index
    %swap3A_1473 = arith.constant 48 : index
    %swap3A_1474 = tpu.vector_load %arg7[%swap3A_1472, %swap3A_1473] {strides = array<i32>} : memref<16x128xi32, #tpu.memory_space<vmem>>, vector<1x16xi32>,
    %swap3A_1475 = vector.shape_cast %swap3A_1474 : vector<1x16xi32> to vector<16xi32>
    %swap3A_1476 = vector.shape_cast %add3A_1470 : vector<16xi32> to vector<1x16xi32>
    tpu.vector_store %arg7[%swap3A_1472, %swap3A_1473], %swap3A_1476 {strides = array<i32>} : memref<16x128xi32, #tpu.memory_space<vmem>>, vector<1x16xi32>,
    %get3A_1477 = arith.constant 13 : i32
    %get3A_1478 = arith.index_cast %get3A_1477 : i32 to index
    %get3A_1479 = arith.constant 64 : index
    %get3A_1480 = tpu.vector_load %arg7[%get3A_1478, %get3A_1479] {strides = array<i32>} : memref<16x128xi32, #tpu.memory_space<vmem>>, vector<1x16xi32>,
    %get3A_1481 = vector.shape_cast %get3A_1480 : vector<1x16xi32> to vector<16xi32>
    %add3A_1482 = vector.broadcast %mul3A_74 : i32 to vector<16xi32>
    %add3A_1483 = arith.addi %get3A_1481, %add3A_1482 : vector<16xi32>
    %swap3A_1484 = arith.constant 13 : i32
    %swap3A_1485 = arith.index_cast %swap3A_1484 : i32 to index
    %swap3A_1486 = arith.constant 64 : index
    %swap3A_1487 = tpu.vector_load %arg7[%swap3A_1485, %swap3A_1486] {strides = array<i32>} : memref<16x128xi32, #tpu.memory_space<vmem>>, vector<1x16xi32>,
    %swap3A_1488 = vector.shape_cast %swap3A_1487 : vector<1x16xi32> to vector<16xi32>
    %swap3A_1489 = vector.shape_cast %add3A_1483 : vector<16xi32> to vector<1x16xi32>
    tpu.vector_store %arg7[%swap3A_1485, %swap3A_1486], %swap3A_1489 {strides = array<i32>} : memref<16x128xi32, #tpu.memory_space<vmem>>, vector<1x16xi32>,
    %get3A_1490 = arith.constant 13 : i32
    %get3A_1491 = arith.index_cast %get3A_1490 : i32 to index
    %get3A_1492 = arith.constant 80 : index
    %get3A_1493 = tpu.vector_load %arg7[%get3A_1491, %get3A_1492] {strides = array<i32>} : memref<16x128xi32, #tpu.memory_space<vmem>>, vector<1x16xi32>,
    %get3A_1494 = vector.shape_cast %get3A_1493 : vector<1x16xi32> to vector<16xi32>
    %add3A_1495 = vector.broadcast %mul3A_74 : i32 to vector<16xi32>
    %add3A_1496 = arith.addi %get3A_1494, %add3A_1495 : vector<16xi32>
    %swap3A_1497 = arith.constant 13 : i32
    %swap3A_1498 = arith.index_cast %swap3A_1497 : i32 to index
    %swap3A_1499 = arith.constant 80 : index
    %swap3A_1500 = tpu.vector_load %arg7[%swap3A_1498, %swap3A_1499] {strides = array<i32>} : memref<16x128xi32, #tpu.memory_space<vmem>>, vector<1x16xi32>,
    %swap3A_1501 = vector.shape_cast %swap3A_1500 : vector<1x16xi32> to vector<16xi32>
    %swap3A_1502 = vector.shape_cast %add3A_1496 : vector<16xi32> to vector<1x16xi32>
    tpu.vector_store %arg7[%swap3A_1498, %swap3A_1499], %swap3A_1502 {strides = array<i32>} : memref<16x128xi32, #tpu.memory_space<vmem>>, vector<1x16xi32>,
    %get3A_1503 = arith.constant 13 : i32
    %get3A_1504 = arith.index_cast %get3A_1503 : i32 to index
    %get3A_1505 = arith.constant 96 : index
    %get3A_1506 = tpu.vector_load %arg7[%get3A_1504, %get3A_1505] {strides = array<i32>} : memref<16x128xi32, #tpu.memory_space<vmem>>, vector<1x16xi32>,
    %get3A_1507 = vector.shape_cast %get3A_1506 : vector<1x16xi32> to vector<16xi32>
    %add3A_1508 = vector.broadcast %mul3A_74 : i32 to vector<16xi32>
    %add3A_1509 = arith.addi %get3A_1507, %add3A_1508 : vector<16xi32>
    %swap3A_1510 = arith.constant 13 : i32
    %swap3A_1511 = arith.index_cast %swap3A_1510 : i32 to index
    %swap3A_1512 = arith.constant 96 : index
    %swap3A_1513 = tpu.vector_load %arg7[%swap3A_1511, %swap3A_1512] {strides = array<i32>} : memref<16x128xi32, #tpu.memory_space<vmem>>, vector<1x16xi32>,
    %swap3A_1514 = vector.shape_cast %swap3A_1513 : vector<1x16xi32> to vector<16xi32>
    %swap3A_1515 = vector.shape_cast %add3A_1509 : vector<16xi32> to vector<1x16xi32>
    tpu.vector_store %arg7[%swap3A_1511, %swap3A_1512], %swap3A_1515 {strides = array<i32>} : memref<16x128xi32, #tpu.memory_space<vmem>>, vector<1x16xi32>,
    %get3A_1516 = arith.constant 13 : i32
    %get3A_1517 = arith.index_cast %get3A_1516 : i32 to index
    %get3A_1518 = arith.constant 112 : index
    %get3A_1519 = tpu.vector_load %arg7[%get3A_1517, %get3A_1518] {strides = array<i32>} : memref<16x128xi32, #tpu.memory_space<vmem>>, vector<1x16xi32>,
    %get3A_1520 = vector.shape_cast %get3A_1519 : vector<1x16xi32> to vector<16xi32>
    %add3A_1521 = vector.broadcast %mul3A_74 : i32 to vector<16xi32>
    %add3A_1522 = arith.addi %get3A_1520, %add3A_1521 : vector<16xi32>
    %swap3A_1523 = arith.constant 13 : i32
    %swap3A_1524 = arith.index_cast %swap3A_1523 : i32 to index
    %swap3A_1525 = arith.constant 112 : index
    %swap3A_1526 = tpu.vector_load %arg7[%swap3A_1524, %swap3A_1525] {strides = array<i32>} : memref<16x128xi32, #tpu.memory_space<vmem>>, vector<1x16xi32>,
    %swap3A_1527 = vector.shape_cast %swap3A_1526 : vector<1x16xi32> to vector<16xi32>
    %swap3A_1528 = vector.shape_cast %add3A_1522 : vector<16xi32> to vector<1x16xi32>
    tpu.vector_store %arg7[%swap3A_1524, %swap3A_1525], %swap3A_1528 {strides = array<i32>} : memref<16x128xi32, #tpu.memory_space<vmem>>, vector<1x16xi32>,
    %get3A_1529 = arith.constant 14 : i32
    %get3A_1530 = arith.index_cast %get3A_1529 : i32 to index
    %get3A_1531 = arith.constant 0 : index
    %get3A_1532 = tpu.vector_load %arg7[%get3A_1530, %get3A_1531] {strides = array<i32>} : memref<16x128xi32, #tpu.memory_space<vmem>>, vector<1x16xi32>,
    %get3A_1533 = vector.shape_cast %get3A_1532 : vector<1x16xi32> to vector<16xi32>
    %add3A_1534 = vector.broadcast %mul3A_74 : i32 to vector<16xi32>
    %add3A_1535 = arith.addi %get3A_1533, %add3A_1534 : vector<16xi32>
    %swap3A_1536 = arith.constant 14 : i32
    %swap3A_1537 = arith.index_cast %swap3A_1536 : i32 to index
    %swap3A_1538 = arith.constant 0 : index
    %swap3A_1539 = tpu.vector_load %arg7[%swap3A_1537, %swap3A_1538] {strides = array<i32>} : memref<16x128xi32, #tpu.memory_space<vmem>>, vector<1x16xi32>,
    %swap3A_1540 = vector.shape_cast %swap3A_1539 : vector<1x16xi32> to vector<16xi32>
    %swap3A_1541 = vector.shape_cast %add3A_1535 : vector<16xi32> to vector<1x16xi32>
    tpu.vector_store %arg7[%swap3A_1537, %swap3A_1538], %swap3A_1541 {strides = array<i32>} : memref<16x128xi32, #tpu.memory_space<vmem>>, vector<1x16xi32>,
    %get3A_1542 = arith.constant 14 : i32
    %get3A_1543 = arith.index_cast %get3A_1542 : i32 to index
    %get3A_1544 = arith.constant 16 : index
    %get3A_1545 = tpu.vector_load %arg7[%get3A_1543, %get3A_1544] {strides = array<i32>} : memref<16x128xi32, #tpu.memory_space<vmem>>, vector<1x16xi32>,
    %get3A_1546 = vector.shape_cast %get3A_1545 : vector<1x16xi32> to vector<16xi32>
    %add3A_1547 = vector.broadcast %mul3A_74 : i32 to vector<16xi32>
    %add3A_1548 = arith.addi %get3A_1546, %add3A_1547 : vector<16xi32>
    %swap3A_1549 = arith.constant 14 : i32
    %swap3A_1550 = arith.index_cast %swap3A_1549 : i32 to index
    %swap3A_1551 = arith.constant 16 : index
    %swap3A_1552 = tpu.vector_load %arg7[%swap3A_1550, %swap3A_1551] {strides = array<i32>} : memref<16x128xi32, #tpu.memory_space<vmem>>, vector<1x16xi32>,
    %swap3A_1553 = vector.shape_cast %swap3A_1552 : vector<1x16xi32> to vector<16xi32>
    %swap3A_1554 = vector.shape_cast %add3A_1548 : vector<16xi32> to vector<1x16xi32>
    tpu.vector_store %arg7[%swap3A_1550, %swap3A_1551], %swap3A_1554 {strides = array<i32>} : memref<16x128xi32, #tpu.memory_space<vmem>>, vector<1x16xi32>,
    %get3A_1555 = arith.constant 14 : i32
    %get3A_1556 = arith.index_cast %get3A_1555 : i32 to index
    %get3A_1557 = arith.constant 32 : index
    %get3A_1558 = tpu.vector_load %arg7[%get3A_1556, %get3A_1557] {strides = array<i32>} : memref<16x128xi32, #tpu.memory_space<vmem>>, vector<1x16xi32>,
    %get3A_1559 = vector.shape_cast %get3A_1558 : vector<1x16xi32> to vector<16xi32>
    %add3A_1560 = vector.broadcast %mul3A_74 : i32 to vector<16xi32>
    %add3A_1561 = arith.addi %get3A_1559, %add3A_1560 : vector<16xi32>
    %swap3A_1562 = arith.constant 14 : i32
    %swap3A_1563 = arith.index_cast %swap3A_1562 : i32 to index
    %swap3A_1564 = arith.constant 32 : index
    %swap3A_1565 = tpu.vector_load %arg7[%swap3A_1563, %swap3A_1564] {strides = array<i32>} : memref<16x128xi32, #tpu.memory_space<vmem>>, vector<1x16xi32>,
    %swap3A_1566 = vector.shape_cast %swap3A_1565 : vector<1x16xi32> to vector<16xi32>
    %swap3A_1567 = vector.shape_cast %add3A_1561 : vector<16xi32> to vector<1x16xi32>
    tpu.vector_store %arg7[%swap3A_1563, %swap3A_1564], %swap3A_1567 {strides = array<i32>} : memref<16x128xi32, #tpu.memory_space<vmem>>, vector<1x16xi32>,
    %get3A_1568 = arith.constant 14 : i32
    %get3A_1569 = arith.index_cast %get3A_1568 : i32 to index
    %get3A_1570 = arith.constant 48 : index
    %get3A_1571 = tpu.vector_load %arg7[%get3A_1569, %get3A_1570] {strides = array<i32>} : memref<16x128xi32, #tpu.memory_space<vmem>>, vector<1x16xi32>,
    %get3A_1572 = vector.shape_cast %get3A_1571 : vector<1x16xi32> to vector<16xi32>
    %add3A_1573 = vector.broadcast %mul3A_74 : i32 to vector<16xi32>
    %add3A_1574 = arith.addi %get3A_1572, %add3A_1573 : vector<16xi32>
    %swap3A_1575 = arith.constant 14 : i32
    %swap3A_1576 = arith.index_cast %swap3A_1575 : i32 to index
    %swap3A_1577 = arith.constant 48 : index
    %swap3A_1578 = tpu.vector_load %arg7[%swap3A_1576, %swap3A_1577] {strides = array<i32>} : memref<16x128xi32, #tpu.memory_space<vmem>>, vector<1x16xi32>,
    %swap3A_1579 = vector.shape_cast %swap3A_1578 : vector<1x16xi32> to vector<16xi32>
    %swap3A_1580 = vector.shape_cast %add3A_1574 : vector<16xi32> to vector<1x16xi32>
    tpu.vector_store %arg7[%swap3A_1576, %swap3A_1577], %swap3A_1580 {strides = array<i32>} : memref<16x128xi32, #tpu.memory_space<vmem>>, vector<1x16xi32>,
    %get3A_1581 = arith.constant 14 : i32
    %get3A_1582 = arith.index_cast %get3A_1581 : i32 to index
    %get3A_1583 = arith.constant 64 : index
    %get3A_1584 = tpu.vector_load %arg7[%get3A_1582, %get3A_1583] {strides = array<i32>} : memref<16x128xi32, #tpu.memory_space<vmem>>, vector<1x16xi32>,
    %get3A_1585 = vector.shape_cast %get3A_1584 : vector<1x16xi32> to vector<16xi32>
    %add3A_1586 = vector.broadcast %mul3A_74 : i32 to vector<16xi32>
    %add3A_1587 = arith.addi %get3A_1585, %add3A_1586 : vector<16xi32>
    %swap3A_1588 = arith.constant 14 : i32
    %swap3A_1589 = arith.index_cast %swap3A_1588 : i32 to index
    %swap3A_1590 = arith.constant 64 : index
    %swap3A_1591 = tpu.vector_load %arg7[%swap3A_1589, %swap3A_1590] {strides = array<i32>} : memref<16x128xi32, #tpu.memory_space<vmem>>, vector<1x16xi32>,
    %swap3A_1592 = vector.shape_cast %swap3A_1591 : vector<1x16xi32> to vector<16xi32>
    %swap3A_1593 = vector.shape_cast %add3A_1587 : vector<16xi32> to vector<1x16xi32>
    tpu.vector_store %arg7[%swap3A_1589, %swap3A_1590], %swap3A_1593 {strides = array<i32>} : memref<16x128xi32, #tpu.memory_space<vmem>>, vector<1x16xi32>,
    %get3A_1594 = arith.constant 14 : i32
    %get3A_1595 = arith.index_cast %get3A_1594 : i32 to index
    %get3A_1596 = arith.constant 80 : index
    %get3A_1597 = tpu.vector_load %arg7[%get3A_1595, %get3A_1596] {strides = array<i32>} : memref<16x128xi32, #tpu.memory_space<vmem>>, vector<1x16xi32>,
    %get3A_1598 = vector.shape_cast %get3A_1597 : vector<1x16xi32> to vector<16xi32>
    %add3A_1599 = vector.broadcast %mul3A_74 : i32 to vector<16xi32>
    %add3A_1600 = arith.addi %get3A_1598, %add3A_1599 : vector<16xi32>
    %swap3A_1601 = arith.constant 14 : i32
    %swap3A_1602 = arith.index_cast %swap3A_1601 : i32 to index
    %swap3A_1603 = arith.constant 80 : index
    %swap3A_1604 = tpu.vector_load %arg7[%swap3A_1602, %swap3A_1603] {strides = array<i32>} : memref<16x128xi32, #tpu.memory_space<vmem>>, vector<1x16xi32>,
    %swap3A_1605 = vector.shape_cast %swap3A_1604 : vector<1x16xi32> to vector<16xi32>
    %swap3A_1606 = vector.shape_cast %add3A_1600 : vector<16xi32> to vector<1x16xi32>
    tpu.vector_store %arg7[%swap3A_1602, %swap3A_1603], %swap3A_1606 {strides = array<i32>} : memref<16x128xi32, #tpu.memory_space<vmem>>, vector<1x16xi32>,
    %get3A_1607 = arith.constant 14 : i32
    %get3A_1608 = arith.index_cast %get3A_1607 : i32 to index
    %get3A_1609 = arith.constant 96 : index
    %get3A_1610 = tpu.vector_load %arg7[%get3A_1608, %get3A_1609] {strides = array<i32>} : memref<16x128xi32, #tpu.memory_space<vmem>>, vector<1x16xi32>,
    %get3A_1611 = vector.shape_cast %get3A_1610 : vector<1x16xi32> to vector<16xi32>
    %add3A_1612 = vector.broadcast %mul3A_74 : i32 to vector<16xi32>
    %add3A_1613 = arith.addi %get3A_1611, %add3A_1612 : vector<16xi32>
    %swap3A_1614 = arith.constant 14 : i32
    %swap3A_1615 = arith.index_cast %swap3A_1614 : i32 to index
    %swap3A_1616 = arith.constant 96 : index
    %swap3A_1617 = tpu.vector_load %arg7[%swap3A_1615, %swap3A_1616] {strides = array<i32>} : memref<16x128xi32, #tpu.memory_space<vmem>>, vector<1x16xi32>,
    %swap3A_1618 = vector.shape_cast %swap3A_1617 : vector<1x16xi32> to vector<16xi32>
    %swap3A_1619 = vector.shape_cast %add3A_1613 : vector<16xi32> to vector<1x16xi32>
    tpu.vector_store %arg7[%swap3A_1615, %swap3A_1616], %swap3A_1619 {strides = array<i32>} : memref<16x128xi32, #tpu.memory_space<vmem>>, vector<1x16xi32>,
    %get3A_1620 = arith.constant 14 : i32
    %get3A_1621 = arith.index_cast %get3A_1620 : i32 to index
    %get3A_1622 = arith.constant 112 : index
    %get3A_1623 = tpu.vector_load %arg7[%get3A_1621, %get3A_1622] {strides = array<i32>} : memref<16x128xi32, #tpu.memory_space<vmem>>, vector<1x16xi32>,
    %get3A_1624 = vector.shape_cast %get3A_1623 : vector<1x16xi32> to vector<16xi32>
    %add3A_1625 = vector.broadcast %mul3A_74 : i32 to vector<16xi32>
    %add3A_1626 = arith.addi %get3A_1624, %add3A_1625 : vector<16xi32>
    %swap3A_1627 = arith.constant 14 : i32
    %swap3A_1628 = arith.index_cast %swap3A_1627 : i32 to index
    %swap3A_1629 = arith.constant 112 : index
    %swap3A_1630 = tpu.vector_load %arg7[%swap3A_1628, %swap3A_1629] {strides = array<i32>} : memref<16x128xi32, #tpu.memory_space<vmem>>, vector<1x16xi32>,
    %swap3A_1631 = vector.shape_cast %swap3A_1630 : vector<1x16xi32> to vector<16xi32>
    %swap3A_1632 = vector.shape_cast %add3A_1626 : vector<16xi32> to vector<1x16xi32>
    tpu.vector_store %arg7[%swap3A_1628, %swap3A_1629], %swap3A_1632 {strides = array<i32>} : memref<16x128xi32, #tpu.memory_space<vmem>>, vector<1x16xi32>,
    %get3A_1633 = arith.constant 15 : i32
    %get3A_1634 = arith.index_cast %get3A_1633 : i32 to index
    %get3A_1635 = arith.constant 0 : index
    %get3A_1636 = tpu.vector_load %arg7[%get3A_1634, %get3A_1635] {strides = array<i32>} : memref<16x128xi32, #tpu.memory_space<vmem>>, vector<1x16xi32>,
    %get3A_1637 = vector.shape_cast %get3A_1636 : vector<1x16xi32> to vector<16xi32>
    %add3A_1638 = vector.broadcast %mul3A_74 : i32 to vector<16xi32>
    %add3A_1639 = arith.addi %get3A_1637, %add3A_1638 : vector<16xi32>
    %swap3A_1640 = arith.constant 15 : i32
    %swap3A_1641 = arith.index_cast %swap3A_1640 : i32 to index
    %swap3A_1642 = arith.constant 0 : index
    %swap3A_1643 = tpu.vector_load %arg7[%swap3A_1641, %swap3A_1642] {strides = array<i32>} : memref<16x128xi32, #tpu.memory_space<vmem>>, vector<1x16xi32>,
    %swap3A_1644 = vector.shape_cast %swap3A_1643 : vector<1x16xi32> to vector<16xi32>
    %swap3A_1645 = vector.shape_cast %add3A_1639 : vector<16xi32> to vector<1x16xi32>
    tpu.vector_store %arg7[%swap3A_1641, %swap3A_1642], %swap3A_1645 {strides = array<i32>} : memref<16x128xi32, #tpu.memory_space<vmem>>, vector<1x16xi32>,
    %get3A_1646 = arith.constant 15 : i32
    %get3A_1647 = arith.index_cast %get3A_1646 : i32 to index
    %get3A_1648 = arith.constant 16 : index
    %get3A_1649 = tpu.vector_load %arg7[%get3A_1647, %get3A_1648] {strides = array<i32>} : memref<16x128xi32, #tpu.memory_space<vmem>>, vector<1x16xi32>,
    %get3A_1650 = vector.shape_cast %get3A_1649 : vector<1x16xi32> to vector<16xi32>
    %add3A_1651 = vector.broadcast %mul3A_74 : i32 to vector<16xi32>
    %add3A_1652 = arith.addi %get3A_1650, %add3A_1651 : vector<16xi32>
    %swap3A_1653 = arith.constant 15 : i32
    %swap3A_1654 = arith.index_cast %swap3A_1653 : i32 to index
    %swap3A_1655 = arith.constant 16 : index
    %swap3A_1656 = tpu.vector_load %arg7[%swap3A_1654, %swap3A_1655] {strides = array<i32>} : memref<16x128xi32, #tpu.memory_space<vmem>>, vector<1x16xi32>,
    %swap3A_1657 = vector.shape_cast %swap3A_1656 : vector<1x16xi32> to vector<16xi32>
    %swap3A_1658 = vector.shape_cast %add3A_1652 : vector<16xi32> to vector<1x16xi32>
    tpu.vector_store %arg7[%swap3A_1654, %swap3A_1655], %swap3A_1658 {strides = array<i32>} : memref<16x128xi32, #tpu.memory_space<vmem>>, vector<1x16xi32>,
    %get3A_1659 = arith.constant 15 : i32
    %get3A_1660 = arith.index_cast %get3A_1659 : i32 to index
    %get3A_1661 = arith.constant 32 : index
    %get3A_1662 = tpu.vector_load %arg7[%get3A_1660, %get3A_1661] {strides = array<i32>} : memref<16x128xi32, #tpu.memory_space<vmem>>, vector<1x16xi32>,
    %get3A_1663 = vector.shape_cast %get3A_1662 : vector<1x16xi32> to vector<16xi32>
    %add3A_1664 = vector.broadcast %mul3A_74 : i32 to vector<16xi32>
    %add3A_1665 = arith.addi %get3A_1663, %add3A_1664 : vector<16xi32>
    %swap3A_1666 = arith.constant 15 : i32
    %swap3A_1667 = arith.index_cast %swap3A_1666 : i32 to index
    %swap3A_1668 = arith.constant 32 : index
    %swap3A_1669 = tpu.vector_load %arg7[%swap3A_1667, %swap3A_1668] {strides = array<i32>} : memref<16x128xi32, #tpu.memory_space<vmem>>, vector<1x16xi32>,
    %swap3A_1670 = vector.shape_cast %swap3A_1669 : vector<1x16xi32> to vector<16xi32>
    %swap3A_1671 = vector.shape_cast %add3A_1665 : vector<16xi32> to vector<1x16xi32>
    tpu.vector_store %arg7[%swap3A_1667, %swap3A_1668], %swap3A_1671 {strides = array<i32>} : memref<16x128xi32, #tpu.memory_space<vmem>>, vector<1x16xi32>,
    %get3A_1672 = arith.constant 15 : i32
    %get3A_1673 = arith.index_cast %get3A_1672 : i32 to index
    %get3A_1674 = arith.constant 48 : index
    %get3A_1675 = tpu.vector_load %arg7[%get3A_1673, %get3A_1674] {strides = array<i32>} : memref<16x128xi32, #tpu.memory_space<vmem>>, vector<1x16xi32>,
    %get3A_1676 = vector.shape_cast %get3A_1675 : vector<1x16xi32> to vector<16xi32>
    %add3A_1677 = vector.broadcast %mul3A_74 : i32 to vector<16xi32>
    %add3A_1678 = arith.addi %get3A_1676, %add3A_1677 : vector<16xi32>
    %swap3A_1679 = arith.constant 15 : i32
    %swap3A_1680 = arith.index_cast %swap3A_1679 : i32 to index
    %swap3A_1681 = arith.constant 48 : index
    %swap3A_1682 = tpu.vector_load %arg7[%swap3A_1680, %swap3A_1681] {strides = array<i32>} : memref<16x128xi32, #tpu.memory_space<vmem>>, vector<1x16xi32>,
    %swap3A_1683 = vector.shape_cast %swap3A_1682 : vector<1x16xi32> to vector<16xi32>
    %swap3A_1684 = vector.shape_cast %add3A_1678 : vector<16xi32> to vector<1x16xi32>
    tpu.vector_store %arg7[%swap3A_1680, %swap3A_1681], %swap3A_1684 {strides = array<i32>} : memref<16x128xi32, #tpu.memory_space<vmem>>, vector<1x16xi32>,
    %get3A_1685 = arith.constant 15 : i32
    %get3A_1686 = arith.index_cast %get3A_1685 : i32 to index
    %get3A_1687 = arith.constant 64 : index
    %get3A_1688 = tpu.vector_load %arg7[%get3A_1686, %get3A_1687] {strides = array<i32>} : memref<16x128xi32, #tpu.memory_space<vmem>>, vector<1x16xi32>,
    %get3A_1689 = vector.shape_cast %get3A_1688 : vector<1x16xi32> to vector<16xi32>
    %add3A_1690 = vector.broadcast %mul3A_74 : i32 to vector<16xi32>
    %add3A_1691 = arith.addi %get3A_1689, %add3A_1690 : vector<16xi32>
    %swap3A_1692 = arith.constant 15 : i32
    %swap3A_1693 = arith.index_cast %swap3A_1692 : i32 to index
    %swap3A_1694 = arith.constant 64 : index
    %swap3A_1695 = tpu.vector_load %arg7[%swap3A_1693, %swap3A_1694] {strides = array<i32>} : memref<16x128xi32, #tpu.memory_space<vmem>>, vector<1x16xi32>,
    %swap3A_1696 = vector.shape_cast %swap3A_1695 : vector<1x16xi32> to vector<16xi32>
    %swap3A_1697 = vector.shape_cast %add3A_1691 : vector<16xi32> to vector<1x16xi32>
    tpu.vector_store %arg7[%swap3A_1693, %swap3A_1694], %swap3A_1697 {strides = array<i32>} : memref<16x128xi32, #tpu.memory_space<vmem>>, vector<1x16xi32>,
    %get3A_1698 = arith.constant 15 : i32
    %get3A_1699 = arith.index_cast %get3A_1698 : i32 to index
    %get3A_1700 = arith.constant 80 : index
    %get3A_1701 = tpu.vector_load %arg7[%get3A_1699, %get3A_1700] {strides = array<i32>} : memref<16x128xi32, #tpu.memory_space<vmem>>, vector<1x16xi32>,
    %get3A_1702 = vector.shape_cast %get3A_1701 : vector<1x16xi32> to vector<16xi32>
    %add3A_1703 = vector.broadcast %mul3A_74 : i32 to vector<16xi32>
    %add3A_1704 = arith.addi %get3A_1702, %add3A_1703 : vector<16xi32>
    %swap3A_1705 = arith.constant 15 : i32
    %swap3A_1706 = arith.index_cast %swap3A_1705 : i32 to index
    %swap3A_1707 = arith.constant 80 : index
    %swap3A_1708 = tpu.vector_load %arg7[%swap3A_1706, %swap3A_1707] {strides = array<i32>} : memref<16x128xi32, #tpu.memory_space<vmem>>, vector<1x16xi32>,
    %swap3A_1709 = vector.shape_cast %swap3A_1708 : vector<1x16xi32> to vector<16xi32>
    %swap3A_1710 = vector.shape_cast %add3A_1704 : vector<16xi32> to vector<1x16xi32>
    tpu.vector_store %arg7[%swap3A_1706, %swap3A_1707], %swap3A_1710 {strides = array<i32>} : memref<16x128xi32, #tpu.memory_space<vmem>>, vector<1x16xi32>,
    %get3A_1711 = arith.constant 15 : i32
    %get3A_1712 = arith.index_cast %get3A_1711 : i32 to index
    %get3A_1713 = arith.constant 96 : index
    %get3A_1714 = tpu.vector_load %arg7[%get3A_1712, %get3A_1713] {strides = array<i32>} : memref<16x128xi32, #tpu.memory_space<vmem>>, vector<1x16xi32>,
    %get3A_1715 = vector.shape_cast %get3A_1714 : vector<1x16xi32> to vector<16xi32>
    %add3A_1716 = vector.broadcast %mul3A_74 : i32 to vector<16xi32>
    %add3A_1717 = arith.addi %get3A_1715, %add3A_1716 : vector<16xi32>
    %swap3A_1718 = arith.constant 15 : i32
    %swap3A_1719 = arith.index_cast %swap3A_1718 : i32 to index
    %swap3A_1720 = arith.constant 96 : index
    %swap3A_1721 = tpu.vector_load %arg7[%swap3A_1719, %swap3A_1720] {strides = array<i32>} : memref<16x128xi32, #tpu.memory_space<vmem>>, vector<1x16xi32>,
    %swap3A_1722 = vector.shape_cast %swap3A_1721 : vector<1x16xi32> to vector<16xi32>
    %swap3A_1723 = vector.shape_cast %add3A_1717 : vector<16xi32> to vector<1x16xi32>
    tpu.vector_store %arg7[%swap3A_1719, %swap3A_1720], %swap3A_1723 {strides = array<i32>} : memref<16x128xi32, #tpu.memory_space<vmem>>, vector<1x16xi32>,
    %get3A_1724 = arith.constant 15 : i32
    %get3A_1725 = arith.index_cast %get3A_1724 : i32 to index
    %get3A_1726 = arith.constant 112 : index
    %get3A_1727 = tpu.vector_load %arg7[%get3A_1725, %get3A_1726] {strides = array<i32>} : memref<16x128xi32, #tpu.memory_space<vmem>>, vector<1x16xi32>,
    %get3A_1728 = vector.shape_cast %get3A_1727 : vector<1x16xi32> to vector<16xi32>
    %add3A_1729 = vector.broadcast %mul3A_74 : i32 to vector<16xi32>
    %add3A_1730 = arith.addi %get3A_1728, %add3A_1729 : vector<16xi32>
    %swap3A_1731 = arith.constant 15 : i32
    %swap3A_1732 = arith.index_cast %swap3A_1731 : i32 to index
    %swap3A_1733 = arith.constant 112 : index
    %swap3A_1734 = tpu.vector_load %arg7[%swap3A_1732, %swap3A_1733] {strides = array<i32>} : memref<16x128xi32, #tpu.memory_space<vmem>>, vector<1x16xi32>,
    %swap3A_1735 = vector.shape_cast %swap3A_1734 : vector<1x16xi32> to vector<16xi32>
    %swap3A_1736 = vector.shape_cast %add3A_1730 : vector<16xi32> to vector<1x16xi32>
    tpu.vector_store %arg7[%swap3A_1732, %swap3A_1733], %swap3A_1736 {strides = array<i32>} : memref<16x128xi32, #tpu.memory_space<vmem>>, vector<1x16xi32>,
    %dma_start3A = arith.constant 0 : i32
    %dma_start3A_1737 = arith.constant 0 : i32
    %dma_start3A_1738 = arith.constant 0 : i32
    %dma_start3A_1739 = tpu.memref_slice %arg8[%dma_start3A_1737, %dma_start3A_1738] : memref<512x64xf32, #tpu.memory_space<vmem>> -> memref<128x64xf32, #tpu.memory_space<vmem>>
    %dma_start3A_1740 = arith.constant 0 : i32
    %dma_start3A_1741 = tpu.memref_slice %arg7[%dma_start3A, %dma_start3A_1740] : memref<16x128xi32, #tpu.memory_space<vmem>> -> memref<1x128xi32, #tpu.memory_space<vmem>>
    %dma_start3A_1742 = tpu.memref_squeeze %dma_start3A_1741 : memref<1x128xi32, #tpu.memory_space<vmem>> -> memref<128xi32, #tpu.memory_space<vmem>>
    %dma_start3A_1743 = arith.constant 0 : i32
    %dma_start3A_1744 = arith.constant 0 : i32
    %dma_start3A_1745 = tpu.memref_slice %arg3[%dma_start3A_1743, %dma_start3A_1744] : memref<68x64xf32, #tpu.memory_space<hbm>> -> memref<68x64xf32, #tpu.memory_space<hbm>>
    tpu.enqueue_indirect_dma source(%dma_start3A_1745 : memref<68x64xf32, #tpu.memory_space<hbm>>) target(%dma_start3A_1739 : memref<128x64xf32, #tpu.memory_space<vmem>>) offsets(%dma_start3A_1742 : memref<128xi32, #tpu.memory_space<vmem>>) semaphore(%arg10 : memref<!tpu.dma_semaphore, #tpu.memory_space<semaphore_mem>>)
    %dma_start3A_1746 = arith.constant 0 : i32
    %dma_start3A_1747 = arith.constant 0 : i32
    %dma_start3A_1748 = arith.constant 0 : i32
    %dma_start3A_1749 = tpu.memref_slice %arg9[%dma_start3A_1747, %dma_start3A_1748] : memref<512x64xf32, #tpu.memory_space<vmem>> -> memref<128x64xf32, #tpu.memory_space<vmem>>
    %dma_start3A_1750 = arith.constant 0 : i32
    %dma_start3A_1751 = tpu.memref_slice %arg7[%dma_start3A_1746, %dma_start3A_1750] : memref<16x128xi32, #tpu.memory_space<vmem>> -> memref<1x128xi32, #tpu.memory_space<vmem>>
    %dma_start3A_1752 = tpu.memref_squeeze %dma_start3A_1751 : memref<1x128xi32, #tpu.memory_space<vmem>> -> memref<128xi32, #tpu.memory_space<vmem>>
    %dma_start3A_1753 = arith.constant 0 : i32
    %dma_start3A_1754 = arith.constant 0 : i32
    %dma_start3A_1755 = tpu.memref_slice %arg4[%dma_start3A_1753, %dma_start3A_1754] : memref<68x64xf32, #tpu.memory_space<hbm>> -> memref<68x64xf32, #tpu.memory_space<hbm>>
    tpu.enqueue_indirect_dma source(%dma_start3A_1755 : memref<68x64xf32, #tpu.memory_space<hbm>>) target(%dma_start3A_1749 : memref<128x64xf32, #tpu.memory_space<vmem>>) offsets(%dma_start3A_1752 : memref<128xi32, #tpu.memory_space<vmem>>) semaphore(%arg10 : memref<!tpu.dma_semaphore, #tpu.memory_space<semaphore_mem>>)
    %dma_start3A_1756 = arith.constant 1 : i32
    %dma_start3A_1757 = arith.constant 128 : i32
    %dma_start3A_1758 = arith.constant 0 : i32
    %dma_start3A_1759 = tpu.memref_slice %arg8[%dma_start3A_1757, %dma_start3A_1758] : memref<512x64xf32, #tpu.memory_space<vmem>> -> memref<128x64xf32, #tpu.memory_space<vmem>>
    %dma_start3A_1760 = arith.constant 0 : i32
    %dma_start3A_1761 = tpu.memref_slice %arg7[%dma_start3A_1756, %dma_start3A_1760] : memref<16x128xi32, #tpu.memory_space<vmem>> -> memref<1x128xi32, #tpu.memory_space<vmem>>
    %dma_start3A_1762 = tpu.memref_squeeze %dma_start3A_1761 : memref<1x128xi32, #tpu.memory_space<vmem>> -> memref<128xi32, #tpu.memory_space<vmem>>
    %dma_start3A_1763 = arith.constant 0 : i32
    %dma_start3A_1764 = arith.constant 0 : i32
    %dma_start3A_1765 = tpu.memref_slice %arg3[%dma_start3A_1763, %dma_start3A_1764] : memref<68x64xf32, #tpu.memory_space<hbm>> -> memref<68x64xf32, #tpu.memory_space<hbm>>
    tpu.enqueue_indirect_dma source(%dma_start3A_1765 : memref<68x64xf32, #tpu.memory_space<hbm>>) target(%dma_start3A_1759 : memref<128x64xf32, #tpu.memory_space<vmem>>) offsets(%dma_start3A_1762 : memref<128xi32, #tpu.memory_space<vmem>>) semaphore(%arg10 : memref<!tpu.dma_semaphore, #tpu.memory_space<semaphore_mem>>)
    %dma_start3A_1766 = arith.constant 1 : i32
    %dma_start3A_1767 = arith.constant 128 : i32
    %dma_start3A_1768 = arith.constant 0 : i32
    %dma_start3A_1769 = tpu.memref_slice %arg9[%dma_start3A_1767, %dma_start3A_1768] : memref<512x64xf32, #tpu.memory_space<vmem>> -> memref<128x64xf32, #tpu.memory_space<vmem>>
    %dma_start3A_1770 = arith.constant 0 : i32
    %dma_start3A_1771 = tpu.memref_slice %arg7[%dma_start3A_1766, %dma_start3A_1770] : memref<16x128xi32, #tpu.memory_space<vmem>> -> memref<1x128xi32, #tpu.memory_space<vmem>>
    %dma_start3A_1772 = tpu.memref_squeeze %dma_start3A_1771 : memref<1x128xi32, #tpu.memory_space<vmem>> -> memref<128xi32, #tpu.memory_space<vmem>>
    %dma_start3A_1773 = arith.constant 0 : i32
    %dma_start3A_1774 = arith.constant 0 : i32
    %dma_start3A_1775 = tpu.memref_slice %arg4[%dma_start3A_1773, %dma_start3A_1774] : memref<68x64xf32, #tpu.memory_space<hbm>> -> memref<68x64xf32, #tpu.memory_space<hbm>>
    tpu.enqueue_indirect_dma source(%dma_start3A_1775 : memref<68x64xf32, #tpu.memory_space<hbm>>) target(%dma_start3A_1769 : memref<128x64xf32, #tpu.memory_space<vmem>>) offsets(%dma_start3A_1772 : memref<128xi32, #tpu.memory_space<vmem>>) semaphore(%arg10 : memref<!tpu.dma_semaphore, #tpu.memory_space<semaphore_mem>>)
    %dma_wait3A = arith.constant 0 : i32
    %dma_wait3A_1776 = arith.constant 0 : i32
    %dma_wait3A_1777 = arith.constant 0 : i32
    %dma_wait3A_1778 = tpu.memref_slice %arg8[%dma_wait3A_1776, %dma_wait3A_1777] : memref<512x64xf32, #tpu.memory_space<vmem>> -> memref<128x64xf32, #tpu.memory_space<vmem>>
    %dma_wait3A_1779 = arith.constant 0 : i32
    %dma_wait3A_1780 = tpu.memref_slice %arg7[%dma_wait3A, %dma_wait3A_1779] : memref<16x128xi32, #tpu.memory_space<vmem>> -> memref<1x128xi32, #tpu.memory_space<vmem>>
    %dma_wait3A_1781 = tpu.memref_squeeze %dma_wait3A_1780 : memref<1x128xi32, #tpu.memory_space<vmem>> -> memref<128xi32, #tpu.memory_space<vmem>>
    %dma_wait3A_1782 = arith.constant 0 : i32
    %dma_wait3A_1783 = arith.constant 0 : i32
    %dma_wait3A_1784 = tpu.memref_slice %arg3[%dma_wait3A_1782, %dma_wait3A_1783] : memref<68x64xf32, #tpu.memory_space<hbm>> -> memref<68x64xf32, #tpu.memory_space<hbm>>
    tpu.wait_indirect_dma semaphore(%arg10 : memref<!tpu.dma_semaphore, #tpu.memory_space<semaphore_mem>>) src(%dma_wait3A_1784 : memref<68x64xf32, #tpu.memory_space<hbm>>) dst(%dma_wait3A_1778 : memref<128x64xf32, #tpu.memory_space<vmem>>)
    %dma_wait3A_1785 = arith.constant 0 : i32
    %dma_wait3A_1786 = arith.constant 0 : i32
    %dma_wait3A_1787 = arith.constant 0 : i32
    %dma_wait3A_1788 = tpu.memref_slice %arg9[%dma_wait3A_1786, %dma_wait3A_1787] : memref<512x64xf32, #tpu.memory_space<vmem>> -> memref<128x64xf32, #tpu.memory_space<vmem>>
    %dma_wait3A_1789 = arith.constant 0 : i32
    %dma_wait3A_1790 = tpu.memref_slice %arg7[%dma_wait3A_1785, %dma_wait3A_1789] : memref<16x128xi32, #tpu.memory_space<vmem>> -> memref<1x128xi32, #tpu.memory_space<vmem>>
    %dma_wait3A_1791 = tpu.memref_squeeze %dma_wait3A_1790 : memref<1x128xi32, #tpu.memory_space<vmem>> -> memref<128xi32, #tpu.memory_space<vmem>>
    %dma_wait3A_1792 = arith.constant 0 : i32
    %dma_wait3A_1793 = arith.constant 0 : i32
    %dma_wait3A_1794 = tpu.memref_slice %arg4[%dma_wait3A_1792, %dma_wait3A_1793] : memref<68x64xf32, #tpu.memory_space<hbm>> -> memref<68x64xf32, #tpu.memory_space<hbm>>
    tpu.wait_indirect_dma semaphore(%arg10 : memref<!tpu.dma_semaphore, #tpu.memory_space<semaphore_mem>>) src(%dma_wait3A_1794 : memref<68x64xf32, #tpu.memory_space<hbm>>) dst(%dma_wait3A_1788 : memref<128x64xf32, #tpu.memory_space<vmem>>)
    %dma_wait3A_1795 = arith.constant 1 : i32
    %dma_wait3A_1796 = arith.constant 128 : i32
    %dma_wait3A_1797 = arith.constant 0 : i32
    %dma_wait3A_1798 = tpu.memref_slice %arg8[%dma_wait3A_1796, %dma_wait3A_1797] : memref<512x64xf32, #tpu.memory_space<vmem>> -> memref<128x64xf32, #tpu.memory_space<vmem>>
    %dma_wait3A_1799 = arith.constant 0 : i32
    %dma_wait3A_1800 = tpu.memref_slice %arg7[%dma_wait3A_1795, %dma_wait3A_1799] : memref<16x128xi32, #tpu.memory_space<vmem>> -> memref<1x128xi32, #tpu.memory_space<vmem>>
    %dma_wait3A_1801 = tpu.memref_squeeze %dma_wait3A_1800 : memref<1x128xi32, #tpu.memory_space<vmem>> -> memref<128xi32, #tpu.memory_space<vmem>>
    %dma_wait3A_1802 = arith.constant 0 : i32
    %dma_wait3A_1803 = arith.constant 0 : i32
    %dma_wait3A_1804 = tpu.memref_slice %arg3[%dma_wait3A_1802, %dma_wait3A_1803] : memref<68x64xf32, #tpu.memory_space<hbm>> -> memref<68x64xf32, #tpu.memory_space<hbm>>
    tpu.wait_indirect_dma semaphore(%arg10 : memref<!tpu.dma_semaphore, #tpu.memory_space<semaphore_mem>>) src(%dma_wait3A_1804 : memref<68x64xf32, #tpu.memory_space<hbm>>) dst(%dma_wait3A_1798 : memref<128x64xf32, #tpu.memory_space<vmem>>)
    %dma_wait3A_1805 = arith.constant 1 : i32
    %dma_wait3A_1806 = arith.constant 128 : i32
    %dma_wait3A_1807 = arith.constant 0 : i32
    %dma_wait3A_1808 = tpu.memref_slice %arg9[%dma_wait3A_1806, %dma_wait3A_1807] : memref<512x64xf32, #tpu.memory_space<vmem>> -> memref<128x64xf32, #tpu.memory_space<vmem>>
    %dma_wait3A_1809 = arith.constant 0 : i32
    %dma_wait3A_1810 = tpu.memref_slice %arg7[%dma_wait3A_1805, %dma_wait3A_1809] : memref<16x128xi32, #tpu.memory_space<vmem>> -> memref<1x128xi32, #tpu.memory_space<vmem>>
    %dma_wait3A_1811 = tpu.memref_squeeze %dma_wait3A_1810 : memref<1x128xi32, #tpu.memory_space<vmem>> -> memref<128xi32, #tpu.memory_space<vmem>>
    %dma_wait3A_1812 = arith.constant 0 : i32
    %dma_wait3A_1813 = arith.constant 0 : i32
    %dma_wait3A_1814 = tpu.memref_slice %arg4[%dma_wait3A_1812, %dma_wait3A_1813] : memref<68x64xf32, #tpu.memory_space<hbm>> -> memref<68x64xf32, #tpu.memory_space<hbm>>
    tpu.wait_indirect_dma semaphore(%arg10 : memref<!tpu.dma_semaphore, #tpu.memory_space<semaphore_mem>>) src(%dma_wait3A_1814 : memref<68x64xf32, #tpu.memory_space<hbm>>) dst(%dma_wait3A_1808 : memref<128x64xf32, #tpu.memory_space<vmem>>)
    %mul3A_1815 = arith.constant 2048 : i32
    %mul3A_1816 = arith.muli %select_n3A_30, %mul3A_1815 : i32
    %add3A_1817 = arith.constant 0 : i32
    %add3A_1818 = arith.addi %mul3A_1816, %add3A_1817 : i32
    %mul3A_1819 = arith.constant 8 : i32
    %mul3A_1820 = arith.muli %select_n3A_70, %mul3A_1819 : i32
    %mul3A_1821 = arith.constant 4 : i32
    %mul3A_1822 = arith.muli %select_n3A_54, %mul3A_1821 : i32
    %add3A_1823 = arith.addi %mul3A_1820, %mul3A_1822 : i32
    %add3A_1824 = arith.constant 0 : i32
    %add3A_1825 = arith.addi %add3A_1823, %add3A_1824 : i32
    %mul3A_1826 = arith.constant 16384 : i32
    %mul3A_1827 = arith.muli %add3A_1825, %mul3A_1826 : i32
    %add3A_1828 = arith.addi %mul3A_1827, %add3A_1818 : i32
    %dma_start3A_1829 = arith.constant 0 : i32
    %dma_start3A_1830 = arith.constant 0 : i32
    %dma_start3A_1831 = tpu.memref_slice %arg8[%dma_start3A_1829, %dma_start3A_1830] : memref<512x64xf32, #tpu.memory_space<vmem>> -> memref<256x64xf32, #tpu.memory_space<vmem>>
    %dma_start3A_1832 = arith.constant 0 : i32
    %dma_start3A_1833 = tpu.memref_slice %arg5[%add3A_1828, %dma_start3A_1832] : memref<262144x64xf32, #tpu.memory_space<hbm>> -> memref<256x64xf32, #tpu.memory_space<hbm>>
    %dma_start3A_1834 = arith.constant 0 : i32
    %dma_start3A_1835 = tpu.memref_slice %arg5[%add3A_1828, %dma_start3A_1834] : memref<262144x64xf32, #tpu.memory_space<hbm>> -> memref<256x64xf32, #tpu.memory_space<hbm>>
    %dma_start3A_1836 = arith.constant 0 : i32
    %dma_start3A_1837 = arith.constant 0 : i32
    %dma_start3A_1838 = tpu.memref_slice %arg8[%dma_start3A_1836, %dma_start3A_1837] : memref<512x64xf32, #tpu.memory_space<vmem>> -> memref<256x64xf32, #tpu.memory_space<vmem>>
    tpu.enqueue_dma source(%dma_start3A_1838 : memref<256x64xf32, #tpu.memory_space<vmem>>) target(%dma_start3A_1835 : memref<256x64xf32, #tpu.memory_space<hbm>>) target_semaphore(%arg11 : memref<!tpu.dma_semaphore, #tpu.memory_space<semaphore_mem>>)
    %dma_start3A_1839 = arith.constant 0 : i32
    %dma_start3A_1840 = arith.constant 0 : i32
    %dma_start3A_1841 = tpu.memref_slice %arg9[%dma_start3A_1839, %dma_start3A_1840] : memref<512x64xf32, #tpu.memory_space<vmem>> -> memref<256x64xf32, #tpu.memory_space<vmem>>
    %dma_start3A_1842 = arith.constant 0 : i32
    %dma_start3A_1843 = tpu.memref_slice %arg6[%add3A_1828, %dma_start3A_1842] : memref<262144x64xf32, #tpu.memory_space<hbm>> -> memref<256x64xf32, #tpu.memory_space<hbm>>
    %dma_start3A_1844 = arith.constant 0 : i32
    %dma_start3A_1845 = tpu.memref_slice %arg6[%add3A_1828, %dma_start3A_1844] : memref<262144x64xf32, #tpu.memory_space<hbm>> -> memref<256x64xf32, #tpu.memory_space<hbm>>
    %dma_start3A_1846 = arith.constant 0 : i32
    %dma_start3A_1847 = arith.constant 0 : i32
    %dma_start3A_1848 = tpu.memref_slice %arg9[%dma_start3A_1846, %dma_start3A_1847] : memref<512x64xf32, #tpu.memory_space<vmem>> -> memref<256x64xf32, #tpu.memory_space<vmem>>
    tpu.enqueue_dma source(%dma_start3A_1848 : memref<256x64xf32, #tpu.memory_space<vmem>>) target(%dma_start3A_1845 : memref<256x64xf32, #tpu.memory_space<hbm>>) target_semaphore(%arg11 : memref<!tpu.dma_semaphore, #tpu.memory_space<semaphore_mem>>)
    %mul3A_1849 = arith.constant 8 : i32
    %mul3A_1850 = arith.muli %select_n3A_70, %mul3A_1849 : i32
    %mul3A_1851 = arith.constant 4 : i32
    %mul3A_1852 = arith.muli %select_n3A_54, %mul3A_1851 : i32
    %add3A_1853 = arith.addi %mul3A_1850, %mul3A_1852 : i32
    %add3A_1854 = arith.constant 1 : i32
    %add3A_1855 = arith.addi %add3A_1853, %add3A_1854 : i32
    %mul3A_1856 = arith.constant 16384 : i32
    %mul3A_1857 = arith.muli %add3A_1855, %mul3A_1856 : i32
    %add3A_1858 = arith.addi %mul3A_1857, %add3A_1818 : i32
    %dma_start3A_1859 = arith.constant 0 : i32
    %dma_start3A_1860 = arith.constant 0 : i32
    %dma_start3A_1861 = tpu.memref_slice %arg8[%dma_start3A_1859, %dma_start3A_1860] : memref<512x64xf32, #tpu.memory_space<vmem>> -> memref<256x64xf32, #tpu.memory_space<vmem>>
    %dma_start3A_1862 = arith.constant 0 : i32
    %dma_start3A_1863 = tpu.memref_slice %arg5[%add3A_1858, %dma_start3A_1862] : memref<262144x64xf32, #tpu.memory_space<hbm>> -> memref<256x64xf32, #tpu.memory_space<hbm>>
    %dma_start3A_1864 = arith.constant 0 : i32
    %dma_start3A_1865 = tpu.memref_slice %arg5[%add3A_1858, %dma_start3A_1864] : memref<262144x64xf32, #tpu.memory_space<hbm>> -> memref<256x64xf32, #tpu.memory_space<hbm>>
    %dma_start3A_1866 = arith.constant 0 : i32
    %dma_start3A_1867 = arith.constant 0 : i32
    %dma_start3A_1868 = tpu.memref_slice %arg8[%dma_start3A_1866, %dma_start3A_1867] : memref<512x64xf32, #tpu.memory_space<vmem>> -> memref<256x64xf32, #tpu.memory_space<vmem>>
    tpu.enqueue_dma source(%dma_start3A_1868 : memref<256x64xf32, #tpu.memory_space<vmem>>) target(%dma_start3A_1865 : memref<256x64xf32, #tpu.memory_space<hbm>>) target_semaphore(%arg11 : memref<!tpu.dma_semaphore, #tpu.memory_space<semaphore_mem>>)
    %dma_start3A_1869 = arith.constant 0 : i32
    %dma_start3A_1870 = arith.constant 0 : i32
    %dma_start3A_1871 = tpu.memref_slice %arg9[%dma_start3A_1869, %dma_start3A_1870] : memref<512x64xf32, #tpu.memory_space<vmem>> -> memref<256x64xf32, #tpu.memory_space<vmem>>
    %dma_start3A_1872 = arith.constant 0 : i32
    %dma_start3A_1873 = tpu.memref_slice %arg6[%add3A_1858, %dma_start3A_1872] : memref<262144x64xf32, #tpu.memory_space<hbm>> -> memref<256x64xf32, #tpu.memory_space<hbm>>
    %dma_start3A_1874 = arith.constant 0 : i32
    %dma_start3A_1875 = tpu.memref_slice %arg6[%add3A_1858, %dma_start3A_1874] : memref<262144x64xf32, #tpu.memory_space<hbm>> -> memref<256x64xf32, #tpu.memory_space<hbm>>
    %dma_start3A_1876 = arith.constant 0 : i32
    %dma_start3A_1877 = arith.constant 0 : i32
    %dma_start3A_1878 = tpu.memref_slice %arg9[%dma_start3A_1876, %dma_start3A_1877] : memref<512x64xf32, #tpu.memory_space<vmem>> -> memref<256x64xf32, #tpu.memory_space<vmem>>
    tpu.enqueue_dma source(%dma_start3A_1878 : memref<256x64xf32, #tpu.memory_space<vmem>>) target(%dma_start3A_1875 : memref<256x64xf32, #tpu.memory_space<hbm>>) target_semaphore(%arg11 : memref<!tpu.dma_semaphore, #tpu.memory_space<semaphore_mem>>)
    %mul3A_1879 = arith.constant 8 : i32
    %mul3A_1880 = arith.muli %select_n3A_70, %mul3A_1879 : i32
    %mul3A_1881 = arith.constant 4 : i32
    %mul3A_1882 = arith.muli %select_n3A_54, %mul3A_1881 : i32
    %add3A_1883 = arith.addi %mul3A_1880, %mul3A_1882 : i32
    %add3A_1884 = arith.constant 2 : i32
    %add3A_1885 = arith.addi %add3A_1883, %add3A_1884 : i32
    %mul3A_1886 = arith.constant 16384 : i32
    %mul3A_1887 = arith.muli %add3A_1885, %mul3A_1886 : i32
    %add3A_1888 = arith.addi %mul3A_1887, %add3A_1818 : i32
    %dma_start3A_1889 = arith.constant 0 : i32
    %dma_start3A_1890 = arith.constant 0 : i32
    %dma_start3A_1891 = tpu.memref_slice %arg8[%dma_start3A_1889, %dma_start3A_1890] : memref<512x64xf32, #tpu.memory_space<vmem>> -> memref<256x64xf32, #tpu.memory_space<vmem>>
    %dma_start3A_1892 = arith.constant 0 : i32
    %dma_start3A_1893 = tpu.memref_slice %arg5[%add3A_1888, %dma_start3A_1892] : memref<262144x64xf32, #tpu.memory_space<hbm>> -> memref<256x64xf32, #tpu.memory_space<hbm>>
    %dma_start3A_1894 = arith.constant 0 : i32
    %dma_start3A_1895 = tpu.memref_slice %arg5[%add3A_1888, %dma_start3A_1894] : memref<262144x64xf32, #tpu.memory_space<hbm>> -> memref<256x64xf32, #tpu.memory_space<hbm>>
    %dma_start3A_1896 = arith.constant 0 : i32
    %dma_start3A_1897 = arith.constant 0 : i32
    %dma_start3A_1898 = tpu.memref_slice %arg8[%dma_start3A_1896, %dma_start3A_1897] : memref<512x64xf32, #tpu.memory_space<vmem>> -> memref<256x64xf32, #tpu.memory_space<vmem>>
    tpu.enqueue_dma source(%dma_start3A_1898 : memref<256x64xf32, #tpu.memory_space<vmem>>) target(%dma_start3A_1895 : memref<256x64xf32, #tpu.memory_space<hbm>>) target_semaphore(%arg11 : memref<!tpu.dma_semaphore, #tpu.memory_space<semaphore_mem>>)
    %dma_start3A_1899 = arith.constant 0 : i32
    %dma_start3A_1900 = arith.constant 0 : i32
    %dma_start3A_1901 = tpu.memref_slice %arg9[%dma_start3A_1899, %dma_start3A_1900] : memref<512x64xf32, #tpu.memory_space<vmem>> -> memref<256x64xf32, #tpu.memory_space<vmem>>
    %dma_start3A_1902 = arith.constant 0 : i32
    %dma_start3A_1903 = tpu.memref_slice %arg6[%add3A_1888, %dma_start3A_1902] : memref<262144x64xf32, #tpu.memory_space<hbm>> -> memref<256x64xf32, #tpu.memory_space<hbm>>
    %dma_start3A_1904 = arith.constant 0 : i32
    %dma_start3A_1905 = tpu.memref_slice %arg6[%add3A_1888, %dma_start3A_1904] : memref<262144x64xf32, #tpu.memory_space<hbm>> -> memref<256x64xf32, #tpu.memory_space<hbm>>
    %dma_start3A_1906 = arith.constant 0 : i32
    %dma_start3A_1907 = arith.constant 0 : i32
    %dma_start3A_1908 = tpu.memref_slice %arg9[%dma_start3A_1906, %dma_start3A_1907] : memref<512x64xf32, #tpu.memory_space<vmem>> -> memref<256x64xf32, #tpu.memory_space<vmem>>
    tpu.enqueue_dma source(%dma_start3A_1908 : memref<256x64xf32, #tpu.memory_space<vmem>>) target(%dma_start3A_1905 : memref<256x64xf32, #tpu.memory_space<hbm>>) target_semaphore(%arg11 : memref<!tpu.dma_semaphore, #tpu.memory_space<semaphore_mem>>)
    %mul3A_1909 = arith.constant 8 : i32
    %mul3A_1910 = arith.muli %select_n3A_70, %mul3A_1909 : i32
    %mul3A_1911 = arith.constant 4 : i32
    %mul3A_1912 = arith.muli %select_n3A_54, %mul3A_1911 : i32
    %add3A_1913 = arith.addi %mul3A_1910, %mul3A_1912 : i32
    %add3A_1914 = arith.constant 3 : i32
    %add3A_1915 = arith.addi %add3A_1913, %add3A_1914 : i32
    %mul3A_1916 = arith.constant 16384 : i32
    %mul3A_1917 = arith.muli %add3A_1915, %mul3A_1916 : i32
    %add3A_1918 = arith.addi %mul3A_1917, %add3A_1818 : i32
    %dma_start3A_1919 = arith.constant 0 : i32
    %dma_start3A_1920 = arith.constant 0 : i32
    %dma_start3A_1921 = tpu.memref_slice %arg8[%dma_start3A_1919, %dma_start3A_1920] : memref<512x64xf32, #tpu.memory_space<vmem>> -> memref<256x64xf32, #tpu.memory_space<vmem>>
    %dma_start3A_1922 = arith.constant 0 : i32
    %dma_start3A_1923 = tpu.memref_slice %arg5[%add3A_1918, %dma_start3A_1922] : memref<262144x64xf32, #tpu.memory_space<hbm>> -> memref<256x64xf32, #tpu.memory_space<hbm>>
    %dma_start3A_1924 = arith.constant 0 : i32
    %dma_start3A_1925 = tpu.memref_slice %arg5[%add3A_1918, %dma_start3A_1924] : memref<262144x64xf32, #tpu.memory_space<hbm>> -> memref<256x64xf32, #tpu.memory_space<hbm>>
    %dma_start3A_1926 = arith.constant 0 : i32
    %dma_start3A_1927 = arith.constant 0 : i32
    %dma_start3A_1928 = tpu.memref_slice %arg8[%dma_start3A_1926, %dma_start3A_1927] : memref<512x64xf32, #tpu.memory_space<vmem>> -> memref<256x64xf32, #tpu.memory_space<vmem>>
    tpu.enqueue_dma source(%dma_start3A_1928 : memref<256x64xf32, #tpu.memory_space<vmem>>) target(%dma_start3A_1925 : memref<256x64xf32, #tpu.memory_space<hbm>>) target_semaphore(%arg11 : memref<!tpu.dma_semaphore, #tpu.memory_space<semaphore_mem>>)
    %dma_start3A_1929 = arith.constant 0 : i32
    %dma_start3A_1930 = arith.constant 0 : i32
    %dma_start3A_1931 = tpu.memref_slice %arg9[%dma_start3A_1929, %dma_start3A_1930] : memref<512x64xf32, #tpu.memory_space<vmem>> -> memref<256x64xf32, #tpu.memory_space<vmem>>
    %dma_start3A_1932 = arith.constant 0 : i32
    %dma_start3A_1933 = tpu.memref_slice %arg6[%add3A_1918, %dma_start3A_1932] : memref<262144x64xf32, #tpu.memory_space<hbm>> -> memref<256x64xf32, #tpu.memory_space<hbm>>
    %dma_start3A_1934 = arith.constant 0 : i32
    %dma_start3A_1935 = tpu.memref_slice %arg6[%add3A_1918, %dma_start3A_1934] : memref<262144x64xf32, #tpu.memory_space<hbm>> -> memref<256x64xf32, #tpu.memory_space<hbm>>
    %dma_start3A_1936 = arith.constant 0 : i32
    %dma_start3A_1937 = arith.constant 0 : i32
    %dma_start3A_1938 = tpu.memref_slice %arg9[%dma_start3A_1936, %dma_start3A_1937] : memref<512x64xf32, #tpu.memory_space<vmem>> -> memref<256x64xf32, #tpu.memory_space<vmem>>
    tpu.enqueue_dma source(%dma_start3A_1938 : memref<256x64xf32, #tpu.memory_space<vmem>>) target(%dma_start3A_1935 : memref<256x64xf32, #tpu.memory_space<hbm>>) target_semaphore(%arg11 : memref<!tpu.dma_semaphore, #tpu.memory_space<semaphore_mem>>)
    %dma_start3A_1939 = arith.constant 2 : i32
    %dma_start3A_1940 = arith.constant 256 : i32
    %dma_start3A_1941 = arith.constant 0 : i32
    %dma_start3A_1942 = tpu.memref_slice %arg8[%dma_start3A_1940, %dma_start3A_1941] : memref<512x64xf32, #tpu.memory_space<vmem>> -> memref<128x64xf32, #tpu.memory_space<vmem>>
    %dma_start3A_1943 = arith.constant 0 : i32
    %dma_start3A_1944 = tpu.memref_slice %arg7[%dma_start3A_1939, %dma_start3A_1943] : memref<16x128xi32, #tpu.memory_space<vmem>> -> memref<1x128xi32, #tpu.memory_space<vmem>>
    %dma_start3A_1945 = tpu.memref_squeeze %dma_start3A_1944 : memref<1x128xi32, #tpu.memory_space<vmem>> -> memref<128xi32, #tpu.memory_space<vmem>>
    %dma_start3A_1946 = arith.constant 0 : i32
    %dma_start3A_1947 = arith.constant 0 : i32
    %dma_start3A_1948 = tpu.memref_slice %arg3[%dma_start3A_1946, %dma_start3A_1947] : memref<68x64xf32, #tpu.memory_space<hbm>> -> memref<68x64xf32, #tpu.memory_space<hbm>>
    tpu.enqueue_indirect_dma source(%dma_start3A_1948 : memref<68x64xf32, #tpu.memory_space<hbm>>) target(%dma_start3A_1942 : memref<128x64xf32, #tpu.memory_space<vmem>>) offsets(%dma_start3A_1945 : memref<128xi32, #tpu.memory_space<vmem>>) semaphore(%arg10 : memref<!tpu.dma_semaphore, #tpu.memory_space<semaphore_mem>>)
    %dma_start3A_1949 = arith.constant 2 : i32
    %dma_start3A_1950 = arith.constant 256 : i32
    %dma_start3A_1951 = arith.constant 0 : i32
    %dma_start3A_1952 = tpu.memref_slice %arg9[%dma_start3A_1950, %dma_start3A_1951] : memref<512x64xf32, #tpu.memory_space<vmem>> -> memref<128x64xf32, #tpu.memory_space<vmem>>
    %dma_start3A_1953 = arith.constant 0 : i32
    %dma_start3A_1954 = tpu.memref_slice %arg7[%dma_start3A_1949, %dma_start3A_1953] : memref<16x128xi32, #tpu.memory_space<vmem>> -> memref<1x128xi32, #tpu.memory_space<vmem>>
    %dma_start3A_1955 = tpu.memref_squeeze %dma_start3A_1954 : memref<1x128xi32, #tpu.memory_space<vmem>> -> memref<128xi32, #tpu.memory_space<vmem>>
    %dma_start3A_1956 = arith.constant 0 : i32
    %dma_start3A_1957 = arith.constant 0 : i32
    %dma_start3A_1958 = tpu.memref_slice %arg4[%dma_start3A_1956, %dma_start3A_1957] : memref<68x64xf32, #tpu.memory_space<hbm>> -> memref<68x64xf32, #tpu.memory_space<hbm>>
    tpu.enqueue_indirect_dma source(%dma_start3A_1958 : memref<68x64xf32, #tpu.memory_space<hbm>>) target(%dma_start3A_1952 : memref<128x64xf32, #tpu.memory_space<vmem>>) offsets(%dma_start3A_1955 : memref<128xi32, #tpu.memory_space<vmem>>) semaphore(%arg10 : memref<!tpu.dma_semaphore, #tpu.memory_space<semaphore_mem>>)
    %dma_start3A_1959 = arith.constant 3 : i32
    %dma_start3A_1960 = arith.constant 384 : i32
    %dma_start3A_1961 = arith.constant 0 : i32
    %dma_start3A_1962 = tpu.memref_slice %arg8[%dma_start3A_1960, %dma_start3A_1961] : memref<512x64xf32, #tpu.memory_space<vmem>> -> memref<128x64xf32, #tpu.memory_space<vmem>>
    %dma_start3A_1963 = arith.constant 0 : i32
    %dma_start3A_1964 = tpu.memref_slice %arg7[%dma_start3A_1959, %dma_start3A_1963] : memref<16x128xi32, #tpu.memory_space<vmem>> -> memref<1x128xi32, #tpu.memory_space<vmem>>
    %dma_start3A_1965 = tpu.memref_squeeze %dma_start3A_1964 : memref<1x128xi32, #tpu.memory_space<vmem>> -> memref<128xi32, #tpu.memory_space<vmem>>
    %dma_start3A_1966 = arith.constant 0 : i32
    %dma_start3A_1967 = arith.constant 0 : i32
    %dma_start3A_1968 = tpu.memref_slice %arg3[%dma_start3A_1966, %dma_start3A_1967] : memref<68x64xf32, #tpu.memory_space<hbm>> -> memref<68x64xf32, #tpu.memory_space<hbm>>
    tpu.enqueue_indirect_dma source(%dma_start3A_1968 : memref<68x64xf32, #tpu.memory_space<hbm>>) target(%dma_start3A_1962 : memref<128x64xf32, #tpu.memory_space<vmem>>) offsets(%dma_start3A_1965 : memref<128xi32, #tpu.memory_space<vmem>>) semaphore(%arg10 : memref<!tpu.dma_semaphore, #tpu.memory_space<semaphore_mem>>)
    %dma_start3A_1969 = arith.constant 3 : i32
    %dma_start3A_1970 = arith.constant 384 : i32
    %dma_start3A_1971 = arith.constant 0 : i32
    %dma_start3A_1972 = tpu.memref_slice %arg9[%dma_start3A_1970, %dma_start3A_1971] : memref<512x64xf32, #tpu.memory_space<vmem>> -> memref<128x64xf32, #tpu.memory_space<vmem>>
    %dma_start3A_1973 = arith.constant 0 : i32
    %dma_start3A_1974 = tpu.memref_slice %arg7[%dma_start3A_1969, %dma_start3A_1973] : memref<16x128xi32, #tpu.memory_space<vmem>> -> memref<1x128xi32, #tpu.memory_space<vmem>>
    %dma_start3A_1975 = tpu.memref_squeeze %dma_start3A_1974 : memref<1x128xi32, #tpu.memory_space<vmem>> -> memref<128xi32, #tpu.memory_space<vmem>>
    %dma_start3A_1976 = arith.constant 0 : i32
    %dma_start3A_1977 = arith.constant 0 : i32
    %dma_start3A_1978 = tpu.memref_slice %arg4[%dma_start3A_1976, %dma_start3A_1977] : memref<68x64xf32, #tpu.memory_space<hbm>> -> memref<68x64xf32, #tpu.memory_space<hbm>>
    tpu.enqueue_indirect_dma source(%dma_start3A_1978 : memref<68x64xf32, #tpu.memory_space<hbm>>) target(%dma_start3A_1972 : memref<128x64xf32, #tpu.memory_space<vmem>>) offsets(%dma_start3A_1975 : memref<128xi32, #tpu.memory_space<vmem>>) semaphore(%arg10 : memref<!tpu.dma_semaphore, #tpu.memory_space<semaphore_mem>>)
    %dma_wait3A_1979 = arith.constant 2 : i32
    %dma_wait3A_1980 = arith.constant 256 : i32
    %dma_wait3A_1981 = arith.constant 0 : i32
    %dma_wait3A_1982 = tpu.memref_slice %arg8[%dma_wait3A_1980, %dma_wait3A_1981] : memref<512x64xf32, #tpu.memory_space<vmem>> -> memref<128x64xf32, #tpu.memory_space<vmem>>
    %dma_wait3A_1983 = arith.constant 0 : i32
    %dma_wait3A_1984 = tpu.memref_slice %arg7[%dma_wait3A_1979, %dma_wait3A_1983] : memref<16x128xi32, #tpu.memory_space<vmem>> -> memref<1x128xi32, #tpu.memory_space<vmem>>
    %dma_wait3A_1985 = tpu.memref_squeeze %dma_wait3A_1984 : memref<1x128xi32, #tpu.memory_space<vmem>> -> memref<128xi32, #tpu.memory_space<vmem>>
    %dma_wait3A_1986 = arith.constant 0 : i32
    %dma_wait3A_1987 = arith.constant 0 : i32
    %dma_wait3A_1988 = tpu.memref_slice %arg3[%dma_wait3A_1986, %dma_wait3A_1987] : memref<68x64xf32, #tpu.memory_space<hbm>> -> memref<68x64xf32, #tpu.memory_space<hbm>>
    tpu.wait_indirect_dma semaphore(%arg10 : memref<!tpu.dma_semaphore, #tpu.memory_space<semaphore_mem>>) src(%dma_wait3A_1988 : memref<68x64xf32, #tpu.memory_space<hbm>>) dst(%dma_wait3A_1982 : memref<128x64xf32, #tpu.memory_space<vmem>>)
    %dma_wait3A_1989 = arith.constant 2 : i32
    %dma_wait3A_1990 = arith.constant 256 : i32
    %dma_wait3A_1991 = arith.constant 0 : i32
    %dma_wait3A_1992 = tpu.memref_slice %arg9[%dma_wait3A_1990, %dma_wait3A_1991] : memref<512x64xf32, #tpu.memory_space<vmem>> -> memref<128x64xf32, #tpu.memory_space<vmem>>
    %dma_wait3A_1993 = arith.constant 0 : i32
    %dma_wait3A_1994 = tpu.memref_slice %arg7[%dma_wait3A_1989, %dma_wait3A_1993] : memref<16x128xi32, #tpu.memory_space<vmem>> -> memref<1x128xi32, #tpu.memory_space<vmem>>
    %dma_wait3A_1995 = tpu.memref_squeeze %dma_wait3A_1994 : memref<1x128xi32, #tpu.memory_space<vmem>> -> memref<128xi32, #tpu.memory_space<vmem>>
    %dma_wait3A_1996 = arith.constant 0 : i32
    %dma_wait3A_1997 = arith.constant 0 : i32
    %dma_wait3A_1998 = tpu.memref_slice %arg4[%dma_wait3A_1996, %dma_wait3A_1997] : memref<68x64xf32, #tpu.memory_space<hbm>> -> memref<68x64xf32, #tpu.memory_space<hbm>>
    tpu.wait_indirect_dma semaphore(%arg10 : memref<!tpu.dma_semaphore, #tpu.memory_space<semaphore_mem>>) src(%dma_wait3A_1998 : memref<68x64xf32, #tpu.memory_space<hbm>>) dst(%dma_wait3A_1992 : memref<128x64xf32, #tpu.memory_space<vmem>>)
    %dma_wait3A_1999 = arith.constant 3 : i32
    %dma_wait3A_2000 = arith.constant 384 : i32
    %dma_wait3A_2001 = arith.constant 0 : i32
    %dma_wait3A_2002 = tpu.memref_slice %arg8[%dma_wait3A_2000, %dma_wait3A_2001] : memref<512x64xf32, #tpu.memory_space<vmem>> -> memref<128x64xf32, #tpu.memory_space<vmem>>
    %dma_wait3A_2003 = arith.constant 0 : i32
    %dma_wait3A_2004 = tpu.memref_slice %arg7[%dma_wait3A_1999, %dma_wait3A_2003] : memref<16x128xi32, #tpu.memory_space<vmem>> -> memref<1x128xi32, #tpu.memory_space<vmem>>
    %dma_wait3A_2005 = tpu.memref_squeeze %dma_wait3A_2004 : memref<1x128xi32, #tpu.memory_space<vmem>> -> memref<128xi32, #tpu.memory_space<vmem>>
    %dma_wait3A_2006 = arith.constant 0 : i32
    %dma_wait3A_2007 = arith.constant 0 : i32
    %dma_wait3A_2008 = tpu.memref_slice %arg3[%dma_wait3A_2006, %dma_wait3A_2007] : memref<68x64xf32, #tpu.memory_space<hbm>> -> memref<68x64xf32, #tpu.memory_space<hbm>>
    tpu.wait_indirect_dma semaphore(%arg10 : memref<!tpu.dma_semaphore, #tpu.memory_space<semaphore_mem>>) src(%dma_wait3A_2008 : memref<68x64xf32, #tpu.memory_space<hbm>>) dst(%dma_wait3A_2002 : memref<128x64xf32, #tpu.memory_space<vmem>>)
    %dma_wait3A_2009 = arith.constant 3 : i32
    %dma_wait3A_2010 = arith.constant 384 : i32
    %dma_wait3A_2011 = arith.constant 0 : i32
    %dma_wait3A_2012 = tpu.memref_slice %arg9[%dma_wait3A_2010, %dma_wait3A_2011] : memref<512x64xf32, #tpu.memory_space<vmem>> -> memref<128x64xf32, #tpu.memory_space<vmem>>
    %dma_wait3A_2013 = arith.constant 0 : i32
    %dma_wait3A_2014 = tpu.memref_slice %arg7[%dma_wait3A_2009, %dma_wait3A_2013] : memref<16x128xi32, #tpu.memory_space<vmem>> -> memref<1x128xi32, #tpu.memory_space<vmem>>
    %dma_wait3A_2015 = tpu.memref_squeeze %dma_wait3A_2014 : memref<1x128xi32, #tpu.memory_space<vmem>> -> memref<128xi32, #tpu.memory_space<vmem>>
    %dma_wait3A_2016 = arith.constant 0 : i32
    %dma_wait3A_2017 = arith.constant 0 : i32
    %dma_wait3A_2018 = tpu.memref_slice %arg4[%dma_wait3A_2016, %dma_wait3A_2017] : memref<68x64xf32, #tpu.memory_space<hbm>> -> memref<68x64xf32, #tpu.memory_space<hbm>>
    tpu.wait_indirect_dma semaphore(%arg10 : memref<!tpu.dma_semaphore, #tpu.memory_space<semaphore_mem>>) src(%dma_wait3A_2018 : memref<68x64xf32, #tpu.memory_space<hbm>>) dst(%dma_wait3A_2012 : memref<128x64xf32, #tpu.memory_space<vmem>>)
    %mul3A_2019 = arith.constant 2048 : i32
    %mul3A_2020 = arith.muli %select_n3A_30, %mul3A_2019 : i32
    %add3A_2021 = arith.constant 256 : i32
    %add3A_2022 = arith.addi %mul3A_2020, %add3A_2021 : i32
    %mul3A_2023 = arith.constant 8 : i32
    %mul3A_2024 = arith.muli %select_n3A_70, %mul3A_2023 : i32
    %mul3A_2025 = arith.constant 4 : i32
    %mul3A_2026 = arith.muli %select_n3A_54, %mul3A_2025 : i32
    %add3A_2027 = arith.addi %mul3A_2024, %mul3A_2026 : i32
    %add3A_2028 = arith.constant 0 : i32
    %add3A_2029 = arith.addi %add3A_2027, %add3A_2028 : i32
    %mul3A_2030 = arith.constant 16384 : i32
    %mul3A_2031 = arith.muli %add3A_2029, %mul3A_2030 : i32
    %add3A_2032 = arith.addi %mul3A_2031, %add3A_2022 : i32
    %dma_start3A_2033 = arith.constant 256 : i32
    %dma_start3A_2034 = arith.constant 0 : i32
    %dma_start3A_2035 = tpu.memref_slice %arg8[%dma_start3A_2033, %dma_start3A_2034] : memref<512x64xf32, #tpu.memory_space<vmem>> -> memref<256x64xf32, #tpu.memory_space<vmem>>
    %dma_start3A_2036 = arith.constant 0 : i32
    %dma_start3A_2037 = tpu.memref_slice %arg5[%add3A_2032, %dma_start3A_2036] : memref<262144x64xf32, #tpu.memory_space<hbm>> -> memref<256x64xf32, #tpu.memory_space<hbm>>
    %dma_start3A_2038 = arith.constant 0 : i32
    %dma_start3A_2039 = tpu.memref_slice %arg5[%add3A_2032, %dma_start3A_2038] : memref<262144x64xf32, #tpu.memory_space<hbm>> -> memref<256x64xf32, #tpu.memory_space<hbm>>
    %dma_start3A_2040 = arith.constant 256 : i32
    %dma_start3A_2041 = arith.constant 0 : i32
    %dma_start3A_2042 = tpu.memref_slice %arg8[%dma_start3A_2040, %dma_start3A_2041] : memref<512x64xf32, #tpu.memory_space<vmem>> -> memref<256x64xf32, #tpu.memory_space<vmem>>
    tpu.enqueue_dma source(%dma_start3A_2042 : memref<256x64xf32, #tpu.memory_space<vmem>>) target(%dma_start3A_2039 : memref<256x64xf32, #tpu.memory_space<hbm>>) target_semaphore(%arg12 : memref<!tpu.dma_semaphore, #tpu.memory_space<semaphore_mem>>)
    %dma_start3A_2043 = arith.constant 256 : i32
    %dma_start3A_2044 = arith.constant 0 : i32
    %dma_start3A_2045 = tpu.memref_slice %arg9[%dma_start3A_2043, %dma_start3A_2044] : memref<512x64xf32, #tpu.memory_space<vmem>> -> memref<256x64xf32, #tpu.memory_space<vmem>>
    %dma_start3A_2046 = arith.constant 0 : i32
    %dma_start3A_2047 = tpu.memref_slice %arg6[%add3A_2032, %dma_start3A_2046] : memref<262144x64xf32, #tpu.memory_space<hbm>> -> memref<256x64xf32, #tpu.memory_space<hbm>>
    %dma_start3A_2048 = arith.constant 0 : i32
    %dma_start3A_2049 = tpu.memref_slice %arg6[%add3A_2032, %dma_start3A_2048] : memref<262144x64xf32, #tpu.memory_space<hbm>> -> memref<256x64xf32, #tpu.memory_space<hbm>>
    %dma_start3A_2050 = arith.constant 256 : i32
    %dma_start3A_2051 = arith.constant 0 : i32
    %dma_start3A_2052 = tpu.memref_slice %arg9[%dma_start3A_2050, %dma_start3A_2051] : memref<512x64xf32, #tpu.memory_space<vmem>> -> memref<256x64xf32, #tpu.memory_space<vmem>>
    tpu.enqueue_dma source(%dma_start3A_2052 : memref<256x64xf32, #tpu.memory_space<vmem>>) target(%dma_start3A_2049 : memref<256x64xf32, #tpu.memory_space<hbm>>) target_semaphore(%arg12 : memref<!tpu.dma_semaphore, #tpu.memory_space<semaphore_mem>>)
    %mul3A_2053 = arith.constant 8 : i32
    %mul3A_2054 = arith.muli %select_n3A_70, %mul3A_2053 : i32
    %mul3A_2055 = arith.constant 4 : i32
    %mul3A_2056 = arith.muli %select_n3A_54, %mul3A_2055 : i32
    %add3A_2057 = arith.addi %mul3A_2054, %mul3A_2056 : i32
    %add3A_2058 = arith.constant 1 : i32
    %add3A_2059 = arith.addi %add3A_2057, %add3A_2058 : i32
    %mul3A_2060 = arith.constant 16384 : i32
    %mul3A_2061 = arith.muli %add3A_2059, %mul3A_2060 : i32
    %add3A_2062 = arith.addi %mul3A_2061, %add3A_2022 : i32
    %dma_start3A_2063 = arith.constant 256 : i32
    %dma_start3A_2064 = arith.constant 0 : i32
    %dma_start3A_2065 = tpu.memref_slice %arg8[%dma_start3A_2063, %dma_start3A_2064] : memref<512x64xf32, #tpu.memory_space<vmem>> -> memref<256x64xf32, #tpu.memory_space<vmem>>
    %dma_start3A_2066 = arith.constant 0 : i32
    %dma_start3A_2067 = tpu.memref_slice %arg5[%add3A_2062, %dma_start3A_2066] : memref<262144x64xf32, #tpu.memory_space<hbm>> -> memref<256x64xf32, #tpu.memory_space<hbm>>
    %dma_start3A_2068 = arith.constant 0 : i32
    %dma_start3A_2069 = tpu.memref_slice %arg5[%add3A_2062, %dma_start3A_2068] : memref<262144x64xf32, #tpu.memory_space<hbm>> -> memref<256x64xf32, #tpu.memory_space<hbm>>
    %dma_start3A_2070 = arith.constant 256 : i32
    %dma_start3A_2071 = arith.constant 0 : i32
    %dma_start3A_2072 = tpu.memref_slice %arg8[%dma_start3A_2070, %dma_start3A_2071] : memref<512x64xf32, #tpu.memory_space<vmem>> -> memref<256x64xf32, #tpu.memory_space<vmem>>
    tpu.enqueue_dma source(%dma_start3A_2072 : memref<256x64xf32, #tpu.memory_space<vmem>>) target(%dma_start3A_2069 : memref<256x64xf32, #tpu.memory_space<hbm>>) target_semaphore(%arg12 : memref<!tpu.dma_semaphore, #tpu.memory_space<semaphore_mem>>)
    %dma_start3A_2073 = arith.constant 256 : i32
    %dma_start3A_2074 = arith.constant 0 : i32
    %dma_start3A_2075 = tpu.memref_slice %arg9[%dma_start3A_2073, %dma_start3A_2074] : memref<512x64xf32, #tpu.memory_space<vmem>> -> memref<256x64xf32, #tpu.memory_space<vmem>>
    %dma_start3A_2076 = arith.constant 0 : i32
    %dma_start3A_2077 = tpu.memref_slice %arg6[%add3A_2062, %dma_start3A_2076] : memref<262144x64xf32, #tpu.memory_space<hbm>> -> memref<256x64xf32, #tpu.memory_space<hbm>>
    %dma_start3A_2078 = arith.constant 0 : i32
    %dma_start3A_2079 = tpu.memref_slice %arg6[%add3A_2062, %dma_start3A_2078] : memref<262144x64xf32, #tpu.memory_space<hbm>> -> memref<256x64xf32, #tpu.memory_space<hbm>>
    %dma_start3A_2080 = arith.constant 256 : i32
    %dma_start3A_2081 = arith.constant 0 : i32
    %dma_start3A_2082 = tpu.memref_slice %arg9[%dma_start3A_2080, %dma_start3A_2081] : memref<512x64xf32, #tpu.memory_space<vmem>> -> memref<256x64xf32, #tpu.memory_space<vmem>>
    tpu.enqueue_dma source(%dma_start3A_2082 : memref<256x64xf32, #tpu.memory_space<vmem>>) target(%dma_start3A_2079 : memref<256x64xf32, #tpu.memory_space<hbm>>) target_semaphore(%arg12 : memref<!tpu.dma_semaphore, #tpu.memory_space<semaphore_mem>>)
    %mul3A_2083 = arith.constant 8 : i32
    %mul3A_2084 = arith.muli %select_n3A_70, %mul3A_2083 : i32
    %mul3A_2085 = arith.constant 4 : i32
    %mul3A_2086 = arith.muli %select_n3A_54, %mul3A_2085 : i32
    %add3A_2087 = arith.addi %mul3A_2084, %mul3A_2086 : i32
    %add3A_2088 = arith.constant 2 : i32
    %add3A_2089 = arith.addi %add3A_2087, %add3A_2088 : i32
    %mul3A_2090 = arith.constant 16384 : i32
    %mul3A_2091 = arith.muli %add3A_2089, %mul3A_2090 : i32
    %add3A_2092 = arith.addi %mul3A_2091, %add3A_2022 : i32
    %dma_start3A_2093 = arith.constant 256 : i32
    %dma_start3A_2094 = arith.constant 0 : i32
    %dma_start3A_2095 = tpu.memref_slice %arg8[%dma_start3A_2093, %dma_start3A_2094] : memref<512x64xf32, #tpu.memory_space<vmem>> -> memref<256x64xf32, #tpu.memory_space<vmem>>
    %dma_start3A_2096 = arith.constant 0 : i32
    %dma_start3A_2097 = tpu.memref_slice %arg5[%add3A_2092, %dma_start3A_2096] : memref<262144x64xf32, #tpu.memory_space<hbm>> -> memref<256x64xf32, #tpu.memory_space<hbm>>
    %dma_start3A_2098 = arith.constant 0 : i32
    %dma_start3A_2099 = tpu.memref_slice %arg5[%add3A_2092, %dma_start3A_2098] : memref<262144x64xf32, #tpu.memory_space<hbm>> -> memref<256x64xf32, #tpu.memory_space<hbm>>
    %dma_start3A_2100 = arith.constant 256 : i32
    %dma_start3A_2101 = arith.constant 0 : i32
    %dma_start3A_2102 = tpu.memref_slice %arg8[%dma_start3A_2100, %dma_start3A_2101] : memref<512x64xf32, #tpu.memory_space<vmem>> -> memref<256x64xf32, #tpu.memory_space<vmem>>
    tpu.enqueue_dma source(%dma_start3A_2102 : memref<256x64xf32, #tpu.memory_space<vmem>>) target(%dma_start3A_2099 : memref<256x64xf32, #tpu.memory_space<hbm>>) target_semaphore(%arg12 : memref<!tpu.dma_semaphore, #tpu.memory_space<semaphore_mem>>)
    %dma_start3A_2103 = arith.constant 256 : i32
    %dma_start3A_2104 = arith.constant 0 : i32
    %dma_start3A_2105 = tpu.memref_slice %arg9[%dma_start3A_2103, %dma_start3A_2104] : memref<512x64xf32, #tpu.memory_space<vmem>> -> memref<256x64xf32, #tpu.memory_space<vmem>>
    %dma_start3A_2106 = arith.constant 0 : i32
    %dma_start3A_2107 = tpu.memref_slice %arg6[%add3A_2092, %dma_start3A_2106] : memref<262144x64xf32, #tpu.memory_space<hbm>> -> memref<256x64xf32, #tpu.memory_space<hbm>>
    %dma_start3A_2108 = arith.constant 0 : i32
    %dma_start3A_2109 = tpu.memref_slice %arg6[%add3A_2092, %dma_start3A_2108] : memref<262144x64xf32, #tpu.memory_space<hbm>> -> memref<256x64xf32, #tpu.memory_space<hbm>>
    %dma_start3A_2110 = arith.constant 256 : i32
    %dma_start3A_2111 = arith.constant 0 : i32
    %dma_start3A_2112 = tpu.memref_slice %arg9[%dma_start3A_2110, %dma_start3A_2111] : memref<512x64xf32, #tpu.memory_space<vmem>> -> memref<256x64xf32, #tpu.memory_space<vmem>>
    tpu.enqueue_dma source(%dma_start3A_2112 : memref<256x64xf32, #tpu.memory_space<vmem>>) target(%dma_start3A_2109 : memref<256x64xf32, #tpu.memory_space<hbm>>) target_semaphore(%arg12 : memref<!tpu.dma_semaphore, #tpu.memory_space<semaphore_mem>>)
    %mul3A_2113 = arith.constant 8 : i32
    %mul3A_2114 = arith.muli %select_n3A_70, %mul3A_2113 : i32
    %mul3A_2115 = arith.constant 4 : i32
    %mul3A_2116 = arith.muli %select_n3A_54, %mul3A_2115 : i32
    %add3A_2117 = arith.addi %mul3A_2114, %mul3A_2116 : i32
    %add3A_2118 = arith.constant 3 : i32
    %add3A_2119 = arith.addi %add3A_2117, %add3A_2118 : i32
    %mul3A_2120 = arith.constant 16384 : i32
    %mul3A_2121 = arith.muli %add3A_2119, %mul3A_2120 : i32
    %add3A_2122 = arith.addi %mul3A_2121, %add3A_2022 : i32
    %dma_start3A_2123 = arith.constant 256 : i32
    %dma_start3A_2124 = arith.constant 0 : i32
    %dma_start3A_2125 = tpu.memref_slice %arg8[%dma_start3A_2123, %dma_start3A_2124] : memref<512x64xf32, #tpu.memory_space<vmem>> -> memref<256x64xf32, #tpu.memory_space<vmem>>
    %dma_start3A_2126 = arith.constant 0 : i32
    %dma_start3A_2127 = tpu.memref_slice %arg5[%add3A_2122, %dma_start3A_2126] : memref<262144x64xf32, #tpu.memory_space<hbm>> -> memref<256x64xf32, #tpu.memory_space<hbm>>
    %dma_start3A_2128 = arith.constant 0 : i32
    %dma_start3A_2129 = tpu.memref_slice %arg5[%add3A_2122, %dma_start3A_2128] : memref<262144x64xf32, #tpu.memory_space<hbm>> -> memref<256x64xf32, #tpu.memory_space<hbm>>
    %dma_start3A_2130 = arith.constant 256 : i32
    %dma_start3A_2131 = arith.constant 0 : i32
    %dma_start3A_2132 = tpu.memref_slice %arg8[%dma_start3A_2130, %dma_start3A_2131] : memref<512x64xf32, #tpu.memory_space<vmem>> -> memref<256x64xf32, #tpu.memory_space<vmem>>
    tpu.enqueue_dma source(%dma_start3A_2132 : memref<256x64xf32, #tpu.memory_space<vmem>>) target(%dma_start3A_2129 : memref<256x64xf32, #tpu.memory_space<hbm>>) target_semaphore(%arg12 : memref<!tpu.dma_semaphore, #tpu.memory_space<semaphore_mem>>)
    %dma_start3A_2133 = arith.constant 256 : i32
    %dma_start3A_2134 = arith.constant 0 : i32
    %dma_start3A_2135 = tpu.memref_slice %arg9[%dma_start3A_2133, %dma_start3A_2134] : memref<512x64xf32, #tpu.memory_space<vmem>> -> memref<256x64xf32, #tpu.memory_space<vmem>>
    %dma_start3A_2136 = arith.constant 0 : i32
    %dma_start3A_2137 = tpu.memref_slice %arg6[%add3A_2122, %dma_start3A_2136] : memref<262144x64xf32, #tpu.memory_space<hbm>> -> memref<256x64xf32, #tpu.memory_space<hbm>>
    %dma_start3A_2138 = arith.constant 0 : i32
    %dma_start3A_2139 = tpu.memref_slice %arg6[%add3A_2122, %dma_start3A_2138] : memref<262144x64xf32, #tpu.memory_space<hbm>> -> memref<256x64xf32, #tpu.memory_space<hbm>>
    %dma_start3A_2140 = arith.constant 256 : i32
    %dma_start3A_2141 = arith.constant 0 : i32
    %dma_start3A_2142 = tpu.memref_slice %arg9[%dma_start3A_2140, %dma_start3A_2141] : memref<512x64xf32, #tpu.memory_space<vmem>> -> memref<256x64xf32, #tpu.memory_space<vmem>>
    tpu.enqueue_dma source(%dma_start3A_2142 : memref<256x64xf32, #tpu.memory_space<vmem>>) target(%dma_start3A_2139 : memref<256x64xf32, #tpu.memory_space<hbm>>) target_semaphore(%arg12 : memref<!tpu.dma_semaphore, #tpu.memory_space<semaphore_mem>>)
    %dma_wait3A_2143 = arith.constant 0 : i32
    %dma_wait3A_2144 = arith.constant 0 : i32
    %dma_wait3A_2145 = tpu.memref_slice %arg8[%dma_wait3A_2143, %dma_wait3A_2144] : memref<512x64xf32, #tpu.memory_space<vmem>> -> memref<256x64xf32, #tpu.memory_space<vmem>>
    %dma_wait3A_2146 = arith.constant 0 : i32
    %dma_wait3A_2147 = tpu.memref_slice %arg5[%add3A_1828, %dma_wait3A_2146] : memref<262144x64xf32, #tpu.memory_space<hbm>> -> memref<256x64xf32, #tpu.memory_space<hbm>>
    %dma_wait3A_2148 = arith.constant 0 : i32
    %dma_wait3A_2149 = tpu.memref_slice %arg5[%add3A_1828, %dma_wait3A_2148] : memref<262144x64xf32, #tpu.memory_space<hbm>> -> memref<256x64xf32, #tpu.memory_space<hbm>>
    %dma_wait3A_2150 = arith.constant 0 : i32
    %dma_wait3A_2151 = arith.constant 0 : i32
    %dma_wait3A_2152 = tpu.memref_slice %arg8[%dma_wait3A_2150, %dma_wait3A_2151] : memref<512x64xf32, #tpu.memory_space<vmem>> -> memref<256x64xf32, #tpu.memory_space<vmem>>
    tpu.wait_dma2 semaphore(%arg11 : memref<!tpu.dma_semaphore, #tpu.memory_space<semaphore_mem>>) src(%dma_wait3A_2152 : memref<256x64xf32, #tpu.memory_space<vmem>>) dst(%dma_wait3A_2149 : memref<256x64xf32, #tpu.memory_space<hbm>>)
    %dma_wait3A_2153 = arith.constant 0 : i32
    %dma_wait3A_2154 = arith.constant 0 : i32
    %dma_wait3A_2155 = tpu.memref_slice %arg9[%dma_wait3A_2153, %dma_wait3A_2154] : memref<512x64xf32, #tpu.memory_space<vmem>> -> memref<256x64xf32, #tpu.memory_space<vmem>>
    %dma_wait3A_2156 = arith.constant 0 : i32
    %dma_wait3A_2157 = tpu.memref_slice %arg6[%add3A_1828, %dma_wait3A_2156] : memref<262144x64xf32, #tpu.memory_space<hbm>> -> memref<256x64xf32, #tpu.memory_space<hbm>>
    %dma_wait3A_2158 = arith.constant 0 : i32
    %dma_wait3A_2159 = tpu.memref_slice %arg6[%add3A_1828, %dma_wait3A_2158] : memref<262144x64xf32, #tpu.memory_space<hbm>> -> memref<256x64xf32, #tpu.memory_space<hbm>>
    %dma_wait3A_2160 = arith.constant 0 : i32
    %dma_wait3A_2161 = arith.constant 0 : i32
    %dma_wait3A_2162 = tpu.memref_slice %arg9[%dma_wait3A_2160, %dma_wait3A_2161] : memref<512x64xf32, #tpu.memory_space<vmem>> -> memref<256x64xf32, #tpu.memory_space<vmem>>
    tpu.wait_dma2 semaphore(%arg11 : memref<!tpu.dma_semaphore, #tpu.memory_space<semaphore_mem>>) src(%dma_wait3A_2162 : memref<256x64xf32, #tpu.memory_space<vmem>>) dst(%dma_wait3A_2159 : memref<256x64xf32, #tpu.memory_space<hbm>>)
    %dma_wait3A_2163 = arith.constant 0 : i32
    %dma_wait3A_2164 = arith.constant 0 : i32
    %dma_wait3A_2165 = tpu.memref_slice %arg8[%dma_wait3A_2163, %dma_wait3A_2164] : memref<512x64xf32, #tpu.memory_space<vmem>> -> memref<256x64xf32, #tpu.memory_space<vmem>>
    %dma_wait3A_2166 = arith.constant 0 : i32
    %dma_wait3A_2167 = tpu.memref_slice %arg5[%add3A_1858, %dma_wait3A_2166] : memref<262144x64xf32, #tpu.memory_space<hbm>> -> memref<256x64xf32, #tpu.memory_space<hbm>>
    %dma_wait3A_2168 = arith.constant 0 : i32
    %dma_wait3A_2169 = tpu.memref_slice %arg5[%add3A_1858, %dma_wait3A_2168] : memref<262144x64xf32, #tpu.memory_space<hbm>> -> memref<256x64xf32, #tpu.memory_space<hbm>>
    %dma_wait3A_2170 = arith.constant 0 : i32
    %dma_wait3A_2171 = arith.constant 0 : i32
    %dma_wait3A_2172 = tpu.memref_slice %arg8[%dma_wait3A_2170, %dma_wait3A_2171] : memref<512x64xf32, #tpu.memory_space<vmem>> -> memref<256x64xf32, #tpu.memory_space<vmem>>
    tpu.wait_dma2 semaphore(%arg11 : memref<!tpu.dma_semaphore, #tpu.memory_space<semaphore_mem>>) src(%dma_wait3A_2172 : memref<256x64xf32, #tpu.memory_space<vmem>>) dst(%dma_wait3A_2169 : memref<256x64xf32, #tpu.memory_space<hbm>>)
    %dma_wait3A_2173 = arith.constant 0 : i32
    %dma_wait3A_2174 = arith.constant 0 : i32
    %dma_wait3A_2175 = tpu.memref_slice %arg9[%dma_wait3A_2173, %dma_wait3A_2174] : memref<512x64xf32, #tpu.memory_space<vmem>> -> memref<256x64xf32, #tpu.memory_space<vmem>>
    %dma_wait3A_2176 = arith.constant 0 : i32
    %dma_wait3A_2177 = tpu.memref_slice %arg6[%add3A_1858, %dma_wait3A_2176] : memref<262144x64xf32, #tpu.memory_space<hbm>> -> memref<256x64xf32, #tpu.memory_space<hbm>>
    %dma_wait3A_2178 = arith.constant 0 : i32
    %dma_wait3A_2179 = tpu.memref_slice %arg6[%add3A_1858, %dma_wait3A_2178] : memref<262144x64xf32, #tpu.memory_space<hbm>> -> memref<256x64xf32, #tpu.memory_space<hbm>>
    %dma_wait3A_2180 = arith.constant 0 : i32
    %dma_wait3A_2181 = arith.constant 0 : i32
    %dma_wait3A_2182 = tpu.memref_slice %arg9[%dma_wait3A_2180, %dma_wait3A_2181] : memref<512x64xf32, #tpu.memory_space<vmem>> -> memref<256x64xf32, #tpu.memory_space<vmem>>
    tpu.wait_dma2 semaphore(%arg11 : memref<!tpu.dma_semaphore, #tpu.memory_space<semaphore_mem>>) src(%dma_wait3A_2182 : memref<256x64xf32, #tpu.memory_space<vmem>>) dst(%dma_wait3A_2179 : memref<256x64xf32, #tpu.memory_space<hbm>>)
    %dma_wait3A_2183 = arith.constant 0 : i32
    %dma_wait3A_2184 = arith.constant 0 : i32
    %dma_wait3A_2185 = tpu.memref_slice %arg8[%dma_wait3A_2183, %dma_wait3A_2184] : memref<512x64xf32, #tpu.memory_space<vmem>> -> memref<256x64xf32, #tpu.memory_space<vmem>>
    %dma_wait3A_2186 = arith.constant 0 : i32
    %dma_wait3A_2187 = tpu.memref_slice %arg5[%add3A_1888, %dma_wait3A_2186] : memref<262144x64xf32, #tpu.memory_space<hbm>> -> memref<256x64xf32, #tpu.memory_space<hbm>>
    %dma_wait3A_2188 = arith.constant 0 : i32
    %dma_wait3A_2189 = tpu.memref_slice %arg5[%add3A_1888, %dma_wait3A_2188] : memref<262144x64xf32, #tpu.memory_space<hbm>> -> memref<256x64xf32, #tpu.memory_space<hbm>>
    %dma_wait3A_2190 = arith.constant 0 : i32
    %dma_wait3A_2191 = arith.constant 0 : i32
    %dma_wait3A_2192 = tpu.memref_slice %arg8[%dma_wait3A_2190, %dma_wait3A_2191] : memref<512x64xf32, #tpu.memory_space<vmem>> -> memref<256x64xf32, #tpu.memory_space<vmem>>
    tpu.wait_dma2 semaphore(%arg11 : memref<!tpu.dma_semaphore, #tpu.memory_space<semaphore_mem>>) src(%dma_wait3A_2192 : memref<256x64xf32, #tpu.memory_space<vmem>>) dst(%dma_wait3A_2189 : memref<256x64xf32, #tpu.memory_space<hbm>>)
    %dma_wait3A_2193 = arith.constant 0 : i32
    %dma_wait3A_2194 = arith.constant 0 : i32
    %dma_wait3A_2195 = tpu.memref_slice %arg9[%dma_wait3A_2193, %dma_wait3A_2194] : memref<512x64xf32, #tpu.memory_space<vmem>> -> memref<256x64xf32, #tpu.memory_space<vmem>>
    %dma_wait3A_2196 = arith.constant 0 : i32
    %dma_wait3A_2197 = tpu.memref_slice %arg6[%add3A_1888, %dma_wait3A_2196] : memref<262144x64xf32, #tpu.memory_space<hbm>> -> memref<256x64xf32, #tpu.memory_space<hbm>>
    %dma_wait3A_2198 = arith.constant 0 : i32
    %dma_wait3A_2199 = tpu.memref_slice %arg6[%add3A_1888, %dma_wait3A_2198] : memref<262144x64xf32, #tpu.memory_space<hbm>> -> memref<256x64xf32, #tpu.memory_space<hbm>>
    %dma_wait3A_2200 = arith.constant 0 : i32
    %dma_wait3A_2201 = arith.constant 0 : i32
    %dma_wait3A_2202 = tpu.memref_slice %arg9[%dma_wait3A_2200, %dma_wait3A_2201] : memref<512x64xf32, #tpu.memory_space<vmem>> -> memref<256x64xf32, #tpu.memory_space<vmem>>
    tpu.wait_dma2 semaphore(%arg11 : memref<!tpu.dma_semaphore, #tpu.memory_space<semaphore_mem>>) src(%dma_wait3A_2202 : memref<256x64xf32, #tpu.memory_space<vmem>>) dst(%dma_wait3A_2199 : memref<256x64xf32, #tpu.memory_space<hbm>>)
    %dma_wait3A_2203 = arith.constant 0 : i32
    %dma_wait3A_2204 = arith.constant 0 : i32
    %dma_wait3A_2205 = tpu.memref_slice %arg8[%dma_wait3A_2203, %dma_wait3A_2204] : memref<512x64xf32, #tpu.memory_space<vmem>> -> memref<256x64xf32, #tpu.memory_space<vmem>>
    %dma_wait3A_2206 = arith.constant 0 : i32
    %dma_wait3A_2207 = tpu.memref_slice %arg5[%add3A_1918, %dma_wait3A_2206] : memref<262144x64xf32, #tpu.memory_space<hbm>> -> memref<256x64xf32, #tpu.memory_space<hbm>>
    %dma_wait3A_2208 = arith.constant 0 : i32
    %dma_wait3A_2209 = tpu.memref_slice %arg5[%add3A_1918, %dma_wait3A_2208] : memref<262144x64xf32, #tpu.memory_space<hbm>> -> memref<256x64xf32, #tpu.memory_space<hbm>>
    %dma_wait3A_2210 = arith.constant 0 : i32
    %dma_wait3A_2211 = arith.constant 0 : i32
    %dma_wait3A_2212 = tpu.memref_slice %arg8[%dma_wait3A_2210, %dma_wait3A_2211] : memref<512x64xf32, #tpu.memory_space<vmem>> -> memref<256x64xf32, #tpu.memory_space<vmem>>
    tpu.wait_dma2 semaphore(%arg11 : memref<!tpu.dma_semaphore, #tpu.memory_space<semaphore_mem>>) src(%dma_wait3A_2212 : memref<256x64xf32, #tpu.memory_space<vmem>>) dst(%dma_wait3A_2209 : memref<256x64xf32, #tpu.memory_space<hbm>>)
    %dma_wait3A_2213 = arith.constant 0 : i32
    %dma_wait3A_2214 = arith.constant 0 : i32
    %dma_wait3A_2215 = tpu.memref_slice %arg9[%dma_wait3A_2213, %dma_wait3A_2214] : memref<512x64xf32, #tpu.memory_space<vmem>> -> memref<256x64xf32, #tpu.memory_space<vmem>>
    %dma_wait3A_2216 = arith.constant 0 : i32
    %dma_wait3A_2217 = tpu.memref_slice %arg6[%add3A_1918, %dma_wait3A_2216] : memref<262144x64xf32, #tpu.memory_space<hbm>> -> memref<256x64xf32, #tpu.memory_space<hbm>>
    %dma_wait3A_2218 = arith.constant 0 : i32
    %dma_wait3A_2219 = tpu.memref_slice %arg6[%add3A_1918, %dma_wait3A_2218] : memref<262144x64xf32, #tpu.memory_space<hbm>> -> memref<256x64xf32, #tpu.memory_space<hbm>>
    %dma_wait3A_2220 = arith.constant 0 : i32
    %dma_wait3A_2221 = arith.constant 0 : i32
    %dma_wait3A_2222 = tpu.memref_slice %arg9[%dma_wait3A_2220, %dma_wait3A_2221] : memref<512x64xf32, #tpu.memory_space<vmem>> -> memref<256x64xf32, #tpu.memory_space<vmem>>
    tpu.wait_dma2 semaphore(%arg11 : memref<!tpu.dma_semaphore, #tpu.memory_space<semaphore_mem>>) src(%dma_wait3A_2222 : memref<256x64xf32, #tpu.memory_space<vmem>>) dst(%dma_wait3A_2219 : memref<256x64xf32, #tpu.memory_space<hbm>>)
    %dma_start3A_2223 = arith.constant 4 : i32
    %dma_start3A_2224 = arith.constant 0 : i32
    %dma_start3A_2225 = arith.constant 0 : i32
    %dma_start3A_2226 = tpu.memref_slice %arg8[%dma_start3A_2224, %dma_start3A_2225] : memref<512x64xf32, #tpu.memory_space<vmem>> -> memref<128x64xf32, #tpu.memory_space<vmem>>
    %dma_start3A_2227 = arith.constant 0 : i32
    %dma_start3A_2228 = tpu.memref_slice %arg7[%dma_start3A_2223, %dma_start3A_2227] : memref<16x128xi32, #tpu.memory_space<vmem>> -> memref<1x128xi32, #tpu.memory_space<vmem>>
    %dma_start3A_2229 = tpu.memref_squeeze %dma_start3A_2228 : memref<1x128xi32, #tpu.memory_space<vmem>> -> memref<128xi32, #tpu.memory_space<vmem>>
    %dma_start3A_2230 = arith.constant 0 : i32
    %dma_start3A_2231 = arith.constant 0 : i32
    %dma_start3A_2232 = tpu.memref_slice %arg3[%dma_start3A_2230, %dma_start3A_2231] : memref<68x64xf32, #tpu.memory_space<hbm>> -> memref<68x64xf32, #tpu.memory_space<hbm>>
    tpu.enqueue_indirect_dma source(%dma_start3A_2232 : memref<68x64xf32, #tpu.memory_space<hbm>>) target(%dma_start3A_2226 : memref<128x64xf32, #tpu.memory_space<vmem>>) offsets(%dma_start3A_2229 : memref<128xi32, #tpu.memory_space<vmem>>) semaphore(%arg10 : memref<!tpu.dma_semaphore, #tpu.memory_space<semaphore_mem>>)
    %dma_start3A_2233 = arith.constant 4 : i32
    %dma_start3A_2234 = arith.constant 0 : i32
    %dma_start3A_2235 = arith.constant 0 : i32
    %dma_start3A_2236 = tpu.memref_slice %arg9[%dma_start3A_2234, %dma_start3A_2235] : memref<512x64xf32, #tpu.memory_space<vmem>> -> memref<128x64xf32, #tpu.memory_space<vmem>>
    %dma_start3A_2237 = arith.constant 0 : i32
    %dma_start3A_2238 = tpu.memref_slice %arg7[%dma_start3A_2233, %dma_start3A_2237] : memref<16x128xi32, #tpu.memory_space<vmem>> -> memref<1x128xi32, #tpu.memory_space<vmem>>
    %dma_start3A_2239 = tpu.memref_squeeze %dma_start3A_2238 : memref<1x128xi32, #tpu.memory_space<vmem>> -> memref<128xi32, #tpu.memory_space<vmem>>
    %dma_start3A_2240 = arith.constant 0 : i32
    %dma_start3A_2241 = arith.constant 0 : i32
    %dma_start3A_2242 = tpu.memref_slice %arg4[%dma_start3A_2240, %dma_start3A_2241] : memref<68x64xf32, #tpu.memory_space<hbm>> -> memref<68x64xf32, #tpu.memory_space<hbm>>
    tpu.enqueue_indirect_dma source(%dma_start3A_2242 : memref<68x64xf32, #tpu.memory_space<hbm>>) target(%dma_start3A_2236 : memref<128x64xf32, #tpu.memory_space<vmem>>) offsets(%dma_start3A_2239 : memref<128xi32, #tpu.memory_space<vmem>>) semaphore(%arg10 : memref<!tpu.dma_semaphore, #tpu.memory_space<semaphore_mem>>)
    %dma_start3A_2243 = arith.constant 5 : i32
    %dma_start3A_2244 = arith.constant 128 : i32
    %dma_start3A_2245 = arith.constant 0 : i32
    %dma_start3A_2246 = tpu.memref_slice %arg8[%dma_start3A_2244, %dma_start3A_2245] : memref<512x64xf32, #tpu.memory_space<vmem>> -> memref<128x64xf32, #tpu.memory_space<vmem>>
    %dma_start3A_2247 = arith.constant 0 : i32
    %dma_start3A_2248 = tpu.memref_slice %arg7[%dma_start3A_2243, %dma_start3A_2247] : memref<16x128xi32, #tpu.memory_space<vmem>> -> memref<1x128xi32, #tpu.memory_space<vmem>>
    %dma_start3A_2249 = tpu.memref_squeeze %dma_start3A_2248 : memref<1x128xi32, #tpu.memory_space<vmem>> -> memref<128xi32, #tpu.memory_space<vmem>>
    %dma_start3A_2250 = arith.constant 0 : i32
    %dma_start3A_2251 = arith.constant 0 : i32
    %dma_start3A_2252 = tpu.memref_slice %arg3[%dma_start3A_2250, %dma_start3A_2251] : memref<68x64xf32, #tpu.memory_space<hbm>> -> memref<68x64xf32, #tpu.memory_space<hbm>>
    tpu.enqueue_indirect_dma source(%dma_start3A_2252 : memref<68x64xf32, #tpu.memory_space<hbm>>) target(%dma_start3A_2246 : memref<128x64xf32, #tpu.memory_space<vmem>>) offsets(%dma_start3A_2249 : memref<128xi32, #tpu.memory_space<vmem>>) semaphore(%arg10 : memref<!tpu.dma_semaphore, #tpu.memory_space<semaphore_mem>>)
    %dma_start3A_2253 = arith.constant 5 : i32
    %dma_start3A_2254 = arith.constant 128 : i32
    %dma_start3A_2255 = arith.constant 0 : i32
    %dma_start3A_2256 = tpu.memref_slice %arg9[%dma_start3A_2254, %dma_start3A_2255] : memref<512x64xf32, #tpu.memory_space<vmem>> -> memref<128x64xf32, #tpu.memory_space<vmem>>
    %dma_start3A_2257 = arith.constant 0 : i32
    %dma_start3A_2258 = tpu.memref_slice %arg7[%dma_start3A_2253, %dma_start3A_2257] : memref<16x128xi32, #tpu.memory_space<vmem>> -> memref<1x128xi32, #tpu.memory_space<vmem>>
    %dma_start3A_2259 = tpu.memref_squeeze %dma_start3A_2258 : memref<1x128xi32, #tpu.memory_space<vmem>> -> memref<128xi32, #tpu.memory_space<vmem>>
    %dma_start3A_2260 = arith.constant 0 : i32
    %dma_start3A_2261 = arith.constant 0 : i32
    %dma_start3A_2262 = tpu.memref_slice %arg4[%dma_start3A_2260, %dma_start3A_2261] : memref<68x64xf32, #tpu.memory_space<hbm>> -> memref<68x64xf32, #tpu.memory_space<hbm>>
    tpu.enqueue_indirect_dma source(%dma_start3A_2262 : memref<68x64xf32, #tpu.memory_space<hbm>>) target(%dma_start3A_2256 : memref<128x64xf32, #tpu.memory_space<vmem>>) offsets(%dma_start3A_2259 : memref<128xi32, #tpu.memory_space<vmem>>) semaphore(%arg10 : memref<!tpu.dma_semaphore, #tpu.memory_space<semaphore_mem>>)
    %dma_wait3A_2263 = arith.constant 4 : i32
    %dma_wait3A_2264 = arith.constant 0 : i32
    %dma_wait3A_2265 = arith.constant 0 : i32
    %dma_wait3A_2266 = tpu.memref_slice %arg8[%dma_wait3A_2264, %dma_wait3A_2265] : memref<512x64xf32, #tpu.memory_space<vmem>> -> memref<128x64xf32, #tpu.memory_space<vmem>>
    %dma_wait3A_2267 = arith.constant 0 : i32
    %dma_wait3A_2268 = tpu.memref_slice %arg7[%dma_wait3A_2263, %dma_wait3A_2267] : memref<16x128xi32, #tpu.memory_space<vmem>> -> memref<1x128xi32, #tpu.memory_space<vmem>>
    %dma_wait3A_2269 = tpu.memref_squeeze %dma_wait3A_2268 : memref<1x128xi32, #tpu.memory_space<vmem>> -> memref<128xi32, #tpu.memory_space<vmem>>
    %dma_wait3A_2270 = arith.constant 0 : i32
    %dma_wait3A_2271 = arith.constant 0 : i32
    %dma_wait3A_2272 = tpu.memref_slice %arg3[%dma_wait3A_2270, %dma_wait3A_2271] : memref<68x64xf32, #tpu.memory_space<hbm>> -> memref<68x64xf32, #tpu.memory_space<hbm>>
    tpu.wait_indirect_dma semaphore(%arg10 : memref<!tpu.dma_semaphore, #tpu.memory_space<semaphore_mem>>) src(%dma_wait3A_2272 : memref<68x64xf32, #tpu.memory_space<hbm>>) dst(%dma_wait3A_2266 : memref<128x64xf32, #tpu.memory_space<vmem>>)
    %dma_wait3A_2273 = arith.constant 4 : i32
    %dma_wait3A_2274 = arith.constant 0 : i32
    %dma_wait3A_2275 = arith.constant 0 : i32
    %dma_wait3A_2276 = tpu.memref_slice %arg9[%dma_wait3A_2274, %dma_wait3A_2275] : memref<512x64xf32, #tpu.memory_space<vmem>> -> memref<128x64xf32, #tpu.memory_space<vmem>>
    %dma_wait3A_2277 = arith.constant 0 : i32
    %dma_wait3A_2278 = tpu.memref_slice %arg7[%dma_wait3A_2273, %dma_wait3A_2277] : memref<16x128xi32, #tpu.memory_space<vmem>> -> memref<1x128xi32, #tpu.memory_space<vmem>>
    %dma_wait3A_2279 = tpu.memref_squeeze %dma_wait3A_2278 : memref<1x128xi32, #tpu.memory_space<vmem>> -> memref<128xi32, #tpu.memory_space<vmem>>
    %dma_wait3A_2280 = arith.constant 0 : i32
    %dma_wait3A_2281 = arith.constant 0 : i32
    %dma_wait3A_2282 = tpu.memref_slice %arg4[%dma_wait3A_2280, %dma_wait3A_2281] : memref<68x64xf32, #tpu.memory_space<hbm>> -> memref<68x64xf32, #tpu.memory_space<hbm>>
    tpu.wait_indirect_dma semaphore(%arg10 : memref<!tpu.dma_semaphore, #tpu.memory_space<semaphore_mem>>) src(%dma_wait3A_2282 : memref<68x64xf32, #tpu.memory_space<hbm>>) dst(%dma_wait3A_2276 : memref<128x64xf32, #tpu.memory_space<vmem>>)
    %dma_wait3A_2283 = arith.constant 5 : i32
    %dma_wait3A_2284 = arith.constant 128 : i32
    %dma_wait3A_2285 = arith.constant 0 : i32
    %dma_wait3A_2286 = tpu.memref_slice %arg8[%dma_wait3A_2284, %dma_wait3A_2285] : memref<512x64xf32, #tpu.memory_space<vmem>> -> memref<128x64xf32, #tpu.memory_space<vmem>>
    %dma_wait3A_2287 = arith.constant 0 : i32
    %dma_wait3A_2288 = tpu.memref_slice %arg7[%dma_wait3A_2283, %dma_wait3A_2287] : memref<16x128xi32, #tpu.memory_space<vmem>> -> memref<1x128xi32, #tpu.memory_space<vmem>>
    %dma_wait3A_2289 = tpu.memref_squeeze %dma_wait3A_2288 : memref<1x128xi32, #tpu.memory_space<vmem>> -> memref<128xi32, #tpu.memory_space<vmem>>
    %dma_wait3A_2290 = arith.constant 0 : i32
    %dma_wait3A_2291 = arith.constant 0 : i32
    %dma_wait3A_2292 = tpu.memref_slice %arg3[%dma_wait3A_2290, %dma_wait3A_2291] : memref<68x64xf32, #tpu.memory_space<hbm>> -> memref<68x64xf32, #tpu.memory_space<hbm>>
    tpu.wait_indirect_dma semaphore(%arg10 : memref<!tpu.dma_semaphore, #tpu.memory_space<semaphore_mem>>) src(%dma_wait3A_2292 : memref<68x64xf32, #tpu.memory_space<hbm>>) dst(%dma_wait3A_2286 : memref<128x64xf32, #tpu.memory_space<vmem>>)
    %dma_wait3A_2293 = arith.constant 5 : i32
    %dma_wait3A_2294 = arith.constant 128 : i32
    %dma_wait3A_2295 = arith.constant 0 : i32
    %dma_wait3A_2296 = tpu.memref_slice %arg9[%dma_wait3A_2294, %dma_wait3A_2295] : memref<512x64xf32, #tpu.memory_space<vmem>> -> memref<128x64xf32, #tpu.memory_space<vmem>>
    %dma_wait3A_2297 = arith.constant 0 : i32
    %dma_wait3A_2298 = tpu.memref_slice %arg7[%dma_wait3A_2293, %dma_wait3A_2297] : memref<16x128xi32, #tpu.memory_space<vmem>> -> memref<1x128xi32, #tpu.memory_space<vmem>>
    %dma_wait3A_2299 = tpu.memref_squeeze %dma_wait3A_2298 : memref<1x128xi32, #tpu.memory_space<vmem>> -> memref<128xi32, #tpu.memory_space<vmem>>
    %dma_wait3A_2300 = arith.constant 0 : i32
    %dma_wait3A_2301 = arith.constant 0 : i32
    %dma_wait3A_2302 = tpu.memref_slice %arg4[%dma_wait3A_2300, %dma_wait3A_2301] : memref<68x64xf32, #tpu.memory_space<hbm>> -> memref<68x64xf32, #tpu.memory_space<hbm>>
    tpu.wait_indirect_dma semaphore(%arg10 : memref<!tpu.dma_semaphore, #tpu.memory_space<semaphore_mem>>) src(%dma_wait3A_2302 : memref<68x64xf32, #tpu.memory_space<hbm>>) dst(%dma_wait3A_2296 : memref<128x64xf32, #tpu.memory_space<vmem>>)
    %mul3A_2303 = arith.constant 2048 : i32
    %mul3A_2304 = arith.muli %select_n3A_30, %mul3A_2303 : i32
    %add3A_2305 = arith.constant 512 : i32
    %add3A_2306 = arith.addi %mul3A_2304, %add3A_2305 : i32
    %mul3A_2307 = arith.constant 8 : i32
    %mul3A_2308 = arith.muli %select_n3A_70, %mul3A_2307 : i32
    %mul3A_2309 = arith.constant 4 : i32
    %mul3A_2310 = arith.muli %select_n3A_54, %mul3A_2309 : i32
    %add3A_2311 = arith.addi %mul3A_2308, %mul3A_2310 : i32
    %add3A_2312 = arith.constant 0 : i32
    %add3A_2313 = arith.addi %add3A_2311, %add3A_2312 : i32
    %mul3A_2314 = arith.constant 16384 : i32
    %mul3A_2315 = arith.muli %add3A_2313, %mul3A_2314 : i32
    %add3A_2316 = arith.addi %mul3A_2315, %add3A_2306 : i32
    %dma_start3A_2317 = arith.constant 0 : i32
    %dma_start3A_2318 = arith.constant 0 : i32
    %dma_start3A_2319 = tpu.memref_slice %arg8[%dma_start3A_2317, %dma_start3A_2318] : memref<512x64xf32, #tpu.memory_space<vmem>> -> memref<256x64xf32, #tpu.memory_space<vmem>>
    %dma_start3A_2320 = arith.constant 0 : i32
    %dma_start3A_2321 = tpu.memref_slice %arg5[%add3A_2316, %dma_start3A_2320] : memref<262144x64xf32, #tpu.memory_space<hbm>> -> memref<256x64xf32, #tpu.memory_space<hbm>>
    %dma_start3A_2322 = arith.constant 0 : i32
    %dma_start3A_2323 = tpu.memref_slice %arg5[%add3A_2316, %dma_start3A_2322] : memref<262144x64xf32, #tpu.memory_space<hbm>> -> memref<256x64xf32, #tpu.memory_space<hbm>>
    %dma_start3A_2324 = arith.constant 0 : i32
    %dma_start3A_2325 = arith.constant 0 : i32
    %dma_start3A_2326 = tpu.memref_slice %arg8[%dma_start3A_2324, %dma_start3A_2325] : memref<512x64xf32, #tpu.memory_space<vmem>> -> memref<256x64xf32, #tpu.memory_space<vmem>>
    tpu.enqueue_dma source(%dma_start3A_2326 : memref<256x64xf32, #tpu.memory_space<vmem>>) target(%dma_start3A_2323 : memref<256x64xf32, #tpu.memory_space<hbm>>) target_semaphore(%arg11 : memref<!tpu.dma_semaphore, #tpu.memory_space<semaphore_mem>>)
    %dma_start3A_2327 = arith.constant 0 : i32
    %dma_start3A_2328 = arith.constant 0 : i32
    %dma_start3A_2329 = tpu.memref_slice %arg9[%dma_start3A_2327, %dma_start3A_2328] : memref<512x64xf32, #tpu.memory_space<vmem>> -> memref<256x64xf32, #tpu.memory_space<vmem>>
    %dma_start3A_2330 = arith.constant 0 : i32
    %dma_start3A_2331 = tpu.memref_slice %arg6[%add3A_2316, %dma_start3A_2330] : memref<262144x64xf32, #tpu.memory_space<hbm>> -> memref<256x64xf32, #tpu.memory_space<hbm>>
    %dma_start3A_2332 = arith.constant 0 : i32
    %dma_start3A_2333 = tpu.memref_slice %arg6[%add3A_2316, %dma_start3A_2332] : memref<262144x64xf32, #tpu.memory_space<hbm>> -> memref<256x64xf32, #tpu.memory_space<hbm>>
    %dma_start3A_2334 = arith.constant 0 : i32
    %dma_start3A_2335 = arith.constant 0 : i32
    %dma_start3A_2336 = tpu.memref_slice %arg9[%dma_start3A_2334, %dma_start3A_2335] : memref<512x64xf32, #tpu.memory_space<vmem>> -> memref<256x64xf32, #tpu.memory_space<vmem>>
    tpu.enqueue_dma source(%dma_start3A_2336 : memref<256x64xf32, #tpu.memory_space<vmem>>) target(%dma_start3A_2333 : memref<256x64xf32, #tpu.memory_space<hbm>>) target_semaphore(%arg11 : memref<!tpu.dma_semaphore, #tpu.memory_space<semaphore_mem>>)
    %mul3A_2337 = arith.constant 8 : i32
    %mul3A_2338 = arith.muli %select_n3A_70, %mul3A_2337 : i32
    %mul3A_2339 = arith.constant 4 : i32
    %mul3A_2340 = arith.muli %select_n3A_54, %mul3A_2339 : i32
    %add3A_2341 = arith.addi %mul3A_2338, %mul3A_2340 : i32
    %add3A_2342 = arith.constant 1 : i32
    %add3A_2343 = arith.addi %add3A_2341, %add3A_2342 : i32
    %mul3A_2344 = arith.constant 16384 : i32
    %mul3A_2345 = arith.muli %add3A_2343, %mul3A_2344 : i32
    %add3A_2346 = arith.addi %mul3A_2345, %add3A_2306 : i32
    %dma_start3A_2347 = arith.constant 0 : i32
    %dma_start3A_2348 = arith.constant 0 : i32
    %dma_start3A_2349 = tpu.memref_slice %arg8[%dma_start3A_2347, %dma_start3A_2348] : memref<512x64xf32, #tpu.memory_space<vmem>> -> memref<256x64xf32, #tpu.memory_space<vmem>>
    %dma_start3A_2350 = arith.constant 0 : i32
    %dma_start3A_2351 = tpu.memref_slice %arg5[%add3A_2346, %dma_start3A_2350] : memref<262144x64xf32, #tpu.memory_space<hbm>> -> memref<256x64xf32, #tpu.memory_space<hbm>>
    %dma_start3A_2352 = arith.constant 0 : i32
    %dma_start3A_2353 = tpu.memref_slice %arg5[%add3A_2346, %dma_start3A_2352] : memref<262144x64xf32, #tpu.memory_space<hbm>> -> memref<256x64xf32, #tpu.memory_space<hbm>>
    %dma_start3A_2354 = arith.constant 0 : i32
    %dma_start3A_2355 = arith.constant 0 : i32
    %dma_start3A_2356 = tpu.memref_slice %arg8[%dma_start3A_2354, %dma_start3A_2355] : memref<512x64xf32, #tpu.memory_space<vmem>> -> memref<256x64xf32, #tpu.memory_space<vmem>>
    tpu.enqueue_dma source(%dma_start3A_2356 : memref<256x64xf32, #tpu.memory_space<vmem>>) target(%dma_start3A_2353 : memref<256x64xf32, #tpu.memory_space<hbm>>) target_semaphore(%arg11 : memref<!tpu.dma_semaphore, #tpu.memory_space<semaphore_mem>>)
    %dma_start3A_2357 = arith.constant 0 : i32
    %dma_start3A_2358 = arith.constant 0 : i32
    %dma_start3A_2359 = tpu.memref_slice %arg9[%dma_start3A_2357, %dma_start3A_2358] : memref<512x64xf32, #tpu.memory_space<vmem>> -> memref<256x64xf32, #tpu.memory_space<vmem>>
    %dma_start3A_2360 = arith.constant 0 : i32
    %dma_start3A_2361 = tpu.memref_slice %arg6[%add3A_2346, %dma_start3A_2360] : memref<262144x64xf32, #tpu.memory_space<hbm>> -> memref<256x64xf32, #tpu.memory_space<hbm>>
    %dma_start3A_2362 = arith.constant 0 : i32
    %dma_start3A_2363 = tpu.memref_slice %arg6[%add3A_2346, %dma_start3A_2362] : memref<262144x64xf32, #tpu.memory_space<hbm>> -> memref<256x64xf32, #tpu.memory_space<hbm>>
    %dma_start3A_2364 = arith.constant 0 : i32
    %dma_start3A_2365 = arith.constant 0 : i32
    %dma_start3A_2366 = tpu.memref_slice %arg9[%dma_start3A_2364, %dma_start3A_2365] : memref<512x64xf32, #tpu.memory_space<vmem>> -> memref<256x64xf32, #tpu.memory_space<vmem>>
    tpu.enqueue_dma source(%dma_start3A_2366 : memref<256x64xf32, #tpu.memory_space<vmem>>) target(%dma_start3A_2363 : memref<256x64xf32, #tpu.memory_space<hbm>>) target_semaphore(%arg11 : memref<!tpu.dma_semaphore, #tpu.memory_space<semaphore_mem>>)
    %mul3A_2367 = arith.constant 8 : i32
    %mul3A_2368 = arith.muli %select_n3A_70, %mul3A_2367 : i32
    %mul3A_2369 = arith.constant 4 : i32
    %mul3A_2370 = arith.muli %select_n3A_54, %mul3A_2369 : i32
    %add3A_2371 = arith.addi %mul3A_2368, %mul3A_2370 : i32
    %add3A_2372 = arith.constant 2 : i32
    %add3A_2373 = arith.addi %add3A_2371, %add3A_2372 : i32
    %mul3A_2374 = arith.constant 16384 : i32
    %mul3A_2375 = arith.muli %add3A_2373, %mul3A_2374 : i32
    %add3A_2376 = arith.addi %mul3A_2375, %add3A_2306 : i32
    %dma_start3A_2377 = arith.constant 0 : i32
    %dma_start3A_2378 = arith.constant 0 : i32
    %dma_start3A_2379 = tpu.memref_slice %arg8[%dma_start3A_2377, %dma_start3A_2378] : memref<512x64xf32, #tpu.memory_space<vmem>> -> memref<256x64xf32, #tpu.memory_space<vmem>>
    %dma_start3A_2380 = arith.constant 0 : i32
    %dma_start3A_2381 = tpu.memref_slice %arg5[%add3A_2376, %dma_start3A_2380] : memref<262144x64xf32, #tpu.memory_space<hbm>> -> memref<256x64xf32, #tpu.memory_space<hbm>>
    %dma_start3A_2382 = arith.constant 0 : i32
    %dma_start3A_2383 = tpu.memref_slice %arg5[%add3A_2376, %dma_start3A_2382] : memref<262144x64xf32, #tpu.memory_space<hbm>> -> memref<256x64xf32, #tpu.memory_space<hbm>>
    %dma_start3A_2384 = arith.constant 0 : i32
    %dma_start3A_2385 = arith.constant 0 : i32
    %dma_start3A_2386 = tpu.memref_slice %arg8[%dma_start3A_2384, %dma_start3A_2385] : memref<512x64xf32, #tpu.memory_space<vmem>> -> memref<256x64xf32, #tpu.memory_space<vmem>>
    tpu.enqueue_dma source(%dma_start3A_2386 : memref<256x64xf32, #tpu.memory_space<vmem>>) target(%dma_start3A_2383 : memref<256x64xf32, #tpu.memory_space<hbm>>) target_semaphore(%arg11 : memref<!tpu.dma_semaphore, #tpu.memory_space<semaphore_mem>>)
    %dma_start3A_2387 = arith.constant 0 : i32
    %dma_start3A_2388 = arith.constant 0 : i32
    %dma_start3A_2389 = tpu.memref_slice %arg9[%dma_start3A_2387, %dma_start3A_2388] : memref<512x64xf32, #tpu.memory_space<vmem>> -> memref<256x64xf32, #tpu.memory_space<vmem>>
    %dma_start3A_2390 = arith.constant 0 : i32
    %dma_start3A_2391 = tpu.memref_slice %arg6[%add3A_2376, %dma_start3A_2390] : memref<262144x64xf32, #tpu.memory_space<hbm>> -> memref<256x64xf32, #tpu.memory_space<hbm>>
    %dma_start3A_2392 = arith.constant 0 : i32
    %dma_start3A_2393 = tpu.memref_slice %arg6[%add3A_2376, %dma_start3A_2392] : memref<262144x64xf32, #tpu.memory_space<hbm>> -> memref<256x64xf32, #tpu.memory_space<hbm>>
    %dma_start3A_2394 = arith.constant 0 : i32
    %dma_start3A_2395 = arith.constant 0 : i32
    %dma_start3A_2396 = tpu.memref_slice %arg9[%dma_start3A_2394, %dma_start3A_2395] : memref<512x64xf32, #tpu.memory_space<vmem>> -> memref<256x64xf32, #tpu.memory_space<vmem>>
    tpu.enqueue_dma source(%dma_start3A_2396 : memref<256x64xf32, #tpu.memory_space<vmem>>) target(%dma_start3A_2393 : memref<256x64xf32, #tpu.memory_space<hbm>>) target_semaphore(%arg11 : memref<!tpu.dma_semaphore, #tpu.memory_space<semaphore_mem>>)
    %mul3A_2397 = arith.constant 8 : i32
    %mul3A_2398 = arith.muli %select_n3A_70, %mul3A_2397 : i32
    %mul3A_2399 = arith.constant 4 : i32
    %mul3A_2400 = arith.muli %select_n3A_54, %mul3A_2399 : i32
    %add3A_2401 = arith.addi %mul3A_2398, %mul3A_2400 : i32
    %add3A_2402 = arith.constant 3 : i32
    %add3A_2403 = arith.addi %add3A_2401, %add3A_2402 : i32
    %mul3A_2404 = arith.constant 16384 : i32
    %mul3A_2405 = arith.muli %add3A_2403, %mul3A_2404 : i32
    %add3A_2406 = arith.addi %mul3A_2405, %add3A_2306 : i32
    %dma_start3A_2407 = arith.constant 0 : i32
    %dma_start3A_2408 = arith.constant 0 : i32
    %dma_start3A_2409 = tpu.memref_slice %arg8[%dma_start3A_2407, %dma_start3A_2408] : memref<512x64xf32, #tpu.memory_space<vmem>> -> memref<256x64xf32, #tpu.memory_space<vmem>>
    %dma_start3A_2410 = arith.constant 0 : i32
    %dma_start3A_2411 = tpu.memref_slice %arg5[%add3A_2406, %dma_start3A_2410] : memref<262144x64xf32, #tpu.memory_space<hbm>> -> memref<256x64xf32, #tpu.memory_space<hbm>>
    %dma_start3A_2412 = arith.constant 0 : i32
    %dma_start3A_2413 = tpu.memref_slice %arg5[%add3A_2406, %dma_start3A_2412] : memref<262144x64xf32, #tpu.memory_space<hbm>> -> memref<256x64xf32, #tpu.memory_space<hbm>>
    %dma_start3A_2414 = arith.constant 0 : i32
    %dma_start3A_2415 = arith.constant 0 : i32
    %dma_start3A_2416 = tpu.memref_slice %arg8[%dma_start3A_2414, %dma_start3A_2415] : memref<512x64xf32, #tpu.memory_space<vmem>> -> memref<256x64xf32, #tpu.memory_space<vmem>>
    tpu.enqueue_dma source(%dma_start3A_2416 : memref<256x64xf32, #tpu.memory_space<vmem>>) target(%dma_start3A_2413 : memref<256x64xf32, #tpu.memory_space<hbm>>) target_semaphore(%arg11 : memref<!tpu.dma_semaphore, #tpu.memory_space<semaphore_mem>>)
    %dma_start3A_2417 = arith.constant 0 : i32
    %dma_start3A_2418 = arith.constant 0 : i32
    %dma_start3A_2419 = tpu.memref_slice %arg9[%dma_start3A_2417, %dma_start3A_2418] : memref<512x64xf32, #tpu.memory_space<vmem>> -> memref<256x64xf32, #tpu.memory_space<vmem>>
    %dma_start3A_2420 = arith.constant 0 : i32
    %dma_start3A_2421 = tpu.memref_slice %arg6[%add3A_2406, %dma_start3A_2420] : memref<262144x64xf32, #tpu.memory_space<hbm>> -> memref<256x64xf32, #tpu.memory_space<hbm>>
    %dma_start3A_2422 = arith.constant 0 : i32
    %dma_start3A_2423 = tpu.memref_slice %arg6[%add3A_2406, %dma_start3A_2422] : memref<262144x64xf32, #tpu.memory_space<hbm>> -> memref<256x64xf32, #tpu.memory_space<hbm>>
    %dma_start3A_2424 = arith.constant 0 : i32
    %dma_start3A_2425 = arith.constant 0 : i32
    %dma_start3A_2426 = tpu.memref_slice %arg9[%dma_start3A_2424, %dma_start3A_2425] : memref<512x64xf32, #tpu.memory_space<vmem>> -> memref<256x64xf32, #tpu.memory_space<vmem>>
    tpu.enqueue_dma source(%dma_start3A_2426 : memref<256x64xf32, #tpu.memory_space<vmem>>) target(%dma_start3A_2423 : memref<256x64xf32, #tpu.memory_space<hbm>>) target_semaphore(%arg11 : memref<!tpu.dma_semaphore, #tpu.memory_space<semaphore_mem>>)
    %dma_wait3A_2427 = arith.constant 256 : i32
    %dma_wait3A_2428 = arith.constant 0 : i32
    %dma_wait3A_2429 = tpu.memref_slice %arg8[%dma_wait3A_2427, %dma_wait3A_2428] : memref<512x64xf32, #tpu.memory_space<vmem>> -> memref<256x64xf32, #tpu.memory_space<vmem>>
    %dma_wait3A_2430 = arith.constant 0 : i32
    %dma_wait3A_2431 = tpu.memref_slice %arg5[%add3A_2032, %dma_wait3A_2430] : memref<262144x64xf32, #tpu.memory_space<hbm>> -> memref<256x64xf32, #tpu.memory_space<hbm>>
    %dma_wait3A_2432 = arith.constant 0 : i32
    %dma_wait3A_2433 = tpu.memref_slice %arg5[%add3A_2032, %dma_wait3A_2432] : memref<262144x64xf32, #tpu.memory_space<hbm>> -> memref<256x64xf32, #tpu.memory_space<hbm>>
    %dma_wait3A_2434 = arith.constant 256 : i32
    %dma_wait3A_2435 = arith.constant 0 : i32
    %dma_wait3A_2436 = tpu.memref_slice %arg8[%dma_wait3A_2434, %dma_wait3A_2435] : memref<512x64xf32, #tpu.memory_space<vmem>> -> memref<256x64xf32, #tpu.memory_space<vmem>>
    tpu.wait_dma2 semaphore(%arg12 : memref<!tpu.dma_semaphore, #tpu.memory_space<semaphore_mem>>) src(%dma_wait3A_2436 : memref<256x64xf32, #tpu.memory_space<vmem>>) dst(%dma_wait3A_2433 : memref<256x64xf32, #tpu.memory_space<hbm>>)
    %dma_wait3A_2437 = arith.constant 256 : i32
    %dma_wait3A_2438 = arith.constant 0 : i32
    %dma_wait3A_2439 = tpu.memref_slice %arg9[%dma_wait3A_2437, %dma_wait3A_2438] : memref<512x64xf32, #tpu.memory_space<vmem>> -> memref<256x64xf32, #tpu.memory_space<vmem>>
    %dma_wait3A_2440 = arith.constant 0 : i32
    %dma_wait3A_2441 = tpu.memref_slice %arg6[%add3A_2032, %dma_wait3A_2440] : memref<262144x64xf32, #tpu.memory_space<hbm>> -> memref<256x64xf32, #tpu.memory_space<hbm>>
    %dma_wait3A_2442 = arith.constant 0 : i32
    %dma_wait3A_2443 = tpu.memref_slice %arg6[%add3A_2032, %dma_wait3A_2442] : memref<262144x64xf32, #tpu.memory_space<hbm>> -> memref<256x64xf32, #tpu.memory_space<hbm>>
    %dma_wait3A_2444 = arith.constant 256 : i32
    %dma_wait3A_2445 = arith.constant 0 : i32
    %dma_wait3A_2446 = tpu.memref_slice %arg9[%dma_wait3A_2444, %dma_wait3A_2445] : memref<512x64xf32, #tpu.memory_space<vmem>> -> memref<256x64xf32, #tpu.memory_space<vmem>>
    tpu.wait_dma2 semaphore(%arg12 : memref<!tpu.dma_semaphore, #tpu.memory_space<semaphore_mem>>) src(%dma_wait3A_2446 : memref<256x64xf32, #tpu.memory_space<vmem>>) dst(%dma_wait3A_2443 : memref<256x64xf32, #tpu.memory_space<hbm>>)
    %dma_wait3A_2447 = arith.constant 256 : i32
    %dma_wait3A_2448 = arith.constant 0 : i32
    %dma_wait3A_2449 = tpu.memref_slice %arg8[%dma_wait3A_2447, %dma_wait3A_2448] : memref<512x64xf32, #tpu.memory_space<vmem>> -> memref<256x64xf32, #tpu.memory_space<vmem>>
    %dma_wait3A_2450 = arith.constant 0 : i32
    %dma_wait3A_2451 = tpu.memref_slice %arg5[%add3A_2062, %dma_wait3A_2450] : memref<262144x64xf32, #tpu.memory_space<hbm>> -> memref<256x64xf32, #tpu.memory_space<hbm>>
    %dma_wait3A_2452 = arith.constant 0 : i32
    %dma_wait3A_2453 = tpu.memref_slice %arg5[%add3A_2062, %dma_wait3A_2452] : memref<262144x64xf32, #tpu.memory_space<hbm>> -> memref<256x64xf32, #tpu.memory_space<hbm>>
    %dma_wait3A_2454 = arith.constant 256 : i32
    %dma_wait3A_2455 = arith.constant 0 : i32
    %dma_wait3A_2456 = tpu.memref_slice %arg8[%dma_wait3A_2454, %dma_wait3A_2455] : memref<512x64xf32, #tpu.memory_space<vmem>> -> memref<256x64xf32, #tpu.memory_space<vmem>>
    tpu.wait_dma2 semaphore(%arg12 : memref<!tpu.dma_semaphore, #tpu.memory_space<semaphore_mem>>) src(%dma_wait3A_2456 : memref<256x64xf32, #tpu.memory_space<vmem>>) dst(%dma_wait3A_2453 : memref<256x64xf32, #tpu.memory_space<hbm>>)
    %dma_wait3A_2457 = arith.constant 256 : i32
    %dma_wait3A_2458 = arith.constant 0 : i32
    %dma_wait3A_2459 = tpu.memref_slice %arg9[%dma_wait3A_2457, %dma_wait3A_2458] : memref<512x64xf32, #tpu.memory_space<vmem>> -> memref<256x64xf32, #tpu.memory_space<vmem>>
    %dma_wait3A_2460 = arith.constant 0 : i32
    %dma_wait3A_2461 = tpu.memref_slice %arg6[%add3A_2062, %dma_wait3A_2460] : memref<262144x64xf32, #tpu.memory_space<hbm>> -> memref<256x64xf32, #tpu.memory_space<hbm>>
    %dma_wait3A_2462 = arith.constant 0 : i32
    %dma_wait3A_2463 = tpu.memref_slice %arg6[%add3A_2062, %dma_wait3A_2462] : memref<262144x64xf32, #tpu.memory_space<hbm>> -> memref<256x64xf32, #tpu.memory_space<hbm>>
    %dma_wait3A_2464 = arith.constant 256 : i32
    %dma_wait3A_2465 = arith.constant 0 : i32
    %dma_wait3A_2466 = tpu.memref_slice %arg9[%dma_wait3A_2464, %dma_wait3A_2465] : memref<512x64xf32, #tpu.memory_space<vmem>> -> memref<256x64xf32, #tpu.memory_space<vmem>>
    tpu.wait_dma2 semaphore(%arg12 : memref<!tpu.dma_semaphore, #tpu.memory_space<semaphore_mem>>) src(%dma_wait3A_2466 : memref<256x64xf32, #tpu.memory_space<vmem>>) dst(%dma_wait3A_2463 : memref<256x64xf32, #tpu.memory_space<hbm>>)
    %dma_wait3A_2467 = arith.constant 256 : i32
    %dma_wait3A_2468 = arith.constant 0 : i32
    %dma_wait3A_2469 = tpu.memref_slice %arg8[%dma_wait3A_2467, %dma_wait3A_2468] : memref<512x64xf32, #tpu.memory_space<vmem>> -> memref<256x64xf32, #tpu.memory_space<vmem>>
    %dma_wait3A_2470 = arith.constant 0 : i32
    %dma_wait3A_2471 = tpu.memref_slice %arg5[%add3A_2092, %dma_wait3A_2470] : memref<262144x64xf32, #tpu.memory_space<hbm>> -> memref<256x64xf32, #tpu.memory_space<hbm>>
    %dma_wait3A_2472 = arith.constant 0 : i32
    %dma_wait3A_2473 = tpu.memref_slice %arg5[%add3A_2092, %dma_wait3A_2472] : memref<262144x64xf32, #tpu.memory_space<hbm>> -> memref<256x64xf32, #tpu.memory_space<hbm>>
    %dma_wait3A_2474 = arith.constant 256 : i32
    %dma_wait3A_2475 = arith.constant 0 : i32
    %dma_wait3A_2476 = tpu.memref_slice %arg8[%dma_wait3A_2474, %dma_wait3A_2475] : memref<512x64xf32, #tpu.memory_space<vmem>> -> memref<256x64xf32, #tpu.memory_space<vmem>>
    tpu.wait_dma2 semaphore(%arg12 : memref<!tpu.dma_semaphore, #tpu.memory_space<semaphore_mem>>) src(%dma_wait3A_2476 : memref<256x64xf32, #tpu.memory_space<vmem>>) dst(%dma_wait3A_2473 : memref<256x64xf32, #tpu.memory_space<hbm>>)
    %dma_wait3A_2477 = arith.constant 256 : i32
    %dma_wait3A_2478 = arith.constant 0 : i32
    %dma_wait3A_2479 = tpu.memref_slice %arg9[%dma_wait3A_2477, %dma_wait3A_2478] : memref<512x64xf32, #tpu.memory_space<vmem>> -> memref<256x64xf32, #tpu.memory_space<vmem>>
    %dma_wait3A_2480 = arith.constant 0 : i32
    %dma_wait3A_2481 = tpu.memref_slice %arg6[%add3A_2092, %dma_wait3A_2480] : memref<262144x64xf32, #tpu.memory_space<hbm>> -> memref<256x64xf32, #tpu.memory_space<hbm>>
    %dma_wait3A_2482 = arith.constant 0 : i32
    %dma_wait3A_2483 = tpu.memref_slice %arg6[%add3A_2092, %dma_wait3A_2482] : memref<262144x64xf32, #tpu.memory_space<hbm>> -> memref<256x64xf32, #tpu.memory_space<hbm>>
    %dma_wait3A_2484 = arith.constant 256 : i32
    %dma_wait3A_2485 = arith.constant 0 : i32
    %dma_wait3A_2486 = tpu.memref_slice %arg9[%dma_wait3A_2484, %dma_wait3A_2485] : memref<512x64xf32, #tpu.memory_space<vmem>> -> memref<256x64xf32, #tpu.memory_space<vmem>>
    tpu.wait_dma2 semaphore(%arg12 : memref<!tpu.dma_semaphore, #tpu.memory_space<semaphore_mem>>) src(%dma_wait3A_2486 : memref<256x64xf32, #tpu.memory_space<vmem>>) dst(%dma_wait3A_2483 : memref<256x64xf32, #tpu.memory_space<hbm>>)
    %dma_wait3A_2487 = arith.constant 256 : i32
    %dma_wait3A_2488 = arith.constant 0 : i32
    %dma_wait3A_2489 = tpu.memref_slice %arg8[%dma_wait3A_2487, %dma_wait3A_2488] : memref<512x64xf32, #tpu.memory_space<vmem>> -> memref<256x64xf32, #tpu.memory_space<vmem>>
    %dma_wait3A_2490 = arith.constant 0 : i32
    %dma_wait3A_2491 = tpu.memref_slice %arg5[%add3A_2122, %dma_wait3A_2490] : memref<262144x64xf32, #tpu.memory_space<hbm>> -> memref<256x64xf32, #tpu.memory_space<hbm>>
    %dma_wait3A_2492 = arith.constant 0 : i32
    %dma_wait3A_2493 = tpu.memref_slice %arg5[%add3A_2122, %dma_wait3A_2492] : memref<262144x64xf32, #tpu.memory_space<hbm>> -> memref<256x64xf32, #tpu.memory_space<hbm>>
    %dma_wait3A_2494 = arith.constant 256 : i32
    %dma_wait3A_2495 = arith.constant 0 : i32
    %dma_wait3A_2496 = tpu.memref_slice %arg8[%dma_wait3A_2494, %dma_wait3A_2495] : memref<512x64xf32, #tpu.memory_space<vmem>> -> memref<256x64xf32, #tpu.memory_space<vmem>>
    tpu.wait_dma2 semaphore(%arg12 : memref<!tpu.dma_semaphore, #tpu.memory_space<semaphore_mem>>) src(%dma_wait3A_2496 : memref<256x64xf32, #tpu.memory_space<vmem>>) dst(%dma_wait3A_2493 : memref<256x64xf32, #tpu.memory_space<hbm>>)
    %dma_wait3A_2497 = arith.constant 256 : i32
    %dma_wait3A_2498 = arith.constant 0 : i32
    %dma_wait3A_2499 = tpu.memref_slice %arg9[%dma_wait3A_2497, %dma_wait3A_2498] : memref<512x64xf32, #tpu.memory_space<vmem>> -> memref<256x64xf32, #tpu.memory_space<vmem>>
    %dma_wait3A_2500 = arith.constant 0 : i32
    %dma_wait3A_2501 = tpu.memref_slice %arg6[%add3A_2122, %dma_wait3A_2500] : memref<262144x64xf32, #tpu.memory_space<hbm>> -> memref<256x64xf32, #tpu.memory_space<hbm>>
    %dma_wait3A_2502 = arith.constant 0 : i32
    %dma_wait3A_2503 = tpu.memref_slice %arg6[%add3A_2122, %dma_wait3A_2502] : memref<262144x64xf32, #tpu.memory_space<hbm>> -> memref<256x64xf32, #tpu.memory_space<hbm>>
    %dma_wait3A_2504 = arith.constant 256 : i32
    %dma_wait3A_2505 = arith.constant 0 : i32
    %dma_wait3A_2506 = tpu.memref_slice %arg9[%dma_wait3A_2504, %dma_wait3A_2505] : memref<512x64xf32, #tpu.memory_space<vmem>> -> memref<256x64xf32, #tpu.memory_space<vmem>>
    tpu.wait_dma2 semaphore(%arg12 : memref<!tpu.dma_semaphore, #tpu.memory_space<semaphore_mem>>) src(%dma_wait3A_2506 : memref<256x64xf32, #tpu.memory_space<vmem>>) dst(%dma_wait3A_2503 : memref<256x64xf32, #tpu.memory_space<hbm>>)
    %dma_start3A_2507 = arith.constant 6 : i32
    %dma_start3A_2508 = arith.constant 256 : i32
    %dma_start3A_2509 = arith.constant 0 : i32
    %dma_start3A_2510 = tpu.memref_slice %arg8[%dma_start3A_2508, %dma_start3A_2509] : memref<512x64xf32, #tpu.memory_space<vmem>> -> memref<128x64xf32, #tpu.memory_space<vmem>>
    %dma_start3A_2511 = arith.constant 0 : i32
    %dma_start3A_2512 = tpu.memref_slice %arg7[%dma_start3A_2507, %dma_start3A_2511] : memref<16x128xi32, #tpu.memory_space<vmem>> -> memref<1x128xi32, #tpu.memory_space<vmem>>
    %dma_start3A_2513 = tpu.memref_squeeze %dma_start3A_2512 : memref<1x128xi32, #tpu.memory_space<vmem>> -> memref<128xi32, #tpu.memory_space<vmem>>
    %dma_start3A_2514 = arith.constant 0 : i32
    %dma_start3A_2515 = arith.constant 0 : i32
    %dma_start3A_2516 = tpu.memref_slice %arg3[%dma_start3A_2514, %dma_start3A_2515] : memref<68x64xf32, #tpu.memory_space<hbm>> -> memref<68x64xf32, #tpu.memory_space<hbm>>
    tpu.enqueue_indirect_dma source(%dma_start3A_2516 : memref<68x64xf32, #tpu.memory_space<hbm>>) target(%dma_start3A_2510 : memref<128x64xf32, #tpu.memory_space<vmem>>) offsets(%dma_start3A_2513 : memref<128xi32, #tpu.memory_space<vmem>>) semaphore(%arg10 : memref<!tpu.dma_semaphore, #tpu.memory_space<semaphore_mem>>)
    %dma_start3A_2517 = arith.constant 6 : i32
    %dma_start3A_2518 = arith.constant 256 : i32
    %dma_start3A_2519 = arith.constant 0 : i32
    %dma_start3A_2520 = tpu.memref_slice %arg9[%dma_start3A_2518, %dma_start3A_2519] : memref<512x64xf32, #tpu.memory_space<vmem>> -> memref<128x64xf32, #tpu.memory_space<vmem>>
    %dma_start3A_2521 = arith.constant 0 : i32
    %dma_start3A_2522 = tpu.memref_slice %arg7[%dma_start3A_2517, %dma_start3A_2521] : memref<16x128xi32, #tpu.memory_space<vmem>> -> memref<1x128xi32, #tpu.memory_space<vmem>>
    %dma_start3A_2523 = tpu.memref_squeeze %dma_start3A_2522 : memref<1x128xi32, #tpu.memory_space<vmem>> -> memref<128xi32, #tpu.memory_space<vmem>>
    %dma_start3A_2524 = arith.constant 0 : i32
    %dma_start3A_2525 = arith.constant 0 : i32
    %dma_start3A_2526 = tpu.memref_slice %arg4[%dma_start3A_2524, %dma_start3A_2525] : memref<68x64xf32, #tpu.memory_space<hbm>> -> memref<68x64xf32, #tpu.memory_space<hbm>>
    tpu.enqueue_indirect_dma source(%dma_start3A_2526 : memref<68x64xf32, #tpu.memory_space<hbm>>) target(%dma_start3A_2520 : memref<128x64xf32, #tpu.memory_space<vmem>>) offsets(%dma_start3A_2523 : memref<128xi32, #tpu.memory_space<vmem>>) semaphore(%arg10 : memref<!tpu.dma_semaphore, #tpu.memory_space<semaphore_mem>>)
    %dma_start3A_2527 = arith.constant 7 : i32
    %dma_start3A_2528 = arith.constant 384 : i32
    %dma_start3A_2529 = arith.constant 0 : i32
    %dma_start3A_2530 = tpu.memref_slice %arg8[%dma_start3A_2528, %dma_start3A_2529] : memref<512x64xf32, #tpu.memory_space<vmem>> -> memref<128x64xf32, #tpu.memory_space<vmem>>
    %dma_start3A_2531 = arith.constant 0 : i32
    %dma_start3A_2532 = tpu.memref_slice %arg7[%dma_start3A_2527, %dma_start3A_2531] : memref<16x128xi32, #tpu.memory_space<vmem>> -> memref<1x128xi32, #tpu.memory_space<vmem>>
    %dma_start3A_2533 = tpu.memref_squeeze %dma_start3A_2532 : memref<1x128xi32, #tpu.memory_space<vmem>> -> memref<128xi32, #tpu.memory_space<vmem>>
    %dma_start3A_2534 = arith.constant 0 : i32
    %dma_start3A_2535 = arith.constant 0 : i32
    %dma_start3A_2536 = tpu.memref_slice %arg3[%dma_start3A_2534, %dma_start3A_2535] : memref<68x64xf32, #tpu.memory_space<hbm>> -> memref<68x64xf32, #tpu.memory_space<hbm>>
    tpu.enqueue_indirect_dma source(%dma_start3A_2536 : memref<68x64xf32, #tpu.memory_space<hbm>>) target(%dma_start3A_2530 : memref<128x64xf32, #tpu.memory_space<vmem>>) offsets(%dma_start3A_2533 : memref<128xi32, #tpu.memory_space<vmem>>) semaphore(%arg10 : memref<!tpu.dma_semaphore, #tpu.memory_space<semaphore_mem>>)
    %dma_start3A_2537 = arith.constant 7 : i32
    %dma_start3A_2538 = arith.constant 384 : i32
    %dma_start3A_2539 = arith.constant 0 : i32
    %dma_start3A_2540 = tpu.memref_slice %arg9[%dma_start3A_2538, %dma_start3A_2539] : memref<512x64xf32, #tpu.memory_space<vmem>> -> memref<128x64xf32, #tpu.memory_space<vmem>>
    %dma_start3A_2541 = arith.constant 0 : i32
    %dma_start3A_2542 = tpu.memref_slice %arg7[%dma_start3A_2537, %dma_start3A_2541] : memref<16x128xi32, #tpu.memory_space<vmem>> -> memref<1x128xi32, #tpu.memory_space<vmem>>
    %dma_start3A_2543 = tpu.memref_squeeze %dma_start3A_2542 : memref<1x128xi32, #tpu.memory_space<vmem>> -> memref<128xi32, #tpu.memory_space<vmem>>
    %dma_start3A_2544 = arith.constant 0 : i32
    %dma_start3A_2545 = arith.constant 0 : i32
    %dma_start3A_2546 = tpu.memref_slice %arg4[%dma_start3A_2544, %dma_start3A_2545] : memref<68x64xf32, #tpu.memory_space<hbm>> -> memref<68x64xf32, #tpu.memory_space<hbm>>
    tpu.enqueue_indirect_dma source(%dma_start3A_2546 : memref<68x64xf32, #tpu.memory_space<hbm>>) target(%dma_start3A_2540 : memref<128x64xf32, #tpu.memory_space<vmem>>) offsets(%dma_start3A_2543 : memref<128xi32, #tpu.memory_space<vmem>>) semaphore(%arg10 : memref<!tpu.dma_semaphore, #tpu.memory_space<semaphore_mem>>)
    %dma_wait3A_2547 = arith.constant 6 : i32
    %dma_wait3A_2548 = arith.constant 256 : i32
    %dma_wait3A_2549 = arith.constant 0 : i32
    %dma_wait3A_2550 = tpu.memref_slice %arg8[%dma_wait3A_2548, %dma_wait3A_2549] : memref<512x64xf32, #tpu.memory_space<vmem>> -> memref<128x64xf32, #tpu.memory_space<vmem>>
    %dma_wait3A_2551 = arith.constant 0 : i32
    %dma_wait3A_2552 = tpu.memref_slice %arg7[%dma_wait3A_2547, %dma_wait3A_2551] : memref<16x128xi32, #tpu.memory_space<vmem>> -> memref<1x128xi32, #tpu.memory_space<vmem>>
    %dma_wait3A_2553 = tpu.memref_squeeze %dma_wait3A_2552 : memref<1x128xi32, #tpu.memory_space<vmem>> -> memref<128xi32, #tpu.memory_space<vmem>>
    %dma_wait3A_2554 = arith.constant 0 : i32
    %dma_wait3A_2555 = arith.constant 0 : i32
    %dma_wait3A_2556 = tpu.memref_slice %arg3[%dma_wait3A_2554, %dma_wait3A_2555] : memref<68x64xf32, #tpu.memory_space<hbm>> -> memref<68x64xf32, #tpu.memory_space<hbm>>
    tpu.wait_indirect_dma semaphore(%arg10 : memref<!tpu.dma_semaphore, #tpu.memory_space<semaphore_mem>>) src(%dma_wait3A_2556 : memref<68x64xf32, #tpu.memory_space<hbm>>) dst(%dma_wait3A_2550 : memref<128x64xf32, #tpu.memory_space<vmem>>)
    %dma_wait3A_2557 = arith.constant 6 : i32
    %dma_wait3A_2558 = arith.constant 256 : i32
    %dma_wait3A_2559 = arith.constant 0 : i32
    %dma_wait3A_2560 = tpu.memref_slice %arg9[%dma_wait3A_2558, %dma_wait3A_2559] : memref<512x64xf32, #tpu.memory_space<vmem>> -> memref<128x64xf32, #tpu.memory_space<vmem>>
    %dma_wait3A_2561 = arith.constant 0 : i32
    %dma_wait3A_2562 = tpu.memref_slice %arg7[%dma_wait3A_2557, %dma_wait3A_2561] : memref<16x128xi32, #tpu.memory_space<vmem>> -> memref<1x128xi32, #tpu.memory_space<vmem>>
    %dma_wait3A_2563 = tpu.memref_squeeze %dma_wait3A_2562 : memref<1x128xi32, #tpu.memory_space<vmem>> -> memref<128xi32, #tpu.memory_space<vmem>>
    %dma_wait3A_2564 = arith.constant 0 : i32
    %dma_wait3A_2565 = arith.constant 0 : i32
    %dma_wait3A_2566 = tpu.memref_slice %arg4[%dma_wait3A_2564, %dma_wait3A_2565] : memref<68x64xf32, #tpu.memory_space<hbm>> -> memref<68x64xf32, #tpu.memory_space<hbm>>
    tpu.wait_indirect_dma semaphore(%arg10 : memref<!tpu.dma_semaphore, #tpu.memory_space<semaphore_mem>>) src(%dma_wait3A_2566 : memref<68x64xf32, #tpu.memory_space<hbm>>) dst(%dma_wait3A_2560 : memref<128x64xf32, #tpu.memory_space<vmem>>)
    %dma_wait3A_2567 = arith.constant 7 : i32
    %dma_wait3A_2568 = arith.constant 384 : i32
    %dma_wait3A_2569 = arith.constant 0 : i32
    %dma_wait3A_2570 = tpu.memref_slice %arg8[%dma_wait3A_2568, %dma_wait3A_2569] : memref<512x64xf32, #tpu.memory_space<vmem>> -> memref<128x64xf32, #tpu.memory_space<vmem>>
    %dma_wait3A_2571 = arith.constant 0 : i32
    %dma_wait3A_2572 = tpu.memref_slice %arg7[%dma_wait3A_2567, %dma_wait3A_2571] : memref<16x128xi32, #tpu.memory_space<vmem>> -> memref<1x128xi32, #tpu.memory_space<vmem>>
    %dma_wait3A_2573 = tpu.memref_squeeze %dma_wait3A_2572 : memref<1x128xi32, #tpu.memory_space<vmem>> -> memref<128xi32, #tpu.memory_space<vmem>>
    %dma_wait3A_2574 = arith.constant 0 : i32
    %dma_wait3A_2575 = arith.constant 0 : i32
    %dma_wait3A_2576 = tpu.memref_slice %arg3[%dma_wait3A_2574, %dma_wait3A_2575] : memref<68x64xf32, #tpu.memory_space<hbm>> -> memref<68x64xf32, #tpu.memory_space<hbm>>
    tpu.wait_indirect_dma semaphore(%arg10 : memref<!tpu.dma_semaphore, #tpu.memory_space<semaphore_mem>>) src(%dma_wait3A_2576 : memref<68x64xf32, #tpu.memory_space<hbm>>) dst(%dma_wait3A_2570 : memref<128x64xf32, #tpu.memory_space<vmem>>)
    %dma_wait3A_2577 = arith.constant 7 : i32
    %dma_wait3A_2578 = arith.constant 384 : i32
    %dma_wait3A_2579 = arith.constant 0 : i32
    %dma_wait3A_2580 = tpu.memref_slice %arg9[%dma_wait3A_2578, %dma_wait3A_2579] : memref<512x64xf32, #tpu.memory_space<vmem>> -> memref<128x64xf32, #tpu.memory_space<vmem>>
    %dma_wait3A_2581 = arith.constant 0 : i32
    %dma_wait3A_2582 = tpu.memref_slice %arg7[%dma_wait3A_2577, %dma_wait3A_2581] : memref<16x128xi32, #tpu.memory_space<vmem>> -> memref<1x128xi32, #tpu.memory_space<vmem>>
    %dma_wait3A_2583 = tpu.memref_squeeze %dma_wait3A_2582 : memref<1x128xi32, #tpu.memory_space<vmem>> -> memref<128xi32, #tpu.memory_space<vmem>>
    %dma_wait3A_2584 = arith.constant 0 : i32
    %dma_wait3A_2585 = arith.constant 0 : i32
    %dma_wait3A_2586 = tpu.memref_slice %arg4[%dma_wait3A_2584, %dma_wait3A_2585] : memref<68x64xf32, #tpu.memory_space<hbm>> -> memref<68x64xf32, #tpu.memory_space<hbm>>
    tpu.wait_indirect_dma semaphore(%arg10 : memref<!tpu.dma_semaphore, #tpu.memory_space<semaphore_mem>>) src(%dma_wait3A_2586 : memref<68x64xf32, #tpu.memory_space<hbm>>) dst(%dma_wait3A_2580 : memref<128x64xf32, #tpu.memory_space<vmem>>)
    %mul3A_2587 = arith.constant 2048 : i32
    %mul3A_2588 = arith.muli %select_n3A_30, %mul3A_2587 : i32
    %add3A_2589 = arith.constant 768 : i32
    %add3A_2590 = arith.addi %mul3A_2588, %add3A_2589 : i32
    %mul3A_2591 = arith.constant 8 : i32
    %mul3A_2592 = arith.muli %select_n3A_70, %mul3A_2591 : i32
    %mul3A_2593 = arith.constant 4 : i32
    %mul3A_2594 = arith.muli %select_n3A_54, %mul3A_2593 : i32
    %add3A_2595 = arith.addi %mul3A_2592, %mul3A_2594 : i32
    %add3A_2596 = arith.constant 0 : i32
    %add3A_2597 = arith.addi %add3A_2595, %add3A_2596 : i32
    %mul3A_2598 = arith.constant 16384 : i32
    %mul3A_2599 = arith.muli %add3A_2597, %mul3A_2598 : i32
    %add3A_2600 = arith.addi %mul3A_2599, %add3A_2590 : i32
    %dma_start3A_2601 = arith.constant 256 : i32
    %dma_start3A_2602 = arith.constant 0 : i32
    %dma_start3A_2603 = tpu.memref_slice %arg8[%dma_start3A_2601, %dma_start3A_2602] : memref<512x64xf32, #tpu.memory_space<vmem>> -> memref<256x64xf32, #tpu.memory_space<vmem>>
    %dma_start3A_2604 = arith.constant 0 : i32
    %dma_start3A_2605 = tpu.memref_slice %arg5[%add3A_2600, %dma_start3A_2604] : memref<262144x64xf32, #tpu.memory_space<hbm>> -> memref<256x64xf32, #tpu.memory_space<hbm>>
    %dma_start3A_2606 = arith.constant 0 : i32
    %dma_start3A_2607 = tpu.memref_slice %arg5[%add3A_2600, %dma_start3A_2606] : memref<262144x64xf32, #tpu.memory_space<hbm>> -> memref<256x64xf32, #tpu.memory_space<hbm>>
    %dma_start3A_2608 = arith.constant 256 : i32
    %dma_start3A_2609 = arith.constant 0 : i32
    %dma_start3A_2610 = tpu.memref_slice %arg8[%dma_start3A_2608, %dma_start3A_2609] : memref<512x64xf32, #tpu.memory_space<vmem>> -> memref<256x64xf32, #tpu.memory_space<vmem>>
    tpu.enqueue_dma source(%dma_start3A_2610 : memref<256x64xf32, #tpu.memory_space<vmem>>) target(%dma_start3A_2607 : memref<256x64xf32, #tpu.memory_space<hbm>>) target_semaphore(%arg12 : memref<!tpu.dma_semaphore, #tpu.memory_space<semaphore_mem>>)
    %dma_start3A_2611 = arith.constant 256 : i32
    %dma_start3A_2612 = arith.constant 0 : i32
    %dma_start3A_2613 = tpu.memref_slice %arg9[%dma_start3A_2611, %dma_start3A_2612] : memref<512x64xf32, #tpu.memory_space<vmem>> -> memref<256x64xf32, #tpu.memory_space<vmem>>
    %dma_start3A_2614 = arith.constant 0 : i32
    %dma_start3A_2615 = tpu.memref_slice %arg6[%add3A_2600, %dma_start3A_2614] : memref<262144x64xf32, #tpu.memory_space<hbm>> -> memref<256x64xf32, #tpu.memory_space<hbm>>
    %dma_start3A_2616 = arith.constant 0 : i32
    %dma_start3A_2617 = tpu.memref_slice %arg6[%add3A_2600, %dma_start3A_2616] : memref<262144x64xf32, #tpu.memory_space<hbm>> -> memref<256x64xf32, #tpu.memory_space<hbm>>
    %dma_start3A_2618 = arith.constant 256 : i32
    %dma_start3A_2619 = arith.constant 0 : i32
    %dma_start3A_2620 = tpu.memref_slice %arg9[%dma_start3A_2618, %dma_start3A_2619] : memref<512x64xf32, #tpu.memory_space<vmem>> -> memref<256x64xf32, #tpu.memory_space<vmem>>
    tpu.enqueue_dma source(%dma_start3A_2620 : memref<256x64xf32, #tpu.memory_space<vmem>>) target(%dma_start3A_2617 : memref<256x64xf32, #tpu.memory_space<hbm>>) target_semaphore(%arg12 : memref<!tpu.dma_semaphore, #tpu.memory_space<semaphore_mem>>)
    %mul3A_2621 = arith.constant 8 : i32
    %mul3A_2622 = arith.muli %select_n3A_70, %mul3A_2621 : i32
    %mul3A_2623 = arith.constant 4 : i32
    %mul3A_2624 = arith.muli %select_n3A_54, %mul3A_2623 : i32
    %add3A_2625 = arith.addi %mul3A_2622, %mul3A_2624 : i32
    %add3A_2626 = arith.constant 1 : i32
    %add3A_2627 = arith.addi %add3A_2625, %add3A_2626 : i32
    %mul3A_2628 = arith.constant 16384 : i32
    %mul3A_2629 = arith.muli %add3A_2627, %mul3A_2628 : i32
    %add3A_2630 = arith.addi %mul3A_2629, %add3A_2590 : i32
    %dma_start3A_2631 = arith.constant 256 : i32
    %dma_start3A_2632 = arith.constant 0 : i32
    %dma_start3A_2633 = tpu.memref_slice %arg8[%dma_start3A_2631, %dma_start3A_2632] : memref<512x64xf32, #tpu.memory_space<vmem>> -> memref<256x64xf32, #tpu.memory_space<vmem>>
    %dma_start3A_2634 = arith.constant 0 : i32
    %dma_start3A_2635 = tpu.memref_slice %arg5[%add3A_2630, %dma_start3A_2634] : memref<262144x64xf32, #tpu.memory_space<hbm>> -> memref<256x64xf32, #tpu.memory_space<hbm>>
    %dma_start3A_2636 = arith.constant 0 : i32
    %dma_start3A_2637 = tpu.memref_slice %arg5[%add3A_2630, %dma_start3A_2636] : memref<262144x64xf32, #tpu.memory_space<hbm>> -> memref<256x64xf32, #tpu.memory_space<hbm>>
    %dma_start3A_2638 = arith.constant 256 : i32
    %dma_start3A_2639 = arith.constant 0 : i32
    %dma_start3A_2640 = tpu.memref_slice %arg8[%dma_start3A_2638, %dma_start3A_2639] : memref<512x64xf32, #tpu.memory_space<vmem>> -> memref<256x64xf32, #tpu.memory_space<vmem>>
    tpu.enqueue_dma source(%dma_start3A_2640 : memref<256x64xf32, #tpu.memory_space<vmem>>) target(%dma_start3A_2637 : memref<256x64xf32, #tpu.memory_space<hbm>>) target_semaphore(%arg12 : memref<!tpu.dma_semaphore, #tpu.memory_space<semaphore_mem>>)
    %dma_start3A_2641 = arith.constant 256 : i32
    %dma_start3A_2642 = arith.constant 0 : i32
    %dma_start3A_2643 = tpu.memref_slice %arg9[%dma_start3A_2641, %dma_start3A_2642] : memref<512x64xf32, #tpu.memory_space<vmem>> -> memref<256x64xf32, #tpu.memory_space<vmem>>
    %dma_start3A_2644 = arith.constant 0 : i32
    %dma_start3A_2645 = tpu.memref_slice %arg6[%add3A_2630, %dma_start3A_2644] : memref<262144x64xf32, #tpu.memory_space<hbm>> -> memref<256x64xf32, #tpu.memory_space<hbm>>
    %dma_start3A_2646 = arith.constant 0 : i32
    %dma_start3A_2647 = tpu.memref_slice %arg6[%add3A_2630, %dma_start3A_2646] : memref<262144x64xf32, #tpu.memory_space<hbm>> -> memref<256x64xf32, #tpu.memory_space<hbm>>
    %dma_start3A_2648 = arith.constant 256 : i32
    %dma_start3A_2649 = arith.constant 0 : i32
    %dma_start3A_2650 = tpu.memref_slice %arg9[%dma_start3A_2648, %dma_start3A_2649] : memref<512x64xf32, #tpu.memory_space<vmem>> -> memref<256x64xf32, #tpu.memory_space<vmem>>
    tpu.enqueue_dma source(%dma_start3A_2650 : memref<256x64xf32, #tpu.memory_space<vmem>>) target(%dma_start3A_2647 : memref<256x64xf32, #tpu.memory_space<hbm>>) target_semaphore(%arg12 : memref<!tpu.dma_semaphore, #tpu.memory_space<semaphore_mem>>)
    %mul3A_2651 = arith.constant 8 : i32
    %mul3A_2652 = arith.muli %select_n3A_70, %mul3A_2651 : i32
    %mul3A_2653 = arith.constant 4 : i32
    %mul3A_2654 = arith.muli %select_n3A_54, %mul3A_2653 : i32
    %add3A_2655 = arith.addi %mul3A_2652, %mul3A_2654 : i32
    %add3A_2656 = arith.constant 2 : i32
    %add3A_2657 = arith.addi %add3A_2655, %add3A_2656 : i32
    %mul3A_2658 = arith.constant 16384 : i32
    %mul3A_2659 = arith.muli %add3A_2657, %mul3A_2658 : i32
    %add3A_2660 = arith.addi %mul3A_2659, %add3A_2590 : i32
    %dma_start3A_2661 = arith.constant 256 : i32
    %dma_start3A_2662 = arith.constant 0 : i32
    %dma_start3A_2663 = tpu.memref_slice %arg8[%dma_start3A_2661, %dma_start3A_2662] : memref<512x64xf32, #tpu.memory_space<vmem>> -> memref<256x64xf32, #tpu.memory_space<vmem>>
    %dma_start3A_2664 = arith.constant 0 : i32
    %dma_start3A_2665 = tpu.memref_slice %arg5[%add3A_2660, %dma_start3A_2664] : memref<262144x64xf32, #tpu.memory_space<hbm>> -> memref<256x64xf32, #tpu.memory_space<hbm>>
    %dma_start3A_2666 = arith.constant 0 : i32
    %dma_start3A_2667 = tpu.memref_slice %arg5[%add3A_2660, %dma_start3A_2666] : memref<262144x64xf32, #tpu.memory_space<hbm>> -> memref<256x64xf32, #tpu.memory_space<hbm>>
    %dma_start3A_2668 = arith.constant 256 : i32
    %dma_start3A_2669 = arith.constant 0 : i32
    %dma_start3A_2670 = tpu.memref_slice %arg8[%dma_start3A_2668, %dma_start3A_2669] : memref<512x64xf32, #tpu.memory_space<vmem>> -> memref<256x64xf32, #tpu.memory_space<vmem>>
    tpu.enqueue_dma source(%dma_start3A_2670 : memref<256x64xf32, #tpu.memory_space<vmem>>) target(%dma_start3A_2667 : memref<256x64xf32, #tpu.memory_space<hbm>>) target_semaphore(%arg12 : memref<!tpu.dma_semaphore, #tpu.memory_space<semaphore_mem>>)
    %dma_start3A_2671 = arith.constant 256 : i32
    %dma_start3A_2672 = arith.constant 0 : i32
    %dma_start3A_2673 = tpu.memref_slice %arg9[%dma_start3A_2671, %dma_start3A_2672] : memref<512x64xf32, #tpu.memory_space<vmem>> -> memref<256x64xf32, #tpu.memory_space<vmem>>
    %dma_start3A_2674 = arith.constant 0 : i32
    %dma_start3A_2675 = tpu.memref_slice %arg6[%add3A_2660, %dma_start3A_2674] : memref<262144x64xf32, #tpu.memory_space<hbm>> -> memref<256x64xf32, #tpu.memory_space<hbm>>
    %dma_start3A_2676 = arith.constant 0 : i32
    %dma_start3A_2677 = tpu.memref_slice %arg6[%add3A_2660, %dma_start3A_2676] : memref<262144x64xf32, #tpu.memory_space<hbm>> -> memref<256x64xf32, #tpu.memory_space<hbm>>
    %dma_start3A_2678 = arith.constant 256 : i32
    %dma_start3A_2679 = arith.constant 0 : i32
    %dma_start3A_2680 = tpu.memref_slice %arg9[%dma_start3A_2678, %dma_start3A_2679] : memref<512x64xf32, #tpu.memory_space<vmem>> -> memref<256x64xf32, #tpu.memory_space<vmem>>
    tpu.enqueue_dma source(%dma_start3A_2680 : memref<256x64xf32, #tpu.memory_space<vmem>>) target(%dma_start3A_2677 : memref<256x64xf32, #tpu.memory_space<hbm>>) target_semaphore(%arg12 : memref<!tpu.dma_semaphore, #tpu.memory_space<semaphore_mem>>)
    %mul3A_2681 = arith.constant 8 : i32
    %mul3A_2682 = arith.muli %select_n3A_70, %mul3A_2681 : i32
    %mul3A_2683 = arith.constant 4 : i32
    %mul3A_2684 = arith.muli %select_n3A_54, %mul3A_2683 : i32
    %add3A_2685 = arith.addi %mul3A_2682, %mul3A_2684 : i32
    %add3A_2686 = arith.constant 3 : i32
    %add3A_2687 = arith.addi %add3A_2685, %add3A_2686 : i32
    %mul3A_2688 = arith.constant 16384 : i32
    %mul3A_2689 = arith.muli %add3A_2687, %mul3A_2688 : i32
    %add3A_2690 = arith.addi %mul3A_2689, %add3A_2590 : i32
    %dma_start3A_2691 = arith.constant 256 : i32
    %dma_start3A_2692 = arith.constant 0 : i32
    %dma_start3A_2693 = tpu.memref_slice %arg8[%dma_start3A_2691, %dma_start3A_2692] : memref<512x64xf32, #tpu.memory_space<vmem>> -> memref<256x64xf32, #tpu.memory_space<vmem>>
    %dma_start3A_2694 = arith.constant 0 : i32
    %dma_start3A_2695 = tpu.memref_slice %arg5[%add3A_2690, %dma_start3A_2694] : memref<262144x64xf32, #tpu.memory_space<hbm>> -> memref<256x64xf32, #tpu.memory_space<hbm>>
    %dma_start3A_2696 = arith.constant 0 : i32
    %dma_start3A_2697 = tpu.memref_slice %arg5[%add3A_2690, %dma_start3A_2696] : memref<262144x64xf32, #tpu.memory_space<hbm>> -> memref<256x64xf32, #tpu.memory_space<hbm>>
    %dma_start3A_2698 = arith.constant 256 : i32
    %dma_start3A_2699 = arith.constant 0 : i32
    %dma_start3A_2700 = tpu.memref_slice %arg8[%dma_start3A_2698, %dma_start3A_2699] : memref<512x64xf32, #tpu.memory_space<vmem>> -> memref<256x64xf32, #tpu.memory_space<vmem>>
    tpu.enqueue_dma source(%dma_start3A_2700 : memref<256x64xf32, #tpu.memory_space<vmem>>) target(%dma_start3A_2697 : memref<256x64xf32, #tpu.memory_space<hbm>>) target_semaphore(%arg12 : memref<!tpu.dma_semaphore, #tpu.memory_space<semaphore_mem>>)
    %dma_start3A_2701 = arith.constant 256 : i32
    %dma_start3A_2702 = arith.constant 0 : i32
    %dma_start3A_2703 = tpu.memref_slice %arg9[%dma_start3A_2701, %dma_start3A_2702] : memref<512x64xf32, #tpu.memory_space<vmem>> -> memref<256x64xf32, #tpu.memory_space<vmem>>
    %dma_start3A_2704 = arith.constant 0 : i32
    %dma_start3A_2705 = tpu.memref_slice %arg6[%add3A_2690, %dma_start3A_2704] : memref<262144x64xf32, #tpu.memory_space<hbm>> -> memref<256x64xf32, #tpu.memory_space<hbm>>
    %dma_start3A_2706 = arith.constant 0 : i32
    %dma_start3A_2707 = tpu.memref_slice %arg6[%add3A_2690, %dma_start3A_2706] : memref<262144x64xf32, #tpu.memory_space<hbm>> -> memref<256x64xf32, #tpu.memory_space<hbm>>
    %dma_start3A_2708 = arith.constant 256 : i32
    %dma_start3A_2709 = arith.constant 0 : i32
    %dma_start3A_2710 = tpu.memref_slice %arg9[%dma_start3A_2708, %dma_start3A_2709] : memref<512x64xf32, #tpu.memory_space<vmem>> -> memref<256x64xf32, #tpu.memory_space<vmem>>
    tpu.enqueue_dma source(%dma_start3A_2710 : memref<256x64xf32, #tpu.memory_space<vmem>>) target(%dma_start3A_2707 : memref<256x64xf32, #tpu.memory_space<hbm>>) target_semaphore(%arg12 : memref<!tpu.dma_semaphore, #tpu.memory_space<semaphore_mem>>)
    %dma_wait3A_2711 = arith.constant 0 : i32
    %dma_wait3A_2712 = arith.constant 0 : i32
    %dma_wait3A_2713 = tpu.memref_slice %arg8[%dma_wait3A_2711, %dma_wait3A_2712] : memref<512x64xf32, #tpu.memory_space<vmem>> -> memref<256x64xf32, #tpu.memory_space<vmem>>
    %dma_wait3A_2714 = arith.constant 0 : i32
    %dma_wait3A_2715 = tpu.memref_slice %arg5[%add3A_2316, %dma_wait3A_2714] : memref<262144x64xf32, #tpu.memory_space<hbm>> -> memref<256x64xf32, #tpu.memory_space<hbm>>
    %dma_wait3A_2716 = arith.constant 0 : i32
    %dma_wait3A_2717 = tpu.memref_slice %arg5[%add3A_2316, %dma_wait3A_2716] : memref<262144x64xf32, #tpu.memory_space<hbm>> -> memref<256x64xf32, #tpu.memory_space<hbm>>
    %dma_wait3A_2718 = arith.constant 0 : i32
    %dma_wait3A_2719 = arith.constant 0 : i32
    %dma_wait3A_2720 = tpu.memref_slice %arg8[%dma_wait3A_2718, %dma_wait3A_2719] : memref<512x64xf32, #tpu.memory_space<vmem>> -> memref<256x64xf32, #tpu.memory_space<vmem>>
    tpu.wait_dma2 semaphore(%arg11 : memref<!tpu.dma_semaphore, #tpu.memory_space<semaphore_mem>>) src(%dma_wait3A_2720 : memref<256x64xf32, #tpu.memory_space<vmem>>) dst(%dma_wait3A_2717 : memref<256x64xf32, #tpu.memory_space<hbm>>)
    %dma_wait3A_2721 = arith.constant 0 : i32
    %dma_wait3A_2722 = arith.constant 0 : i32
    %dma_wait3A_2723 = tpu.memref_slice %arg9[%dma_wait3A_2721, %dma_wait3A_2722] : memref<512x64xf32, #tpu.memory_space<vmem>> -> memref<256x64xf32, #tpu.memory_space<vmem>>
    %dma_wait3A_2724 = arith.constant 0 : i32
    %dma_wait3A_2725 = tpu.memref_slice %arg6[%add3A_2316, %dma_wait3A_2724] : memref<262144x64xf32, #tpu.memory_space<hbm>> -> memref<256x64xf32, #tpu.memory_space<hbm>>
    %dma_wait3A_2726 = arith.constant 0 : i32
    %dma_wait3A_2727 = tpu.memref_slice %arg6[%add3A_2316, %dma_wait3A_2726] : memref<262144x64xf32, #tpu.memory_space<hbm>> -> memref<256x64xf32, #tpu.memory_space<hbm>>
    %dma_wait3A_2728 = arith.constant 0 : i32
    %dma_wait3A_2729 = arith.constant 0 : i32
    %dma_wait3A_2730 = tpu.memref_slice %arg9[%dma_wait3A_2728, %dma_wait3A_2729] : memref<512x64xf32, #tpu.memory_space<vmem>> -> memref<256x64xf32, #tpu.memory_space<vmem>>
    tpu.wait_dma2 semaphore(%arg11 : memref<!tpu.dma_semaphore, #tpu.memory_space<semaphore_mem>>) src(%dma_wait3A_2730 : memref<256x64xf32, #tpu.memory_space<vmem>>) dst(%dma_wait3A_2727 : memref<256x64xf32, #tpu.memory_space<hbm>>)
    %dma_wait3A_2731 = arith.constant 0 : i32
    %dma_wait3A_2732 = arith.constant 0 : i32
    %dma_wait3A_2733 = tpu.memref_slice %arg8[%dma_wait3A_2731, %dma_wait3A_2732] : memref<512x64xf32, #tpu.memory_space<vmem>> -> memref<256x64xf32, #tpu.memory_space<vmem>>
    %dma_wait3A_2734 = arith.constant 0 : i32
    %dma_wait3A_2735 = tpu.memref_slice %arg5[%add3A_2346, %dma_wait3A_2734] : memref<262144x64xf32, #tpu.memory_space<hbm>> -> memref<256x64xf32, #tpu.memory_space<hbm>>
    %dma_wait3A_2736 = arith.constant 0 : i32
    %dma_wait3A_2737 = tpu.memref_slice %arg5[%add3A_2346, %dma_wait3A_2736] : memref<262144x64xf32, #tpu.memory_space<hbm>> -> memref<256x64xf32, #tpu.memory_space<hbm>>
    %dma_wait3A_2738 = arith.constant 0 : i32
    %dma_wait3A_2739 = arith.constant 0 : i32
    %dma_wait3A_2740 = tpu.memref_slice %arg8[%dma_wait3A_2738, %dma_wait3A_2739] : memref<512x64xf32, #tpu.memory_space<vmem>> -> memref<256x64xf32, #tpu.memory_space<vmem>>
    tpu.wait_dma2 semaphore(%arg11 : memref<!tpu.dma_semaphore, #tpu.memory_space<semaphore_mem>>) src(%dma_wait3A_2740 : memref<256x64xf32, #tpu.memory_space<vmem>>) dst(%dma_wait3A_2737 : memref<256x64xf32, #tpu.memory_space<hbm>>)
    %dma_wait3A_2741 = arith.constant 0 : i32
    %dma_wait3A_2742 = arith.constant 0 : i32
    %dma_wait3A_2743 = tpu.memref_slice %arg9[%dma_wait3A_2741, %dma_wait3A_2742] : memref<512x64xf32, #tpu.memory_space<vmem>> -> memref<256x64xf32, #tpu.memory_space<vmem>>
    %dma_wait3A_2744 = arith.constant 0 : i32
    %dma_wait3A_2745 = tpu.memref_slice %arg6[%add3A_2346, %dma_wait3A_2744] : memref<262144x64xf32, #tpu.memory_space<hbm>> -> memref<256x64xf32, #tpu.memory_space<hbm>>
    %dma_wait3A_2746 = arith.constant 0 : i32
    %dma_wait3A_2747 = tpu.memref_slice %arg6[%add3A_2346, %dma_wait3A_2746] : memref<262144x64xf32, #tpu.memory_space<hbm>> -> memref<256x64xf32, #tpu.memory_space<hbm>>
    %dma_wait3A_2748 = arith.constant 0 : i32
    %dma_wait3A_2749 = arith.constant 0 : i32
    %dma_wait3A_2750 = tpu.memref_slice %arg9[%dma_wait3A_2748, %dma_wait3A_2749] : memref<512x64xf32, #tpu.memory_space<vmem>> -> memref<256x64xf32, #tpu.memory_space<vmem>>
    tpu.wait_dma2 semaphore(%arg11 : memref<!tpu.dma_semaphore, #tpu.memory_space<semaphore_mem>>) src(%dma_wait3A_2750 : memref<256x64xf32, #tpu.memory_space<vmem>>) dst(%dma_wait3A_2747 : memref<256x64xf32, #tpu.memory_space<hbm>>)
    %dma_wait3A_2751 = arith.constant 0 : i32
    %dma_wait3A_2752 = arith.constant 0 : i32
    %dma_wait3A_2753 = tpu.memref_slice %arg8[%dma_wait3A_2751, %dma_wait3A_2752] : memref<512x64xf32, #tpu.memory_space<vmem>> -> memref<256x64xf32, #tpu.memory_space<vmem>>
    %dma_wait3A_2754 = arith.constant 0 : i32
    %dma_wait3A_2755 = tpu.memref_slice %arg5[%add3A_2376, %dma_wait3A_2754] : memref<262144x64xf32, #tpu.memory_space<hbm>> -> memref<256x64xf32, #tpu.memory_space<hbm>>
    %dma_wait3A_2756 = arith.constant 0 : i32
    %dma_wait3A_2757 = tpu.memref_slice %arg5[%add3A_2376, %dma_wait3A_2756] : memref<262144x64xf32, #tpu.memory_space<hbm>> -> memref<256x64xf32, #tpu.memory_space<hbm>>
    %dma_wait3A_2758 = arith.constant 0 : i32
    %dma_wait3A_2759 = arith.constant 0 : i32
    %dma_wait3A_2760 = tpu.memref_slice %arg8[%dma_wait3A_2758, %dma_wait3A_2759] : memref<512x64xf32, #tpu.memory_space<vmem>> -> memref<256x64xf32, #tpu.memory_space<vmem>>
    tpu.wait_dma2 semaphore(%arg11 : memref<!tpu.dma_semaphore, #tpu.memory_space<semaphore_mem>>) src(%dma_wait3A_2760 : memref<256x64xf32, #tpu.memory_space<vmem>>) dst(%dma_wait3A_2757 : memref<256x64xf32, #tpu.memory_space<hbm>>)
    %dma_wait3A_2761 = arith.constant 0 : i32
    %dma_wait3A_2762 = arith.constant 0 : i32
    %dma_wait3A_2763 = tpu.memref_slice %arg9[%dma_wait3A_2761, %dma_wait3A_2762] : memref<512x64xf32, #tpu.memory_space<vmem>> -> memref<256x64xf32, #tpu.memory_space<vmem>>
    %dma_wait3A_2764 = arith.constant 0 : i32
    %dma_wait3A_2765 = tpu.memref_slice %arg6[%add3A_2376, %dma_wait3A_2764] : memref<262144x64xf32, #tpu.memory_space<hbm>> -> memref<256x64xf32, #tpu.memory_space<hbm>>
    %dma_wait3A_2766 = arith.constant 0 : i32
    %dma_wait3A_2767 = tpu.memref_slice %arg6[%add3A_2376, %dma_wait3A_2766] : memref<262144x64xf32, #tpu.memory_space<hbm>> -> memref<256x64xf32, #tpu.memory_space<hbm>>
    %dma_wait3A_2768 = arith.constant 0 : i32
    %dma_wait3A_2769 = arith.constant 0 : i32
    %dma_wait3A_2770 = tpu.memref_slice %arg9[%dma_wait3A_2768, %dma_wait3A_2769] : memref<512x64xf32, #tpu.memory_space<vmem>> -> memref<256x64xf32, #tpu.memory_space<vmem>>
    tpu.wait_dma2 semaphore(%arg11 : memref<!tpu.dma_semaphore, #tpu.memory_space<semaphore_mem>>) src(%dma_wait3A_2770 : memref<256x64xf32, #tpu.memory_space<vmem>>) dst(%dma_wait3A_2767 : memref<256x64xf32, #tpu.memory_space<hbm>>)
    %dma_wait3A_2771 = arith.constant 0 : i32
    %dma_wait3A_2772 = arith.constant 0 : i32
    %dma_wait3A_2773 = tpu.memref_slice %arg8[%dma_wait3A_2771, %dma_wait3A_2772] : memref<512x64xf32, #tpu.memory_space<vmem>> -> memref<256x64xf32, #tpu.memory_space<vmem>>
    %dma_wait3A_2774 = arith.constant 0 : i32
    %dma_wait3A_2775 = tpu.memref_slice %arg5[%add3A_2406, %dma_wait3A_2774] : memref<262144x64xf32, #tpu.memory_space<hbm>> -> memref<256x64xf32, #tpu.memory_space<hbm>>
    %dma_wait3A_2776 = arith.constant 0 : i32
    %dma_wait3A_2777 = tpu.memref_slice %arg5[%add3A_2406, %dma_wait3A_2776] : memref<262144x64xf32, #tpu.memory_space<hbm>> -> memref<256x64xf32, #tpu.memory_space<hbm>>
    %dma_wait3A_2778 = arith.constant 0 : i32
    %dma_wait3A_2779 = arith.constant 0 : i32
    %dma_wait3A_2780 = tpu.memref_slice %arg8[%dma_wait3A_2778, %dma_wait3A_2779] : memref<512x64xf32, #tpu.memory_space<vmem>> -> memref<256x64xf32, #tpu.memory_space<vmem>>
    tpu.wait_dma2 semaphore(%arg11 : memref<!tpu.dma_semaphore, #tpu.memory_space<semaphore_mem>>) src(%dma_wait3A_2780 : memref<256x64xf32, #tpu.memory_space<vmem>>) dst(%dma_wait3A_2777 : memref<256x64xf32, #tpu.memory_space<hbm>>)
    %dma_wait3A_2781 = arith.constant 0 : i32
    %dma_wait3A_2782 = arith.constant 0 : i32
    %dma_wait3A_2783 = tpu.memref_slice %arg9[%dma_wait3A_2781, %dma_wait3A_2782] : memref<512x64xf32, #tpu.memory_space<vmem>> -> memref<256x64xf32, #tpu.memory_space<vmem>>
    %dma_wait3A_2784 = arith.constant 0 : i32
    %dma_wait3A_2785 = tpu.memref_slice %arg6[%add3A_2406, %dma_wait3A_2784] : memref<262144x64xf32, #tpu.memory_space<hbm>> -> memref<256x64xf32, #tpu.memory_space<hbm>>
    %dma_wait3A_2786 = arith.constant 0 : i32
    %dma_wait3A_2787 = tpu.memref_slice %arg6[%add3A_2406, %dma_wait3A_2786] : memref<262144x64xf32, #tpu.memory_space<hbm>> -> memref<256x64xf32, #tpu.memory_space<hbm>>
    %dma_wait3A_2788 = arith.constant 0 : i32
    %dma_wait3A_2789 = arith.constant 0 : i32
    %dma_wait3A_2790 = tpu.memref_slice %arg9[%dma_wait3A_2788, %dma_wait3A_2789] : memref<512x64xf32, #tpu.memory_space<vmem>> -> memref<256x64xf32, #tpu.memory_space<vmem>>
    tpu.wait_dma2 semaphore(%arg11 : memref<!tpu.dma_semaphore, #tpu.memory_space<semaphore_mem>>) src(%dma_wait3A_2790 : memref<256x64xf32, #tpu.memory_space<vmem>>) dst(%dma_wait3A_2787 : memref<256x64xf32, #tpu.memory_space<hbm>>)
    %dma_start3A_2791 = arith.constant 8 : i32
    %dma_start3A_2792 = arith.constant 0 : i32
    %dma_start3A_2793 = arith.constant 0 : i32
    %dma_start3A_2794 = tpu.memref_slice %arg8[%dma_start3A_2792, %dma_start3A_2793] : memref<512x64xf32, #tpu.memory_space<vmem>> -> memref<128x64xf32, #tpu.memory_space<vmem>>
    %dma_start3A_2795 = arith.constant 0 : i32
    %dma_start3A_2796 = tpu.memref_slice %arg7[%dma_start3A_2791, %dma_start3A_2795] : memref<16x128xi32, #tpu.memory_space<vmem>> -> memref<1x128xi32, #tpu.memory_space<vmem>>
    %dma_start3A_2797 = tpu.memref_squeeze %dma_start3A_2796 : memref<1x128xi32, #tpu.memory_space<vmem>> -> memref<128xi32, #tpu.memory_space<vmem>>
    %dma_start3A_2798 = arith.constant 0 : i32
    %dma_start3A_2799 = arith.constant 0 : i32
    %dma_start3A_2800 = tpu.memref_slice %arg3[%dma_start3A_2798, %dma_start3A_2799] : memref<68x64xf32, #tpu.memory_space<hbm>> -> memref<68x64xf32, #tpu.memory_space<hbm>>
    tpu.enqueue_indirect_dma source(%dma_start3A_2800 : memref<68x64xf32, #tpu.memory_space<hbm>>) target(%dma_start3A_2794 : memref<128x64xf32, #tpu.memory_space<vmem>>) offsets(%dma_start3A_2797 : memref<128xi32, #tpu.memory_space<vmem>>) semaphore(%arg10 : memref<!tpu.dma_semaphore, #tpu.memory_space<semaphore_mem>>)
    %dma_start3A_2801 = arith.constant 8 : i32
    %dma_start3A_2802 = arith.constant 0 : i32
    %dma_start3A_2803 = arith.constant 0 : i32
    %dma_start3A_2804 = tpu.memref_slice %arg9[%dma_start3A_2802, %dma_start3A_2803] : memref<512x64xf32, #tpu.memory_space<vmem>> -> memref<128x64xf32, #tpu.memory_space<vmem>>
    %dma_start3A_2805 = arith.constant 0 : i32
    %dma_start3A_2806 = tpu.memref_slice %arg7[%dma_start3A_2801, %dma_start3A_2805] : memref<16x128xi32, #tpu.memory_space<vmem>> -> memref<1x128xi32, #tpu.memory_space<vmem>>
    %dma_start3A_2807 = tpu.memref_squeeze %dma_start3A_2806 : memref<1x128xi32, #tpu.memory_space<vmem>> -> memref<128xi32, #tpu.memory_space<vmem>>
    %dma_start3A_2808 = arith.constant 0 : i32
    %dma_start3A_2809 = arith.constant 0 : i32
    %dma_start3A_2810 = tpu.memref_slice %arg4[%dma_start3A_2808, %dma_start3A_2809] : memref<68x64xf32, #tpu.memory_space<hbm>> -> memref<68x64xf32, #tpu.memory_space<hbm>>
    tpu.enqueue_indirect_dma source(%dma_start3A_2810 : memref<68x64xf32, #tpu.memory_space<hbm>>) target(%dma_start3A_2804 : memref<128x64xf32, #tpu.memory_space<vmem>>) offsets(%dma_start3A_2807 : memref<128xi32, #tpu.memory_space<vmem>>) semaphore(%arg10 : memref<!tpu.dma_semaphore, #tpu.memory_space<semaphore_mem>>)
    %dma_start3A_2811 = arith.constant 9 : i32
    %dma_start3A_2812 = arith.constant 128 : i32
    %dma_start3A_2813 = arith.constant 0 : i32
    %dma_start3A_2814 = tpu.memref_slice %arg8[%dma_start3A_2812, %dma_start3A_2813] : memref<512x64xf32, #tpu.memory_space<vmem>> -> memref<128x64xf32, #tpu.memory_space<vmem>>
    %dma_start3A_2815 = arith.constant 0 : i32
    %dma_start3A_2816 = tpu.memref_slice %arg7[%dma_start3A_2811, %dma_start3A_2815] : memref<16x128xi32, #tpu.memory_space<vmem>> -> memref<1x128xi32, #tpu.memory_space<vmem>>
    %dma_start3A_2817 = tpu.memref_squeeze %dma_start3A_2816 : memref<1x128xi32, #tpu.memory_space<vmem>> -> memref<128xi32, #tpu.memory_space<vmem>>
    %dma_start3A_2818 = arith.constant 0 : i32
    %dma_start3A_2819 = arith.constant 0 : i32
    %dma_start3A_2820 = tpu.memref_slice %arg3[%dma_start3A_2818, %dma_start3A_2819] : memref<68x64xf32, #tpu.memory_space<hbm>> -> memref<68x64xf32, #tpu.memory_space<hbm>>
    tpu.enqueue_indirect_dma source(%dma_start3A_2820 : memref<68x64xf32, #tpu.memory_space<hbm>>) target(%dma_start3A_2814 : memref<128x64xf32, #tpu.memory_space<vmem>>) offsets(%dma_start3A_2817 : memref<128xi32, #tpu.memory_space<vmem>>) semaphore(%arg10 : memref<!tpu.dma_semaphore, #tpu.memory_space<semaphore_mem>>)
    %dma_start3A_2821 = arith.constant 9 : i32
    %dma_start3A_2822 = arith.constant 128 : i32
    %dma_start3A_2823 = arith.constant 0 : i32
    %dma_start3A_2824 = tpu.memref_slice %arg9[%dma_start3A_2822, %dma_start3A_2823] : memref<512x64xf32, #tpu.memory_space<vmem>> -> memref<128x64xf32, #tpu.memory_space<vmem>>
    %dma_start3A_2825 = arith.constant 0 : i32
    %dma_start3A_2826 = tpu.memref_slice %arg7[%dma_start3A_2821, %dma_start3A_2825] : memref<16x128xi32, #tpu.memory_space<vmem>> -> memref<1x128xi32, #tpu.memory_space<vmem>>
    %dma_start3A_2827 = tpu.memref_squeeze %dma_start3A_2826 : memref<1x128xi32, #tpu.memory_space<vmem>> -> memref<128xi32, #tpu.memory_space<vmem>>
    %dma_start3A_2828 = arith.constant 0 : i32
    %dma_start3A_2829 = arith.constant 0 : i32
    %dma_start3A_2830 = tpu.memref_slice %arg4[%dma_start3A_2828, %dma_start3A_2829] : memref<68x64xf32, #tpu.memory_space<hbm>> -> memref<68x64xf32, #tpu.memory_space<hbm>>
    tpu.enqueue_indirect_dma source(%dma_start3A_2830 : memref<68x64xf32, #tpu.memory_space<hbm>>) target(%dma_start3A_2824 : memref<128x64xf32, #tpu.memory_space<vmem>>) offsets(%dma_start3A_2827 : memref<128xi32, #tpu.memory_space<vmem>>) semaphore(%arg10 : memref<!tpu.dma_semaphore, #tpu.memory_space<semaphore_mem>>)
    %dma_wait3A_2831 = arith.constant 8 : i32
    %dma_wait3A_2832 = arith.constant 0 : i32
    %dma_wait3A_2833 = arith.constant 0 : i32
    %dma_wait3A_2834 = tpu.memref_slice %arg8[%dma_wait3A_2832, %dma_wait3A_2833] : memref<512x64xf32, #tpu.memory_space<vmem>> -> memref<128x64xf32, #tpu.memory_space<vmem>>
    %dma_wait3A_2835 = arith.constant 0 : i32
    %dma_wait3A_2836 = tpu.memref_slice %arg7[%dma_wait3A_2831, %dma_wait3A_2835] : memref<16x128xi32, #tpu.memory_space<vmem>> -> memref<1x128xi32, #tpu.memory_space<vmem>>
    %dma_wait3A_2837 = tpu.memref_squeeze %dma_wait3A_2836 : memref<1x128xi32, #tpu.memory_space<vmem>> -> memref<128xi32, #tpu.memory_space<vmem>>
    %dma_wait3A_2838 = arith.constant 0 : i32
    %dma_wait3A_2839 = arith.constant 0 : i32
    %dma_wait3A_2840 = tpu.memref_slice %arg3[%dma_wait3A_2838, %dma_wait3A_2839] : memref<68x64xf32, #tpu.memory_space<hbm>> -> memref<68x64xf32, #tpu.memory_space<hbm>>
    tpu.wait_indirect_dma semaphore(%arg10 : memref<!tpu.dma_semaphore, #tpu.memory_space<semaphore_mem>>) src(%dma_wait3A_2840 : memref<68x64xf32, #tpu.memory_space<hbm>>) dst(%dma_wait3A_2834 : memref<128x64xf32, #tpu.memory_space<vmem>>)
    %dma_wait3A_2841 = arith.constant 8 : i32
    %dma_wait3A_2842 = arith.constant 0 : i32
    %dma_wait3A_2843 = arith.constant 0 : i32
    %dma_wait3A_2844 = tpu.memref_slice %arg9[%dma_wait3A_2842, %dma_wait3A_2843] : memref<512x64xf32, #tpu.memory_space<vmem>> -> memref<128x64xf32, #tpu.memory_space<vmem>>
    %dma_wait3A_2845 = arith.constant 0 : i32
    %dma_wait3A_2846 = tpu.memref_slice %arg7[%dma_wait3A_2841, %dma_wait3A_2845] : memref<16x128xi32, #tpu.memory_space<vmem>> -> memref<1x128xi32, #tpu.memory_space<vmem>>
    %dma_wait3A_2847 = tpu.memref_squeeze %dma_wait3A_2846 : memref<1x128xi32, #tpu.memory_space<vmem>> -> memref<128xi32, #tpu.memory_space<vmem>>
    %dma_wait3A_2848 = arith.constant 0 : i32
    %dma_wait3A_2849 = arith.constant 0 : i32
    %dma_wait3A_2850 = tpu.memref_slice %arg4[%dma_wait3A_2848, %dma_wait3A_2849] : memref<68x64xf32, #tpu.memory_space<hbm>> -> memref<68x64xf32, #tpu.memory_space<hbm>>
    tpu.wait_indirect_dma semaphore(%arg10 : memref<!tpu.dma_semaphore, #tpu.memory_space<semaphore_mem>>) src(%dma_wait3A_2850 : memref<68x64xf32, #tpu.memory_space<hbm>>) dst(%dma_wait3A_2844 : memref<128x64xf32, #tpu.memory_space<vmem>>)
    %dma_wait3A_2851 = arith.constant 9 : i32
    %dma_wait3A_2852 = arith.constant 128 : i32
    %dma_wait3A_2853 = arith.constant 0 : i32
    %dma_wait3A_2854 = tpu.memref_slice %arg8[%dma_wait3A_2852, %dma_wait3A_2853] : memref<512x64xf32, #tpu.memory_space<vmem>> -> memref<128x64xf32, #tpu.memory_space<vmem>>
    %dma_wait3A_2855 = arith.constant 0 : i32
    %dma_wait3A_2856 = tpu.memref_slice %arg7[%dma_wait3A_2851, %dma_wait3A_2855] : memref<16x128xi32, #tpu.memory_space<vmem>> -> memref<1x128xi32, #tpu.memory_space<vmem>>
    %dma_wait3A_2857 = tpu.memref_squeeze %dma_wait3A_2856 : memref<1x128xi32, #tpu.memory_space<vmem>> -> memref<128xi32, #tpu.memory_space<vmem>>
    %dma_wait3A_2858 = arith.constant 0 : i32
    %dma_wait3A_2859 = arith.constant 0 : i32
    %dma_wait3A_2860 = tpu.memref_slice %arg3[%dma_wait3A_2858, %dma_wait3A_2859] : memref<68x64xf32, #tpu.memory_space<hbm>> -> memref<68x64xf32, #tpu.memory_space<hbm>>
    tpu.wait_indirect_dma semaphore(%arg10 : memref<!tpu.dma_semaphore, #tpu.memory_space<semaphore_mem>>) src(%dma_wait3A_2860 : memref<68x64xf32, #tpu.memory_space<hbm>>) dst(%dma_wait3A_2854 : memref<128x64xf32, #tpu.memory_space<vmem>>)
    %dma_wait3A_2861 = arith.constant 9 : i32
    %dma_wait3A_2862 = arith.constant 128 : i32
    %dma_wait3A_2863 = arith.constant 0 : i32
    %dma_wait3A_2864 = tpu.memref_slice %arg9[%dma_wait3A_2862, %dma_wait3A_2863] : memref<512x64xf32, #tpu.memory_space<vmem>> -> memref<128x64xf32, #tpu.memory_space<vmem>>
    %dma_wait3A_2865 = arith.constant 0 : i32
    %dma_wait3A_2866 = tpu.memref_slice %arg7[%dma_wait3A_2861, %dma_wait3A_2865] : memref<16x128xi32, #tpu.memory_space<vmem>> -> memref<1x128xi32, #tpu.memory_space<vmem>>
    %dma_wait3A_2867 = tpu.memref_squeeze %dma_wait3A_2866 : memref<1x128xi32, #tpu.memory_space<vmem>> -> memref<128xi32, #tpu.memory_space<vmem>>
    %dma_wait3A_2868 = arith.constant 0 : i32
    %dma_wait3A_2869 = arith.constant 0 : i32
    %dma_wait3A_2870 = tpu.memref_slice %arg4[%dma_wait3A_2868, %dma_wait3A_2869] : memref<68x64xf32, #tpu.memory_space<hbm>> -> memref<68x64xf32, #tpu.memory_space<hbm>>
    tpu.wait_indirect_dma semaphore(%arg10 : memref<!tpu.dma_semaphore, #tpu.memory_space<semaphore_mem>>) src(%dma_wait3A_2870 : memref<68x64xf32, #tpu.memory_space<hbm>>) dst(%dma_wait3A_2864 : memref<128x64xf32, #tpu.memory_space<vmem>>)
    %mul3A_2871 = arith.constant 2048 : i32
    %mul3A_2872 = arith.muli %select_n3A_30, %mul3A_2871 : i32
    %add3A_2873 = arith.constant 1024 : i32
    %add3A_2874 = arith.addi %mul3A_2872, %add3A_2873 : i32
    %mul3A_2875 = arith.constant 8 : i32
    %mul3A_2876 = arith.muli %select_n3A_70, %mul3A_2875 : i32
    %mul3A_2877 = arith.constant 4 : i32
    %mul3A_2878 = arith.muli %select_n3A_54, %mul3A_2877 : i32
    %add3A_2879 = arith.addi %mul3A_2876, %mul3A_2878 : i32
    %add3A_2880 = arith.constant 0 : i32
    %add3A_2881 = arith.addi %add3A_2879, %add3A_2880 : i32
    %mul3A_2882 = arith.constant 16384 : i32
    %mul3A_2883 = arith.muli %add3A_2881, %mul3A_2882 : i32
    %add3A_2884 = arith.addi %mul3A_2883, %add3A_2874 : i32
    %dma_start3A_2885 = arith.constant 0 : i32
    %dma_start3A_2886 = arith.constant 0 : i32
    %dma_start3A_2887 = tpu.memref_slice %arg8[%dma_start3A_2885, %dma_start3A_2886] : memref<512x64xf32, #tpu.memory_space<vmem>> -> memref<256x64xf32, #tpu.memory_space<vmem>>
    %dma_start3A_2888 = arith.constant 0 : i32
    %dma_start3A_2889 = tpu.memref_slice %arg5[%add3A_2884, %dma_start3A_2888] : memref<262144x64xf32, #tpu.memory_space<hbm>> -> memref<256x64xf32, #tpu.memory_space<hbm>>
    %dma_start3A_2890 = arith.constant 0 : i32
    %dma_start3A_2891 = tpu.memref_slice %arg5[%add3A_2884, %dma_start3A_2890] : memref<262144x64xf32, #tpu.memory_space<hbm>> -> memref<256x64xf32, #tpu.memory_space<hbm>>
    %dma_start3A_2892 = arith.constant 0 : i32
    %dma_start3A_2893 = arith.constant 0 : i32
    %dma_start3A_2894 = tpu.memref_slice %arg8[%dma_start3A_2892, %dma_start3A_2893] : memref<512x64xf32, #tpu.memory_space<vmem>> -> memref<256x64xf32, #tpu.memory_space<vmem>>
    tpu.enqueue_dma source(%dma_start3A_2894 : memref<256x64xf32, #tpu.memory_space<vmem>>) target(%dma_start3A_2891 : memref<256x64xf32, #tpu.memory_space<hbm>>) target_semaphore(%arg11 : memref<!tpu.dma_semaphore, #tpu.memory_space<semaphore_mem>>)
    %dma_start3A_2895 = arith.constant 0 : i32
    %dma_start3A_2896 = arith.constant 0 : i32
    %dma_start3A_2897 = tpu.memref_slice %arg9[%dma_start3A_2895, %dma_start3A_2896] : memref<512x64xf32, #tpu.memory_space<vmem>> -> memref<256x64xf32, #tpu.memory_space<vmem>>
    %dma_start3A_2898 = arith.constant 0 : i32
    %dma_start3A_2899 = tpu.memref_slice %arg6[%add3A_2884, %dma_start3A_2898] : memref<262144x64xf32, #tpu.memory_space<hbm>> -> memref<256x64xf32, #tpu.memory_space<hbm>>
    %dma_start3A_2900 = arith.constant 0 : i32
    %dma_start3A_2901 = tpu.memref_slice %arg6[%add3A_2884, %dma_start3A_2900] : memref<262144x64xf32, #tpu.memory_space<hbm>> -> memref<256x64xf32, #tpu.memory_space<hbm>>
    %dma_start3A_2902 = arith.constant 0 : i32
    %dma_start3A_2903 = arith.constant 0 : i32
    %dma_start3A_2904 = tpu.memref_slice %arg9[%dma_start3A_2902, %dma_start3A_2903] : memref<512x64xf32, #tpu.memory_space<vmem>> -> memref<256x64xf32, #tpu.memory_space<vmem>>
    tpu.enqueue_dma source(%dma_start3A_2904 : memref<256x64xf32, #tpu.memory_space<vmem>>) target(%dma_start3A_2901 : memref<256x64xf32, #tpu.memory_space<hbm>>) target_semaphore(%arg11 : memref<!tpu.dma_semaphore, #tpu.memory_space<semaphore_mem>>)
    %mul3A_2905 = arith.constant 8 : i32
    %mul3A_2906 = arith.muli %select_n3A_70, %mul3A_2905 : i32
    %mul3A_2907 = arith.constant 4 : i32
    %mul3A_2908 = arith.muli %select_n3A_54, %mul3A_2907 : i32
    %add3A_2909 = arith.addi %mul3A_2906, %mul3A_2908 : i32
    %add3A_2910 = arith.constant 1 : i32
    %add3A_2911 = arith.addi %add3A_2909, %add3A_2910 : i32
    %mul3A_2912 = arith.constant 16384 : i32
    %mul3A_2913 = arith.muli %add3A_2911, %mul3A_2912 : i32
    %add3A_2914 = arith.addi %mul3A_2913, %add3A_2874 : i32
    %dma_start3A_2915 = arith.constant 0 : i32
    %dma_start3A_2916 = arith.constant 0 : i32
    %dma_start3A_2917 = tpu.memref_slice %arg8[%dma_start3A_2915, %dma_start3A_2916] : memref<512x64xf32, #tpu.memory_space<vmem>> -> memref<256x64xf32, #tpu.memory_space<vmem>>
    %dma_start3A_2918 = arith.constant 0 : i32
    %dma_start3A_2919 = tpu.memref_slice %arg5[%add3A_2914, %dma_start3A_2918] : memref<262144x64xf32, #tpu.memory_space<hbm>> -> memref<256x64xf32, #tpu.memory_space<hbm>>
    %dma_start3A_2920 = arith.constant 0 : i32
    %dma_start3A_2921 = tpu.memref_slice %arg5[%add3A_2914, %dma_start3A_2920] : memref<262144x64xf32, #tpu.memory_space<hbm>> -> memref<256x64xf32, #tpu.memory_space<hbm>>
    %dma_start3A_2922 = arith.constant 0 : i32
    %dma_start3A_2923 = arith.constant 0 : i32
    %dma_start3A_2924 = tpu.memref_slice %arg8[%dma_start3A_2922, %dma_start3A_2923] : memref<512x64xf32, #tpu.memory_space<vmem>> -> memref<256x64xf32, #tpu.memory_space<vmem>>
    tpu.enqueue_dma source(%dma_start3A_2924 : memref<256x64xf32, #tpu.memory_space<vmem>>) target(%dma_start3A_2921 : memref<256x64xf32, #tpu.memory_space<hbm>>) target_semaphore(%arg11 : memref<!tpu.dma_semaphore, #tpu.memory_space<semaphore_mem>>)
    %dma_start3A_2925 = arith.constant 0 : i32
    %dma_start3A_2926 = arith.constant 0 : i32
    %dma_start3A_2927 = tpu.memref_slice %arg9[%dma_start3A_2925, %dma_start3A_2926] : memref<512x64xf32, #tpu.memory_space<vmem>> -> memref<256x64xf32, #tpu.memory_space<vmem>>
    %dma_start3A_2928 = arith.constant 0 : i32
    %dma_start3A_2929 = tpu.memref_slice %arg6[%add3A_2914, %dma_start3A_2928] : memref<262144x64xf32, #tpu.memory_space<hbm>> -> memref<256x64xf32, #tpu.memory_space<hbm>>
    %dma_start3A_2930 = arith.constant 0 : i32
    %dma_start3A_2931 = tpu.memref_slice %arg6[%add3A_2914, %dma_start3A_2930] : memref<262144x64xf32, #tpu.memory_space<hbm>> -> memref<256x64xf32, #tpu.memory_space<hbm>>
    %dma_start3A_2932 = arith.constant 0 : i32
    %dma_start3A_2933 = arith.constant 0 : i32
    %dma_start3A_2934 = tpu.memref_slice %arg9[%dma_start3A_2932, %dma_start3A_2933] : memref<512x64xf32, #tpu.memory_space<vmem>> -> memref<256x64xf32, #tpu.memory_space<vmem>>
    tpu.enqueue_dma source(%dma_start3A_2934 : memref<256x64xf32, #tpu.memory_space<vmem>>) target(%dma_start3A_2931 : memref<256x64xf32, #tpu.memory_space<hbm>>) target_semaphore(%arg11 : memref<!tpu.dma_semaphore, #tpu.memory_space<semaphore_mem>>)
    %mul3A_2935 = arith.constant 8 : i32
    %mul3A_2936 = arith.muli %select_n3A_70, %mul3A_2935 : i32
    %mul3A_2937 = arith.constant 4 : i32
    %mul3A_2938 = arith.muli %select_n3A_54, %mul3A_2937 : i32
    %add3A_2939 = arith.addi %mul3A_2936, %mul3A_2938 : i32
    %add3A_2940 = arith.constant 2 : i32
    %add3A_2941 = arith.addi %add3A_2939, %add3A_2940 : i32
    %mul3A_2942 = arith.constant 16384 : i32
    %mul3A_2943 = arith.muli %add3A_2941, %mul3A_2942 : i32
    %add3A_2944 = arith.addi %mul3A_2943, %add3A_2874 : i32
    %dma_start3A_2945 = arith.constant 0 : i32
    %dma_start3A_2946 = arith.constant 0 : i32
    %dma_start3A_2947 = tpu.memref_slice %arg8[%dma_start3A_2945, %dma_start3A_2946] : memref<512x64xf32, #tpu.memory_space<vmem>> -> memref<256x64xf32, #tpu.memory_space<vmem>>
    %dma_start3A_2948 = arith.constant 0 : i32
    %dma_start3A_2949 = tpu.memref_slice %arg5[%add3A_2944, %dma_start3A_2948] : memref<262144x64xf32, #tpu.memory_space<hbm>> -> memref<256x64xf32, #tpu.memory_space<hbm>>
    %dma_start3A_2950 = arith.constant 0 : i32
    %dma_start3A_2951 = tpu.memref_slice %arg5[%add3A_2944, %dma_start3A_2950] : memref<262144x64xf32, #tpu.memory_space<hbm>> -> memref<256x64xf32, #tpu.memory_space<hbm>>
    %dma_start3A_2952 = arith.constant 0 : i32
    %dma_start3A_2953 = arith.constant 0 : i32
    %dma_start3A_2954 = tpu.memref_slice %arg8[%dma_start3A_2952, %dma_start3A_2953] : memref<512x64xf32, #tpu.memory_space<vmem>> -> memref<256x64xf32, #tpu.memory_space<vmem>>
    tpu.enqueue_dma source(%dma_start3A_2954 : memref<256x64xf32, #tpu.memory_space<vmem>>) target(%dma_start3A_2951 : memref<256x64xf32, #tpu.memory_space<hbm>>) target_semaphore(%arg11 : memref<!tpu.dma_semaphore, #tpu.memory_space<semaphore_mem>>)
    %dma_start3A_2955 = arith.constant 0 : i32
    %dma_start3A_2956 = arith.constant 0 : i32
    %dma_start3A_2957 = tpu.memref_slice %arg9[%dma_start3A_2955, %dma_start3A_2956] : memref<512x64xf32, #tpu.memory_space<vmem>> -> memref<256x64xf32, #tpu.memory_space<vmem>>
    %dma_start3A_2958 = arith.constant 0 : i32
    %dma_start3A_2959 = tpu.memref_slice %arg6[%add3A_2944, %dma_start3A_2958] : memref<262144x64xf32, #tpu.memory_space<hbm>> -> memref<256x64xf32, #tpu.memory_space<hbm>>
    %dma_start3A_2960 = arith.constant 0 : i32
    %dma_start3A_2961 = tpu.memref_slice %arg6[%add3A_2944, %dma_start3A_2960] : memref<262144x64xf32, #tpu.memory_space<hbm>> -> memref<256x64xf32, #tpu.memory_space<hbm>>
    %dma_start3A_2962 = arith.constant 0 : i32
    %dma_start3A_2963 = arith.constant 0 : i32
    %dma_start3A_2964 = tpu.memref_slice %arg9[%dma_start3A_2962, %dma_start3A_2963] : memref<512x64xf32, #tpu.memory_space<vmem>> -> memref<256x64xf32, #tpu.memory_space<vmem>>
    tpu.enqueue_dma source(%dma_start3A_2964 : memref<256x64xf32, #tpu.memory_space<vmem>>) target(%dma_start3A_2961 : memref<256x64xf32, #tpu.memory_space<hbm>>) target_semaphore(%arg11 : memref<!tpu.dma_semaphore, #tpu.memory_space<semaphore_mem>>)
    %mul3A_2965 = arith.constant 8 : i32
    %mul3A_2966 = arith.muli %select_n3A_70, %mul3A_2965 : i32
    %mul3A_2967 = arith.constant 4 : i32
    %mul3A_2968 = arith.muli %select_n3A_54, %mul3A_2967 : i32
    %add3A_2969 = arith.addi %mul3A_2966, %mul3A_2968 : i32
    %add3A_2970 = arith.constant 3 : i32
    %add3A_2971 = arith.addi %add3A_2969, %add3A_2970 : i32
    %mul3A_2972 = arith.constant 16384 : i32
    %mul3A_2973 = arith.muli %add3A_2971, %mul3A_2972 : i32
    %add3A_2974 = arith.addi %mul3A_2973, %add3A_2874 : i32
    %dma_start3A_2975 = arith.constant 0 : i32
    %dma_start3A_2976 = arith.constant 0 : i32
    %dma_start3A_2977 = tpu.memref_slice %arg8[%dma_start3A_2975, %dma_start3A_2976] : memref<512x64xf32, #tpu.memory_space<vmem>> -> memref<256x64xf32, #tpu.memory_space<vmem>>
    %dma_start3A_2978 = arith.constant 0 : i32
    %dma_start3A_2979 = tpu.memref_slice %arg5[%add3A_2974, %dma_start3A_2978] : memref<262144x64xf32, #tpu.memory_space<hbm>> -> memref<256x64xf32, #tpu.memory_space<hbm>>
    %dma_start3A_2980 = arith.constant 0 : i32
    %dma_start3A_2981 = tpu.memref_slice %arg5[%add3A_2974, %dma_start3A_2980] : memref<262144x64xf32, #tpu.memory_space<hbm>> -> memref<256x64xf32, #tpu.memory_space<hbm>>
    %dma_start3A_2982 = arith.constant 0 : i32
    %dma_start3A_2983 = arith.constant 0 : i32
    %dma_start3A_2984 = tpu.memref_slice %arg8[%dma_start3A_2982, %dma_start3A_2983] : memref<512x64xf32, #tpu.memory_space<vmem>> -> memref<256x64xf32, #tpu.memory_space<vmem>>
    tpu.enqueue_dma source(%dma_start3A_2984 : memref<256x64xf32, #tpu.memory_space<vmem>>) target(%dma_start3A_2981 : memref<256x64xf32, #tpu.memory_space<hbm>>) target_semaphore(%arg11 : memref<!tpu.dma_semaphore, #tpu.memory_space<semaphore_mem>>)
    %dma_start3A_2985 = arith.constant 0 : i32
    %dma_start3A_2986 = arith.constant 0 : i32
    %dma_start3A_2987 = tpu.memref_slice %arg9[%dma_start3A_2985, %dma_start3A_2986] : memref<512x64xf32, #tpu.memory_space<vmem>> -> memref<256x64xf32, #tpu.memory_space<vmem>>
    %dma_start3A_2988 = arith.constant 0 : i32
    %dma_start3A_2989 = tpu.memref_slice %arg6[%add3A_2974, %dma_start3A_2988] : memref<262144x64xf32, #tpu.memory_space<hbm>> -> memref<256x64xf32, #tpu.memory_space<hbm>>
    %dma_start3A_2990 = arith.constant 0 : i32
    %dma_start3A_2991 = tpu.memref_slice %arg6[%add3A_2974, %dma_start3A_2990] : memref<262144x64xf32, #tpu.memory_space<hbm>> -> memref<256x64xf32, #tpu.memory_space<hbm>>
    %dma_start3A_2992 = arith.constant 0 : i32
    %dma_start3A_2993 = arith.constant 0 : i32
    %dma_start3A_2994 = tpu.memref_slice %arg9[%dma_start3A_2992, %dma_start3A_2993] : memref<512x64xf32, #tpu.memory_space<vmem>> -> memref<256x64xf32, #tpu.memory_space<vmem>>
    tpu.enqueue_dma source(%dma_start3A_2994 : memref<256x64xf32, #tpu.memory_space<vmem>>) target(%dma_start3A_2991 : memref<256x64xf32, #tpu.memory_space<hbm>>) target_semaphore(%arg11 : memref<!tpu.dma_semaphore, #tpu.memory_space<semaphore_mem>>)
    %dma_wait3A_2995 = arith.constant 256 : i32
    %dma_wait3A_2996 = arith.constant 0 : i32
    %dma_wait3A_2997 = tpu.memref_slice %arg8[%dma_wait3A_2995, %dma_wait3A_2996] : memref<512x64xf32, #tpu.memory_space<vmem>> -> memref<256x64xf32, #tpu.memory_space<vmem>>
    %dma_wait3A_2998 = arith.constant 0 : i32
    %dma_wait3A_2999 = tpu.memref_slice %arg5[%add3A_2600, %dma_wait3A_2998] : memref<262144x64xf32, #tpu.memory_space<hbm>> -> memref<256x64xf32, #tpu.memory_space<hbm>>
    %dma_wait3A_3000 = arith.constant 0 : i32
    %dma_wait3A_3001 = tpu.memref_slice %arg5[%add3A_2600, %dma_wait3A_3000] : memref<262144x64xf32, #tpu.memory_space<hbm>> -> memref<256x64xf32, #tpu.memory_space<hbm>>
    %dma_wait3A_3002 = arith.constant 256 : i32
    %dma_wait3A_3003 = arith.constant 0 : i32
    %dma_wait3A_3004 = tpu.memref_slice %arg8[%dma_wait3A_3002, %dma_wait3A_3003] : memref<512x64xf32, #tpu.memory_space<vmem>> -> memref<256x64xf32, #tpu.memory_space<vmem>>
    tpu.wait_dma2 semaphore(%arg12 : memref<!tpu.dma_semaphore, #tpu.memory_space<semaphore_mem>>) src(%dma_wait3A_3004 : memref<256x64xf32, #tpu.memory_space<vmem>>) dst(%dma_wait3A_3001 : memref<256x64xf32, #tpu.memory_space<hbm>>)
    %dma_wait3A_3005 = arith.constant 256 : i32
    %dma_wait3A_3006 = arith.constant 0 : i32
    %dma_wait3A_3007 = tpu.memref_slice %arg9[%dma_wait3A_3005, %dma_wait3A_3006] : memref<512x64xf32, #tpu.memory_space<vmem>> -> memref<256x64xf32, #tpu.memory_space<vmem>>
    %dma_wait3A_3008 = arith.constant 0 : i32
    %dma_wait3A_3009 = tpu.memref_slice %arg6[%add3A_2600, %dma_wait3A_3008] : memref<262144x64xf32, #tpu.memory_space<hbm>> -> memref<256x64xf32, #tpu.memory_space<hbm>>
    %dma_wait3A_3010 = arith.constant 0 : i32
    %dma_wait3A_3011 = tpu.memref_slice %arg6[%add3A_2600, %dma_wait3A_3010] : memref<262144x64xf32, #tpu.memory_space<hbm>> -> memref<256x64xf32, #tpu.memory_space<hbm>>
    %dma_wait3A_3012 = arith.constant 256 : i32
    %dma_wait3A_3013 = arith.constant 0 : i32
    %dma_wait3A_3014 = tpu.memref_slice %arg9[%dma_wait3A_3012, %dma_wait3A_3013] : memref<512x64xf32, #tpu.memory_space<vmem>> -> memref<256x64xf32, #tpu.memory_space<vmem>>
    tpu.wait_dma2 semaphore(%arg12 : memref<!tpu.dma_semaphore, #tpu.memory_space<semaphore_mem>>) src(%dma_wait3A_3014 : memref<256x64xf32, #tpu.memory_space<vmem>>) dst(%dma_wait3A_3011 : memref<256x64xf32, #tpu.memory_space<hbm>>)
    %dma_wait3A_3015 = arith.constant 256 : i32
    %dma_wait3A_3016 = arith.constant 0 : i32
    %dma_wait3A_3017 = tpu.memref_slice %arg8[%dma_wait3A_3015, %dma_wait3A_3016] : memref<512x64xf32, #tpu.memory_space<vmem>> -> memref<256x64xf32, #tpu.memory_space<vmem>>
    %dma_wait3A_3018 = arith.constant 0 : i32
    %dma_wait3A_3019 = tpu.memref_slice %arg5[%add3A_2630, %dma_wait3A_3018] : memref<262144x64xf32, #tpu.memory_space<hbm>> -> memref<256x64xf32, #tpu.memory_space<hbm>>
    %dma_wait3A_3020 = arith.constant 0 : i32
    %dma_wait3A_3021 = tpu.memref_slice %arg5[%add3A_2630, %dma_wait3A_3020] : memref<262144x64xf32, #tpu.memory_space<hbm>> -> memref<256x64xf32, #tpu.memory_space<hbm>>
    %dma_wait3A_3022 = arith.constant 256 : i32
    %dma_wait3A_3023 = arith.constant 0 : i32
    %dma_wait3A_3024 = tpu.memref_slice %arg8[%dma_wait3A_3022, %dma_wait3A_3023] : memref<512x64xf32, #tpu.memory_space<vmem>> -> memref<256x64xf32, #tpu.memory_space<vmem>>
    tpu.wait_dma2 semaphore(%arg12 : memref<!tpu.dma_semaphore, #tpu.memory_space<semaphore_mem>>) src(%dma_wait3A_3024 : memref<256x64xf32, #tpu.memory_space<vmem>>) dst(%dma_wait3A_3021 : memref<256x64xf32, #tpu.memory_space<hbm>>)
    %dma_wait3A_3025 = arith.constant 256 : i32
    %dma_wait3A_3026 = arith.constant 0 : i32
    %dma_wait3A_3027 = tpu.memref_slice %arg9[%dma_wait3A_3025, %dma_wait3A_3026] : memref<512x64xf32, #tpu.memory_space<vmem>> -> memref<256x64xf32, #tpu.memory_space<vmem>>
    %dma_wait3A_3028 = arith.constant 0 : i32
    %dma_wait3A_3029 = tpu.memref_slice %arg6[%add3A_2630, %dma_wait3A_3028] : memref<262144x64xf32, #tpu.memory_space<hbm>> -> memref<256x64xf32, #tpu.memory_space<hbm>>
    %dma_wait3A_3030 = arith.constant 0 : i32
    %dma_wait3A_3031 = tpu.memref_slice %arg6[%add3A_2630, %dma_wait3A_3030] : memref<262144x64xf32, #tpu.memory_space<hbm>> -> memref<256x64xf32, #tpu.memory_space<hbm>>
    %dma_wait3A_3032 = arith.constant 256 : i32
    %dma_wait3A_3033 = arith.constant 0 : i32
    %dma_wait3A_3034 = tpu.memref_slice %arg9[%dma_wait3A_3032, %dma_wait3A_3033] : memref<512x64xf32, #tpu.memory_space<vmem>> -> memref<256x64xf32, #tpu.memory_space<vmem>>
    tpu.wait_dma2 semaphore(%arg12 : memref<!tpu.dma_semaphore, #tpu.memory_space<semaphore_mem>>) src(%dma_wait3A_3034 : memref<256x64xf32, #tpu.memory_space<vmem>>) dst(%dma_wait3A_3031 : memref<256x64xf32, #tpu.memory_space<hbm>>)
    %dma_wait3A_3035 = arith.constant 256 : i32
    %dma_wait3A_3036 = arith.constant 0 : i32
    %dma_wait3A_3037 = tpu.memref_slice %arg8[%dma_wait3A_3035, %dma_wait3A_3036] : memref<512x64xf32, #tpu.memory_space<vmem>> -> memref<256x64xf32, #tpu.memory_space<vmem>>
    %dma_wait3A_3038 = arith.constant 0 : i32
    %dma_wait3A_3039 = tpu.memref_slice %arg5[%add3A_2660, %dma_wait3A_3038] : memref<262144x64xf32, #tpu.memory_space<hbm>> -> memref<256x64xf32, #tpu.memory_space<hbm>>
    %dma_wait3A_3040 = arith.constant 0 : i32
    %dma_wait3A_3041 = tpu.memref_slice %arg5[%add3A_2660, %dma_wait3A_3040] : memref<262144x64xf32, #tpu.memory_space<hbm>> -> memref<256x64xf32, #tpu.memory_space<hbm>>
    %dma_wait3A_3042 = arith.constant 256 : i32
    %dma_wait3A_3043 = arith.constant 0 : i32
    %dma_wait3A_3044 = tpu.memref_slice %arg8[%dma_wait3A_3042, %dma_wait3A_3043] : memref<512x64xf32, #tpu.memory_space<vmem>> -> memref<256x64xf32, #tpu.memory_space<vmem>>
    tpu.wait_dma2 semaphore(%arg12 : memref<!tpu.dma_semaphore, #tpu.memory_space<semaphore_mem>>) src(%dma_wait3A_3044 : memref<256x64xf32, #tpu.memory_space<vmem>>) dst(%dma_wait3A_3041 : memref<256x64xf32, #tpu.memory_space<hbm>>)
    %dma_wait3A_3045 = arith.constant 256 : i32
    %dma_wait3A_3046 = arith.constant 0 : i32
    %dma_wait3A_3047 = tpu.memref_slice %arg9[%dma_wait3A_3045, %dma_wait3A_3046] : memref<512x64xf32, #tpu.memory_space<vmem>> -> memref<256x64xf32, #tpu.memory_space<vmem>>
    %dma_wait3A_3048 = arith.constant 0 : i32
    %dma_wait3A_3049 = tpu.memref_slice %arg6[%add3A_2660, %dma_wait3A_3048] : memref<262144x64xf32, #tpu.memory_space<hbm>> -> memref<256x64xf32, #tpu.memory_space<hbm>>
    %dma_wait3A_3050 = arith.constant 0 : i32
    %dma_wait3A_3051 = tpu.memref_slice %arg6[%add3A_2660, %dma_wait3A_3050] : memref<262144x64xf32, #tpu.memory_space<hbm>> -> memref<256x64xf32, #tpu.memory_space<hbm>>
    %dma_wait3A_3052 = arith.constant 256 : i32
    %dma_wait3A_3053 = arith.constant 0 : i32
    %dma_wait3A_3054 = tpu.memref_slice %arg9[%dma_wait3A_3052, %dma_wait3A_3053] : memref<512x64xf32, #tpu.memory_space<vmem>> -> memref<256x64xf32, #tpu.memory_space<vmem>>
    tpu.wait_dma2 semaphore(%arg12 : memref<!tpu.dma_semaphore, #tpu.memory_space<semaphore_mem>>) src(%dma_wait3A_3054 : memref<256x64xf32, #tpu.memory_space<vmem>>) dst(%dma_wait3A_3051 : memref<256x64xf32, #tpu.memory_space<hbm>>)
    %dma_wait3A_3055 = arith.constant 256 : i32
    %dma_wait3A_3056 = arith.constant 0 : i32
    %dma_wait3A_3057 = tpu.memref_slice %arg8[%dma_wait3A_3055, %dma_wait3A_3056] : memref<512x64xf32, #tpu.memory_space<vmem>> -> memref<256x64xf32, #tpu.memory_space<vmem>>
    %dma_wait3A_3058 = arith.constant 0 : i32
    %dma_wait3A_3059 = tpu.memref_slice %arg5[%add3A_2690, %dma_wait3A_3058] : memref<262144x64xf32, #tpu.memory_space<hbm>> -> memref<256x64xf32, #tpu.memory_space<hbm>>
    %dma_wait3A_3060 = arith.constant 0 : i32
    %dma_wait3A_3061 = tpu.memref_slice %arg5[%add3A_2690, %dma_wait3A_3060] : memref<262144x64xf32, #tpu.memory_space<hbm>> -> memref<256x64xf32, #tpu.memory_space<hbm>>
    %dma_wait3A_3062 = arith.constant 256 : i32
    %dma_wait3A_3063 = arith.constant 0 : i32
    %dma_wait3A_3064 = tpu.memref_slice %arg8[%dma_wait3A_3062, %dma_wait3A_3063] : memref<512x64xf32, #tpu.memory_space<vmem>> -> memref<256x64xf32, #tpu.memory_space<vmem>>
    tpu.wait_dma2 semaphore(%arg12 : memref<!tpu.dma_semaphore, #tpu.memory_space<semaphore_mem>>) src(%dma_wait3A_3064 : memref<256x64xf32, #tpu.memory_space<vmem>>) dst(%dma_wait3A_3061 : memref<256x64xf32, #tpu.memory_space<hbm>>)
    %dma_wait3A_3065 = arith.constant 256 : i32
    %dma_wait3A_3066 = arith.constant 0 : i32
    %dma_wait3A_3067 = tpu.memref_slice %arg9[%dma_wait3A_3065, %dma_wait3A_3066] : memref<512x64xf32, #tpu.memory_space<vmem>> -> memref<256x64xf32, #tpu.memory_space<vmem>>
    %dma_wait3A_3068 = arith.constant 0 : i32
    %dma_wait3A_3069 = tpu.memref_slice %arg6[%add3A_2690, %dma_wait3A_3068] : memref<262144x64xf32, #tpu.memory_space<hbm>> -> memref<256x64xf32, #tpu.memory_space<hbm>>
    %dma_wait3A_3070 = arith.constant 0 : i32
    %dma_wait3A_3071 = tpu.memref_slice %arg6[%add3A_2690, %dma_wait3A_3070] : memref<262144x64xf32, #tpu.memory_space<hbm>> -> memref<256x64xf32, #tpu.memory_space<hbm>>
    %dma_wait3A_3072 = arith.constant 256 : i32
    %dma_wait3A_3073 = arith.constant 0 : i32
    %dma_wait3A_3074 = tpu.memref_slice %arg9[%dma_wait3A_3072, %dma_wait3A_3073] : memref<512x64xf32, #tpu.memory_space<vmem>> -> memref<256x64xf32, #tpu.memory_space<vmem>>
    tpu.wait_dma2 semaphore(%arg12 : memref<!tpu.dma_semaphore, #tpu.memory_space<semaphore_mem>>) src(%dma_wait3A_3074 : memref<256x64xf32, #tpu.memory_space<vmem>>) dst(%dma_wait3A_3071 : memref<256x64xf32, #tpu.memory_space<hbm>>)
    %dma_start3A_3075 = arith.constant 10 : i32
    %dma_start3A_3076 = arith.constant 256 : i32
    %dma_start3A_3077 = arith.constant 0 : i32
    %dma_start3A_3078 = tpu.memref_slice %arg8[%dma_start3A_3076, %dma_start3A_3077] : memref<512x64xf32, #tpu.memory_space<vmem>> -> memref<128x64xf32, #tpu.memory_space<vmem>>
    %dma_start3A_3079 = arith.constant 0 : i32
    %dma_start3A_3080 = tpu.memref_slice %arg7[%dma_start3A_3075, %dma_start3A_3079] : memref<16x128xi32, #tpu.memory_space<vmem>> -> memref<1x128xi32, #tpu.memory_space<vmem>>
    %dma_start3A_3081 = tpu.memref_squeeze %dma_start3A_3080 : memref<1x128xi32, #tpu.memory_space<vmem>> -> memref<128xi32, #tpu.memory_space<vmem>>
    %dma_start3A_3082 = arith.constant 0 : i32
    %dma_start3A_3083 = arith.constant 0 : i32
    %dma_start3A_3084 = tpu.memref_slice %arg3[%dma_start3A_3082, %dma_start3A_3083] : memref<68x64xf32, #tpu.memory_space<hbm>> -> memref<68x64xf32, #tpu.memory_space<hbm>>
    tpu.enqueue_indirect_dma source(%dma_start3A_3084 : memref<68x64xf32, #tpu.memory_space<hbm>>) target(%dma_start3A_3078 : memref<128x64xf32, #tpu.memory_space<vmem>>) offsets(%dma_start3A_3081 : memref<128xi32, #tpu.memory_space<vmem>>) semaphore(%arg10 : memref<!tpu.dma_semaphore, #tpu.memory_space<semaphore_mem>>)
    %dma_start3A_3085 = arith.constant 10 : i32
    %dma_start3A_3086 = arith.constant 256 : i32
    %dma_start3A_3087 = arith.constant 0 : i32
    %dma_start3A_3088 = tpu.memref_slice %arg9[%dma_start3A_3086, %dma_start3A_3087] : memref<512x64xf32, #tpu.memory_space<vmem>> -> memref<128x64xf32, #tpu.memory_space<vmem>>
    %dma_start3A_3089 = arith.constant 0 : i32
    %dma_start3A_3090 = tpu.memref_slice %arg7[%dma_start3A_3085, %dma_start3A_3089] : memref<16x128xi32, #tpu.memory_space<vmem>> -> memref<1x128xi32, #tpu.memory_space<vmem>>
    %dma_start3A_3091 = tpu.memref_squeeze %dma_start3A_3090 : memref<1x128xi32, #tpu.memory_space<vmem>> -> memref<128xi32, #tpu.memory_space<vmem>>
    %dma_start3A_3092 = arith.constant 0 : i32
    %dma_start3A_3093 = arith.constant 0 : i32
    %dma_start3A_3094 = tpu.memref_slice %arg4[%dma_start3A_3092, %dma_start3A_3093] : memref<68x64xf32, #tpu.memory_space<hbm>> -> memref<68x64xf32, #tpu.memory_space<hbm>>
    tpu.enqueue_indirect_dma source(%dma_start3A_3094 : memref<68x64xf32, #tpu.memory_space<hbm>>) target(%dma_start3A_3088 : memref<128x64xf32, #tpu.memory_space<vmem>>) offsets(%dma_start3A_3091 : memref<128xi32, #tpu.memory_space<vmem>>) semaphore(%arg10 : memref<!tpu.dma_semaphore, #tpu.memory_space<semaphore_mem>>)
    %dma_start3A_3095 = arith.constant 11 : i32
    %dma_start3A_3096 = arith.constant 384 : i32
    %dma_start3A_3097 = arith.constant 0 : i32
    %dma_start3A_3098 = tpu.memref_slice %arg8[%dma_start3A_3096, %dma_start3A_3097] : memref<512x64xf32, #tpu.memory_space<vmem>> -> memref<128x64xf32, #tpu.memory_space<vmem>>
    %dma_start3A_3099 = arith.constant 0 : i32
    %dma_start3A_3100 = tpu.memref_slice %arg7[%dma_start3A_3095, %dma_start3A_3099] : memref<16x128xi32, #tpu.memory_space<vmem>> -> memref<1x128xi32, #tpu.memory_space<vmem>>
    %dma_start3A_3101 = tpu.memref_squeeze %dma_start3A_3100 : memref<1x128xi32, #tpu.memory_space<vmem>> -> memref<128xi32, #tpu.memory_space<vmem>>
    %dma_start3A_3102 = arith.constant 0 : i32
    %dma_start3A_3103 = arith.constant 0 : i32
    %dma_start3A_3104 = tpu.memref_slice %arg3[%dma_start3A_3102, %dma_start3A_3103] : memref<68x64xf32, #tpu.memory_space<hbm>> -> memref<68x64xf32, #tpu.memory_space<hbm>>
    tpu.enqueue_indirect_dma source(%dma_start3A_3104 : memref<68x64xf32, #tpu.memory_space<hbm>>) target(%dma_start3A_3098 : memref<128x64xf32, #tpu.memory_space<vmem>>) offsets(%dma_start3A_3101 : memref<128xi32, #tpu.memory_space<vmem>>) semaphore(%arg10 : memref<!tpu.dma_semaphore, #tpu.memory_space<semaphore_mem>>)
    %dma_start3A_3105 = arith.constant 11 : i32
    %dma_start3A_3106 = arith.constant 384 : i32
    %dma_start3A_3107 = arith.constant 0 : i32
    %dma_start3A_3108 = tpu.memref_slice %arg9[%dma_start3A_3106, %dma_start3A_3107] : memref<512x64xf32, #tpu.memory_space<vmem>> -> memref<128x64xf32, #tpu.memory_space<vmem>>
    %dma_start3A_3109 = arith.constant 0 : i32
    %dma_start3A_3110 = tpu.memref_slice %arg7[%dma_start3A_3105, %dma_start3A_3109] : memref<16x128xi32, #tpu.memory_space<vmem>> -> memref<1x128xi32, #tpu.memory_space<vmem>>
    %dma_start3A_3111 = tpu.memref_squeeze %dma_start3A_3110 : memref<1x128xi32, #tpu.memory_space<vmem>> -> memref<128xi32, #tpu.memory_space<vmem>>
    %dma_start3A_3112 = arith.constant 0 : i32
    %dma_start3A_3113 = arith.constant 0 : i32
    %dma_start3A_3114 = tpu.memref_slice %arg4[%dma_start3A_3112, %dma_start3A_3113] : memref<68x64xf32, #tpu.memory_space<hbm>> -> memref<68x64xf32, #tpu.memory_space<hbm>>
    tpu.enqueue_indirect_dma source(%dma_start3A_3114 : memref<68x64xf32, #tpu.memory_space<hbm>>) target(%dma_start3A_3108 : memref<128x64xf32, #tpu.memory_space<vmem>>) offsets(%dma_start3A_3111 : memref<128xi32, #tpu.memory_space<vmem>>) semaphore(%arg10 : memref<!tpu.dma_semaphore, #tpu.memory_space<semaphore_mem>>)
    %dma_wait3A_3115 = arith.constant 10 : i32
    %dma_wait3A_3116 = arith.constant 256 : i32
    %dma_wait3A_3117 = arith.constant 0 : i32
    %dma_wait3A_3118 = tpu.memref_slice %arg8[%dma_wait3A_3116, %dma_wait3A_3117] : memref<512x64xf32, #tpu.memory_space<vmem>> -> memref<128x64xf32, #tpu.memory_space<vmem>>
    %dma_wait3A_3119 = arith.constant 0 : i32
    %dma_wait3A_3120 = tpu.memref_slice %arg7[%dma_wait3A_3115, %dma_wait3A_3119] : memref<16x128xi32, #tpu.memory_space<vmem>> -> memref<1x128xi32, #tpu.memory_space<vmem>>
    %dma_wait3A_3121 = tpu.memref_squeeze %dma_wait3A_3120 : memref<1x128xi32, #tpu.memory_space<vmem>> -> memref<128xi32, #tpu.memory_space<vmem>>
    %dma_wait3A_3122 = arith.constant 0 : i32
    %dma_wait3A_3123 = arith.constant 0 : i32
    %dma_wait3A_3124 = tpu.memref_slice %arg3[%dma_wait3A_3122, %dma_wait3A_3123] : memref<68x64xf32, #tpu.memory_space<hbm>> -> memref<68x64xf32, #tpu.memory_space<hbm>>
    tpu.wait_indirect_dma semaphore(%arg10 : memref<!tpu.dma_semaphore, #tpu.memory_space<semaphore_mem>>) src(%dma_wait3A_3124 : memref<68x64xf32, #tpu.memory_space<hbm>>) dst(%dma_wait3A_3118 : memref<128x64xf32, #tpu.memory_space<vmem>>)
    %dma_wait3A_3125 = arith.constant 10 : i32
    %dma_wait3A_3126 = arith.constant 256 : i32
    %dma_wait3A_3127 = arith.constant 0 : i32
    %dma_wait3A_3128 = tpu.memref_slice %arg9[%dma_wait3A_3126, %dma_wait3A_3127] : memref<512x64xf32, #tpu.memory_space<vmem>> -> memref<128x64xf32, #tpu.memory_space<vmem>>
    %dma_wait3A_3129 = arith.constant 0 : i32
    %dma_wait3A_3130 = tpu.memref_slice %arg7[%dma_wait3A_3125, %dma_wait3A_3129] : memref<16x128xi32, #tpu.memory_space<vmem>> -> memref<1x128xi32, #tpu.memory_space<vmem>>
    %dma_wait3A_3131 = tpu.memref_squeeze %dma_wait3A_3130 : memref<1x128xi32, #tpu.memory_space<vmem>> -> memref<128xi32, #tpu.memory_space<vmem>>
    %dma_wait3A_3132 = arith.constant 0 : i32
    %dma_wait3A_3133 = arith.constant 0 : i32
    %dma_wait3A_3134 = tpu.memref_slice %arg4[%dma_wait3A_3132, %dma_wait3A_3133] : memref<68x64xf32, #tpu.memory_space<hbm>> -> memref<68x64xf32, #tpu.memory_space<hbm>>
    tpu.wait_indirect_dma semaphore(%arg10 : memref<!tpu.dma_semaphore, #tpu.memory_space<semaphore_mem>>) src(%dma_wait3A_3134 : memref<68x64xf32, #tpu.memory_space<hbm>>) dst(%dma_wait3A_3128 : memref<128x64xf32, #tpu.memory_space<vmem>>)
    %dma_wait3A_3135 = arith.constant 11 : i32
    %dma_wait3A_3136 = arith.constant 384 : i32
    %dma_wait3A_3137 = arith.constant 0 : i32
    %dma_wait3A_3138 = tpu.memref_slice %arg8[%dma_wait3A_3136, %dma_wait3A_3137] : memref<512x64xf32, #tpu.memory_space<vmem>> -> memref<128x64xf32, #tpu.memory_space<vmem>>
    %dma_wait3A_3139 = arith.constant 0 : i32
    %dma_wait3A_3140 = tpu.memref_slice %arg7[%dma_wait3A_3135, %dma_wait3A_3139] : memref<16x128xi32, #tpu.memory_space<vmem>> -> memref<1x128xi32, #tpu.memory_space<vmem>>
    %dma_wait3A_3141 = tpu.memref_squeeze %dma_wait3A_3140 : memref<1x128xi32, #tpu.memory_space<vmem>> -> memref<128xi32, #tpu.memory_space<vmem>>
    %dma_wait3A_3142 = arith.constant 0 : i32
    %dma_wait3A_3143 = arith.constant 0 : i32
    %dma_wait3A_3144 = tpu.memref_slice %arg3[%dma_wait3A_3142, %dma_wait3A_3143] : memref<68x64xf32, #tpu.memory_space<hbm>> -> memref<68x64xf32, #tpu.memory_space<hbm>>
    tpu.wait_indirect_dma semaphore(%arg10 : memref<!tpu.dma_semaphore, #tpu.memory_space<semaphore_mem>>) src(%dma_wait3A_3144 : memref<68x64xf32, #tpu.memory_space<hbm>>) dst(%dma_wait3A_3138 : memref<128x64xf32, #tpu.memory_space<vmem>>)
    %dma_wait3A_3145 = arith.constant 11 : i32
    %dma_wait3A_3146 = arith.constant 384 : i32
    %dma_wait3A_3147 = arith.constant 0 : i32
    %dma_wait3A_3148 = tpu.memref_slice %arg9[%dma_wait3A_3146, %dma_wait3A_3147] : memref<512x64xf32, #tpu.memory_space<vmem>> -> memref<128x64xf32, #tpu.memory_space<vmem>>
    %dma_wait3A_3149 = arith.constant 0 : i32
    %dma_wait3A_3150 = tpu.memref_slice %arg7[%dma_wait3A_3145, %dma_wait3A_3149] : memref<16x128xi32, #tpu.memory_space<vmem>> -> memref<1x128xi32, #tpu.memory_space<vmem>>
    %dma_wait3A_3151 = tpu.memref_squeeze %dma_wait3A_3150 : memref<1x128xi32, #tpu.memory_space<vmem>> -> memref<128xi32, #tpu.memory_space<vmem>>
    %dma_wait3A_3152 = arith.constant 0 : i32
    %dma_wait3A_3153 = arith.constant 0 : i32
    %dma_wait3A_3154 = tpu.memref_slice %arg4[%dma_wait3A_3152, %dma_wait3A_3153] : memref<68x64xf32, #tpu.memory_space<hbm>> -> memref<68x64xf32, #tpu.memory_space<hbm>>
    tpu.wait_indirect_dma semaphore(%arg10 : memref<!tpu.dma_semaphore, #tpu.memory_space<semaphore_mem>>) src(%dma_wait3A_3154 : memref<68x64xf32, #tpu.memory_space<hbm>>) dst(%dma_wait3A_3148 : memref<128x64xf32, #tpu.memory_space<vmem>>)
    %mul3A_3155 = arith.constant 2048 : i32
    %mul3A_3156 = arith.muli %select_n3A_30, %mul3A_3155 : i32
    %add3A_3157 = arith.constant 1280 : i32
    %add3A_3158 = arith.addi %mul3A_3156, %add3A_3157 : i32
    %mul3A_3159 = arith.constant 8 : i32
    %mul3A_3160 = arith.muli %select_n3A_70, %mul3A_3159 : i32
    %mul3A_3161 = arith.constant 4 : i32
    %mul3A_3162 = arith.muli %select_n3A_54, %mul3A_3161 : i32
    %add3A_3163 = arith.addi %mul3A_3160, %mul3A_3162 : i32
    %add3A_3164 = arith.constant 0 : i32
    %add3A_3165 = arith.addi %add3A_3163, %add3A_3164 : i32
    %mul3A_3166 = arith.constant 16384 : i32
    %mul3A_3167 = arith.muli %add3A_3165, %mul3A_3166 : i32
    %add3A_3168 = arith.addi %mul3A_3167, %add3A_3158 : i32
    %dma_start3A_3169 = arith.constant 256 : i32
    %dma_start3A_3170 = arith.constant 0 : i32
    %dma_start3A_3171 = tpu.memref_slice %arg8[%dma_start3A_3169, %dma_start3A_3170] : memref<512x64xf32, #tpu.memory_space<vmem>> -> memref<256x64xf32, #tpu.memory_space<vmem>>
    %dma_start3A_3172 = arith.constant 0 : i32
    %dma_start3A_3173 = tpu.memref_slice %arg5[%add3A_3168, %dma_start3A_3172] : memref<262144x64xf32, #tpu.memory_space<hbm>> -> memref<256x64xf32, #tpu.memory_space<hbm>>
    %dma_start3A_3174 = arith.constant 0 : i32
    %dma_start3A_3175 = tpu.memref_slice %arg5[%add3A_3168, %dma_start3A_3174] : memref<262144x64xf32, #tpu.memory_space<hbm>> -> memref<256x64xf32, #tpu.memory_space<hbm>>
    %dma_start3A_3176 = arith.constant 256 : i32
    %dma_start3A_3177 = arith.constant 0 : i32
    %dma_start3A_3178 = tpu.memref_slice %arg8[%dma_start3A_3176, %dma_start3A_3177] : memref<512x64xf32, #tpu.memory_space<vmem>> -> memref<256x64xf32, #tpu.memory_space<vmem>>
    tpu.enqueue_dma source(%dma_start3A_3178 : memref<256x64xf32, #tpu.memory_space<vmem>>) target(%dma_start3A_3175 : memref<256x64xf32, #tpu.memory_space<hbm>>) target_semaphore(%arg12 : memref<!tpu.dma_semaphore, #tpu.memory_space<semaphore_mem>>)
    %dma_start3A_3179 = arith.constant 256 : i32
    %dma_start3A_3180 = arith.constant 0 : i32
    %dma_start3A_3181 = tpu.memref_slice %arg9[%dma_start3A_3179, %dma_start3A_3180] : memref<512x64xf32, #tpu.memory_space<vmem>> -> memref<256x64xf32, #tpu.memory_space<vmem>>
    %dma_start3A_3182 = arith.constant 0 : i32
    %dma_start3A_3183 = tpu.memref_slice %arg6[%add3A_3168, %dma_start3A_3182] : memref<262144x64xf32, #tpu.memory_space<hbm>> -> memref<256x64xf32, #tpu.memory_space<hbm>>
    %dma_start3A_3184 = arith.constant 0 : i32
    %dma_start3A_3185 = tpu.memref_slice %arg6[%add3A_3168, %dma_start3A_3184] : memref<262144x64xf32, #tpu.memory_space<hbm>> -> memref<256x64xf32, #tpu.memory_space<hbm>>
    %dma_start3A_3186 = arith.constant 256 : i32
    %dma_start3A_3187 = arith.constant 0 : i32
    %dma_start3A_3188 = tpu.memref_slice %arg9[%dma_start3A_3186, %dma_start3A_3187] : memref<512x64xf32, #tpu.memory_space<vmem>> -> memref<256x64xf32, #tpu.memory_space<vmem>>
    tpu.enqueue_dma source(%dma_start3A_3188 : memref<256x64xf32, #tpu.memory_space<vmem>>) target(%dma_start3A_3185 : memref<256x64xf32, #tpu.memory_space<hbm>>) target_semaphore(%arg12 : memref<!tpu.dma_semaphore, #tpu.memory_space<semaphore_mem>>)
    %mul3A_3189 = arith.constant 8 : i32
    %mul3A_3190 = arith.muli %select_n3A_70, %mul3A_3189 : i32
    %mul3A_3191 = arith.constant 4 : i32
    %mul3A_3192 = arith.muli %select_n3A_54, %mul3A_3191 : i32
    %add3A_3193 = arith.addi %mul3A_3190, %mul3A_3192 : i32
    %add3A_3194 = arith.constant 1 : i32
    %add3A_3195 = arith.addi %add3A_3193, %add3A_3194 : i32
    %mul3A_3196 = arith.constant 16384 : i32
    %mul3A_3197 = arith.muli %add3A_3195, %mul3A_3196 : i32
    %add3A_3198 = arith.addi %mul3A_3197, %add3A_3158 : i32
    %dma_start3A_3199 = arith.constant 256 : i32
    %dma_start3A_3200 = arith.constant 0 : i32
    %dma_start3A_3201 = tpu.memref_slice %arg8[%dma_start3A_3199, %dma_start3A_3200] : memref<512x64xf32, #tpu.memory_space<vmem>> -> memref<256x64xf32, #tpu.memory_space<vmem>>
    %dma_start3A_3202 = arith.constant 0 : i32
    %dma_start3A_3203 = tpu.memref_slice %arg5[%add3A_3198, %dma_start3A_3202] : memref<262144x64xf32, #tpu.memory_space<hbm>> -> memref<256x64xf32, #tpu.memory_space<hbm>>
    %dma_start3A_3204 = arith.constant 0 : i32
    %dma_start3A_3205 = tpu.memref_slice %arg5[%add3A_3198, %dma_start3A_3204] : memref<262144x64xf32, #tpu.memory_space<hbm>> -> memref<256x64xf32, #tpu.memory_space<hbm>>
    %dma_start3A_3206 = arith.constant 256 : i32
    %dma_start3A_3207 = arith.constant 0 : i32
    %dma_start3A_3208 = tpu.memref_slice %arg8[%dma_start3A_3206, %dma_start3A_3207] : memref<512x64xf32, #tpu.memory_space<vmem>> -> memref<256x64xf32, #tpu.memory_space<vmem>>
    tpu.enqueue_dma source(%dma_start3A_3208 : memref<256x64xf32, #tpu.memory_space<vmem>>) target(%dma_start3A_3205 : memref<256x64xf32, #tpu.memory_space<hbm>>) target_semaphore(%arg12 : memref<!tpu.dma_semaphore, #tpu.memory_space<semaphore_mem>>)
    %dma_start3A_3209 = arith.constant 256 : i32
    %dma_start3A_3210 = arith.constant 0 : i32
    %dma_start3A_3211 = tpu.memref_slice %arg9[%dma_start3A_3209, %dma_start3A_3210] : memref<512x64xf32, #tpu.memory_space<vmem>> -> memref<256x64xf32, #tpu.memory_space<vmem>>
    %dma_start3A_3212 = arith.constant 0 : i32
    %dma_start3A_3213 = tpu.memref_slice %arg6[%add3A_3198, %dma_start3A_3212] : memref<262144x64xf32, #tpu.memory_space<hbm>> -> memref<256x64xf32, #tpu.memory_space<hbm>>
    %dma_start3A_3214 = arith.constant 0 : i32
    %dma_start3A_3215 = tpu.memref_slice %arg6[%add3A_3198, %dma_start3A_3214] : memref<262144x64xf32, #tpu.memory_space<hbm>> -> memref<256x64xf32, #tpu.memory_space<hbm>>
    %dma_start3A_3216 = arith.constant 256 : i32
    %dma_start3A_3217 = arith.constant 0 : i32
    %dma_start3A_3218 = tpu.memref_slice %arg9[%dma_start3A_3216, %dma_start3A_3217] : memref<512x64xf32, #tpu.memory_space<vmem>> -> memref<256x64xf32, #tpu.memory_space<vmem>>
    tpu.enqueue_dma source(%dma_start3A_3218 : memref<256x64xf32, #tpu.memory_space<vmem>>) target(%dma_start3A_3215 : memref<256x64xf32, #tpu.memory_space<hbm>>) target_semaphore(%arg12 : memref<!tpu.dma_semaphore, #tpu.memory_space<semaphore_mem>>)
    %mul3A_3219 = arith.constant 8 : i32
    %mul3A_3220 = arith.muli %select_n3A_70, %mul3A_3219 : i32
    %mul3A_3221 = arith.constant 4 : i32
    %mul3A_3222 = arith.muli %select_n3A_54, %mul3A_3221 : i32
    %add3A_3223 = arith.addi %mul3A_3220, %mul3A_3222 : i32
    %add3A_3224 = arith.constant 2 : i32
    %add3A_3225 = arith.addi %add3A_3223, %add3A_3224 : i32
    %mul3A_3226 = arith.constant 16384 : i32
    %mul3A_3227 = arith.muli %add3A_3225, %mul3A_3226 : i32
    %add3A_3228 = arith.addi %mul3A_3227, %add3A_3158 : i32
    %dma_start3A_3229 = arith.constant 256 : i32
    %dma_start3A_3230 = arith.constant 0 : i32
    %dma_start3A_3231 = tpu.memref_slice %arg8[%dma_start3A_3229, %dma_start3A_3230] : memref<512x64xf32, #tpu.memory_space<vmem>> -> memref<256x64xf32, #tpu.memory_space<vmem>>
    %dma_start3A_3232 = arith.constant 0 : i32
    %dma_start3A_3233 = tpu.memref_slice %arg5[%add3A_3228, %dma_start3A_3232] : memref<262144x64xf32, #tpu.memory_space<hbm>> -> memref<256x64xf32, #tpu.memory_space<hbm>>
    %dma_start3A_3234 = arith.constant 0 : i32
    %dma_start3A_3235 = tpu.memref_slice %arg5[%add3A_3228, %dma_start3A_3234] : memref<262144x64xf32, #tpu.memory_space<hbm>> -> memref<256x64xf32, #tpu.memory_space<hbm>>
    %dma_start3A_3236 = arith.constant 256 : i32
    %dma_start3A_3237 = arith.constant 0 : i32
    %dma_start3A_3238 = tpu.memref_slice %arg8[%dma_start3A_3236, %dma_start3A_3237] : memref<512x64xf32, #tpu.memory_space<vmem>> -> memref<256x64xf32, #tpu.memory_space<vmem>>
    tpu.enqueue_dma source(%dma_start3A_3238 : memref<256x64xf32, #tpu.memory_space<vmem>>) target(%dma_start3A_3235 : memref<256x64xf32, #tpu.memory_space<hbm>>) target_semaphore(%arg12 : memref<!tpu.dma_semaphore, #tpu.memory_space<semaphore_mem>>)
    %dma_start3A_3239 = arith.constant 256 : i32
    %dma_start3A_3240 = arith.constant 0 : i32
    %dma_start3A_3241 = tpu.memref_slice %arg9[%dma_start3A_3239, %dma_start3A_3240] : memref<512x64xf32, #tpu.memory_space<vmem>> -> memref<256x64xf32, #tpu.memory_space<vmem>>
    %dma_start3A_3242 = arith.constant 0 : i32
    %dma_start3A_3243 = tpu.memref_slice %arg6[%add3A_3228, %dma_start3A_3242] : memref<262144x64xf32, #tpu.memory_space<hbm>> -> memref<256x64xf32, #tpu.memory_space<hbm>>
    %dma_start3A_3244 = arith.constant 0 : i32
    %dma_start3A_3245 = tpu.memref_slice %arg6[%add3A_3228, %dma_start3A_3244] : memref<262144x64xf32, #tpu.memory_space<hbm>> -> memref<256x64xf32, #tpu.memory_space<hbm>>
    %dma_start3A_3246 = arith.constant 256 : i32
    %dma_start3A_3247 = arith.constant 0 : i32
    %dma_start3A_3248 = tpu.memref_slice %arg9[%dma_start3A_3246, %dma_start3A_3247] : memref<512x64xf32, #tpu.memory_space<vmem>> -> memref<256x64xf32, #tpu.memory_space<vmem>>
    tpu.enqueue_dma source(%dma_start3A_3248 : memref<256x64xf32, #tpu.memory_space<vmem>>) target(%dma_start3A_3245 : memref<256x64xf32, #tpu.memory_space<hbm>>) target_semaphore(%arg12 : memref<!tpu.dma_semaphore, #tpu.memory_space<semaphore_mem>>)
    %mul3A_3249 = arith.constant 8 : i32
    %mul3A_3250 = arith.muli %select_n3A_70, %mul3A_3249 : i32
    %mul3A_3251 = arith.constant 4 : i32
    %mul3A_3252 = arith.muli %select_n3A_54, %mul3A_3251 : i32
    %add3A_3253 = arith.addi %mul3A_3250, %mul3A_3252 : i32
    %add3A_3254 = arith.constant 3 : i32
    %add3A_3255 = arith.addi %add3A_3253, %add3A_3254 : i32
    %mul3A_3256 = arith.constant 16384 : i32
    %mul3A_3257 = arith.muli %add3A_3255, %mul3A_3256 : i32
    %add3A_3258 = arith.addi %mul3A_3257, %add3A_3158 : i32
    %dma_start3A_3259 = arith.constant 256 : i32
    %dma_start3A_3260 = arith.constant 0 : i32
    %dma_start3A_3261 = tpu.memref_slice %arg8[%dma_start3A_3259, %dma_start3A_3260] : memref<512x64xf32, #tpu.memory_space<vmem>> -> memref<256x64xf32, #tpu.memory_space<vmem>>
    %dma_start3A_3262 = arith.constant 0 : i32
    %dma_start3A_3263 = tpu.memref_slice %arg5[%add3A_3258, %dma_start3A_3262] : memref<262144x64xf32, #tpu.memory_space<hbm>> -> memref<256x64xf32, #tpu.memory_space<hbm>>
    %dma_start3A_3264 = arith.constant 0 : i32
    %dma_start3A_3265 = tpu.memref_slice %arg5[%add3A_3258, %dma_start3A_3264] : memref<262144x64xf32, #tpu.memory_space<hbm>> -> memref<256x64xf32, #tpu.memory_space<hbm>>
    %dma_start3A_3266 = arith.constant 256 : i32
    %dma_start3A_3267 = arith.constant 0 : i32
    %dma_start3A_3268 = tpu.memref_slice %arg8[%dma_start3A_3266, %dma_start3A_3267] : memref<512x64xf32, #tpu.memory_space<vmem>> -> memref<256x64xf32, #tpu.memory_space<vmem>>
    tpu.enqueue_dma source(%dma_start3A_3268 : memref<256x64xf32, #tpu.memory_space<vmem>>) target(%dma_start3A_3265 : memref<256x64xf32, #tpu.memory_space<hbm>>) target_semaphore(%arg12 : memref<!tpu.dma_semaphore, #tpu.memory_space<semaphore_mem>>)
    %dma_start3A_3269 = arith.constant 256 : i32
    %dma_start3A_3270 = arith.constant 0 : i32
    %dma_start3A_3271 = tpu.memref_slice %arg9[%dma_start3A_3269, %dma_start3A_3270] : memref<512x64xf32, #tpu.memory_space<vmem>> -> memref<256x64xf32, #tpu.memory_space<vmem>>
    %dma_start3A_3272 = arith.constant 0 : i32
    %dma_start3A_3273 = tpu.memref_slice %arg6[%add3A_3258, %dma_start3A_3272] : memref<262144x64xf32, #tpu.memory_space<hbm>> -> memref<256x64xf32, #tpu.memory_space<hbm>>
    %dma_start3A_3274 = arith.constant 0 : i32
    %dma_start3A_3275 = tpu.memref_slice %arg6[%add3A_3258, %dma_start3A_3274] : memref<262144x64xf32, #tpu.memory_space<hbm>> -> memref<256x64xf32, #tpu.memory_space<hbm>>
    %dma_start3A_3276 = arith.constant 256 : i32
    %dma_start3A_3277 = arith.constant 0 : i32
    %dma_start3A_3278 = tpu.memref_slice %arg9[%dma_start3A_3276, %dma_start3A_3277] : memref<512x64xf32, #tpu.memory_space<vmem>> -> memref<256x64xf32, #tpu.memory_space<vmem>>
    tpu.enqueue_dma source(%dma_start3A_3278 : memref<256x64xf32, #tpu.memory_space<vmem>>) target(%dma_start3A_3275 : memref<256x64xf32, #tpu.memory_space<hbm>>) target_semaphore(%arg12 : memref<!tpu.dma_semaphore, #tpu.memory_space<semaphore_mem>>)
    %dma_wait3A_3279 = arith.constant 0 : i32
    %dma_wait3A_3280 = arith.constant 0 : i32
    %dma_wait3A_3281 = tpu.memref_slice %arg8[%dma_wait3A_3279, %dma_wait3A_3280] : memref<512x64xf32, #tpu.memory_space<vmem>> -> memref<256x64xf32, #tpu.memory_space<vmem>>
    %dma_wait3A_3282 = arith.constant 0 : i32
    %dma_wait3A_3283 = tpu.memref_slice %arg5[%add3A_2884, %dma_wait3A_3282] : memref<262144x64xf32, #tpu.memory_space<hbm>> -> memref<256x64xf32, #tpu.memory_space<hbm>>
    %dma_wait3A_3284 = arith.constant 0 : i32
    %dma_wait3A_3285 = tpu.memref_slice %arg5[%add3A_2884, %dma_wait3A_3284] : memref<262144x64xf32, #tpu.memory_space<hbm>> -> memref<256x64xf32, #tpu.memory_space<hbm>>
    %dma_wait3A_3286 = arith.constant 0 : i32
    %dma_wait3A_3287 = arith.constant 0 : i32
    %dma_wait3A_3288 = tpu.memref_slice %arg8[%dma_wait3A_3286, %dma_wait3A_3287] : memref<512x64xf32, #tpu.memory_space<vmem>> -> memref<256x64xf32, #tpu.memory_space<vmem>>
    tpu.wait_dma2 semaphore(%arg11 : memref<!tpu.dma_semaphore, #tpu.memory_space<semaphore_mem>>) src(%dma_wait3A_3288 : memref<256x64xf32, #tpu.memory_space<vmem>>) dst(%dma_wait3A_3285 : memref<256x64xf32, #tpu.memory_space<hbm>>)
    %dma_wait3A_3289 = arith.constant 0 : i32
    %dma_wait3A_3290 = arith.constant 0 : i32
    %dma_wait3A_3291 = tpu.memref_slice %arg9[%dma_wait3A_3289, %dma_wait3A_3290] : memref<512x64xf32, #tpu.memory_space<vmem>> -> memref<256x64xf32, #tpu.memory_space<vmem>>
    %dma_wait3A_3292 = arith.constant 0 : i32
    %dma_wait3A_3293 = tpu.memref_slice %arg6[%add3A_2884, %dma_wait3A_3292] : memref<262144x64xf32, #tpu.memory_space<hbm>> -> memref<256x64xf32, #tpu.memory_space<hbm>>
    %dma_wait3A_3294 = arith.constant 0 : i32
    %dma_wait3A_3295 = tpu.memref_slice %arg6[%add3A_2884, %dma_wait3A_3294] : memref<262144x64xf32, #tpu.memory_space<hbm>> -> memref<256x64xf32, #tpu.memory_space<hbm>>
    %dma_wait3A_3296 = arith.constant 0 : i32
    %dma_wait3A_3297 = arith.constant 0 : i32
    %dma_wait3A_3298 = tpu.memref_slice %arg9[%dma_wait3A_3296, %dma_wait3A_3297] : memref<512x64xf32, #tpu.memory_space<vmem>> -> memref<256x64xf32, #tpu.memory_space<vmem>>
    tpu.wait_dma2 semaphore(%arg11 : memref<!tpu.dma_semaphore, #tpu.memory_space<semaphore_mem>>) src(%dma_wait3A_3298 : memref<256x64xf32, #tpu.memory_space<vmem>>) dst(%dma_wait3A_3295 : memref<256x64xf32, #tpu.memory_space<hbm>>)
    %dma_wait3A_3299 = arith.constant 0 : i32
    %dma_wait3A_3300 = arith.constant 0 : i32
    %dma_wait3A_3301 = tpu.memref_slice %arg8[%dma_wait3A_3299, %dma_wait3A_3300] : memref<512x64xf32, #tpu.memory_space<vmem>> -> memref<256x64xf32, #tpu.memory_space<vmem>>
    %dma_wait3A_3302 = arith.constant 0 : i32
    %dma_wait3A_3303 = tpu.memref_slice %arg5[%add3A_2914, %dma_wait3A_3302] : memref<262144x64xf32, #tpu.memory_space<hbm>> -> memref<256x64xf32, #tpu.memory_space<hbm>>
    %dma_wait3A_3304 = arith.constant 0 : i32
    %dma_wait3A_3305 = tpu.memref_slice %arg5[%add3A_2914, %dma_wait3A_3304] : memref<262144x64xf32, #tpu.memory_space<hbm>> -> memref<256x64xf32, #tpu.memory_space<hbm>>
    %dma_wait3A_3306 = arith.constant 0 : i32
    %dma_wait3A_3307 = arith.constant 0 : i32
    %dma_wait3A_3308 = tpu.memref_slice %arg8[%dma_wait3A_3306, %dma_wait3A_3307] : memref<512x64xf32, #tpu.memory_space<vmem>> -> memref<256x64xf32, #tpu.memory_space<vmem>>
    tpu.wait_dma2 semaphore(%arg11 : memref<!tpu.dma_semaphore, #tpu.memory_space<semaphore_mem>>) src(%dma_wait3A_3308 : memref<256x64xf32, #tpu.memory_space<vmem>>) dst(%dma_wait3A_3305 : memref<256x64xf32, #tpu.memory_space<hbm>>)
    %dma_wait3A_3309 = arith.constant 0 : i32
    %dma_wait3A_3310 = arith.constant 0 : i32
    %dma_wait3A_3311 = tpu.memref_slice %arg9[%dma_wait3A_3309, %dma_wait3A_3310] : memref<512x64xf32, #tpu.memory_space<vmem>> -> memref<256x64xf32, #tpu.memory_space<vmem>>
    %dma_wait3A_3312 = arith.constant 0 : i32
    %dma_wait3A_3313 = tpu.memref_slice %arg6[%add3A_2914, %dma_wait3A_3312] : memref<262144x64xf32, #tpu.memory_space<hbm>> -> memref<256x64xf32, #tpu.memory_space<hbm>>
    %dma_wait3A_3314 = arith.constant 0 : i32
    %dma_wait3A_3315 = tpu.memref_slice %arg6[%add3A_2914, %dma_wait3A_3314] : memref<262144x64xf32, #tpu.memory_space<hbm>> -> memref<256x64xf32, #tpu.memory_space<hbm>>
    %dma_wait3A_3316 = arith.constant 0 : i32
    %dma_wait3A_3317 = arith.constant 0 : i32
    %dma_wait3A_3318 = tpu.memref_slice %arg9[%dma_wait3A_3316, %dma_wait3A_3317] : memref<512x64xf32, #tpu.memory_space<vmem>> -> memref<256x64xf32, #tpu.memory_space<vmem>>
    tpu.wait_dma2 semaphore(%arg11 : memref<!tpu.dma_semaphore, #tpu.memory_space<semaphore_mem>>) src(%dma_wait3A_3318 : memref<256x64xf32, #tpu.memory_space<vmem>>) dst(%dma_wait3A_3315 : memref<256x64xf32, #tpu.memory_space<hbm>>)
    %dma_wait3A_3319 = arith.constant 0 : i32
    %dma_wait3A_3320 = arith.constant 0 : i32
    %dma_wait3A_3321 = tpu.memref_slice %arg8[%dma_wait3A_3319, %dma_wait3A_3320] : memref<512x64xf32, #tpu.memory_space<vmem>> -> memref<256x64xf32, #tpu.memory_space<vmem>>
    %dma_wait3A_3322 = arith.constant 0 : i32
    %dma_wait3A_3323 = tpu.memref_slice %arg5[%add3A_2944, %dma_wait3A_3322] : memref<262144x64xf32, #tpu.memory_space<hbm>> -> memref<256x64xf32, #tpu.memory_space<hbm>>
    %dma_wait3A_3324 = arith.constant 0 : i32
    %dma_wait3A_3325 = tpu.memref_slice %arg5[%add3A_2944, %dma_wait3A_3324] : memref<262144x64xf32, #tpu.memory_space<hbm>> -> memref<256x64xf32, #tpu.memory_space<hbm>>
    %dma_wait3A_3326 = arith.constant 0 : i32
    %dma_wait3A_3327 = arith.constant 0 : i32
    %dma_wait3A_3328 = tpu.memref_slice %arg8[%dma_wait3A_3326, %dma_wait3A_3327] : memref<512x64xf32, #tpu.memory_space<vmem>> -> memref<256x64xf32, #tpu.memory_space<vmem>>
    tpu.wait_dma2 semaphore(%arg11 : memref<!tpu.dma_semaphore, #tpu.memory_space<semaphore_mem>>) src(%dma_wait3A_3328 : memref<256x64xf32, #tpu.memory_space<vmem>>) dst(%dma_wait3A_3325 : memref<256x64xf32, #tpu.memory_space<hbm>>)
    %dma_wait3A_3329 = arith.constant 0 : i32
    %dma_wait3A_3330 = arith.constant 0 : i32
    %dma_wait3A_3331 = tpu.memref_slice %arg9[%dma_wait3A_3329, %dma_wait3A_3330] : memref<512x64xf32, #tpu.memory_space<vmem>> -> memref<256x64xf32, #tpu.memory_space<vmem>>
    %dma_wait3A_3332 = arith.constant 0 : i32
    %dma_wait3A_3333 = tpu.memref_slice %arg6[%add3A_2944, %dma_wait3A_3332] : memref<262144x64xf32, #tpu.memory_space<hbm>> -> memref<256x64xf32, #tpu.memory_space<hbm>>
    %dma_wait3A_3334 = arith.constant 0 : i32
    %dma_wait3A_3335 = tpu.memref_slice %arg6[%add3A_2944, %dma_wait3A_3334] : memref<262144x64xf32, #tpu.memory_space<hbm>> -> memref<256x64xf32, #tpu.memory_space<hbm>>
    %dma_wait3A_3336 = arith.constant 0 : i32
    %dma_wait3A_3337 = arith.constant 0 : i32
    %dma_wait3A_3338 = tpu.memref_slice %arg9[%dma_wait3A_3336, %dma_wait3A_3337] : memref<512x64xf32, #tpu.memory_space<vmem>> -> memref<256x64xf32, #tpu.memory_space<vmem>>
    tpu.wait_dma2 semaphore(%arg11 : memref<!tpu.dma_semaphore, #tpu.memory_space<semaphore_mem>>) src(%dma_wait3A_3338 : memref<256x64xf32, #tpu.memory_space<vmem>>) dst(%dma_wait3A_3335 : memref<256x64xf32, #tpu.memory_space<hbm>>)
    %dma_wait3A_3339 = arith.constant 0 : i32
    %dma_wait3A_3340 = arith.constant 0 : i32
    %dma_wait3A_3341 = tpu.memref_slice %arg8[%dma_wait3A_3339, %dma_wait3A_3340] : memref<512x64xf32, #tpu.memory_space<vmem>> -> memref<256x64xf32, #tpu.memory_space<vmem>>
    %dma_wait3A_3342 = arith.constant 0 : i32
    %dma_wait3A_3343 = tpu.memref_slice %arg5[%add3A_2974, %dma_wait3A_3342] : memref<262144x64xf32, #tpu.memory_space<hbm>> -> memref<256x64xf32, #tpu.memory_space<hbm>>
    %dma_wait3A_3344 = arith.constant 0 : i32
    %dma_wait3A_3345 = tpu.memref_slice %arg5[%add3A_2974, %dma_wait3A_3344] : memref<262144x64xf32, #tpu.memory_space<hbm>> -> memref<256x64xf32, #tpu.memory_space<hbm>>
    %dma_wait3A_3346 = arith.constant 0 : i32
    %dma_wait3A_3347 = arith.constant 0 : i32
    %dma_wait3A_3348 = tpu.memref_slice %arg8[%dma_wait3A_3346, %dma_wait3A_3347] : memref<512x64xf32, #tpu.memory_space<vmem>> -> memref<256x64xf32, #tpu.memory_space<vmem>>
    tpu.wait_dma2 semaphore(%arg11 : memref<!tpu.dma_semaphore, #tpu.memory_space<semaphore_mem>>) src(%dma_wait3A_3348 : memref<256x64xf32, #tpu.memory_space<vmem>>) dst(%dma_wait3A_3345 : memref<256x64xf32, #tpu.memory_space<hbm>>)
    %dma_wait3A_3349 = arith.constant 0 : i32
    %dma_wait3A_3350 = arith.constant 0 : i32
    %dma_wait3A_3351 = tpu.memref_slice %arg9[%dma_wait3A_3349, %dma_wait3A_3350] : memref<512x64xf32, #tpu.memory_space<vmem>> -> memref<256x64xf32, #tpu.memory_space<vmem>>
    %dma_wait3A_3352 = arith.constant 0 : i32
    %dma_wait3A_3353 = tpu.memref_slice %arg6[%add3A_2974, %dma_wait3A_3352] : memref<262144x64xf32, #tpu.memory_space<hbm>> -> memref<256x64xf32, #tpu.memory_space<hbm>>
    %dma_wait3A_3354 = arith.constant 0 : i32
    %dma_wait3A_3355 = tpu.memref_slice %arg6[%add3A_2974, %dma_wait3A_3354] : memref<262144x64xf32, #tpu.memory_space<hbm>> -> memref<256x64xf32, #tpu.memory_space<hbm>>
    %dma_wait3A_3356 = arith.constant 0 : i32
    %dma_wait3A_3357 = arith.constant 0 : i32
    %dma_wait3A_3358 = tpu.memref_slice %arg9[%dma_wait3A_3356, %dma_wait3A_3357] : memref<512x64xf32, #tpu.memory_space<vmem>> -> memref<256x64xf32, #tpu.memory_space<vmem>>
    tpu.wait_dma2 semaphore(%arg11 : memref<!tpu.dma_semaphore, #tpu.memory_space<semaphore_mem>>) src(%dma_wait3A_3358 : memref<256x64xf32, #tpu.memory_space<vmem>>) dst(%dma_wait3A_3355 : memref<256x64xf32, #tpu.memory_space<hbm>>)
    %dma_start3A_3359 = arith.constant 12 : i32
    %dma_start3A_3360 = arith.constant 0 : i32
    %dma_start3A_3361 = arith.constant 0 : i32
    %dma_start3A_3362 = tpu.memref_slice %arg8[%dma_start3A_3360, %dma_start3A_3361] : memref<512x64xf32, #tpu.memory_space<vmem>> -> memref<128x64xf32, #tpu.memory_space<vmem>>
    %dma_start3A_3363 = arith.constant 0 : i32
    %dma_start3A_3364 = tpu.memref_slice %arg7[%dma_start3A_3359, %dma_start3A_3363] : memref<16x128xi32, #tpu.memory_space<vmem>> -> memref<1x128xi32, #tpu.memory_space<vmem>>
    %dma_start3A_3365 = tpu.memref_squeeze %dma_start3A_3364 : memref<1x128xi32, #tpu.memory_space<vmem>> -> memref<128xi32, #tpu.memory_space<vmem>>
    %dma_start3A_3366 = arith.constant 0 : i32
    %dma_start3A_3367 = arith.constant 0 : i32
    %dma_start3A_3368 = tpu.memref_slice %arg3[%dma_start3A_3366, %dma_start3A_3367] : memref<68x64xf32, #tpu.memory_space<hbm>> -> memref<68x64xf32, #tpu.memory_space<hbm>>
    tpu.enqueue_indirect_dma source(%dma_start3A_3368 : memref<68x64xf32, #tpu.memory_space<hbm>>) target(%dma_start3A_3362 : memref<128x64xf32, #tpu.memory_space<vmem>>) offsets(%dma_start3A_3365 : memref<128xi32, #tpu.memory_space<vmem>>) semaphore(%arg10 : memref<!tpu.dma_semaphore, #tpu.memory_space<semaphore_mem>>)
    %dma_start3A_3369 = arith.constant 12 : i32
    %dma_start3A_3370 = arith.constant 0 : i32
    %dma_start3A_3371 = arith.constant 0 : i32
    %dma_start3A_3372 = tpu.memref_slice %arg9[%dma_start3A_3370, %dma_start3A_3371] : memref<512x64xf32, #tpu.memory_space<vmem>> -> memref<128x64xf32, #tpu.memory_space<vmem>>
    %dma_start3A_3373 = arith.constant 0 : i32
    %dma_start3A_3374 = tpu.memref_slice %arg7[%dma_start3A_3369, %dma_start3A_3373] : memref<16x128xi32, #tpu.memory_space<vmem>> -> memref<1x128xi32, #tpu.memory_space<vmem>>
    %dma_start3A_3375 = tpu.memref_squeeze %dma_start3A_3374 : memref<1x128xi32, #tpu.memory_space<vmem>> -> memref<128xi32, #tpu.memory_space<vmem>>
    %dma_start3A_3376 = arith.constant 0 : i32
    %dma_start3A_3377 = arith.constant 0 : i32
    %dma_start3A_3378 = tpu.memref_slice %arg4[%dma_start3A_3376, %dma_start3A_3377] : memref<68x64xf32, #tpu.memory_space<hbm>> -> memref<68x64xf32, #tpu.memory_space<hbm>>
    tpu.enqueue_indirect_dma source(%dma_start3A_3378 : memref<68x64xf32, #tpu.memory_space<hbm>>) target(%dma_start3A_3372 : memref<128x64xf32, #tpu.memory_space<vmem>>) offsets(%dma_start3A_3375 : memref<128xi32, #tpu.memory_space<vmem>>) semaphore(%arg10 : memref<!tpu.dma_semaphore, #tpu.memory_space<semaphore_mem>>)
    %dma_start3A_3379 = arith.constant 13 : i32
    %dma_start3A_3380 = arith.constant 128 : i32
    %dma_start3A_3381 = arith.constant 0 : i32
    %dma_start3A_3382 = tpu.memref_slice %arg8[%dma_start3A_3380, %dma_start3A_3381] : memref<512x64xf32, #tpu.memory_space<vmem>> -> memref<128x64xf32, #tpu.memory_space<vmem>>
    %dma_start3A_3383 = arith.constant 0 : i32
    %dma_start3A_3384 = tpu.memref_slice %arg7[%dma_start3A_3379, %dma_start3A_3383] : memref<16x128xi32, #tpu.memory_space<vmem>> -> memref<1x128xi32, #tpu.memory_space<vmem>>
    %dma_start3A_3385 = tpu.memref_squeeze %dma_start3A_3384 : memref<1x128xi32, #tpu.memory_space<vmem>> -> memref<128xi32, #tpu.memory_space<vmem>>
    %dma_start3A_3386 = arith.constant 0 : i32
    %dma_start3A_3387 = arith.constant 0 : i32
    %dma_start3A_3388 = tpu.memref_slice %arg3[%dma_start3A_3386, %dma_start3A_3387] : memref<68x64xf32, #tpu.memory_space<hbm>> -> memref<68x64xf32, #tpu.memory_space<hbm>>
    tpu.enqueue_indirect_dma source(%dma_start3A_3388 : memref<68x64xf32, #tpu.memory_space<hbm>>) target(%dma_start3A_3382 : memref<128x64xf32, #tpu.memory_space<vmem>>) offsets(%dma_start3A_3385 : memref<128xi32, #tpu.memory_space<vmem>>) semaphore(%arg10 : memref<!tpu.dma_semaphore, #tpu.memory_space<semaphore_mem>>)
    %dma_start3A_3389 = arith.constant 13 : i32
    %dma_start3A_3390 = arith.constant 128 : i32
    %dma_start3A_3391 = arith.constant 0 : i32
    %dma_start3A_3392 = tpu.memref_slice %arg9[%dma_start3A_3390, %dma_start3A_3391] : memref<512x64xf32, #tpu.memory_space<vmem>> -> memref<128x64xf32, #tpu.memory_space<vmem>>
    %dma_start3A_3393 = arith.constant 0 : i32
    %dma_start3A_3394 = tpu.memref_slice %arg7[%dma_start3A_3389, %dma_start3A_3393] : memref<16x128xi32, #tpu.memory_space<vmem>> -> memref<1x128xi32, #tpu.memory_space<vmem>>
    %dma_start3A_3395 = tpu.memref_squeeze %dma_start3A_3394 : memref<1x128xi32, #tpu.memory_space<vmem>> -> memref<128xi32, #tpu.memory_space<vmem>>
    %dma_start3A_3396 = arith.constant 0 : i32
    %dma_start3A_3397 = arith.constant 0 : i32
    %dma_start3A_3398 = tpu.memref_slice %arg4[%dma_start3A_3396, %dma_start3A_3397] : memref<68x64xf32, #tpu.memory_space<hbm>> -> memref<68x64xf32, #tpu.memory_space<hbm>>
    tpu.enqueue_indirect_dma source(%dma_start3A_3398 : memref<68x64xf32, #tpu.memory_space<hbm>>) target(%dma_start3A_3392 : memref<128x64xf32, #tpu.memory_space<vmem>>) offsets(%dma_start3A_3395 : memref<128xi32, #tpu.memory_space<vmem>>) semaphore(%arg10 : memref<!tpu.dma_semaphore, #tpu.memory_space<semaphore_mem>>)
    %dma_wait3A_3399 = arith.constant 12 : i32
    %dma_wait3A_3400 = arith.constant 0 : i32
    %dma_wait3A_3401 = arith.constant 0 : i32
    %dma_wait3A_3402 = tpu.memref_slice %arg8[%dma_wait3A_3400, %dma_wait3A_3401] : memref<512x64xf32, #tpu.memory_space<vmem>> -> memref<128x64xf32, #tpu.memory_space<vmem>>
    %dma_wait3A_3403 = arith.constant 0 : i32
    %dma_wait3A_3404 = tpu.memref_slice %arg7[%dma_wait3A_3399, %dma_wait3A_3403] : memref<16x128xi32, #tpu.memory_space<vmem>> -> memref<1x128xi32, #tpu.memory_space<vmem>>
    %dma_wait3A_3405 = tpu.memref_squeeze %dma_wait3A_3404 : memref<1x128xi32, #tpu.memory_space<vmem>> -> memref<128xi32, #tpu.memory_space<vmem>>
    %dma_wait3A_3406 = arith.constant 0 : i32
    %dma_wait3A_3407 = arith.constant 0 : i32
    %dma_wait3A_3408 = tpu.memref_slice %arg3[%dma_wait3A_3406, %dma_wait3A_3407] : memref<68x64xf32, #tpu.memory_space<hbm>> -> memref<68x64xf32, #tpu.memory_space<hbm>>
    tpu.wait_indirect_dma semaphore(%arg10 : memref<!tpu.dma_semaphore, #tpu.memory_space<semaphore_mem>>) src(%dma_wait3A_3408 : memref<68x64xf32, #tpu.memory_space<hbm>>) dst(%dma_wait3A_3402 : memref<128x64xf32, #tpu.memory_space<vmem>>)
    %dma_wait3A_3409 = arith.constant 12 : i32
    %dma_wait3A_3410 = arith.constant 0 : i32
    %dma_wait3A_3411 = arith.constant 0 : i32
    %dma_wait3A_3412 = tpu.memref_slice %arg9[%dma_wait3A_3410, %dma_wait3A_3411] : memref<512x64xf32, #tpu.memory_space<vmem>> -> memref<128x64xf32, #tpu.memory_space<vmem>>
    %dma_wait3A_3413 = arith.constant 0 : i32
    %dma_wait3A_3414 = tpu.memref_slice %arg7[%dma_wait3A_3409, %dma_wait3A_3413] : memref<16x128xi32, #tpu.memory_space<vmem>> -> memref<1x128xi32, #tpu.memory_space<vmem>>
    %dma_wait3A_3415 = tpu.memref_squeeze %dma_wait3A_3414 : memref<1x128xi32, #tpu.memory_space<vmem>> -> memref<128xi32, #tpu.memory_space<vmem>>
    %dma_wait3A_3416 = arith.constant 0 : i32
    %dma_wait3A_3417 = arith.constant 0 : i32
    %dma_wait3A_3418 = tpu.memref_slice %arg4[%dma_wait3A_3416, %dma_wait3A_3417] : memref<68x64xf32, #tpu.memory_space<hbm>> -> memref<68x64xf32, #tpu.memory_space<hbm>>
    tpu.wait_indirect_dma semaphore(%arg10 : memref<!tpu.dma_semaphore, #tpu.memory_space<semaphore_mem>>) src(%dma_wait3A_3418 : memref<68x64xf32, #tpu.memory_space<hbm>>) dst(%dma_wait3A_3412 : memref<128x64xf32, #tpu.memory_space<vmem>>)
    %dma_wait3A_3419 = arith.constant 13 : i32
    %dma_wait3A_3420 = arith.constant 128 : i32
    %dma_wait3A_3421 = arith.constant 0 : i32
    %dma_wait3A_3422 = tpu.memref_slice %arg8[%dma_wait3A_3420, %dma_wait3A_3421] : memref<512x64xf32, #tpu.memory_space<vmem>> -> memref<128x64xf32, #tpu.memory_space<vmem>>
    %dma_wait3A_3423 = arith.constant 0 : i32
    %dma_wait3A_3424 = tpu.memref_slice %arg7[%dma_wait3A_3419, %dma_wait3A_3423] : memref<16x128xi32, #tpu.memory_space<vmem>> -> memref<1x128xi32, #tpu.memory_space<vmem>>
    %dma_wait3A_3425 = tpu.memref_squeeze %dma_wait3A_3424 : memref<1x128xi32, #tpu.memory_space<vmem>> -> memref<128xi32, #tpu.memory_space<vmem>>
    %dma_wait3A_3426 = arith.constant 0 : i32
    %dma_wait3A_3427 = arith.constant 0 : i32
    %dma_wait3A_3428 = tpu.memref_slice %arg3[%dma_wait3A_3426, %dma_wait3A_3427] : memref<68x64xf32, #tpu.memory_space<hbm>> -> memref<68x64xf32, #tpu.memory_space<hbm>>
    tpu.wait_indirect_dma semaphore(%arg10 : memref<!tpu.dma_semaphore, #tpu.memory_space<semaphore_mem>>) src(%dma_wait3A_3428 : memref<68x64xf32, #tpu.memory_space<hbm>>) dst(%dma_wait3A_3422 : memref<128x64xf32, #tpu.memory_space<vmem>>)
    %dma_wait3A_3429 = arith.constant 13 : i32
    %dma_wait3A_3430 = arith.constant 128 : i32
    %dma_wait3A_3431 = arith.constant 0 : i32
    %dma_wait3A_3432 = tpu.memref_slice %arg9[%dma_wait3A_3430, %dma_wait3A_3431] : memref<512x64xf32, #tpu.memory_space<vmem>> -> memref<128x64xf32, #tpu.memory_space<vmem>>
    %dma_wait3A_3433 = arith.constant 0 : i32
    %dma_wait3A_3434 = tpu.memref_slice %arg7[%dma_wait3A_3429, %dma_wait3A_3433] : memref<16x128xi32, #tpu.memory_space<vmem>> -> memref<1x128xi32, #tpu.memory_space<vmem>>
    %dma_wait3A_3435 = tpu.memref_squeeze %dma_wait3A_3434 : memref<1x128xi32, #tpu.memory_space<vmem>> -> memref<128xi32, #tpu.memory_space<vmem>>
    %dma_wait3A_3436 = arith.constant 0 : i32
    %dma_wait3A_3437 = arith.constant 0 : i32
    %dma_wait3A_3438 = tpu.memref_slice %arg4[%dma_wait3A_3436, %dma_wait3A_3437] : memref<68x64xf32, #tpu.memory_space<hbm>> -> memref<68x64xf32, #tpu.memory_space<hbm>>
    tpu.wait_indirect_dma semaphore(%arg10 : memref<!tpu.dma_semaphore, #tpu.memory_space<semaphore_mem>>) src(%dma_wait3A_3438 : memref<68x64xf32, #tpu.memory_space<hbm>>) dst(%dma_wait3A_3432 : memref<128x64xf32, #tpu.memory_space<vmem>>)
    %mul3A_3439 = arith.constant 2048 : i32
    %mul3A_3440 = arith.muli %select_n3A_30, %mul3A_3439 : i32
    %add3A_3441 = arith.constant 1536 : i32
    %add3A_3442 = arith.addi %mul3A_3440, %add3A_3441 : i32
    %mul3A_3443 = arith.constant 8 : i32
    %mul3A_3444 = arith.muli %select_n3A_70, %mul3A_3443 : i32
    %mul3A_3445 = arith.constant 4 : i32
    %mul3A_3446 = arith.muli %select_n3A_54, %mul3A_3445 : i32
    %add3A_3447 = arith.addi %mul3A_3444, %mul3A_3446 : i32
    %add3A_3448 = arith.constant 0 : i32
    %add3A_3449 = arith.addi %add3A_3447, %add3A_3448 : i32
    %mul3A_3450 = arith.constant 16384 : i32
    %mul3A_3451 = arith.muli %add3A_3449, %mul3A_3450 : i32
    %add3A_3452 = arith.addi %mul3A_3451, %add3A_3442 : i32
    %dma_start3A_3453 = arith.constant 0 : i32
    %dma_start3A_3454 = arith.constant 0 : i32
    %dma_start3A_3455 = tpu.memref_slice %arg8[%dma_start3A_3453, %dma_start3A_3454] : memref<512x64xf32, #tpu.memory_space<vmem>> -> memref<256x64xf32, #tpu.memory_space<vmem>>
    %dma_start3A_3456 = arith.constant 0 : i32
    %dma_start3A_3457 = tpu.memref_slice %arg5[%add3A_3452, %dma_start3A_3456] : memref<262144x64xf32, #tpu.memory_space<hbm>> -> memref<256x64xf32, #tpu.memory_space<hbm>>
    %dma_start3A_3458 = arith.constant 0 : i32
    %dma_start3A_3459 = tpu.memref_slice %arg5[%add3A_3452, %dma_start3A_3458] : memref<262144x64xf32, #tpu.memory_space<hbm>> -> memref<256x64xf32, #tpu.memory_space<hbm>>
    %dma_start3A_3460 = arith.constant 0 : i32
    %dma_start3A_3461 = arith.constant 0 : i32
    %dma_start3A_3462 = tpu.memref_slice %arg8[%dma_start3A_3460, %dma_start3A_3461] : memref<512x64xf32, #tpu.memory_space<vmem>> -> memref<256x64xf32, #tpu.memory_space<vmem>>
    tpu.enqueue_dma source(%dma_start3A_3462 : memref<256x64xf32, #tpu.memory_space<vmem>>) target(%dma_start3A_3459 : memref<256x64xf32, #tpu.memory_space<hbm>>) target_semaphore(%arg11 : memref<!tpu.dma_semaphore, #tpu.memory_space<semaphore_mem>>)
    %dma_start3A_3463 = arith.constant 0 : i32
    %dma_start3A_3464 = arith.constant 0 : i32
    %dma_start3A_3465 = tpu.memref_slice %arg9[%dma_start3A_3463, %dma_start3A_3464] : memref<512x64xf32, #tpu.memory_space<vmem>> -> memref<256x64xf32, #tpu.memory_space<vmem>>
    %dma_start3A_3466 = arith.constant 0 : i32
    %dma_start3A_3467 = tpu.memref_slice %arg6[%add3A_3452, %dma_start3A_3466] : memref<262144x64xf32, #tpu.memory_space<hbm>> -> memref<256x64xf32, #tpu.memory_space<hbm>>
    %dma_start3A_3468 = arith.constant 0 : i32
    %dma_start3A_3469 = tpu.memref_slice %arg6[%add3A_3452, %dma_start3A_3468] : memref<262144x64xf32, #tpu.memory_space<hbm>> -> memref<256x64xf32, #tpu.memory_space<hbm>>
    %dma_start3A_3470 = arith.constant 0 : i32
    %dma_start3A_3471 = arith.constant 0 : i32
    %dma_start3A_3472 = tpu.memref_slice %arg9[%dma_start3A_3470, %dma_start3A_3471] : memref<512x64xf32, #tpu.memory_space<vmem>> -> memref<256x64xf32, #tpu.memory_space<vmem>>
    tpu.enqueue_dma source(%dma_start3A_3472 : memref<256x64xf32, #tpu.memory_space<vmem>>) target(%dma_start3A_3469 : memref<256x64xf32, #tpu.memory_space<hbm>>) target_semaphore(%arg11 : memref<!tpu.dma_semaphore, #tpu.memory_space<semaphore_mem>>)
    %mul3A_3473 = arith.constant 8 : i32
    %mul3A_3474 = arith.muli %select_n3A_70, %mul3A_3473 : i32
    %mul3A_3475 = arith.constant 4 : i32
    %mul3A_3476 = arith.muli %select_n3A_54, %mul3A_3475 : i32
    %add3A_3477 = arith.addi %mul3A_3474, %mul3A_3476 : i32
    %add3A_3478 = arith.constant 1 : i32
    %add3A_3479 = arith.addi %add3A_3477, %add3A_3478 : i32
    %mul3A_3480 = arith.constant 16384 : i32
    %mul3A_3481 = arith.muli %add3A_3479, %mul3A_3480 : i32
    %add3A_3482 = arith.addi %mul3A_3481, %add3A_3442 : i32
    %dma_start3A_3483 = arith.constant 0 : i32
    %dma_start3A_3484 = arith.constant 0 : i32
    %dma_start3A_3485 = tpu.memref_slice %arg8[%dma_start3A_3483, %dma_start3A_3484] : memref<512x64xf32, #tpu.memory_space<vmem>> -> memref<256x64xf32, #tpu.memory_space<vmem>>
    %dma_start3A_3486 = arith.constant 0 : i32
    %dma_start3A_3487 = tpu.memref_slice %arg5[%add3A_3482, %dma_start3A_3486] : memref<262144x64xf32, #tpu.memory_space<hbm>> -> memref<256x64xf32, #tpu.memory_space<hbm>>
    %dma_start3A_3488 = arith.constant 0 : i32
    %dma_start3A_3489 = tpu.memref_slice %arg5[%add3A_3482, %dma_start3A_3488] : memref<262144x64xf32, #tpu.memory_space<hbm>> -> memref<256x64xf32, #tpu.memory_space<hbm>>
    %dma_start3A_3490 = arith.constant 0 : i32
    %dma_start3A_3491 = arith.constant 0 : i32
    %dma_start3A_3492 = tpu.memref_slice %arg8[%dma_start3A_3490, %dma_start3A_3491] : memref<512x64xf32, #tpu.memory_space<vmem>> -> memref<256x64xf32, #tpu.memory_space<vmem>>
    tpu.enqueue_dma source(%dma_start3A_3492 : memref<256x64xf32, #tpu.memory_space<vmem>>) target(%dma_start3A_3489 : memref<256x64xf32, #tpu.memory_space<hbm>>) target_semaphore(%arg11 : memref<!tpu.dma_semaphore, #tpu.memory_space<semaphore_mem>>)
    %dma_start3A_3493 = arith.constant 0 : i32
    %dma_start3A_3494 = arith.constant 0 : i32
    %dma_start3A_3495 = tpu.memref_slice %arg9[%dma_start3A_3493, %dma_start3A_3494] : memref<512x64xf32, #tpu.memory_space<vmem>> -> memref<256x64xf32, #tpu.memory_space<vmem>>
    %dma_start3A_3496 = arith.constant 0 : i32
    %dma_start3A_3497 = tpu.memref_slice %arg6[%add3A_3482, %dma_start3A_3496] : memref<262144x64xf32, #tpu.memory_space<hbm>> -> memref<256x64xf32, #tpu.memory_space<hbm>>
    %dma_start3A_3498 = arith.constant 0 : i32
    %dma_start3A_3499 = tpu.memref_slice %arg6[%add3A_3482, %dma_start3A_3498] : memref<262144x64xf32, #tpu.memory_space<hbm>> -> memref<256x64xf32, #tpu.memory_space<hbm>>
    %dma_start3A_3500 = arith.constant 0 : i32
    %dma_start3A_3501 = arith.constant 0 : i32
    %dma_start3A_3502 = tpu.memref_slice %arg9[%dma_start3A_3500, %dma_start3A_3501] : memref<512x64xf32, #tpu.memory_space<vmem>> -> memref<256x64xf32, #tpu.memory_space<vmem>>
    tpu.enqueue_dma source(%dma_start3A_3502 : memref<256x64xf32, #tpu.memory_space<vmem>>) target(%dma_start3A_3499 : memref<256x64xf32, #tpu.memory_space<hbm>>) target_semaphore(%arg11 : memref<!tpu.dma_semaphore, #tpu.memory_space<semaphore_mem>>)
    %mul3A_3503 = arith.constant 8 : i32
    %mul3A_3504 = arith.muli %select_n3A_70, %mul3A_3503 : i32
    %mul3A_3505 = arith.constant 4 : i32
    %mul3A_3506 = arith.muli %select_n3A_54, %mul3A_3505 : i32
    %add3A_3507 = arith.addi %mul3A_3504, %mul3A_3506 : i32
    %add3A_3508 = arith.constant 2 : i32
    %add3A_3509 = arith.addi %add3A_3507, %add3A_3508 : i32
    %mul3A_3510 = arith.constant 16384 : i32
    %mul3A_3511 = arith.muli %add3A_3509, %mul3A_3510 : i32
    %add3A_3512 = arith.addi %mul3A_3511, %add3A_3442 : i32
    %dma_start3A_3513 = arith.constant 0 : i32
    %dma_start3A_3514 = arith.constant 0 : i32
    %dma_start3A_3515 = tpu.memref_slice %arg8[%dma_start3A_3513, %dma_start3A_3514] : memref<512x64xf32, #tpu.memory_space<vmem>> -> memref<256x64xf32, #tpu.memory_space<vmem>>
    %dma_start3A_3516 = arith.constant 0 : i32
    %dma_start3A_3517 = tpu.memref_slice %arg5[%add3A_3512, %dma_start3A_3516] : memref<262144x64xf32, #tpu.memory_space<hbm>> -> memref<256x64xf32, #tpu.memory_space<hbm>>
    %dma_start3A_3518 = arith.constant 0 : i32
    %dma_start3A_3519 = tpu.memref_slice %arg5[%add3A_3512, %dma_start3A_3518] : memref<262144x64xf32, #tpu.memory_space<hbm>> -> memref<256x64xf32, #tpu.memory_space<hbm>>
    %dma_start3A_3520 = arith.constant 0 : i32
    %dma_start3A_3521 = arith.constant 0 : i32
    %dma_start3A_3522 = tpu.memref_slice %arg8[%dma_start3A_3520, %dma_start3A_3521] : memref<512x64xf32, #tpu.memory_space<vmem>> -> memref<256x64xf32, #tpu.memory_space<vmem>>
    tpu.enqueue_dma source(%dma_start3A_3522 : memref<256x64xf32, #tpu.memory_space<vmem>>) target(%dma_start3A_3519 : memref<256x64xf32, #tpu.memory_space<hbm>>) target_semaphore(%arg11 : memref<!tpu.dma_semaphore, #tpu.memory_space<semaphore_mem>>)
    %dma_start3A_3523 = arith.constant 0 : i32
    %dma_start3A_3524 = arith.constant 0 : i32
    %dma_start3A_3525 = tpu.memref_slice %arg9[%dma_start3A_3523, %dma_start3A_3524] : memref<512x64xf32, #tpu.memory_space<vmem>> -> memref<256x64xf32, #tpu.memory_space<vmem>>
    %dma_start3A_3526 = arith.constant 0 : i32
    %dma_start3A_3527 = tpu.memref_slice %arg6[%add3A_3512, %dma_start3A_3526] : memref<262144x64xf32, #tpu.memory_space<hbm>> -> memref<256x64xf32, #tpu.memory_space<hbm>>
    %dma_start3A_3528 = arith.constant 0 : i32
    %dma_start3A_3529 = tpu.memref_slice %arg6[%add3A_3512, %dma_start3A_3528] : memref<262144x64xf32, #tpu.memory_space<hbm>> -> memref<256x64xf32, #tpu.memory_space<hbm>>
    %dma_start3A_3530 = arith.constant 0 : i32
    %dma_start3A_3531 = arith.constant 0 : i32
    %dma_start3A_3532 = tpu.memref_slice %arg9[%dma_start3A_3530, %dma_start3A_3531] : memref<512x64xf32, #tpu.memory_space<vmem>> -> memref<256x64xf32, #tpu.memory_space<vmem>>
    tpu.enqueue_dma source(%dma_start3A_3532 : memref<256x64xf32, #tpu.memory_space<vmem>>) target(%dma_start3A_3529 : memref<256x64xf32, #tpu.memory_space<hbm>>) target_semaphore(%arg11 : memref<!tpu.dma_semaphore, #tpu.memory_space<semaphore_mem>>)
    %mul3A_3533 = arith.constant 8 : i32
    %mul3A_3534 = arith.muli %select_n3A_70, %mul3A_3533 : i32
    %mul3A_3535 = arith.constant 4 : i32
    %mul3A_3536 = arith.muli %select_n3A_54, %mul3A_3535 : i32
    %add3A_3537 = arith.addi %mul3A_3534, %mul3A_3536 : i32
    %add3A_3538 = arith.constant 3 : i32
    %add3A_3539 = arith.addi %add3A_3537, %add3A_3538 : i32
    %mul3A_3540 = arith.constant 16384 : i32
    %mul3A_3541 = arith.muli %add3A_3539, %mul3A_3540 : i32
    %add3A_3542 = arith.addi %mul3A_3541, %add3A_3442 : i32
    %dma_start3A_3543 = arith.constant 0 : i32
    %dma_start3A_3544 = arith.constant 0 : i32
    %dma_start3A_3545 = tpu.memref_slice %arg8[%dma_start3A_3543, %dma_start3A_3544] : memref<512x64xf32, #tpu.memory_space<vmem>> -> memref<256x64xf32, #tpu.memory_space<vmem>>
    %dma_start3A_3546 = arith.constant 0 : i32
    %dma_start3A_3547 = tpu.memref_slice %arg5[%add3A_3542, %dma_start3A_3546] : memref<262144x64xf32, #tpu.memory_space<hbm>> -> memref<256x64xf32, #tpu.memory_space<hbm>>
    %dma_start3A_3548 = arith.constant 0 : i32
    %dma_start3A_3549 = tpu.memref_slice %arg5[%add3A_3542, %dma_start3A_3548] : memref<262144x64xf32, #tpu.memory_space<hbm>> -> memref<256x64xf32, #tpu.memory_space<hbm>>
    %dma_start3A_3550 = arith.constant 0 : i32
    %dma_start3A_3551 = arith.constant 0 : i32
    %dma_start3A_3552 = tpu.memref_slice %arg8[%dma_start3A_3550, %dma_start3A_3551] : memref<512x64xf32, #tpu.memory_space<vmem>> -> memref<256x64xf32, #tpu.memory_space<vmem>>
    tpu.enqueue_dma source(%dma_start3A_3552 : memref<256x64xf32, #tpu.memory_space<vmem>>) target(%dma_start3A_3549 : memref<256x64xf32, #tpu.memory_space<hbm>>) target_semaphore(%arg11 : memref<!tpu.dma_semaphore, #tpu.memory_space<semaphore_mem>>)
    %dma_start3A_3553 = arith.constant 0 : i32
    %dma_start3A_3554 = arith.constant 0 : i32
    %dma_start3A_3555 = tpu.memref_slice %arg9[%dma_start3A_3553, %dma_start3A_3554] : memref<512x64xf32, #tpu.memory_space<vmem>> -> memref<256x64xf32, #tpu.memory_space<vmem>>
    %dma_start3A_3556 = arith.constant 0 : i32
    %dma_start3A_3557 = tpu.memref_slice %arg6[%add3A_3542, %dma_start3A_3556] : memref<262144x64xf32, #tpu.memory_space<hbm>> -> memref<256x64xf32, #tpu.memory_space<hbm>>
    %dma_start3A_3558 = arith.constant 0 : i32
    %dma_start3A_3559 = tpu.memref_slice %arg6[%add3A_3542, %dma_start3A_3558] : memref<262144x64xf32, #tpu.memory_space<hbm>> -> memref<256x64xf32, #tpu.memory_space<hbm>>
    %dma_start3A_3560 = arith.constant 0 : i32
    %dma_start3A_3561 = arith.constant 0 : i32
    %dma_start3A_3562 = tpu.memref_slice %arg9[%dma_start3A_3560, %dma_start3A_3561] : memref<512x64xf32, #tpu.memory_space<vmem>> -> memref<256x64xf32, #tpu.memory_space<vmem>>
    tpu.enqueue_dma source(%dma_start3A_3562 : memref<256x64xf32, #tpu.memory_space<vmem>>) target(%dma_start3A_3559 : memref<256x64xf32, #tpu.memory_space<hbm>>) target_semaphore(%arg11 : memref<!tpu.dma_semaphore, #tpu.memory_space<semaphore_mem>>)
    %dma_wait3A_3563 = arith.constant 256 : i32
    %dma_wait3A_3564 = arith.constant 0 : i32
    %dma_wait3A_3565 = tpu.memref_slice %arg8[%dma_wait3A_3563, %dma_wait3A_3564] : memref<512x64xf32, #tpu.memory_space<vmem>> -> memref<256x64xf32, #tpu.memory_space<vmem>>
    %dma_wait3A_3566 = arith.constant 0 : i32
    %dma_wait3A_3567 = tpu.memref_slice %arg5[%add3A_3168, %dma_wait3A_3566] : memref<262144x64xf32, #tpu.memory_space<hbm>> -> memref<256x64xf32, #tpu.memory_space<hbm>>
    %dma_wait3A_3568 = arith.constant 0 : i32
    %dma_wait3A_3569 = tpu.memref_slice %arg5[%add3A_3168, %dma_wait3A_3568] : memref<262144x64xf32, #tpu.memory_space<hbm>> -> memref<256x64xf32, #tpu.memory_space<hbm>>
    %dma_wait3A_3570 = arith.constant 256 : i32
    %dma_wait3A_3571 = arith.constant 0 : i32
    %dma_wait3A_3572 = tpu.memref_slice %arg8[%dma_wait3A_3570, %dma_wait3A_3571] : memref<512x64xf32, #tpu.memory_space<vmem>> -> memref<256x64xf32, #tpu.memory_space<vmem>>
    tpu.wait_dma2 semaphore(%arg12 : memref<!tpu.dma_semaphore, #tpu.memory_space<semaphore_mem>>) src(%dma_wait3A_3572 : memref<256x64xf32, #tpu.memory_space<vmem>>) dst(%dma_wait3A_3569 : memref<256x64xf32, #tpu.memory_space<hbm>>)
    %dma_wait3A_3573 = arith.constant 256 : i32
    %dma_wait3A_3574 = arith.constant 0 : i32
    %dma_wait3A_3575 = tpu.memref_slice %arg9[%dma_wait3A_3573, %dma_wait3A_3574] : memref<512x64xf32, #tpu.memory_space<vmem>> -> memref<256x64xf32, #tpu.memory_space<vmem>>
    %dma_wait3A_3576 = arith.constant 0 : i32
    %dma_wait3A_3577 = tpu.memref_slice %arg6[%add3A_3168, %dma_wait3A_3576] : memref<262144x64xf32, #tpu.memory_space<hbm>> -> memref<256x64xf32, #tpu.memory_space<hbm>>
    %dma_wait3A_3578 = arith.constant 0 : i32
    %dma_wait3A_3579 = tpu.memref_slice %arg6[%add3A_3168, %dma_wait3A_3578] : memref<262144x64xf32, #tpu.memory_space<hbm>> -> memref<256x64xf32, #tpu.memory_space<hbm>>
    %dma_wait3A_3580 = arith.constant 256 : i32
    %dma_wait3A_3581 = arith.constant 0 : i32
    %dma_wait3A_3582 = tpu.memref_slice %arg9[%dma_wait3A_3580, %dma_wait3A_3581] : memref<512x64xf32, #tpu.memory_space<vmem>> -> memref<256x64xf32, #tpu.memory_space<vmem>>
    tpu.wait_dma2 semaphore(%arg12 : memref<!tpu.dma_semaphore, #tpu.memory_space<semaphore_mem>>) src(%dma_wait3A_3582 : memref<256x64xf32, #tpu.memory_space<vmem>>) dst(%dma_wait3A_3579 : memref<256x64xf32, #tpu.memory_space<hbm>>)
    %dma_wait3A_3583 = arith.constant 256 : i32
    %dma_wait3A_3584 = arith.constant 0 : i32
    %dma_wait3A_3585 = tpu.memref_slice %arg8[%dma_wait3A_3583, %dma_wait3A_3584] : memref<512x64xf32, #tpu.memory_space<vmem>> -> memref<256x64xf32, #tpu.memory_space<vmem>>
    %dma_wait3A_3586 = arith.constant 0 : i32
    %dma_wait3A_3587 = tpu.memref_slice %arg5[%add3A_3198, %dma_wait3A_3586] : memref<262144x64xf32, #tpu.memory_space<hbm>> -> memref<256x64xf32, #tpu.memory_space<hbm>>
    %dma_wait3A_3588 = arith.constant 0 : i32
    %dma_wait3A_3589 = tpu.memref_slice %arg5[%add3A_3198, %dma_wait3A_3588] : memref<262144x64xf32, #tpu.memory_space<hbm>> -> memref<256x64xf32, #tpu.memory_space<hbm>>
    %dma_wait3A_3590 = arith.constant 256 : i32
    %dma_wait3A_3591 = arith.constant 0 : i32
    %dma_wait3A_3592 = tpu.memref_slice %arg8[%dma_wait3A_3590, %dma_wait3A_3591] : memref<512x64xf32, #tpu.memory_space<vmem>> -> memref<256x64xf32, #tpu.memory_space<vmem>>
    tpu.wait_dma2 semaphore(%arg12 : memref<!tpu.dma_semaphore, #tpu.memory_space<semaphore_mem>>) src(%dma_wait3A_3592 : memref<256x64xf32, #tpu.memory_space<vmem>>) dst(%dma_wait3A_3589 : memref<256x64xf32, #tpu.memory_space<hbm>>)
    %dma_wait3A_3593 = arith.constant 256 : i32
    %dma_wait3A_3594 = arith.constant 0 : i32
    %dma_wait3A_3595 = tpu.memref_slice %arg9[%dma_wait3A_3593, %dma_wait3A_3594] : memref<512x64xf32, #tpu.memory_space<vmem>> -> memref<256x64xf32, #tpu.memory_space<vmem>>
    %dma_wait3A_3596 = arith.constant 0 : i32
    %dma_wait3A_3597 = tpu.memref_slice %arg6[%add3A_3198, %dma_wait3A_3596] : memref<262144x64xf32, #tpu.memory_space<hbm>> -> memref<256x64xf32, #tpu.memory_space<hbm>>
    %dma_wait3A_3598 = arith.constant 0 : i32
    %dma_wait3A_3599 = tpu.memref_slice %arg6[%add3A_3198, %dma_wait3A_3598] : memref<262144x64xf32, #tpu.memory_space<hbm>> -> memref<256x64xf32, #tpu.memory_space<hbm>>
    %dma_wait3A_3600 = arith.constant 256 : i32
    %dma_wait3A_3601 = arith.constant 0 : i32
    %dma_wait3A_3602 = tpu.memref_slice %arg9[%dma_wait3A_3600, %dma_wait3A_3601] : memref<512x64xf32, #tpu.memory_space<vmem>> -> memref<256x64xf32, #tpu.memory_space<vmem>>
    tpu.wait_dma2 semaphore(%arg12 : memref<!tpu.dma_semaphore, #tpu.memory_space<semaphore_mem>>) src(%dma_wait3A_3602 : memref<256x64xf32, #tpu.memory_space<vmem>>) dst(%dma_wait3A_3599 : memref<256x64xf32, #tpu.memory_space<hbm>>)
    %dma_wait3A_3603 = arith.constant 256 : i32
    %dma_wait3A_3604 = arith.constant 0 : i32
    %dma_wait3A_3605 = tpu.memref_slice %arg8[%dma_wait3A_3603, %dma_wait3A_3604] : memref<512x64xf32, #tpu.memory_space<vmem>> -> memref<256x64xf32, #tpu.memory_space<vmem>>
    %dma_wait3A_3606 = arith.constant 0 : i32
    %dma_wait3A_3607 = tpu.memref_slice %arg5[%add3A_3228, %dma_wait3A_3606] : memref<262144x64xf32, #tpu.memory_space<hbm>> -> memref<256x64xf32, #tpu.memory_space<hbm>>
    %dma_wait3A_3608 = arith.constant 0 : i32
    %dma_wait3A_3609 = tpu.memref_slice %arg5[%add3A_3228, %dma_wait3A_3608] : memref<262144x64xf32, #tpu.memory_space<hbm>> -> memref<256x64xf32, #tpu.memory_space<hbm>>
    %dma_wait3A_3610 = arith.constant 256 : i32
    %dma_wait3A_3611 = arith.constant 0 : i32
    %dma_wait3A_3612 = tpu.memref_slice %arg8[%dma_wait3A_3610, %dma_wait3A_3611] : memref<512x64xf32, #tpu.memory_space<vmem>> -> memref<256x64xf32, #tpu.memory_space<vmem>>
    tpu.wait_dma2 semaphore(%arg12 : memref<!tpu.dma_semaphore, #tpu.memory_space<semaphore_mem>>) src(%dma_wait3A_3612 : memref<256x64xf32, #tpu.memory_space<vmem>>) dst(%dma_wait3A_3609 : memref<256x64xf32, #tpu.memory_space<hbm>>)
    %dma_wait3A_3613 = arith.constant 256 : i32
    %dma_wait3A_3614 = arith.constant 0 : i32
    %dma_wait3A_3615 = tpu.memref_slice %arg9[%dma_wait3A_3613, %dma_wait3A_3614] : memref<512x64xf32, #tpu.memory_space<vmem>> -> memref<256x64xf32, #tpu.memory_space<vmem>>
    %dma_wait3A_3616 = arith.constant 0 : i32
    %dma_wait3A_3617 = tpu.memref_slice %arg6[%add3A_3228, %dma_wait3A_3616] : memref<262144x64xf32, #tpu.memory_space<hbm>> -> memref<256x64xf32, #tpu.memory_space<hbm>>
    %dma_wait3A_3618 = arith.constant 0 : i32
    %dma_wait3A_3619 = tpu.memref_slice %arg6[%add3A_3228, %dma_wait3A_3618] : memref<262144x64xf32, #tpu.memory_space<hbm>> -> memref<256x64xf32, #tpu.memory_space<hbm>>
    %dma_wait3A_3620 = arith.constant 256 : i32
    %dma_wait3A_3621 = arith.constant 0 : i32
    %dma_wait3A_3622 = tpu.memref_slice %arg9[%dma_wait3A_3620, %dma_wait3A_3621] : memref<512x64xf32, #tpu.memory_space<vmem>> -> memref<256x64xf32, #tpu.memory_space<vmem>>
    tpu.wait_dma2 semaphore(%arg12 : memref<!tpu.dma_semaphore, #tpu.memory_space<semaphore_mem>>) src(%dma_wait3A_3622 : memref<256x64xf32, #tpu.memory_space<vmem>>) dst(%dma_wait3A_3619 : memref<256x64xf32, #tpu.memory_space<hbm>>)
    %dma_wait3A_3623 = arith.constant 256 : i32
    %dma_wait3A_3624 = arith.constant 0 : i32
    %dma_wait3A_3625 = tpu.memref_slice %arg8[%dma_wait3A_3623, %dma_wait3A_3624] : memref<512x64xf32, #tpu.memory_space<vmem>> -> memref<256x64xf32, #tpu.memory_space<vmem>>
    %dma_wait3A_3626 = arith.constant 0 : i32
    %dma_wait3A_3627 = tpu.memref_slice %arg5[%add3A_3258, %dma_wait3A_3626] : memref<262144x64xf32, #tpu.memory_space<hbm>> -> memref<256x64xf32, #tpu.memory_space<hbm>>
    %dma_wait3A_3628 = arith.constant 0 : i32
    %dma_wait3A_3629 = tpu.memref_slice %arg5[%add3A_3258, %dma_wait3A_3628] : memref<262144x64xf32, #tpu.memory_space<hbm>> -> memref<256x64xf32, #tpu.memory_space<hbm>>
    %dma_wait3A_3630 = arith.constant 256 : i32
    %dma_wait3A_3631 = arith.constant 0 : i32
    %dma_wait3A_3632 = tpu.memref_slice %arg8[%dma_wait3A_3630, %dma_wait3A_3631] : memref<512x64xf32, #tpu.memory_space<vmem>> -> memref<256x64xf32, #tpu.memory_space<vmem>>
    tpu.wait_dma2 semaphore(%arg12 : memref<!tpu.dma_semaphore, #tpu.memory_space<semaphore_mem>>) src(%dma_wait3A_3632 : memref<256x64xf32, #tpu.memory_space<vmem>>) dst(%dma_wait3A_3629 : memref<256x64xf32, #tpu.memory_space<hbm>>)
    %dma_wait3A_3633 = arith.constant 256 : i32
    %dma_wait3A_3634 = arith.constant 0 : i32
    %dma_wait3A_3635 = tpu.memref_slice %arg9[%dma_wait3A_3633, %dma_wait3A_3634] : memref<512x64xf32, #tpu.memory_space<vmem>> -> memref<256x64xf32, #tpu.memory_space<vmem>>
    %dma_wait3A_3636 = arith.constant 0 : i32
    %dma_wait3A_3637 = tpu.memref_slice %arg6[%add3A_3258, %dma_wait3A_3636] : memref<262144x64xf32, #tpu.memory_space<hbm>> -> memref<256x64xf32, #tpu.memory_space<hbm>>
    %dma_wait3A_3638 = arith.constant 0 : i32
    %dma_wait3A_3639 = tpu.memref_slice %arg6[%add3A_3258, %dma_wait3A_3638] : memref<262144x64xf32, #tpu.memory_space<hbm>> -> memref<256x64xf32, #tpu.memory_space<hbm>>
    %dma_wait3A_3640 = arith.constant 256 : i32
    %dma_wait3A_3641 = arith.constant 0 : i32
    %dma_wait3A_3642 = tpu.memref_slice %arg9[%dma_wait3A_3640, %dma_wait3A_3641] : memref<512x64xf32, #tpu.memory_space<vmem>> -> memref<256x64xf32, #tpu.memory_space<vmem>>
    tpu.wait_dma2 semaphore(%arg12 : memref<!tpu.dma_semaphore, #tpu.memory_space<semaphore_mem>>) src(%dma_wait3A_3642 : memref<256x64xf32, #tpu.memory_space<vmem>>) dst(%dma_wait3A_3639 : memref<256x64xf32, #tpu.memory_space<hbm>>)
    %dma_start3A_3643 = arith.constant 14 : i32
    %dma_start3A_3644 = arith.constant 256 : i32
    %dma_start3A_3645 = arith.constant 0 : i32
    %dma_start3A_3646 = tpu.memref_slice %arg8[%dma_start3A_3644, %dma_start3A_3645] : memref<512x64xf32, #tpu.memory_space<vmem>> -> memref<128x64xf32, #tpu.memory_space<vmem>>
    %dma_start3A_3647 = arith.constant 0 : i32
    %dma_start3A_3648 = tpu.memref_slice %arg7[%dma_start3A_3643, %dma_start3A_3647] : memref<16x128xi32, #tpu.memory_space<vmem>> -> memref<1x128xi32, #tpu.memory_space<vmem>>
    %dma_start3A_3649 = tpu.memref_squeeze %dma_start3A_3648 : memref<1x128xi32, #tpu.memory_space<vmem>> -> memref<128xi32, #tpu.memory_space<vmem>>
    %dma_start3A_3650 = arith.constant 0 : i32
    %dma_start3A_3651 = arith.constant 0 : i32
    %dma_start3A_3652 = tpu.memref_slice %arg3[%dma_start3A_3650, %dma_start3A_3651] : memref<68x64xf32, #tpu.memory_space<hbm>> -> memref<68x64xf32, #tpu.memory_space<hbm>>
    tpu.enqueue_indirect_dma source(%dma_start3A_3652 : memref<68x64xf32, #tpu.memory_space<hbm>>) target(%dma_start3A_3646 : memref<128x64xf32, #tpu.memory_space<vmem>>) offsets(%dma_start3A_3649 : memref<128xi32, #tpu.memory_space<vmem>>) semaphore(%arg10 : memref<!tpu.dma_semaphore, #tpu.memory_space<semaphore_mem>>)
    %dma_start3A_3653 = arith.constant 14 : i32
    %dma_start3A_3654 = arith.constant 256 : i32
    %dma_start3A_3655 = arith.constant 0 : i32
    %dma_start3A_3656 = tpu.memref_slice %arg9[%dma_start3A_3654, %dma_start3A_3655] : memref<512x64xf32, #tpu.memory_space<vmem>> -> memref<128x64xf32, #tpu.memory_space<vmem>>
    %dma_start3A_3657 = arith.constant 0 : i32
    %dma_start3A_3658 = tpu.memref_slice %arg7[%dma_start3A_3653, %dma_start3A_3657] : memref<16x128xi32, #tpu.memory_space<vmem>> -> memref<1x128xi32, #tpu.memory_space<vmem>>
    %dma_start3A_3659 = tpu.memref_squeeze %dma_start3A_3658 : memref<1x128xi32, #tpu.memory_space<vmem>> -> memref<128xi32, #tpu.memory_space<vmem>>
    %dma_start3A_3660 = arith.constant 0 : i32
    %dma_start3A_3661 = arith.constant 0 : i32
    %dma_start3A_3662 = tpu.memref_slice %arg4[%dma_start3A_3660, %dma_start3A_3661] : memref<68x64xf32, #tpu.memory_space<hbm>> -> memref<68x64xf32, #tpu.memory_space<hbm>>
    tpu.enqueue_indirect_dma source(%dma_start3A_3662 : memref<68x64xf32, #tpu.memory_space<hbm>>) target(%dma_start3A_3656 : memref<128x64xf32, #tpu.memory_space<vmem>>) offsets(%dma_start3A_3659 : memref<128xi32, #tpu.memory_space<vmem>>) semaphore(%arg10 : memref<!tpu.dma_semaphore, #tpu.memory_space<semaphore_mem>>)
    %dma_start3A_3663 = arith.constant 15 : i32
    %dma_start3A_3664 = arith.constant 384 : i32
    %dma_start3A_3665 = arith.constant 0 : i32
    %dma_start3A_3666 = tpu.memref_slice %arg8[%dma_start3A_3664, %dma_start3A_3665] : memref<512x64xf32, #tpu.memory_space<vmem>> -> memref<128x64xf32, #tpu.memory_space<vmem>>
    %dma_start3A_3667 = arith.constant 0 : i32
    %dma_start3A_3668 = tpu.memref_slice %arg7[%dma_start3A_3663, %dma_start3A_3667] : memref<16x128xi32, #tpu.memory_space<vmem>> -> memref<1x128xi32, #tpu.memory_space<vmem>>
    %dma_start3A_3669 = tpu.memref_squeeze %dma_start3A_3668 : memref<1x128xi32, #tpu.memory_space<vmem>> -> memref<128xi32, #tpu.memory_space<vmem>>
    %dma_start3A_3670 = arith.constant 0 : i32
    %dma_start3A_3671 = arith.constant 0 : i32
    %dma_start3A_3672 = tpu.memref_slice %arg3[%dma_start3A_3670, %dma_start3A_3671] : memref<68x64xf32, #tpu.memory_space<hbm>> -> memref<68x64xf32, #tpu.memory_space<hbm>>
    tpu.enqueue_indirect_dma source(%dma_start3A_3672 : memref<68x64xf32, #tpu.memory_space<hbm>>) target(%dma_start3A_3666 : memref<128x64xf32, #tpu.memory_space<vmem>>) offsets(%dma_start3A_3669 : memref<128xi32, #tpu.memory_space<vmem>>) semaphore(%arg10 : memref<!tpu.dma_semaphore, #tpu.memory_space<semaphore_mem>>)
    %dma_start3A_3673 = arith.constant 15 : i32
    %dma_start3A_3674 = arith.constant 384 : i32
    %dma_start3A_3675 = arith.constant 0 : i32
    %dma_start3A_3676 = tpu.memref_slice %arg9[%dma_start3A_3674, %dma_start3A_3675] : memref<512x64xf32, #tpu.memory_space<vmem>> -> memref<128x64xf32, #tpu.memory_space<vmem>>
    %dma_start3A_3677 = arith.constant 0 : i32
    %dma_start3A_3678 = tpu.memref_slice %arg7[%dma_start3A_3673, %dma_start3A_3677] : memref<16x128xi32, #tpu.memory_space<vmem>> -> memref<1x128xi32, #tpu.memory_space<vmem>>
    %dma_start3A_3679 = tpu.memref_squeeze %dma_start3A_3678 : memref<1x128xi32, #tpu.memory_space<vmem>> -> memref<128xi32, #tpu.memory_space<vmem>>
    %dma_start3A_3680 = arith.constant 0 : i32
    %dma_start3A_3681 = arith.constant 0 : i32
    %dma_start3A_3682 = tpu.memref_slice %arg4[%dma_start3A_3680, %dma_start3A_3681] : memref<68x64xf32, #tpu.memory_space<hbm>> -> memref<68x64xf32, #tpu.memory_space<hbm>>
    tpu.enqueue_indirect_dma source(%dma_start3A_3682 : memref<68x64xf32, #tpu.memory_space<hbm>>) target(%dma_start3A_3676 : memref<128x64xf32, #tpu.memory_space<vmem>>) offsets(%dma_start3A_3679 : memref<128xi32, #tpu.memory_space<vmem>>) semaphore(%arg10 : memref<!tpu.dma_semaphore, #tpu.memory_space<semaphore_mem>>)
    %dma_wait3A_3683 = arith.constant 14 : i32
    %dma_wait3A_3684 = arith.constant 256 : i32
    %dma_wait3A_3685 = arith.constant 0 : i32
    %dma_wait3A_3686 = tpu.memref_slice %arg8[%dma_wait3A_3684, %dma_wait3A_3685] : memref<512x64xf32, #tpu.memory_space<vmem>> -> memref<128x64xf32, #tpu.memory_space<vmem>>
    %dma_wait3A_3687 = arith.constant 0 : i32
    %dma_wait3A_3688 = tpu.memref_slice %arg7[%dma_wait3A_3683, %dma_wait3A_3687] : memref<16x128xi32, #tpu.memory_space<vmem>> -> memref<1x128xi32, #tpu.memory_space<vmem>>
    %dma_wait3A_3689 = tpu.memref_squeeze %dma_wait3A_3688 : memref<1x128xi32, #tpu.memory_space<vmem>> -> memref<128xi32, #tpu.memory_space<vmem>>
    %dma_wait3A_3690 = arith.constant 0 : i32
    %dma_wait3A_3691 = arith.constant 0 : i32
    %dma_wait3A_3692 = tpu.memref_slice %arg3[%dma_wait3A_3690, %dma_wait3A_3691] : memref<68x64xf32, #tpu.memory_space<hbm>> -> memref<68x64xf32, #tpu.memory_space<hbm>>
    tpu.wait_indirect_dma semaphore(%arg10 : memref<!tpu.dma_semaphore, #tpu.memory_space<semaphore_mem>>) src(%dma_wait3A_3692 : memref<68x64xf32, #tpu.memory_space<hbm>>) dst(%dma_wait3A_3686 : memref<128x64xf32, #tpu.memory_space<vmem>>)
    %dma_wait3A_3693 = arith.constant 14 : i32
    %dma_wait3A_3694 = arith.constant 256 : i32
    %dma_wait3A_3695 = arith.constant 0 : i32
    %dma_wait3A_3696 = tpu.memref_slice %arg9[%dma_wait3A_3694, %dma_wait3A_3695] : memref<512x64xf32, #tpu.memory_space<vmem>> -> memref<128x64xf32, #tpu.memory_space<vmem>>
    %dma_wait3A_3697 = arith.constant 0 : i32
    %dma_wait3A_3698 = tpu.memref_slice %arg7[%dma_wait3A_3693, %dma_wait3A_3697] : memref<16x128xi32, #tpu.memory_space<vmem>> -> memref<1x128xi32, #tpu.memory_space<vmem>>
    %dma_wait3A_3699 = tpu.memref_squeeze %dma_wait3A_3698 : memref<1x128xi32, #tpu.memory_space<vmem>> -> memref<128xi32, #tpu.memory_space<vmem>>
    %dma_wait3A_3700 = arith.constant 0 : i32
    %dma_wait3A_3701 = arith.constant 0 : i32
    %dma_wait3A_3702 = tpu.memref_slice %arg4[%dma_wait3A_3700, %dma_wait3A_3701] : memref<68x64xf32, #tpu.memory_space<hbm>> -> memref<68x64xf32, #tpu.memory_space<hbm>>
    tpu.wait_indirect_dma semaphore(%arg10 : memref<!tpu.dma_semaphore, #tpu.memory_space<semaphore_mem>>) src(%dma_wait3A_3702 : memref<68x64xf32, #tpu.memory_space<hbm>>) dst(%dma_wait3A_3696 : memref<128x64xf32, #tpu.memory_space<vmem>>)
    %dma_wait3A_3703 = arith.constant 15 : i32
    %dma_wait3A_3704 = arith.constant 384 : i32
    %dma_wait3A_3705 = arith.constant 0 : i32
    %dma_wait3A_3706 = tpu.memref_slice %arg8[%dma_wait3A_3704, %dma_wait3A_3705] : memref<512x64xf32, #tpu.memory_space<vmem>> -> memref<128x64xf32, #tpu.memory_space<vmem>>
    %dma_wait3A_3707 = arith.constant 0 : i32
    %dma_wait3A_3708 = tpu.memref_slice %arg7[%dma_wait3A_3703, %dma_wait3A_3707] : memref<16x128xi32, #tpu.memory_space<vmem>> -> memref<1x128xi32, #tpu.memory_space<vmem>>
    %dma_wait3A_3709 = tpu.memref_squeeze %dma_wait3A_3708 : memref<1x128xi32, #tpu.memory_space<vmem>> -> memref<128xi32, #tpu.memory_space<vmem>>
    %dma_wait3A_3710 = arith.constant 0 : i32
    %dma_wait3A_3711 = arith.constant 0 : i32
    %dma_wait3A_3712 = tpu.memref_slice %arg3[%dma_wait3A_3710, %dma_wait3A_3711] : memref<68x64xf32, #tpu.memory_space<hbm>> -> memref<68x64xf32, #tpu.memory_space<hbm>>
    tpu.wait_indirect_dma semaphore(%arg10 : memref<!tpu.dma_semaphore, #tpu.memory_space<semaphore_mem>>) src(%dma_wait3A_3712 : memref<68x64xf32, #tpu.memory_space<hbm>>) dst(%dma_wait3A_3706 : memref<128x64xf32, #tpu.memory_space<vmem>>)
    %dma_wait3A_3713 = arith.constant 15 : i32
    %dma_wait3A_3714 = arith.constant 384 : i32
    %dma_wait3A_3715 = arith.constant 0 : i32
    %dma_wait3A_3716 = tpu.memref_slice %arg9[%dma_wait3A_3714, %dma_wait3A_3715] : memref<512x64xf32, #tpu.memory_space<vmem>> -> memref<128x64xf32, #tpu.memory_space<vmem>>
    %dma_wait3A_3717 = arith.constant 0 : i32
    %dma_wait3A_3718 = tpu.memref_slice %arg7[%dma_wait3A_3713, %dma_wait3A_3717] : memref<16x128xi32, #tpu.memory_space<vmem>> -> memref<1x128xi32, #tpu.memory_space<vmem>>
    %dma_wait3A_3719 = tpu.memref_squeeze %dma_wait3A_3718 : memref<1x128xi32, #tpu.memory_space<vmem>> -> memref<128xi32, #tpu.memory_space<vmem>>
    %dma_wait3A_3720 = arith.constant 0 : i32
    %dma_wait3A_3721 = arith.constant 0 : i32
    %dma_wait3A_3722 = tpu.memref_slice %arg4[%dma_wait3A_3720, %dma_wait3A_3721] : memref<68x64xf32, #tpu.memory_space<hbm>> -> memref<68x64xf32, #tpu.memory_space<hbm>>
    tpu.wait_indirect_dma semaphore(%arg10 : memref<!tpu.dma_semaphore, #tpu.memory_space<semaphore_mem>>) src(%dma_wait3A_3722 : memref<68x64xf32, #tpu.memory_space<hbm>>) dst(%dma_wait3A_3716 : memref<128x64xf32, #tpu.memory_space<vmem>>)
    %mul3A_3723 = arith.constant 2048 : i32
    %mul3A_3724 = arith.muli %select_n3A_30, %mul3A_3723 : i32
    %add3A_3725 = arith.constant 1792 : i32
    %add3A_3726 = arith.addi %mul3A_3724, %add3A_3725 : i32
    %mul3A_3727 = arith.constant 8 : i32
    %mul3A_3728 = arith.muli %select_n3A_70, %mul3A_3727 : i32
    %mul3A_3729 = arith.constant 4 : i32
    %mul3A_3730 = arith.muli %select_n3A_54, %mul3A_3729 : i32
    %add3A_3731 = arith.addi %mul3A_3728, %mul3A_3730 : i32
    %add3A_3732 = arith.constant 0 : i32
    %add3A_3733 = arith.addi %add3A_3731, %add3A_3732 : i32
    %mul3A_3734 = arith.constant 16384 : i32
    %mul3A_3735 = arith.muli %add3A_3733, %mul3A_3734 : i32
    %add3A_3736 = arith.addi %mul3A_3735, %add3A_3726 : i32
    %dma_start3A_3737 = arith.constant 256 : i32
    %dma_start3A_3738 = arith.constant 0 : i32
    %dma_start3A_3739 = tpu.memref_slice %arg8[%dma_start3A_3737, %dma_start3A_3738] : memref<512x64xf32, #tpu.memory_space<vmem>> -> memref<256x64xf32, #tpu.memory_space<vmem>>
    %dma_start3A_3740 = arith.constant 0 : i32
    %dma_start3A_3741 = tpu.memref_slice %arg5[%add3A_3736, %dma_start3A_3740] : memref<262144x64xf32, #tpu.memory_space<hbm>> -> memref<256x64xf32, #tpu.memory_space<hbm>>
    %dma_start3A_3742 = arith.constant 0 : i32
    %dma_start3A_3743 = tpu.memref_slice %arg5[%add3A_3736, %dma_start3A_3742] : memref<262144x64xf32, #tpu.memory_space<hbm>> -> memref<256x64xf32, #tpu.memory_space<hbm>>
    %dma_start3A_3744 = arith.constant 256 : i32
    %dma_start3A_3745 = arith.constant 0 : i32
    %dma_start3A_3746 = tpu.memref_slice %arg8[%dma_start3A_3744, %dma_start3A_3745] : memref<512x64xf32, #tpu.memory_space<vmem>> -> memref<256x64xf32, #tpu.memory_space<vmem>>
    tpu.enqueue_dma source(%dma_start3A_3746 : memref<256x64xf32, #tpu.memory_space<vmem>>) target(%dma_start3A_3743 : memref<256x64xf32, #tpu.memory_space<hbm>>) target_semaphore(%arg12 : memref<!tpu.dma_semaphore, #tpu.memory_space<semaphore_mem>>)
    %dma_start3A_3747 = arith.constant 256 : i32
    %dma_start3A_3748 = arith.constant 0 : i32
    %dma_start3A_3749 = tpu.memref_slice %arg9[%dma_start3A_3747, %dma_start3A_3748] : memref<512x64xf32, #tpu.memory_space<vmem>> -> memref<256x64xf32, #tpu.memory_space<vmem>>
    %dma_start3A_3750 = arith.constant 0 : i32
    %dma_start3A_3751 = tpu.memref_slice %arg6[%add3A_3736, %dma_start3A_3750] : memref<262144x64xf32, #tpu.memory_space<hbm>> -> memref<256x64xf32, #tpu.memory_space<hbm>>
    %dma_start3A_3752 = arith.constant 0 : i32
    %dma_start3A_3753 = tpu.memref_slice %arg6[%add3A_3736, %dma_start3A_3752] : memref<262144x64xf32, #tpu.memory_space<hbm>> -> memref<256x64xf32, #tpu.memory_space<hbm>>
    %dma_start3A_3754 = arith.constant 256 : i32
    %dma_start3A_3755 = arith.constant 0 : i32
    %dma_start3A_3756 = tpu.memref_slice %arg9[%dma_start3A_3754, %dma_start3A_3755] : memref<512x64xf32, #tpu.memory_space<vmem>> -> memref<256x64xf32, #tpu.memory_space<vmem>>
    tpu.enqueue_dma source(%dma_start3A_3756 : memref<256x64xf32, #tpu.memory_space<vmem>>) target(%dma_start3A_3753 : memref<256x64xf32, #tpu.memory_space<hbm>>) target_semaphore(%arg12 : memref<!tpu.dma_semaphore, #tpu.memory_space<semaphore_mem>>)
    %mul3A_3757 = arith.constant 8 : i32
    %mul3A_3758 = arith.muli %select_n3A_70, %mul3A_3757 : i32
    %mul3A_3759 = arith.constant 4 : i32
    %mul3A_3760 = arith.muli %select_n3A_54, %mul3A_3759 : i32
    %add3A_3761 = arith.addi %mul3A_3758, %mul3A_3760 : i32
    %add3A_3762 = arith.constant 1 : i32
    %add3A_3763 = arith.addi %add3A_3761, %add3A_3762 : i32
    %mul3A_3764 = arith.constant 16384 : i32
    %mul3A_3765 = arith.muli %add3A_3763, %mul3A_3764 : i32
    %add3A_3766 = arith.addi %mul3A_3765, %add3A_3726 : i32
    %dma_start3A_3767 = arith.constant 256 : i32
    %dma_start3A_3768 = arith.constant 0 : i32
    %dma_start3A_3769 = tpu.memref_slice %arg8[%dma_start3A_3767, %dma_start3A_3768] : memref<512x64xf32, #tpu.memory_space<vmem>> -> memref<256x64xf32, #tpu.memory_space<vmem>>
    %dma_start3A_3770 = arith.constant 0 : i32
    %dma_start3A_3771 = tpu.memref_slice %arg5[%add3A_3766, %dma_start3A_3770] : memref<262144x64xf32, #tpu.memory_space<hbm>> -> memref<256x64xf32, #tpu.memory_space<hbm>>
    %dma_start3A_3772 = arith.constant 0 : i32
    %dma_start3A_3773 = tpu.memref_slice %arg5[%add3A_3766, %dma_start3A_3772] : memref<262144x64xf32, #tpu.memory_space<hbm>> -> memref<256x64xf32, #tpu.memory_space<hbm>>
    %dma_start3A_3774 = arith.constant 256 : i32
    %dma_start3A_3775 = arith.constant 0 : i32
    %dma_start3A_3776 = tpu.memref_slice %arg8[%dma_start3A_3774, %dma_start3A_3775] : memref<512x64xf32, #tpu.memory_space<vmem>> -> memref<256x64xf32, #tpu.memory_space<vmem>>
    tpu.enqueue_dma source(%dma_start3A_3776 : memref<256x64xf32, #tpu.memory_space<vmem>>) target(%dma_start3A_3773 : memref<256x64xf32, #tpu.memory_space<hbm>>) target_semaphore(%arg12 : memref<!tpu.dma_semaphore, #tpu.memory_space<semaphore_mem>>)
    %dma_start3A_3777 = arith.constant 256 : i32
    %dma_start3A_3778 = arith.constant 0 : i32
    %dma_start3A_3779 = tpu.memref_slice %arg9[%dma_start3A_3777, %dma_start3A_3778] : memref<512x64xf32, #tpu.memory_space<vmem>> -> memref<256x64xf32, #tpu.memory_space<vmem>>
    %dma_start3A_3780 = arith.constant 0 : i32
    %dma_start3A_3781 = tpu.memref_slice %arg6[%add3A_3766, %dma_start3A_3780] : memref<262144x64xf32, #tpu.memory_space<hbm>> -> memref<256x64xf32, #tpu.memory_space<hbm>>
    %dma_start3A_3782 = arith.constant 0 : i32
    %dma_start3A_3783 = tpu.memref_slice %arg6[%add3A_3766, %dma_start3A_3782] : memref<262144x64xf32, #tpu.memory_space<hbm>> -> memref<256x64xf32, #tpu.memory_space<hbm>>
    %dma_start3A_3784 = arith.constant 256 : i32
    %dma_start3A_3785 = arith.constant 0 : i32
    %dma_start3A_3786 = tpu.memref_slice %arg9[%dma_start3A_3784, %dma_start3A_3785] : memref<512x64xf32, #tpu.memory_space<vmem>> -> memref<256x64xf32, #tpu.memory_space<vmem>>
    tpu.enqueue_dma source(%dma_start3A_3786 : memref<256x64xf32, #tpu.memory_space<vmem>>) target(%dma_start3A_3783 : memref<256x64xf32, #tpu.memory_space<hbm>>) target_semaphore(%arg12 : memref<!tpu.dma_semaphore, #tpu.memory_space<semaphore_mem>>)
    %mul3A_3787 = arith.constant 8 : i32
    %mul3A_3788 = arith.muli %select_n3A_70, %mul3A_3787 : i32
    %mul3A_3789 = arith.constant 4 : i32
    %mul3A_3790 = arith.muli %select_n3A_54, %mul3A_3789 : i32
    %add3A_3791 = arith.addi %mul3A_3788, %mul3A_3790 : i32
    %add3A_3792 = arith.constant 2 : i32
    %add3A_3793 = arith.addi %add3A_3791, %add3A_3792 : i32
    %mul3A_3794 = arith.constant 16384 : i32
    %mul3A_3795 = arith.muli %add3A_3793, %mul3A_3794 : i32
    %add3A_3796 = arith.addi %mul3A_3795, %add3A_3726 : i32
    %dma_start3A_3797 = arith.constant 256 : i32
    %dma_start3A_3798 = arith.constant 0 : i32
    %dma_start3A_3799 = tpu.memref_slice %arg8[%dma_start3A_3797, %dma_start3A_3798] : memref<512x64xf32, #tpu.memory_space<vmem>> -> memref<256x64xf32, #tpu.memory_space<vmem>>
    %dma_start3A_3800 = arith.constant 0 : i32
    %dma_start3A_3801 = tpu.memref_slice %arg5[%add3A_3796, %dma_start3A_3800] : memref<262144x64xf32, #tpu.memory_space<hbm>> -> memref<256x64xf32, #tpu.memory_space<hbm>>
    %dma_start3A_3802 = arith.constant 0 : i32
    %dma_start3A_3803 = tpu.memref_slice %arg5[%add3A_3796, %dma_start3A_3802] : memref<262144x64xf32, #tpu.memory_space<hbm>> -> memref<256x64xf32, #tpu.memory_space<hbm>>
    %dma_start3A_3804 = arith.constant 256 : i32
    %dma_start3A_3805 = arith.constant 0 : i32
    %dma_start3A_3806 = tpu.memref_slice %arg8[%dma_start3A_3804, %dma_start3A_3805] : memref<512x64xf32, #tpu.memory_space<vmem>> -> memref<256x64xf32, #tpu.memory_space<vmem>>
    tpu.enqueue_dma source(%dma_start3A_3806 : memref<256x64xf32, #tpu.memory_space<vmem>>) target(%dma_start3A_3803 : memref<256x64xf32, #tpu.memory_space<hbm>>) target_semaphore(%arg12 : memref<!tpu.dma_semaphore, #tpu.memory_space<semaphore_mem>>)
    %dma_start3A_3807 = arith.constant 256 : i32
    %dma_start3A_3808 = arith.constant 0 : i32
    %dma_start3A_3809 = tpu.memref_slice %arg9[%dma_start3A_3807, %dma_start3A_3808] : memref<512x64xf32, #tpu.memory_space<vmem>> -> memref<256x64xf32, #tpu.memory_space<vmem>>
    %dma_start3A_3810 = arith.constant 0 : i32
    %dma_start3A_3811 = tpu.memref_slice %arg6[%add3A_3796, %dma_start3A_3810] : memref<262144x64xf32, #tpu.memory_space<hbm>> -> memref<256x64xf32, #tpu.memory_space<hbm>>
    %dma_start3A_3812 = arith.constant 0 : i32
    %dma_start3A_3813 = tpu.memref_slice %arg6[%add3A_3796, %dma_start3A_3812] : memref<262144x64xf32, #tpu.memory_space<hbm>> -> memref<256x64xf32, #tpu.memory_space<hbm>>
    %dma_start3A_3814 = arith.constant 256 : i32
    %dma_start3A_3815 = arith.constant 0 : i32
    %dma_start3A_3816 = tpu.memref_slice %arg9[%dma_start3A_3814, %dma_start3A_3815] : memref<512x64xf32, #tpu.memory_space<vmem>> -> memref<256x64xf32, #tpu.memory_space<vmem>>
    tpu.enqueue_dma source(%dma_start3A_3816 : memref<256x64xf32, #tpu.memory_space<vmem>>) target(%dma_start3A_3813 : memref<256x64xf32, #tpu.memory_space<hbm>>) target_semaphore(%arg12 : memref<!tpu.dma_semaphore, #tpu.memory_space<semaphore_mem>>)
    %mul3A_3817 = arith.constant 8 : i32
    %mul3A_3818 = arith.muli %select_n3A_70, %mul3A_3817 : i32
    %mul3A_3819 = arith.constant 4 : i32
    %mul3A_3820 = arith.muli %select_n3A_54, %mul3A_3819 : i32
    %add3A_3821 = arith.addi %mul3A_3818, %mul3A_3820 : i32
    %add3A_3822 = arith.constant 3 : i32
    %add3A_3823 = arith.addi %add3A_3821, %add3A_3822 : i32
    %mul3A_3824 = arith.constant 16384 : i32
    %mul3A_3825 = arith.muli %add3A_3823, %mul3A_3824 : i32
    %add3A_3826 = arith.addi %mul3A_3825, %add3A_3726 : i32
    %dma_start3A_3827 = arith.constant 256 : i32
    %dma_start3A_3828 = arith.constant 0 : i32
    %dma_start3A_3829 = tpu.memref_slice %arg8[%dma_start3A_3827, %dma_start3A_3828] : memref<512x64xf32, #tpu.memory_space<vmem>> -> memref<256x64xf32, #tpu.memory_space<vmem>>
    %dma_start3A_3830 = arith.constant 0 : i32
    %dma_start3A_3831 = tpu.memref_slice %arg5[%add3A_3826, %dma_start3A_3830] : memref<262144x64xf32, #tpu.memory_space<hbm>> -> memref<256x64xf32, #tpu.memory_space<hbm>>
    %dma_start3A_3832 = arith.constant 0 : i32
    %dma_start3A_3833 = tpu.memref_slice %arg5[%add3A_3826, %dma_start3A_3832] : memref<262144x64xf32, #tpu.memory_space<hbm>> -> memref<256x64xf32, #tpu.memory_space<hbm>>
    %dma_start3A_3834 = arith.constant 256 : i32
    %dma_start3A_3835 = arith.constant 0 : i32
    %dma_start3A_3836 = tpu.memref_slice %arg8[%dma_start3A_3834, %dma_start3A_3835] : memref<512x64xf32, #tpu.memory_space<vmem>> -> memref<256x64xf32, #tpu.memory_space<vmem>>
    tpu.enqueue_dma source(%dma_start3A_3836 : memref<256x64xf32, #tpu.memory_space<vmem>>) target(%dma_start3A_3833 : memref<256x64xf32, #tpu.memory_space<hbm>>) target_semaphore(%arg12 : memref<!tpu.dma_semaphore, #tpu.memory_space<semaphore_mem>>)
    %dma_start3A_3837 = arith.constant 256 : i32
    %dma_start3A_3838 = arith.constant 0 : i32
    %dma_start3A_3839 = tpu.memref_slice %arg9[%dma_start3A_3837, %dma_start3A_3838] : memref<512x64xf32, #tpu.memory_space<vmem>> -> memref<256x64xf32, #tpu.memory_space<vmem>>
    %dma_start3A_3840 = arith.constant 0 : i32
    %dma_start3A_3841 = tpu.memref_slice %arg6[%add3A_3826, %dma_start3A_3840] : memref<262144x64xf32, #tpu.memory_space<hbm>> -> memref<256x64xf32, #tpu.memory_space<hbm>>
    %dma_start3A_3842 = arith.constant 0 : i32
    %dma_start3A_3843 = tpu.memref_slice %arg6[%add3A_3826, %dma_start3A_3842] : memref<262144x64xf32, #tpu.memory_space<hbm>> -> memref<256x64xf32, #tpu.memory_space<hbm>>
    %dma_start3A_3844 = arith.constant 256 : i32
    %dma_start3A_3845 = arith.constant 0 : i32
    %dma_start3A_3846 = tpu.memref_slice %arg9[%dma_start3A_3844, %dma_start3A_3845] : memref<512x64xf32, #tpu.memory_space<vmem>> -> memref<256x64xf32, #tpu.memory_space<vmem>>
    tpu.enqueue_dma source(%dma_start3A_3846 : memref<256x64xf32, #tpu.memory_space<vmem>>) target(%dma_start3A_3843 : memref<256x64xf32, #tpu.memory_space<hbm>>) target_semaphore(%arg12 : memref<!tpu.dma_semaphore, #tpu.memory_space<semaphore_mem>>)
    %dma_wait3A_3847 = arith.constant 0 : i32
    %dma_wait3A_3848 = arith.constant 0 : i32
    %dma_wait3A_3849 = tpu.memref_slice %arg8[%dma_wait3A_3847, %dma_wait3A_3848] : memref<512x64xf32, #tpu.memory_space<vmem>> -> memref<256x64xf32, #tpu.memory_space<vmem>>
    %dma_wait3A_3850 = arith.constant 0 : i32
    %dma_wait3A_3851 = tpu.memref_slice %arg5[%add3A_3452, %dma_wait3A_3850] : memref<262144x64xf32, #tpu.memory_space<hbm>> -> memref<256x64xf32, #tpu.memory_space<hbm>>
    %dma_wait3A_3852 = arith.constant 0 : i32
    %dma_wait3A_3853 = tpu.memref_slice %arg5[%add3A_3452, %dma_wait3A_3852] : memref<262144x64xf32, #tpu.memory_space<hbm>> -> memref<256x64xf32, #tpu.memory_space<hbm>>
    %dma_wait3A_3854 = arith.constant 0 : i32
    %dma_wait3A_3855 = arith.constant 0 : i32
    %dma_wait3A_3856 = tpu.memref_slice %arg8[%dma_wait3A_3854, %dma_wait3A_3855] : memref<512x64xf32, #tpu.memory_space<vmem>> -> memref<256x64xf32, #tpu.memory_space<vmem>>
    tpu.wait_dma2 semaphore(%arg11 : memref<!tpu.dma_semaphore, #tpu.memory_space<semaphore_mem>>) src(%dma_wait3A_3856 : memref<256x64xf32, #tpu.memory_space<vmem>>) dst(%dma_wait3A_3853 : memref<256x64xf32, #tpu.memory_space<hbm>>)
    %dma_wait3A_3857 = arith.constant 0 : i32
    %dma_wait3A_3858 = arith.constant 0 : i32
    %dma_wait3A_3859 = tpu.memref_slice %arg9[%dma_wait3A_3857, %dma_wait3A_3858] : memref<512x64xf32, #tpu.memory_space<vmem>> -> memref<256x64xf32, #tpu.memory_space<vmem>>
    %dma_wait3A_3860 = arith.constant 0 : i32
    %dma_wait3A_3861 = tpu.memref_slice %arg6[%add3A_3452, %dma_wait3A_3860] : memref<262144x64xf32, #tpu.memory_space<hbm>> -> memref<256x64xf32, #tpu.memory_space<hbm>>
    %dma_wait3A_3862 = arith.constant 0 : i32
    %dma_wait3A_3863 = tpu.memref_slice %arg6[%add3A_3452, %dma_wait3A_3862] : memref<262144x64xf32, #tpu.memory_space<hbm>> -> memref<256x64xf32, #tpu.memory_space<hbm>>
    %dma_wait3A_3864 = arith.constant 0 : i32
    %dma_wait3A_3865 = arith.constant 0 : i32
    %dma_wait3A_3866 = tpu.memref_slice %arg9[%dma_wait3A_3864, %dma_wait3A_3865] : memref<512x64xf32, #tpu.memory_space<vmem>> -> memref<256x64xf32, #tpu.memory_space<vmem>>
    tpu.wait_dma2 semaphore(%arg11 : memref<!tpu.dma_semaphore, #tpu.memory_space<semaphore_mem>>) src(%dma_wait3A_3866 : memref<256x64xf32, #tpu.memory_space<vmem>>) dst(%dma_wait3A_3863 : memref<256x64xf32, #tpu.memory_space<hbm>>)
    %dma_wait3A_3867 = arith.constant 0 : i32
    %dma_wait3A_3868 = arith.constant 0 : i32
    %dma_wait3A_3869 = tpu.memref_slice %arg8[%dma_wait3A_3867, %dma_wait3A_3868] : memref<512x64xf32, #tpu.memory_space<vmem>> -> memref<256x64xf32, #tpu.memory_space<vmem>>
    %dma_wait3A_3870 = arith.constant 0 : i32
    %dma_wait3A_3871 = tpu.memref_slice %arg5[%add3A_3482, %dma_wait3A_3870] : memref<262144x64xf32, #tpu.memory_space<hbm>> -> memref<256x64xf32, #tpu.memory_space<hbm>>
    %dma_wait3A_3872 = arith.constant 0 : i32
    %dma_wait3A_3873 = tpu.memref_slice %arg5[%add3A_3482, %dma_wait3A_3872] : memref<262144x64xf32, #tpu.memory_space<hbm>> -> memref<256x64xf32, #tpu.memory_space<hbm>>
    %dma_wait3A_3874 = arith.constant 0 : i32
    %dma_wait3A_3875 = arith.constant 0 : i32
    %dma_wait3A_3876 = tpu.memref_slice %arg8[%dma_wait3A_3874, %dma_wait3A_3875] : memref<512x64xf32, #tpu.memory_space<vmem>> -> memref<256x64xf32, #tpu.memory_space<vmem>>
    tpu.wait_dma2 semaphore(%arg11 : memref<!tpu.dma_semaphore, #tpu.memory_space<semaphore_mem>>) src(%dma_wait3A_3876 : memref<256x64xf32, #tpu.memory_space<vmem>>) dst(%dma_wait3A_3873 : memref<256x64xf32, #tpu.memory_space<hbm>>)
    %dma_wait3A_3877 = arith.constant 0 : i32
    %dma_wait3A_3878 = arith.constant 0 : i32
    %dma_wait3A_3879 = tpu.memref_slice %arg9[%dma_wait3A_3877, %dma_wait3A_3878] : memref<512x64xf32, #tpu.memory_space<vmem>> -> memref<256x64xf32, #tpu.memory_space<vmem>>
    %dma_wait3A_3880 = arith.constant 0 : i32
    %dma_wait3A_3881 = tpu.memref_slice %arg6[%add3A_3482, %dma_wait3A_3880] : memref<262144x64xf32, #tpu.memory_space<hbm>> -> memref<256x64xf32, #tpu.memory_space<hbm>>
    %dma_wait3A_3882 = arith.constant 0 : i32
    %dma_wait3A_3883 = tpu.memref_slice %arg6[%add3A_3482, %dma_wait3A_3882] : memref<262144x64xf32, #tpu.memory_space<hbm>> -> memref<256x64xf32, #tpu.memory_space<hbm>>
    %dma_wait3A_3884 = arith.constant 0 : i32
    %dma_wait3A_3885 = arith.constant 0 : i32
    %dma_wait3A_3886 = tpu.memref_slice %arg9[%dma_wait3A_3884, %dma_wait3A_3885] : memref<512x64xf32, #tpu.memory_space<vmem>> -> memref<256x64xf32, #tpu.memory_space<vmem>>
    tpu.wait_dma2 semaphore(%arg11 : memref<!tpu.dma_semaphore, #tpu.memory_space<semaphore_mem>>) src(%dma_wait3A_3886 : memref<256x64xf32, #tpu.memory_space<vmem>>) dst(%dma_wait3A_3883 : memref<256x64xf32, #tpu.memory_space<hbm>>)
    %dma_wait3A_3887 = arith.constant 0 : i32
    %dma_wait3A_3888 = arith.constant 0 : i32
    %dma_wait3A_3889 = tpu.memref_slice %arg8[%dma_wait3A_3887, %dma_wait3A_3888] : memref<512x64xf32, #tpu.memory_space<vmem>> -> memref<256x64xf32, #tpu.memory_space<vmem>>
    %dma_wait3A_3890 = arith.constant 0 : i32
    %dma_wait3A_3891 = tpu.memref_slice %arg5[%add3A_3512, %dma_wait3A_3890] : memref<262144x64xf32, #tpu.memory_space<hbm>> -> memref<256x64xf32, #tpu.memory_space<hbm>>
    %dma_wait3A_3892 = arith.constant 0 : i32
    %dma_wait3A_3893 = tpu.memref_slice %arg5[%add3A_3512, %dma_wait3A_3892] : memref<262144x64xf32, #tpu.memory_space<hbm>> -> memref<256x64xf32, #tpu.memory_space<hbm>>
    %dma_wait3A_3894 = arith.constant 0 : i32
    %dma_wait3A_3895 = arith.constant 0 : i32
    %dma_wait3A_3896 = tpu.memref_slice %arg8[%dma_wait3A_3894, %dma_wait3A_3895] : memref<512x64xf32, #tpu.memory_space<vmem>> -> memref<256x64xf32, #tpu.memory_space<vmem>>
    tpu.wait_dma2 semaphore(%arg11 : memref<!tpu.dma_semaphore, #tpu.memory_space<semaphore_mem>>) src(%dma_wait3A_3896 : memref<256x64xf32, #tpu.memory_space<vmem>>) dst(%dma_wait3A_3893 : memref<256x64xf32, #tpu.memory_space<hbm>>)
    %dma_wait3A_3897 = arith.constant 0 : i32
    %dma_wait3A_3898 = arith.constant 0 : i32
    %dma_wait3A_3899 = tpu.memref_slice %arg9[%dma_wait3A_3897, %dma_wait3A_3898] : memref<512x64xf32, #tpu.memory_space<vmem>> -> memref<256x64xf32, #tpu.memory_space<vmem>>
    %dma_wait3A_3900 = arith.constant 0 : i32
    %dma_wait3A_3901 = tpu.memref_slice %arg6[%add3A_3512, %dma_wait3A_3900] : memref<262144x64xf32, #tpu.memory_space<hbm>> -> memref<256x64xf32, #tpu.memory_space<hbm>>
    %dma_wait3A_3902 = arith.constant 0 : i32
    %dma_wait3A_3903 = tpu.memref_slice %arg6[%add3A_3512, %dma_wait3A_3902] : memref<262144x64xf32, #tpu.memory_space<hbm>> -> memref<256x64xf32, #tpu.memory_space<hbm>>
    %dma_wait3A_3904 = arith.constant 0 : i32
    %dma_wait3A_3905 = arith.constant 0 : i32
    %dma_wait3A_3906 = tpu.memref_slice %arg9[%dma_wait3A_3904, %dma_wait3A_3905] : memref<512x64xf32, #tpu.memory_space<vmem>> -> memref<256x64xf32, #tpu.memory_space<vmem>>
    tpu.wait_dma2 semaphore(%arg11 : memref<!tpu.dma_semaphore, #tpu.memory_space<semaphore_mem>>) src(%dma_wait3A_3906 : memref<256x64xf32, #tpu.memory_space<vmem>>) dst(%dma_wait3A_3903 : memref<256x64xf32, #tpu.memory_space<hbm>>)
    %dma_wait3A_3907 = arith.constant 0 : i32
    %dma_wait3A_3908 = arith.constant 0 : i32
    %dma_wait3A_3909 = tpu.memref_slice %arg8[%dma_wait3A_3907, %dma_wait3A_3908] : memref<512x64xf32, #tpu.memory_space<vmem>> -> memref<256x64xf32, #tpu.memory_space<vmem>>
    %dma_wait3A_3910 = arith.constant 0 : i32
    %dma_wait3A_3911 = tpu.memref_slice %arg5[%add3A_3542, %dma_wait3A_3910] : memref<262144x64xf32, #tpu.memory_space<hbm>> -> memref<256x64xf32, #tpu.memory_space<hbm>>
    %dma_wait3A_3912 = arith.constant 0 : i32
    %dma_wait3A_3913 = tpu.memref_slice %arg5[%add3A_3542, %dma_wait3A_3912] : memref<262144x64xf32, #tpu.memory_space<hbm>> -> memref<256x64xf32, #tpu.memory_space<hbm>>
    %dma_wait3A_3914 = arith.constant 0 : i32
    %dma_wait3A_3915 = arith.constant 0 : i32
    %dma_wait3A_3916 = tpu.memref_slice %arg8[%dma_wait3A_3914, %dma_wait3A_3915] : memref<512x64xf32, #tpu.memory_space<vmem>> -> memref<256x64xf32, #tpu.memory_space<vmem>>
    tpu.wait_dma2 semaphore(%arg11 : memref<!tpu.dma_semaphore, #tpu.memory_space<semaphore_mem>>) src(%dma_wait3A_3916 : memref<256x64xf32, #tpu.memory_space<vmem>>) dst(%dma_wait3A_3913 : memref<256x64xf32, #tpu.memory_space<hbm>>)
    %dma_wait3A_3917 = arith.constant 0 : i32
    %dma_wait3A_3918 = arith.constant 0 : i32
    %dma_wait3A_3919 = tpu.memref_slice %arg9[%dma_wait3A_3917, %dma_wait3A_3918] : memref<512x64xf32, #tpu.memory_space<vmem>> -> memref<256x64xf32, #tpu.memory_space<vmem>>
    %dma_wait3A_3920 = arith.constant 0 : i32
    %dma_wait3A_3921 = tpu.memref_slice %arg6[%add3A_3542, %dma_wait3A_3920] : memref<262144x64xf32, #tpu.memory_space<hbm>> -> memref<256x64xf32, #tpu.memory_space<hbm>>
    %dma_wait3A_3922 = arith.constant 0 : i32
    %dma_wait3A_3923 = tpu.memref_slice %arg6[%add3A_3542, %dma_wait3A_3922] : memref<262144x64xf32, #tpu.memory_space<hbm>> -> memref<256x64xf32, #tpu.memory_space<hbm>>
    %dma_wait3A_3924 = arith.constant 0 : i32
    %dma_wait3A_3925 = arith.constant 0 : i32
    %dma_wait3A_3926 = tpu.memref_slice %arg9[%dma_wait3A_3924, %dma_wait3A_3925] : memref<512x64xf32, #tpu.memory_space<vmem>> -> memref<256x64xf32, #tpu.memory_space<vmem>>
    tpu.wait_dma2 semaphore(%arg11 : memref<!tpu.dma_semaphore, #tpu.memory_space<semaphore_mem>>) src(%dma_wait3A_3926 : memref<256x64xf32, #tpu.memory_space<vmem>>) dst(%dma_wait3A_3923 : memref<256x64xf32, #tpu.memory_space<hbm>>)
    %dma_wait3A_3927 = arith.constant 256 : i32
    %dma_wait3A_3928 = arith.constant 0 : i32
    %dma_wait3A_3929 = tpu.memref_slice %arg8[%dma_wait3A_3927, %dma_wait3A_3928] : memref<512x64xf32, #tpu.memory_space<vmem>> -> memref<256x64xf32, #tpu.memory_space<vmem>>
    %dma_wait3A_3930 = arith.constant 0 : i32
    %dma_wait3A_3931 = tpu.memref_slice %arg5[%add3A_3736, %dma_wait3A_3930] : memref<262144x64xf32, #tpu.memory_space<hbm>> -> memref<256x64xf32, #tpu.memory_space<hbm>>
    %dma_wait3A_3932 = arith.constant 0 : i32
    %dma_wait3A_3933 = tpu.memref_slice %arg5[%add3A_3736, %dma_wait3A_3932] : memref<262144x64xf32, #tpu.memory_space<hbm>> -> memref<256x64xf32, #tpu.memory_space<hbm>>
    %dma_wait3A_3934 = arith.constant 256 : i32
    %dma_wait3A_3935 = arith.constant 0 : i32
    %dma_wait3A_3936 = tpu.memref_slice %arg8[%dma_wait3A_3934, %dma_wait3A_3935] : memref<512x64xf32, #tpu.memory_space<vmem>> -> memref<256x64xf32, #tpu.memory_space<vmem>>
    tpu.wait_dma2 semaphore(%arg12 : memref<!tpu.dma_semaphore, #tpu.memory_space<semaphore_mem>>) src(%dma_wait3A_3936 : memref<256x64xf32, #tpu.memory_space<vmem>>) dst(%dma_wait3A_3933 : memref<256x64xf32, #tpu.memory_space<hbm>>)
    %dma_wait3A_3937 = arith.constant 256 : i32
    %dma_wait3A_3938 = arith.constant 0 : i32
    %dma_wait3A_3939 = tpu.memref_slice %arg9[%dma_wait3A_3937, %dma_wait3A_3938] : memref<512x64xf32, #tpu.memory_space<vmem>> -> memref<256x64xf32, #tpu.memory_space<vmem>>
    %dma_wait3A_3940 = arith.constant 0 : i32
    %dma_wait3A_3941 = tpu.memref_slice %arg6[%add3A_3736, %dma_wait3A_3940] : memref<262144x64xf32, #tpu.memory_space<hbm>> -> memref<256x64xf32, #tpu.memory_space<hbm>>
    %dma_wait3A_3942 = arith.constant 0 : i32
    %dma_wait3A_3943 = tpu.memref_slice %arg6[%add3A_3736, %dma_wait3A_3942] : memref<262144x64xf32, #tpu.memory_space<hbm>> -> memref<256x64xf32, #tpu.memory_space<hbm>>
    %dma_wait3A_3944 = arith.constant 256 : i32
    %dma_wait3A_3945 = arith.constant 0 : i32
    %dma_wait3A_3946 = tpu.memref_slice %arg9[%dma_wait3A_3944, %dma_wait3A_3945] : memref<512x64xf32, #tpu.memory_space<vmem>> -> memref<256x64xf32, #tpu.memory_space<vmem>>
    tpu.wait_dma2 semaphore(%arg12 : memref<!tpu.dma_semaphore, #tpu.memory_space<semaphore_mem>>) src(%dma_wait3A_3946 : memref<256x64xf32, #tpu.memory_space<vmem>>) dst(%dma_wait3A_3943 : memref<256x64xf32, #tpu.memory_space<hbm>>)
    %dma_wait3A_3947 = arith.constant 256 : i32
    %dma_wait3A_3948 = arith.constant 0 : i32
    %dma_wait3A_3949 = tpu.memref_slice %arg8[%dma_wait3A_3947, %dma_wait3A_3948] : memref<512x64xf32, #tpu.memory_space<vmem>> -> memref<256x64xf32, #tpu.memory_space<vmem>>
    %dma_wait3A_3950 = arith.constant 0 : i32
    %dma_wait3A_3951 = tpu.memref_slice %arg5[%add3A_3766, %dma_wait3A_3950] : memref<262144x64xf32, #tpu.memory_space<hbm>> -> memref<256x64xf32, #tpu.memory_space<hbm>>
    %dma_wait3A_3952 = arith.constant 0 : i32
    %dma_wait3A_3953 = tpu.memref_slice %arg5[%add3A_3766, %dma_wait3A_3952] : memref<262144x64xf32, #tpu.memory_space<hbm>> -> memref<256x64xf32, #tpu.memory_space<hbm>>
    %dma_wait3A_3954 = arith.constant 256 : i32
    %dma_wait3A_3955 = arith.constant 0 : i32
    %dma_wait3A_3956 = tpu.memref_slice %arg8[%dma_wait3A_3954, %dma_wait3A_3955] : memref<512x64xf32, #tpu.memory_space<vmem>> -> memref<256x64xf32, #tpu.memory_space<vmem>>
    tpu.wait_dma2 semaphore(%arg12 : memref<!tpu.dma_semaphore, #tpu.memory_space<semaphore_mem>>) src(%dma_wait3A_3956 : memref<256x64xf32, #tpu.memory_space<vmem>>) dst(%dma_wait3A_3953 : memref<256x64xf32, #tpu.memory_space<hbm>>)
    %dma_wait3A_3957 = arith.constant 256 : i32
    %dma_wait3A_3958 = arith.constant 0 : i32
    %dma_wait3A_3959 = tpu.memref_slice %arg9[%dma_wait3A_3957, %dma_wait3A_3958] : memref<512x64xf32, #tpu.memory_space<vmem>> -> memref<256x64xf32, #tpu.memory_space<vmem>>
    %dma_wait3A_3960 = arith.constant 0 : i32
    %dma_wait3A_3961 = tpu.memref_slice %arg6[%add3A_3766, %dma_wait3A_3960] : memref<262144x64xf32, #tpu.memory_space<hbm>> -> memref<256x64xf32, #tpu.memory_space<hbm>>
    %dma_wait3A_3962 = arith.constant 0 : i32
    %dma_wait3A_3963 = tpu.memref_slice %arg6[%add3A_3766, %dma_wait3A_3962] : memref<262144x64xf32, #tpu.memory_space<hbm>> -> memref<256x64xf32, #tpu.memory_space<hbm>>
    %dma_wait3A_3964 = arith.constant 256 : i32
    %dma_wait3A_3965 = arith.constant 0 : i32
    %dma_wait3A_3966 = tpu.memref_slice %arg9[%dma_wait3A_3964, %dma_wait3A_3965] : memref<512x64xf32, #tpu.memory_space<vmem>> -> memref<256x64xf32, #tpu.memory_space<vmem>>
    tpu.wait_dma2 semaphore(%arg12 : memref<!tpu.dma_semaphore, #tpu.memory_space<semaphore_mem>>) src(%dma_wait3A_3966 : memref<256x64xf32, #tpu.memory_space<vmem>>) dst(%dma_wait3A_3963 : memref<256x64xf32, #tpu.memory_space<hbm>>)
    %dma_wait3A_3967 = arith.constant 256 : i32
    %dma_wait3A_3968 = arith.constant 0 : i32
    %dma_wait3A_3969 = tpu.memref_slice %arg8[%dma_wait3A_3967, %dma_wait3A_3968] : memref<512x64xf32, #tpu.memory_space<vmem>> -> memref<256x64xf32, #tpu.memory_space<vmem>>
    %dma_wait3A_3970 = arith.constant 0 : i32
    %dma_wait3A_3971 = tpu.memref_slice %arg5[%add3A_3796, %dma_wait3A_3970] : memref<262144x64xf32, #tpu.memory_space<hbm>> -> memref<256x64xf32, #tpu.memory_space<hbm>>
    %dma_wait3A_3972 = arith.constant 0 : i32
    %dma_wait3A_3973 = tpu.memref_slice %arg5[%add3A_3796, %dma_wait3A_3972] : memref<262144x64xf32, #tpu.memory_space<hbm>> -> memref<256x64xf32, #tpu.memory_space<hbm>>
    %dma_wait3A_3974 = arith.constant 256 : i32
    %dma_wait3A_3975 = arith.constant 0 : i32
    %dma_wait3A_3976 = tpu.memref_slice %arg8[%dma_wait3A_3974, %dma_wait3A_3975] : memref<512x64xf32, #tpu.memory_space<vmem>> -> memref<256x64xf32, #tpu.memory_space<vmem>>
    tpu.wait_dma2 semaphore(%arg12 : memref<!tpu.dma_semaphore, #tpu.memory_space<semaphore_mem>>) src(%dma_wait3A_3976 : memref<256x64xf32, #tpu.memory_space<vmem>>) dst(%dma_wait3A_3973 : memref<256x64xf32, #tpu.memory_space<hbm>>)
    %dma_wait3A_3977 = arith.constant 256 : i32
    %dma_wait3A_3978 = arith.constant 0 : i32
    %dma_wait3A_3979 = tpu.memref_slice %arg9[%dma_wait3A_3977, %dma_wait3A_3978] : memref<512x64xf32, #tpu.memory_space<vmem>> -> memref<256x64xf32, #tpu.memory_space<vmem>>
    %dma_wait3A_3980 = arith.constant 0 : i32
    %dma_wait3A_3981 = tpu.memref_slice %arg6[%add3A_3796, %dma_wait3A_3980] : memref<262144x64xf32, #tpu.memory_space<hbm>> -> memref<256x64xf32, #tpu.memory_space<hbm>>
    %dma_wait3A_3982 = arith.constant 0 : i32
    %dma_wait3A_3983 = tpu.memref_slice %arg6[%add3A_3796, %dma_wait3A_3982] : memref<262144x64xf32, #tpu.memory_space<hbm>> -> memref<256x64xf32, #tpu.memory_space<hbm>>
    %dma_wait3A_3984 = arith.constant 256 : i32
    %dma_wait3A_3985 = arith.constant 0 : i32
    %dma_wait3A_3986 = tpu.memref_slice %arg9[%dma_wait3A_3984, %dma_wait3A_3985] : memref<512x64xf32, #tpu.memory_space<vmem>> -> memref<256x64xf32, #tpu.memory_space<vmem>>
    tpu.wait_dma2 semaphore(%arg12 : memref<!tpu.dma_semaphore, #tpu.memory_space<semaphore_mem>>) src(%dma_wait3A_3986 : memref<256x64xf32, #tpu.memory_space<vmem>>) dst(%dma_wait3A_3983 : memref<256x64xf32, #tpu.memory_space<hbm>>)
    %dma_wait3A_3987 = arith.constant 256 : i32
    %dma_wait3A_3988 = arith.constant 0 : i32
    %dma_wait3A_3989 = tpu.memref_slice %arg8[%dma_wait3A_3987, %dma_wait3A_3988] : memref<512x64xf32, #tpu.memory_space<vmem>> -> memref<256x64xf32, #tpu.memory_space<vmem>>
    %dma_wait3A_3990 = arith.constant 0 : i32
    %dma_wait3A_3991 = tpu.memref_slice %arg5[%add3A_3826, %dma_wait3A_3990] : memref<262144x64xf32, #tpu.memory_space<hbm>> -> memref<256x64xf32, #tpu.memory_space<hbm>>
    %dma_wait3A_3992 = arith.constant 0 : i32
    %dma_wait3A_3993 = tpu.memref_slice %arg5[%add3A_3826, %dma_wait3A_3992] : memref<262144x64xf32, #tpu.memory_space<hbm>> -> memref<256x64xf32, #tpu.memory_space<hbm>>
    %dma_wait3A_3994 = arith.constant 256 : i32
    %dma_wait3A_3995 = arith.constant 0 : i32
    %dma_wait3A_3996 = tpu.memref_slice %arg8[%dma_wait3A_3994, %dma_wait3A_3995] : memref<512x64xf32, #tpu.memory_space<vmem>> -> memref<256x64xf32, #tpu.memory_space<vmem>>
    tpu.wait_dma2 semaphore(%arg12 : memref<!tpu.dma_semaphore, #tpu.memory_space<semaphore_mem>>) src(%dma_wait3A_3996 : memref<256x64xf32, #tpu.memory_space<vmem>>) dst(%dma_wait3A_3993 : memref<256x64xf32, #tpu.memory_space<hbm>>)
    %dma_wait3A_3997 = arith.constant 256 : i32
    %dma_wait3A_3998 = arith.constant 0 : i32
    %dma_wait3A_3999 = tpu.memref_slice %arg9[%dma_wait3A_3997, %dma_wait3A_3998] : memref<512x64xf32, #tpu.memory_space<vmem>> -> memref<256x64xf32, #tpu.memory_space<vmem>>
    %dma_wait3A_4000 = arith.constant 0 : i32
    %dma_wait3A_4001 = tpu.memref_slice %arg6[%add3A_3826, %dma_wait3A_4000] : memref<262144x64xf32, #tpu.memory_space<hbm>> -> memref<256x64xf32, #tpu.memory_space<hbm>>
    %dma_wait3A_4002 = arith.constant 0 : i32
    %dma_wait3A_4003 = tpu.memref_slice %arg6[%add3A_3826, %dma_wait3A_4002] : memref<262144x64xf32, #tpu.memory_space<hbm>> -> memref<256x64xf32, #tpu.memory_space<hbm>>
    %dma_wait3A_4004 = arith.constant 256 : i32
    %dma_wait3A_4005 = arith.constant 0 : i32
    %dma_wait3A_4006 = tpu.memref_slice %arg9[%dma_wait3A_4004, %dma_wait3A_4005] : memref<512x64xf32, #tpu.memory_space<vmem>> -> memref<256x64xf32, #tpu.memory_space<vmem>>
    tpu.wait_dma2 semaphore(%arg12 : memref<!tpu.dma_semaphore, #tpu.memory_space<semaphore_mem>>) src(%dma_wait3A_4006 : memref<256x64xf32, #tpu.memory_space<vmem>>) dst(%dma_wait3A_4003 : memref<256x64xf32, #tpu.memory_space<hbm>>)
    return
  }
}

</mosaic_0001>

<sc_bundles>
// kernel: _sc_lookup.3.cloned.1.call-start
scs
__scs_entry_jumppad:
0x0: {  	(pc) =	sbr.rel $0x88, $3  }
0x1: {  	(tag) =	ssettag $0x0;
	lr =	simm.s32 $0x1  }
0x2: {  	[smem:$0x3F9E] =	sst lr;
	_ =	strace $0xD0000000  }
0x3: {  	_ = 	snop  }
0x4: {  	_ = 	snop  }
0x5: {  	_ = 	snop  }
0x6: {  	_ = 	snop  }
0x7: {  	_ = 	snop  }
__scs_overlays_trampoline_lowered:
0x8: {  	[smem:$0x3FAD] =	sst s0  }
0x9: {  	[smem:$0x3FAE] =	sst s1  }
0xa: {  	[smem:$0x3FAF] =	sst s2  }
0xb: {  	[smem:$0x3FB0] =	sst s3  }
0xc: {  	[smem:$0x3FB1] =	sst s4  }
0xd: {  	[smem:$0x3FB2] =	sst s5  }
0xe: {  	[smem:$0x3FB3] =	sst s6  }
0xf: {  	[smem:$0x3FB4] =	sst s7  }
0x10: {  	[smem:$0x3FB5] =	sst s8  }
0x11: {  	[smem:$0x3FB6] =	sst s9;
	s0 =	simm.s32 @!p0 $0x0  }
0x12: {  	s1 =	sld [smem:$0x3F9C];
	s0 =	simm.s32 @p0 $0x1  }
0x13: {  	[smem:$0x3FB7] =	sst s0;
	s0 =	simm.s32 @!p1 $0x0  }
0x14: {  	s2 =	sld [smem:$0x3F9B];
	s0 =	simm.s32 @p1 $0x1  }
0x15: {  	[smem:$0x3FB8] =	sst s0;
	s0 =	simm.s32 @!p2 $0x0  }
0x16: {  	s3 =	sld [smem:$0x3FDB];
	s0 =	simm.s32 @p2 $0x1  }
0x17: {  	s4 =	simm.s32 $0x1BF5;
	[smem:$0x3FBA] =	sst s0  }
0x18: {  	s0 =	sld [smem:$0x3F9D];
	_ =	swait.ge [sflag:s4], $0x0  }
0x19: {  	s7 =	sld [smem:$0x3F9E]  }
0x1a: {  	s8 =	sadd.s32 $0xFFFFE003, lr  }
0x1b: {  	s9 =	sadd.s32 $0xFFFFFEF7, lr;
	s5 =	simm.s32 $0xFFFFFFFF;
	p2 =	slt.u32 s8, $0xFFFFF086  }
0x1c: {  	p1 =	slt.u32 s9, $0xF7A;
	s5 =	simm.s32 @!p2 $0x0  }
0x1d: {  	s5 =	simm.s32 @p1 $0x1;
	p0 =	seq.s32 s7, s2  }
0x1e: {  	s7 =	smul.u32 @!p0 $0xF7A, s2;
	p2 =	seq.s32 @!p0 s5, $0x0  }
0x1f: {  	s9 =	smul.u32 $0xF7A, s1;
	s8 =	simm.s32 @!p0 $0x1BF5;
	p2 =	por !p2, p0  }
0x20: {  	[sflag:s8] =	ssyncset.s32 @!p0 $0xFFFFF086;
	s6 =	sadd.s32 @!p0 s3, s7;
	s7 =	simm.s32 @!p0 $0x108  }
0x21: {  	s3 =	sadd.s32 s3, s9;
	s6 =	sadd.s32 @!p0 $0x88, s6;
	s7 =	simm.s32 @p2 $0x1082  }
0x22: {  	[simem:s7], [sflag:s8] =	dma.local @!p0 [hbm:s6], $0xF7A  }
0x23: {  	s9 =	sor.u32 $0xD0000000, s2;
	s6 =	simm.s32 $0x108;
	_ =	swait.ge @!p0 [sflag:s8], $0x0  }
0x24: {  	s3 =	sadd.s32 $0x88, s3;
	s6 =	simm.s32 @!p1 $0x1082;
	[sflag:s4] =	ssyncset.s32 $0xFFFFF086  }
0x25: {  	[simem:s6], [sflag:s4] =	dma.local [hbm:s3], $0xF7A  }
0x26: {  	[smem:$0x3F9E] =	sst s1;
	(tag) =	ssettag s2;
	_ =	strace s9  }
0x27: {  	s1 =	sld [smem:$0x3FAE]  }
0x28: {  	s2 =	sld [smem:$0x3FAF]  }
0x29: {  	s4 =	sld [smem:$0x3FB1]  }
0x2a: {  	p0 =	seq.s32 s5, $0x0;
	s5 =	sld [smem:$0x3FB2]  }
0x2b: {  	s6 =	sld [smem:$0x3FB3]  }
0x2c: {  	s7 =	sld [smem:$0x3FB4]  }
0x2d: {  	s3 =	simm.s32 $0x108;
	s8 =	sld [smem:$0x3FB5]  }
0x2e: {  	s3 =	simm.s32 @!p0 $0x1082;
	s9 =	sld [smem:$0x3FB6]  }
0x2f: {  	lr =	sadd.s32 s0, s3;
	s0 =	sld [smem:$0x3FAD]  }
0x30: {  	s3 =	sld [smem:$0x3FB0]  }
0x31: {  	[smem:$0x3FB9] =	sst s10  }
0x32: {  	s10 =	sld [smem:$0x3FB7];
	_ =	sdelay $0x3  }
0x33: {  	p0 =	seq.s32 s10, $0x1;
	s10 =	sld [smem:$0x3FB9];
	_ =	sdelay $0x3  }
0x34: {  	[smem:$0x3FB9] =	sst s10  }
0x35: {  	s10 =	sld [smem:$0x3FB8];
	_ =	sdelay $0x3  }
0x36: {  	p1 =	seq.s32 s10, $0x1;
	s10 =	sld [smem:$0x3FB9];
	_ =	sdelay $0x3  }
0x37: {  	[smem:$0x3FB9] =	sst s10  }
0x38: {  	s10 =	sld [smem:$0x3FBA]  }
0x39: {  	_ = 	snop;
	(pc) =	sbr.ind lr, $3  }
0x3a: {  	_ = 	snop  }
0x3b: {  	_ = 	snop  }
0x3c: {  	p2 =	seq.s32 s10, $0x1;
	s10 =	sld [smem:$0x3FB9]  }
0x3d: {  	_ =	shalt  }
0x3e: {  	_ =	shalt  }
0x3f: {  	_ =	shalt  }
0x40: {  	_ =	shalt  }
0x41: {  	_ =	shalt  }
0x42: {  	_ =	shalt  }
0x43: {  	_ =	shalt  }
0x44: {  	_ =	shalt  }
0x45: {  	_ =	shalt  }
0x46: {  	_ =	shalt  }
0x47: {  	_ =	shalt  }
0x48: {  	_ =	shalt  }
0x49: {  	_ =	shalt  }
0x4a: {  	_ =	shalt  }
0x4b: {  	_ =	shalt  }
0x4c: {  	_ =	shalt  }
0x4d: {  	_ =	shalt  }
0x4e: {  	_ =	shalt  }
0x4f: {  	_ =	shalt  }
0x50: {  	_ =	shalt  }
0x51: {  	_ =	shalt  }
0x52: {  	_ =	shalt  }
0x53: {  	_ =	shalt  }
0x54: {  	_ =	shalt  }
0x55: {  	_ =	shalt  }
0x56: {  	_ =	shalt  }
0x57: {  	_ =	shalt  }
0x58: {  	_ =	shalt  }
0x59: {  	_ =	shalt  }
0x5a: {  	_ =	shalt  }
0x5b: {  	_ =	shalt  }
0x5c: {  	_ =	shalt  }
0x5d: {  	_ =	shalt  }
0x5e: {  	_ =	shalt  }
0x5f: {  	_ =	shalt  }
0x60: {  	_ =	shalt  }
0x61: {  	_ =	shalt  }
0x62: {  	_ =	shalt  }
0x63: {  	_ =	shalt  }
0x64: {  	_ =	shalt  }
0x65: {  	_ =	shalt  }
0x66: {  	_ =	shalt  }
0x67: {  	_ =	shalt  }
0x68: {  	_ =	shalt  }
0x69: {  	_ =	shalt  }
0x6a: {  	_ =	shalt  }
0x6b: {  	_ =	shalt  }
0x6c: {  	_ =	shalt  }
0x6d: {  	_ =	shalt  }
0x6e: {  	_ =	shalt  }
0x6f: {  	_ =	shalt  }
0x70: {  	_ =	shalt  }
0x71: {  	_ =	shalt  }
0x72: {  	_ =	shalt  }
0x73: {  	_ =	shalt  }
0x74: {  	_ =	shalt  }
0x75: {  	_ =	shalt  }
0x76: {  	_ =	shalt  }
0x77: {  	_ =	shalt  }
0x78: {  	_ =	shalt  }
0x79: {  	_ =	shalt  }
0x7a: {  	_ =	shalt  }
0x7b: {  	_ =	shalt  }
0x7c: {  	_ =	shalt  }
0x7d: {  	_ =	shalt  }
0x7e: {  	_ =	shalt  }
0x7f: {  	_ =	shalt  }
0x80: {  	_ =	shalt  }
0x81: {  	_ =	shalt  }
0x82: {  	_ =	shalt  }
0x83: {  	_ =	shalt  }
0x84: {  	_ =	shalt  }
0x85: {  	_ =	shalt  }
0x86: {  	_ =	shalt  }
0x87: {  	_ =	shalt  }
.Lfunc_end0:
.L_simem_size_0:
called_computation.2_lowered:
.L_overlay_start_0:
0x88: {  	s2 =	sld [smem:$0x3FD9]  }
0x89: {  	s3 =	sld [smem:$0x3FFE];
	_ =	sdelay $0x1  }
0x8a: {  	s1 =	srdreg.scid  }
0x8b: {  	s0 =	sand.u32 $0x1, s1  }
0x8c: {  	s14 =	sshll.u32 s0, $0xA;
	s2 =	sadd.s32 s3, s2  }
0x8d: {  	s2 =	sadd.s32 s2, s14  }
0x8e: {  	[smem:$0x3FC5] =	sst s2  }
0x8f: {  	_ = 	snop  }
0x90: {  	s2 =	sld [smem:$0x3FD0];
	_ =	sdelay $0x2  }
0x91: {  	s4 =	simm.s32 $0xB;
	s5 =	simm.s32 $0x10;
	s15 =	sld [smem:$0x3FC9]  }
0x92: {  	[smem:s5], [sflag:s4] =	dma.local [hbm:s2], $0x1  }
0x93: {  	_ =	swait.eq [sflag:s4], $0x1  }
0x94: {  	[sflag:s4] =	ssyncset.done $0x0  }
0x95: {  	s16 =	sld [smem:$0x10];
	[sflag:s4] =	ssyncadd.s32 $0xFFFFFFFF  }
0x96: {  	s17 =	sld [smem:$0x11];
	(tm) =	ssettm $0x1  }
0x97: {  	s18 =	sld [smem:$0x3FFB];
	_ =	sdelay $0x3  }
0x98: {  	_ =	strace s18  }
0x99: {  	s5 =	sld [smem:$0x3FFC];
	_ =	sdelay $0x3  }
0x9a: {  	_ =	strace s5  }
0x9b: {  	s5 =	sld [smem:$0x3FFD];
	_ =	sdelay $0x3  }
0x9c: {  	_ =	strace s5  }
0x9d: {  	_ =	strace $0x8FFFFFFF  }
0x9e: {  	s19 =	sld [smem:$0x3FDB];
	_ =	sdelay $0x1  }
0x9f: {  	s6 =	simm.s32 $_scs_section_size  }
0xa0: {  	s7 =	simm.s32 $_size__tile_overlayer_lowered;
	s8 =	simm.s32 $_tile_overlayer_lowered  }
0xa1: {  	s22 =	simm.s32 $0x1BFF;
	s21 =	sshll.u32 s8, $0x1;
	s5 =	sadd.s32 s6, s19  }
0xa2: {  	s9 =	simm.s32 $0x0;
	s20 =	sshll.u32 s7, $0x1;
	s7 =	sadd.s32 s21, s5  }
0xa3: {  	[timem:s9], [sflag:s22] =	dma.local [hbm:s7], s20  }
0xa4: {  	_ =	swait.ge [sflag:s22], s20  }
0xa5: {  	s6 =	ssub.s32 $0x0, s20;
	[sflag:s22] =	ssyncset.done $0x0  }
0xa6: {  	[sflag:s22] =	ssyncadd.s32 s6;
	_ =	sdelay $0x1  }
0xa7: {  	s23 =	simm.s32 $0x1B8B  }
0xa8: {  	_ =	swait.ge [sflag:s23], $0x1  }
0xa9: {  	[sflag:s23] =	ssyncset.done $0x0  }
0xaa: {  	s25 =	simm.s32 $0x1B8E;
	s24 =	sld [smem:$0x3FFE];
	[sflag:s23] =	ssyncadd.s32 $0xFFFFFFFF  }
0xab: {  	s26 =	simm.s32 $execute0_lowered;
	[smem:$0x3FD2] =	sst s25  }
0xac: {  	s7 =	sshll.u32 s26, $0x1;
	_ =	strace $0x80000046;
	[dreg:$0x1] =	wrdreg $0xFFFFFFFF  }
0xad: {  	s28 =	simm.s32 $_size_execute0_lowered;
	s5 =	sadd.s32 s5, s7;
	[dreg:$0x0] =	wrdreg $0x0  }
0xae: {  	s7 =	sshll.u32 s28, $0x1;
	[dreg:$0x2] =	wrdreg s5  }
0xaf: {  	[dreg:$0x3] =	wrdreg s7  }
0xb0: {  	[dreg:$0x4] =	wrdreg $0xC0  }
0xb1: {  	_ =	task [dreg:s9], $0x5FFFF  }
0xb2: {  	[dreg:$0x1] =	wrdreg $0xFFFFFFFF  }
0xb3: {  	[dreg:$0x0] =	wrdreg $0x60  }
0xb4: {  	[dreg:$0x2] =	wrdreg s15  }
0xb5: {  	[dreg:$0x3] =	wrdreg s24  }
0xb6: {  	[dreg:$0x4] =	wrdreg s16  }
0xb7: {  	[dreg:$0x5] =	wrdreg s17  }
0xb8: {  	[dreg:$0x6] =	wrdreg $0x9  }
0xb9: {  	_ =	task.clear_ibuf [dreg:s9], $0x7FFFF;
	_ =	strace $0x90000046  }
0xba: {  	s29 =	simm.s32 $0x9;
	_ =	strace $0x80000048  }
0xbb: {  	_ =	swait.ge [sflag:s29], $0x1  }
0xbc: {  	[sflag:s29] =	ssyncadd.s32 $0xFFFFFFFF  }
0xbd: {  	_ =	strace $0x90000048  }
0xbe: {  	_ =	sfence  }
0xbf: {  	s30 =	sld [smem:$0x0];
	_ =	sdelay $0x2  }
0xc0: {  	s31 =	sshll.u32 s1, $0xD;
	s1 =	sshrl.u32 s1, $0x2  }
0xc1: {  	s3 =	sand.u32 $0x4000, s31;
	s1 =	sadd.s32 s1, s30  }
0xc2: {  	s0 =	sor.u32 s3, s0;
	s1 =	sshll.u32 s1, $0x11  }
0xc3: {  	s0 =	sor.u32 s1, s0  }
0xc4: {  	s0 =	sadd.s32 $0x8F2B, s0  }
0xc5: {  	[sflag:s0] =	ssyncadd.remote.s32 $0x1  }
0xc6: {  	_ =	sfence.sel $0xFFFF  }
0xc7: {  	[dreg:$0x0] =	wrdreg $0xFFFFFFFF;
	(pc) =	sbr.abs _section_cstart, $3  }
0xc8: {  	[dreg:$0x1] =	wrdreg $0xFFFFFFFF  }
0xc9: {  	_ =	task.clear_ibuf [dreg:s9], $0x2FFFF;
	_ =	strace $0x9FFFFFFF  }
0xca: {  	(tm) =	ssettm $0x7FFFFFFF  }
0xcb: {  	_ =	shalt  }
tec
execute0_lowered:
.L_overlay_start_1:
0x0: {  	(tag) =	ssettag $0x1  }
0x1: {  	s3 =	rddreg [dreg:$0x0]  }
0x2: {  	s4 =	rddreg [dreg:$0x1]  }
0x3: {  	s1 =	rddreg [dreg:$0x2]  }
0x4: {  	s0 =	rddreg [dreg:$0x3]  }
0x5: {  	s5 =	srdreg.scid;
	s7 =	stileid.u32;
	s2 =	simm.s32 $0x0  }
0x6: {  	s28 =	simm.s32 $0x500;
	s29 =	simm.s32 $0x580;
	s30 =	simm.s32 $0x600  }
0x7: {  	s31 =	simm.s32 $0x680;
	s6 =	sand.u32 $0x1, s5;
	s13 =	sshll.u32 s7, $0x1  }
0x8: {  	s5 =	sshrl.u32 s7, $0x3;
	s7 =	sshll.u32 s7, $0xF;
	[smem:$0x7FF] =	sst s2  }
0x9: {  	s9 =	sor.u32 s6, s13;
	s10 =	sshll.u32 s5, $0x10;
	s7 =	sand.u32 $0x20000, s7  }
0xa: {  	_ =	strace $0x80000047;
	s6 =	ssub.s32 $0x2, s6;
	s8 =	sshll.u32 s9, $0xB  }
0xb: {  	s7 =	sor.u32 s7, s10;
	s9 =	sshll.u32 s9, $0x8;
	s8 =	sand.u32 $0x3800, s8  }
0xc: {  	s3 =	sadd.s32 s3, s9;
	s11 =	sor.u32 $0x4000, s7;
	s9 =	sor.u32 $0x8000, s7  }
0xd: {  	s10 =	sor.u32 s7, s8;
	[dreg:$0x5] =	wrdreg s3;
	s16 =	sor.u32 s8, s11  }
0xe: {  	s12 =	sor.u32 s8, s9;
	s24 =	sor.u32 $0x100, s8;
	s14 =	sshll.u32 s10, $0x3  }
0xf: {  	s17 =	sshll.u32 s16, $0x3;
	s12 =	sshll.u32 s12, $0x3;
	s10 =	sor.u32 $0xC000, s7  }
0x10: {  	s25 =	sor.u32 s7, s24;
	s15 =	sadd.s32 s1, s14;
	s18 =	sadd.s32 s0, s14  }
0x11: {  	s3 =	sand.u32 $0x1FFBC000, s17;
	s12 =	sand.u32 $0x1FFDC000, s12;
	s13 =	sor.u32 s8, s10  }
0x12: {  	s14 =	sor.u32 s11, s24;
	s17 =	sor.u32 s9, s24;
	[dreg:$0x6] =	wrdreg s15  }
0x13: {  	[dreg:$0x7] =	wrdreg s18;
	s19 =	sadd.s32 s1, s3;
	s3 =	sadd.s32 s0, s3  }
0x14: {  	s20 =	sadd.s32 s1, s12;
	s13 =	sshll.u32 s13, $0x3;
	[dreg:$0x8] =	wrdreg s19  }
0x15: {  	s21 =	sadd.s32 s0, s12;
	s14 =	sshll.u32 s14, $0x3;
	[dreg:$0x9] =	wrdreg s3  }
0x16: {  	s18 =	sshll.u32 s17, $0x3;
	[dreg:$0xa] =	wrdreg s20;
	s22 =	sand.u32 $0x1FFFC000, s13  }
0x17: {  	[dreg:$0xb] =	wrdreg s21;
	s3 =	sshll.u32 s25, $0x3;
	s23 =	sadd.s32 s1, s22  }
0x18: {  	s15 =	sand.u32 $0x1FFBC800, s14;
	s12 =	sadd.s32 s0, s22;
	[dreg:$0xc] =	wrdreg s23  }
0x19: {  	s13 =	sor.u32 s10, s24;
	s26 =	sadd.s32 s1, s3;
	[dreg:$0xd] =	wrdreg s12  }
0x1a: {  	s3 =	sadd.s32 s0, s3;
	s16 =	sadd.s32 s1, s15;
	[dreg:$0xe] =	wrdreg s26  }
0x1b: {  	s13 =	sshll.u32 s13, $0x3;
	s22 =	sor.u32 $0x200, s8;
	[dreg:$0xf] =	wrdreg s3  }
0x1c: {  	[dreg:$0x10] =	wrdreg s16;
	s12 =	sadd.s32 s0, s15;
	s3 =	sand.u32 $0x1FFDC800, s18  }
0x1d: {  	s20 =	sand.u32 $0x1FFFC800, s13;
	s23 =	sor.u32 s7, s22;
	s24 =	sor.u32 s11, s22  }
0x1e: {  	s15 =	sor.u32 s9, s22;
	s13 =	sor.u32 s10, s22;
	[dreg:$0x11] =	wrdreg s12  }
0x1f: {  	s19 =	sadd.s32 s1, s3;
	s3 =	sadd.s32 s0, s3;
	s21 =	sadd.s32 s1, s20  }
0x20: {  	s12 =	sadd.s32 s0, s20;
	s14 =	sshll.u32 s24, $0x3;
	[dreg:$0x12] =	wrdreg s19  }
0x21: {  	s16 =	sshll.u32 s15, $0x3;
	s13 =	sshll.u32 s13, $0x3;
	[dreg:$0x13] =	wrdreg s3  }
0x22: {  	s20 =	sor.u32 $0x300, s8;
	[dreg:$0x14] =	wrdreg s21;
	s3 =	sshll.u32 s23, $0x3  }
0x23: {  	[dreg:$0x15] =	wrdreg s12;
	s26 =	sand.u32 $0x1FFBD000, s14;
	s18 =	sand.u32 $0x1FFFD000, s13  }
0x24: {  	s21 =	sor.u32 s7, s20;
	s22 =	sor.u32 s11, s20;
	s25 =	sadd.s32 s1, s3  }
0x25: {  	s13 =	sor.u32 s10, s20;
	s3 =	sadd.s32 s0, s3;
	[dreg:$0x16] =	wrdreg s25  }
0x26: {  	s14 =	sadd.s32 s1, s26;
	s12 =	sadd.s32 s0, s26;
	[dreg:$0x17] =	wrdreg s3  }
0x27: {  	s19 =	sadd.s32 s1, s18;
	s26 =	sor.u32 s9, s20;
	[dreg:$0x18] =	wrdreg s14  }
0x28: {  	s13 =	sshll.u32 s13, $0x3;
	s3 =	sand.u32 $0x1FFDD000, s16;
	[dreg:$0x19] =	wrdreg s12  }
0x29: {  	[dreg:$0x1c] =	wrdreg s19;
	s12 =	sadd.s32 s0, s18;
	s14 =	sshll.u32 s22, $0x3  }
0x2a: {  	s16 =	sand.u32 $0x1FFFD800, s13;
	s18 =	sor.u32 $0x400, s8;
	s17 =	sadd.s32 s1, s3  }
0x2b: {  	s3 =	sadd.s32 s0, s3;
	[dreg:$0x1d] =	wrdreg s12;
	s24 =	sand.u32 $0x1FFBD800, s14  }
0x2c: {  	s14 =	sshll.u32 s26, $0x3;
	s19 =	sor.u32 s7, s18;
	[dreg:$0x1a] =	wrdreg s17  }
0x2d: {  	s20 =	sor.u32 s11, s18;
	[dreg:$0x1b] =	wrdreg s3;
	s25 =	sadd.s32 s1, s24  }
0x2e: {  	s13 =	sor.u32 s10, s18;
	s12 =	sadd.s32 s0, s24;
	[smem:$0x7D8] =	sst s25  }
0x2f: {  	s3 =	sshll.u32 s21, $0x3;
	s17 =	sadd.s32 s1, s16;
	[smem:$0x7D9] =	sst s12  }
0x30: {  	s24 =	sor.u32 s9, s18;
	s23 =	sadd.s32 s1, s3;
	[smem:$0x7DC] =	sst s17  }
0x31: {  	s13 =	sshll.u32 s13, $0x3;
	s3 =	sadd.s32 s0, s3;
	[dreg:$0x1e] =	wrdreg s23  }
0x32: {  	s12 =	sadd.s32 s0, s16;
	[dreg:$0x1f] =	wrdreg s3;
	s3 =	sand.u32 $0x1FFDD800, s14  }
0x33: {  	s13 =	sand.u32 $0x1FFFE000, s13;
	[smem:$0x7DD] =	sst s12;
	s15 =	sadd.s32 s1, s3  }
0x34: {  	s14 =	sshll.u32 s20, $0x3;
	s3 =	sadd.s32 s0, s3;
	[smem:$0x7DA] =	sst s15  }
0x35: {  	s22 =	sand.u32 $0x1FFBE000, s14;
	s14 =	sadd.s32 s1, s13;
	[smem:$0x7DB] =	sst s3  }
0x36: {  	s25 =	sshll.u32 s24, $0x3;
	s23 =	sadd.s32 s1, s22;
	[smem:$0x7E4] =	sst s14  }
0x37: {  	s3 =	sshll.u32 s19, $0x3;
	s12 =	sadd.s32 s0, s22;
	[smem:$0x7E0] =	sst s23  }
0x38: {  	s15 =	sor.u32 $0x500, s8;
	s21 =	sadd.s32 s1, s3;
	[smem:$0x7E1] =	sst s12  }
0x39: {  	s3 =	sadd.s32 s0, s3;
	s16 =	sor.u32 s7, s15;
	[smem:$0x7DE] =	sst s21  }
0x3a: {  	s12 =	sadd.s32 s0, s13;
	s17 =	sor.u32 s11, s15;
	[smem:$0x7DF] =	sst s3  }
0x3b: {  	s13 =	sor.u32 s10, s15;
	s3 =	sand.u32 $0x1FFDE000, s25;
	[smem:$0x7E5] =	sst s12  }
0x3c: {  	s14 =	sshll.u32 s17, $0x3;
	s21 =	sor.u32 s9, s15;
	s13 =	sshll.u32 s13, $0x3  }
0x3d: {  	s26 =	sadd.s32 s1, s3;
	s3 =	sadd.s32 s0, s3;
	s19 =	sand.u32 $0x1FFBE800, s14  }
0x3e: {  	s22 =	sshll.u32 s21, $0x3;
	s24 =	sand.u32 $0x1FFFE800, s13;
	[smem:$0x7E2] =	sst s26  }
0x3f: {  	[smem:$0x7E3] =	sst s3;
	s3 =	sshll.u32 s16, $0x3;
	s20 =	sadd.s32 s1, s19  }
0x40: {  	s12 =	sadd.s32 s0, s19;
	s25 =	sadd.s32 s1, s24;
	[smem:$0x7E8] =	sst s20  }
0x41: {  	s26 =	sor.u32 $0x600, s8;
	s8 =	sor.u32 $0x700, s8;
	[smem:$0x7E9] =	sst s12  }
0x42: {  	s18 =	sadd.s32 s1, s3;
	s3 =	sadd.s32 s0, s3;
	[smem:$0x7EC] =	sst s25  }
0x43: {  	s16 =	sor.u32 s7, s26;
	s12 =	sadd.s32 s0, s24;
	s17 =	sor.u32 s11, s26  }
0x44: {  	s15 =	sor.u32 s9, s26;
	s13 =	sor.u32 s10, s26;
	s7 =	sor.u32 s7, s8  }
0x45: {  	s11 =	sor.u32 s11, s8;
	s9 =	sor.u32 s9, s8;
	[smem:$0x7E6] =	sst s18  }
0x46: {  	s8 =	sor.u32 s10, s8;
	s10 =	simm.s32 $0x2800;
	[smem:$0x7E7] =	sst s3  }
0x47: {  	s3 =	sand.u32 $0x1FFDE800, s22;
	[smem:$0x7ED] =	sst s12;
	s14 =	sshll.u32 s17, $0x3  }
0x48: {  	s20 =	sshll.u32 s15, $0x3;
	s13 =	sshll.u32 s13, $0x3;
	s7 =	sshll.u32 s7, $0x3  }
0x49: {  	s11 =	sshll.u32 s11, $0x3;
	s8 =	sshll.u32 s8, $0x3;
	s15 =	sshrl.u32 s6, $0x1  }
0x4a: {  	s17 =	simm.s32 $0x6800;
	s23 =	sadd.s32 s1, s3;
	s3 =	sadd.s32 s0, s3  }
0x4b: {  	s19 =	sand.u32 $0x1FFBF000, s14;
	s13 =	sand.u32 $0x1FFFF000, s13;
	s25 =	sadd.s32 s1, s7  }
0x4c: {  	s7 =	sadd.s32 s0, s7;
	s11 =	sand.u32 $0x1FFBF800, s11;
	s8 =	sand.u32 $0x1FFFF800, s8  }
0x4d: {  	s6 =	ssub.s32 s6, s15;
	s15 =	simm.s32 $0xC800;
	[smem:$0x7EA] =	sst s23  }
0x4e: {  	[smem:$0x7EB] =	sst s3;
	s3 =	sshll.u32 s16, $0x3;
	s14 =	sadd.s32 s1, s19  }
0x4f: {  	s12 =	sadd.s32 s0, s19;
	s23 =	sadd.s32 s1, s13;
	[smem:$0x7F6] =	sst s25  }
0x50: {  	s24 =	sadd.s32 s0, s13;
	[smem:$0x7F7] =	sst s7;
	s26 =	sadd.s32 s1, s11  }
0x51: {  	s13 =	sadd.s32 s0, s11;
	s16 =	smul.u32 $0x22, s5;
	[smem:$0x7F0] =	sst s14  }
0x52: {  	s5 =	smax.u32 s6, $0x1;
	s6 =	simm.s32 $0x4;
	[smem:$0x7F1] =	sst s12  }
0x53: {  	s11 =	simm.s32 $0xA800;
	s19 =	simm.s32 $0x2;
	[smem:$0x7F4] =	sst s23  }
0x54: {  	s25 =	simm.s32 $0x400;
	s18 =	sadd.s32 s1, s3;
	[smem:$0x7F5] =	sst s24  }
0x55: {  	s3 =	sadd.s32 s0, s3;
	s14 =	sand.u32 $0x1FFDF000, s20;
	[smem:$0x7F8] =	sst s26  }
0x56: {  	s12 =	sshll.u32 s9, $0x3;
	[smem:$0x7F9] =	sst s13;
	s9 =	simm.s32 $0x8800  }
0x57: {  	s20 =	simm.s32 $0x200;
	s23 =	simm.s32 $0x300;
	[smem:$0x7EE] =	sst s18  }
0x58: {  	s24 =	simm.s32 $0x380;
	s26 =	simm.s32 $0x480;
	[smem:$0x7EF] =	sst s3  }
0x59: {  	s3 =	sadd.s32 $0x1400, s4;
	s21 =	sadd.s32 s1, s14;
	s22 =	sadd.s32 s0, s14  }
0x5a: {  	s4 =	sadd.s32 $0x1000, s4;
	s7 =	sand.u32 $0x1FFDF800, s12;
	[smem:$0x7F2] =	sst s21  }
0x5b: {  	s12 =	simm.s32 $0x1;
	[smem:$0x7F3] =	sst s22;
	s14 =	sadd.s32 s1, s7  }
0x5c: {  	s18 =	simm.s32 $0xE800;
	s7 =	sadd.s32 s0, s7;
	[smem:$0x7FA] =	sst s14  }
0x5d: {  	s1 =	sadd.s32 s1, s8;
	s0 =	sadd.s32 s0, s8;
	[smem:$0x7FB] =	sst s7  }
0x5e: {  	s8 =	simm.s32 $0x800;
	s21 =	simm.s32 $0x280;
	[smem:$0x7FC] =	sst s1  }
0x5f: {  	s22 =	simm.s32 $0x3;
	[smem:$0x7FD] =	sst s0;
	s7 =	simm.s32 $0x80  }
0x60: {  	v0 =	vmov s16;
	s14 =	simm.s32 $0x4800;
	s0 =	simm.s32 $0x700;
	s1 =	simm.s32 $0x780  }
.LBB2_1:
0x61: {  	s13 =	rddreg [dreg:$0x5]  }
0x62: {  	[tilespmem:s2], [sflag:$0x4] =	stream.linear.gather [hbm4b:s13+s2], $0x800, $0x38;
	[tilespmem:$0x10800] =	vst v63  }
0x63: {  	_ =	swait.ge [sflag:s6], $0x800  }
0x64: {  	[sflag:s6] =	ssyncset.done $0x0  }
0x65: {  	[sflag:s6] =	ssyncadd.s32 $0xFFFFF800  }
0x66: {  	v1 =	vld [tilespmem:$0x0]  }
0x67: {  	v2 =	vld [tilespmem:$0x10]  }
0x68: {  	v3 =	vld [tilespmem:$0x20]  }
0x69: {  	v4 =	vld [tilespmem:$0x30]  }
0x6a: {  	v5 =	vld [tilespmem:$0x40]  }
0x6b: {  	v6 =	vld [tilespmem:$0x50];
	v1 =	vadd.s32 v0, v1  }
0x6c: {  	[tilespmem:$0x0] =	vst v1;
	v1 =	vadd.s32 v0, v2;
	v2 =	vld [tilespmem:$0x60]  }
0x6d: {  	[tilespmem:$0x10] =	vst v1;
	v1 =	vadd.s32 v0, v3;
	v3 =	vld [tilespmem:$0x70]  }
0x6e: {  	v48 =	vld [tilespmem:$0x80];
	[tilespmem:$0x20] =	vst v1;
	v1 =	vadd.s32 v0, v4  }
0x6f: {  	v49 =	vld [tilespmem:$0x90];
	[tilespmem:$0x30] =	vst v1;
	v1 =	vadd.s32 v0, v5  }
0x70: {  	v50 =	vld [tilespmem:$0xA0];
	[tilespmem:$0x40] =	vst v1;
	v1 =	vadd.s32 v0, v6  }
0x71: {  	[tilespmem:$0x50] =	vst v1;
	v1 =	vadd.s32 v0, v2;
	v2 =	vld [tilespmem:$0xB0]  }
0x72: {  	[tilespmem:$0x60] =	vst v1;
	v1 =	vadd.s32 v0, v3;
	v3 =	vld [tilespmem:$0xC0]  }
0x73: {  	v51 =	vld [tilespmem:$0xD0];
	[tilespmem:$0x70] =	vst v1;
	v1 =	vadd.s32 v0, v48  }
0x74: {  	v52 =	vld [tilespmem:$0xE0];
	[tilespmem:$0x80] =	vst v1;
	v1 =	vadd.s32 v0, v49  }
0x75: {  	v53 =	vld [tilespmem:$0xF0];
	[tilespmem:$0x90] =	vst v1;
	v1 =	vadd.s32 v0, v50  }
0x76: {  	[tilespmem:$0xA0] =	vst v1;
	v1 =	vadd.s32 v0, v2;
	v2 =	vld [tilespmem:$0x100]  }
0x77: {  	[tilespmem:$0xB0] =	vst v1;
	v1 =	vadd.s32 v0, v3;
	v3 =	vld [tilespmem:$0x110]  }
0x78: {  	v54 =	vld [tilespmem:$0x120];
	[tilespmem:$0xC0] =	vst v1;
	v1 =	vadd.s32 v0, v51  }
0x79: {  	v55 =	vld [tilespmem:$0x130];
	[tilespmem:$0xD0] =	vst v1;
	v1 =	vadd.s32 v0, v52  }
0x7a: {  	v56 =	vld [tilespmem:$0x140];
	[tilespmem:$0xE0] =	vst v1;
	v1 =	vadd.s32 v0, v53  }
0x7b: {  	[tilespmem:$0xF0] =	vst v1;
	v1 =	vadd.s32 v0, v2;
	v2 =	vld [tilespmem:$0x150]  }
0x7c: {  	[tilespmem:$0x100] =	vst v1;
	v1 =	vadd.s32 v0, v3;
	v3 =	vld [tilespmem:$0x160]  }
0x7d: {  	v57 =	vld [tilespmem:$0x170];
	[tilespmem:$0x110] =	vst v1;
	v1 =	vadd.s32 v0, v54  }
0x7e: {  	v58 =	vld [tilespmem:$0x180];
	[tilespmem:$0x120] =	vst v1;
	v1 =	vadd.s32 v0, v55  }
0x7f: {  	v59 =	vld [tilespmem:$0x190];
	[tilespmem:$0x130] =	vst v1;
	v1 =	vadd.s32 v0, v56  }
0x80: {  	[tilespmem:$0x140] =	vst v1;
	v1 =	vadd.s32 v0, v2;
	v2 =	vld [tilespmem:$0x1A0]  }
0x81: {  	[tilespmem:$0x150] =	vst v1;
	v1 =	vadd.s32 v0, v3;
	v3 =	vld [tilespmem:$0x1B0]  }
0x82: {  	v60 =	vld [tilespmem:$0x1C0];
	[tilespmem:$0x160] =	vst v1;
	v1 =	vadd.s32 v0, v57  }
0x83: {  	v61 =	vld [tilespmem:$0x1D0];
	[tilespmem:$0x170] =	vst v1;
	v1 =	vadd.s32 v0, v58  }
0x84: {  	v62 =	vld [tilespmem:$0x1E0];
	[tilespmem:$0x180] =	vst v1;
	v1 =	vadd.s32 v0, v59  }
0x85: {  	[tilespmem:$0x190] =	vst v1;
	v1 =	vadd.s32 v0, v2;
	v2 =	vld [tilespmem:$0x1F0]  }
0x86: {  	[tilespmem:$0x1A0] =	vst v1;
	v1 =	vadd.s32 v0, v3;
	v3 =	vld [tilespmem:$0x200]  }
0x87: {  	v63 =	vld [tilespmem:$0x210];
	[tilespmem:$0x1B0] =	vst v1;
	v1 =	vadd.s32 v0, v60  }
0x88: {  	v9 =	vld [tilespmem:$0x220];
	[tilespmem:$0x1C0] =	vst v1;
	v1 =	vadd.s32 v0, v61  }
0x89: {  	v10 =	vld [tilespmem:$0x230];
	[tilespmem:$0x1D0] =	vst v1;
	v1 =	vadd.s32 v0, v62  }
0x8a: {  	[tilespmem:$0x1E0] =	vst v1;
	v1 =	vadd.s32 v0, v2;
	v2 =	vld [tilespmem:$0x240]  }
0x8b: {  	[tilespmem:$0x1F0] =	vst v1;
	v1 =	vadd.s32 v0, v3;
	v3 =	vld [tilespmem:$0x250]  }
0x8c: {  	v11 =	vld [tilespmem:$0x260];
	[tilespmem:$0x200] =	vst v1;
	v1 =	vadd.s32 v0, v63  }
0x8d: {  	v12 =	vld [tilespmem:$0x270];
	[tilespmem:$0x210] =	vst v1;
	v1 =	vadd.s32 v0, v9  }
0x8e: {  	v13 =	vld [tilespmem:$0x280];
	[tilespmem:$0x220] =	vst v1;
	v1 =	vadd.s32 v0, v10  }
0x8f: {  	[tilespmem:$0x230] =	vst v1;
	v1 =	vadd.s32 v0, v2;
	v2 =	vld [tilespmem:$0x290]  }
0x90: {  	[tilespmem:$0x240] =	vst v1;
	v1 =	vadd.s32 v0, v3;
	v3 =	vld [tilespmem:$0x2A0]  }
0x91: {  	v14 =	vld [tilespmem:$0x2B0];
	[tilespmem:$0x250] =	vst v1;
	v1 =	vadd.s32 v0, v11  }
0x92: {  	v15 =	vld [tilespmem:$0x2C0];
	[tilespmem:$0x260] =	vst v1;
	v1 =	vadd.s32 v0, v12  }
0x93: {  	v16 =	vld [tilespmem:$0x2D0];
	[tilespmem:$0x270] =	vst v1;
	v1 =	vadd.s32 v0, v13  }
0x94: {  	[tilespmem:$0x280] =	vst v1;
	v1 =	vadd.s32 v0, v2;
	v2 =	vld [tilespmem:$0x2E0]  }
0x95: {  	[tilespmem:$0x290] =	vst v1;
	v1 =	vadd.s32 v0, v3;
	v3 =	vld [tilespmem:$0x2F0]  }
0x96: {  	v17 =	vld [tilespmem:$0x300];
	[tilespmem:$0x2A0] =	vst v1;
	v1 =	vadd.s32 v0, v14  }
0x97: {  	v18 =	vld [tilespmem:$0x310];
	[tilespmem:$0x2B0] =	vst v1;
	v1 =	vadd.s32 v0, v15  }
0x98: {  	v19 =	vld [tilespmem:$0x320];
	[tilespmem:$0x2C0] =	vst v1;
	v1 =	vadd.s32 v0, v16  }
0x99: {  	[tilespmem:$0x2D0] =	vst v1;
	v1 =	vadd.s32 v0, v2;
	v2 =	vld [tilespmem:$0x330]  }
0x9a: {  	[tilespmem:$0x2E0] =	vst v1;
	v1 =	vadd.s32 v0, v3;
	v3 =	vld [tilespmem:$0x340]  }
0x9b: {  	v20 =	vld [tilespmem:$0x350];
	[tilespmem:$0x2F0] =	vst v1;
	v1 =	vadd.s32 v0, v17  }
0x9c: {  	[tilespmem:$0x300] =	vst v1;
	v1 =	vadd.s32 v0, v18  }
0x9d: {  	[tilespmem:$0x310] =	vst v1;
	v1 =	vadd.s32 v0, v19  }
0x9e: {  	[tilespmem:$0x320] =	vst v1;
	v1 =	vadd.s32 v0, v2  }
0x9f: {  	[tilespmem:$0x330] =	vst v1;
	v1 =	vadd.s32 v0, v3  }
0xa0: {  	[tilespmem:$0x340] =	vst v1;
	v1 =	vadd.s32 v0, v20  }
0xa1: {  	[tilespmem:$0x350] =	vst v1  }
0xa2: {  	v1 =	vld [tilespmem:$0x360]  }
0xa3: {  	v2 =	vld [tilespmem:$0x370]  }
0xa4: {  	v3 =	vld [tilespmem:$0x380]  }
0xa5: {  	v21 =	vld [tilespmem:$0x390]  }
0xa6: {  	v22 =	vld [tilespmem:$0x3A0]  }
0xa7: {  	v23 =	vld [tilespmem:$0x3B0];
	v1 =	vadd.s32 v0, v1  }
0xa8: {  	[tilespmem:$0x360] =	vst v1;
	v1 =	vadd.s32 v0, v2;
	v2 =	vld [tilespmem:$0x3C0]  }
0xa9: {  	[tilespmem:$0x370] =	vst v1;
	v1 =	vadd.s32 v0, v3;
	v3 =	vld [tilespmem:$0x3D0]  }
0xaa: {  	v24 =	vld [tilespmem:$0x3E0];
	[tilespmem:$0x380] =	vst v1;
	v1 =	vadd.s32 v0, v21  }
0xab: {  	v25 =	vld [tilespmem:$0x3F0];
	[tilespmem:$0x390] =	vst v1;
	v1 =	vadd.s32 v0, v22  }
0xac: {  	v26 =	vld [tilespmem:$0x400];
	[tilespmem:$0x3A0] =	vst v1;
	v1 =	vadd.s32 v0, v23  }
0xad: {  	[tilespmem:$0x3B0] =	vst v1;
	v1 =	vadd.s32 v0, v2;
	v2 =	vld [tilespmem:$0x410]  }
0xae: {  	[tilespmem:$0x3C0] =	vst v1;
	v1 =	vadd.s32 v0, v3;
	v3 =	vld [tilespmem:$0x420]  }
0xaf: {  	v27 =	vld [tilespmem:$0x430];
	[tilespmem:$0x3D0] =	vst v1;
	v1 =	vadd.s32 v0, v24  }
0xb0: {  	v28 =	vld [tilespmem:$0x440];
	[tilespmem:$0x3E0] =	vst v1;
	v1 =	vadd.s32 v0, v25  }
0xb1: {  	v29 =	vld [tilespmem:$0x450];
	[tilespmem:$0x3F0] =	vst v1;
	v1 =	vadd.s32 v0, v26  }
0xb2: {  	[tilespmem:$0x400] =	vst v1;
	v1 =	vadd.s32 v0, v2;
	v2 =	vld [tilespmem:$0x460]  }
0xb3: {  	[tilespmem:$0x410] =	vst v1;
	v1 =	vadd.s32 v0, v3;
	v3 =	vld [tilespmem:$0x470]  }
0xb4: {  	v30 =	vld [tilespmem:$0x480];
	[tilespmem:$0x420] =	vst v1;
	v1 =	vadd.s32 v0, v27  }
0xb5: {  	v31 =	vld [tilespmem:$0x490];
	[tilespmem:$0x430] =	vst v1;
	v1 =	vadd.s32 v0, v28  }
0xb6: {  	v32 =	vld [tilespmem:$0x4A0];
	[tilespmem:$0x440] =	vst v1;
	v1 =	vadd.s32 v0, v29  }
0xb7: {  	[tilespmem:$0x450] =	vst v1;
	v1 =	vadd.s32 v0, v2;
	v2 =	vld [tilespmem:$0x4B0]  }
0xb8: {  	[tilespmem:$0x460] =	vst v1;
	v1 =	vadd.s32 v0, v3;
	v3 =	vld [tilespmem:$0x4C0]  }
0xb9: {  	v33 =	vld [tilespmem:$0x4D0];
	[tilespmem:$0x470] =	vst v1;
	v1 =	vadd.s32 v0, v30  }
0xba: {  	v34 =	vld [tilespmem:$0x4E0];
	[tilespmem:$0x480] =	vst v1;
	v1 =	vadd.s32 v0, v31  }
0xbb: {  	v35 =	vld [tilespmem:$0x4F0];
	[tilespmem:$0x490] =	vst v1;
	v1 =	vadd.s32 v0, v32  }
0xbc: {  	[tilespmem:$0x4A0] =	vst v1;
	v1 =	vadd.s32 v0, v2;
	v2 =	vld [tilespmem:$0x500]  }
0xbd: {  	[tilespmem:$0x4B0] =	vst v1;
	v1 =	vadd.s32 v0, v3;
	v3 =	vld [tilespmem:$0x510]  }
0xbe: {  	v36 =	vld [tilespmem:$0x520];
	[tilespmem:$0x4C0] =	vst v1;
	v1 =	vadd.s32 v0, v33  }
0xbf: {  	v37 =	vld [tilespmem:$0x530];
	[tilespmem:$0x4D0] =	vst v1;
	v1 =	vadd.s32 v0, v34  }
0xc0: {  	v38 =	vld [tilespmem:$0x540];
	[tilespmem:$0x4E0] =	vst v1;
	v1 =	vadd.s32 v0, v35  }
0xc1: {  	[tilespmem:$0x4F0] =	vst v1;
	v1 =	vadd.s32 v0, v2;
	v2 =	vld [tilespmem:$0x550]  }
0xc2: {  	[tilespmem:$0x500] =	vst v1;
	v1 =	vadd.s32 v0, v3;
	v3 =	vld [tilespmem:$0x560]  }
0xc3: {  	v39 =	vld [tilespmem:$0x570];
	[tilespmem:$0x510] =	vst v1;
	v1 =	vadd.s32 v0, v36  }
0xc4: {  	v40 =	vld [tilespmem:$0x580];
	[tilespmem:$0x520] =	vst v1;
	v1 =	vadd.s32 v0, v37  }
0xc5: {  	v41 =	vld [tilespmem:$0x590];
	[tilespmem:$0x530] =	vst v1;
	v1 =	vadd.s32 v0, v38  }
0xc6: {  	[tilespmem:$0x540] =	vst v1;
	v1 =	vadd.s32 v0, v2;
	v2 =	vld [tilespmem:$0x5A0]  }
0xc7: {  	[tilespmem:$0x550] =	vst v1;
	v1 =	vadd.s32 v0, v3;
	v3 =	vld [tilespmem:$0x5B0]  }
0xc8: {  	v42 =	vld [tilespmem:$0x5C0];
	[tilespmem:$0x560] =	vst v1;
	v1 =	vadd.s32 v0, v39  }
0xc9: {  	v43 =	vld [tilespmem:$0x5D0];
	[tilespmem:$0x570] =	vst v1;
	v1 =	vadd.s32 v0, v40  }
0xca: {  	v44 =	vld [tilespmem:$0x5E0];
	[tilespmem:$0x580] =	vst v1;
	v1 =	vadd.s32 v0, v41  }
0xcb: {  	[tilespmem:$0x590] =	vst v1;
	v1 =	vadd.s32 v0, v2;
	v2 =	vld [tilespmem:$0x5F0]  }
0xcc: {  	[tilespmem:$0x5A0] =	vst v1;
	v1 =	vadd.s32 v0, v3;
	v3 =	vld [tilespmem:$0x600]  }
0xcd: {  	v45 =	vld [tilespmem:$0x610];
	[tilespmem:$0x5B0] =	vst v1;
	v1 =	vadd.s32 v0, v42  }
0xce: {  	v46 =	vld [tilespmem:$0x620];
	[tilespmem:$0x5C0] =	vst v1;
	v1 =	vadd.s32 v0, v43  }
0xcf: {  	v47 =	vld [tilespmem:$0x630];
	[tilespmem:$0x5D0] =	vst v1;
	v1 =	vadd.s32 v0, v44  }
0xd0: {  	[tilespmem:$0x5E0] =	vst v1;
	v1 =	vadd.s32 v0, v2;
	v2 =	vld [tilespmem:$0x640]  }
0xd1: {  	[tilespmem:$0x5F0] =	vst v1;
	v1 =	vadd.s32 v0, v3;
	v3 =	vld [tilespmem:$0x650]  }
0xd2: {  	v48 =	vld [tilespmem:$0x660];
	[tilespmem:$0x600] =	vst v1;
	v1 =	vadd.s32 v0, v45  }
0xd3: {  	v49 =	vld [tilespmem:$0x670];
	[tilespmem:$0x610] =	vst v1;
	v1 =	vadd.s32 v0, v46  }
0xd4: {  	v50 =	vld [tilespmem:$0x680];
	[tilespmem:$0x620] =	vst v1;
	v1 =	vadd.s32 v0, v47  }
0xd5: {  	[tilespmem:$0x630] =	vst v1;
	v1 =	vadd.s32 v0, v2;
	v2 =	vld [tilespmem:$0x690]  }
0xd6: {  	[tilespmem:$0x640] =	vst v1;
	v1 =	vadd.s32 v0, v3;
	v3 =	vld [tilespmem:$0x6A0]  }
0xd7: {  	v51 =	vld [tilespmem:$0x6B0];
	[tilespmem:$0x650] =	vst v1;
	v1 =	vadd.s32 v0, v48  }
0xd8: {  	v52 =	vld [tilespmem:$0x6C0];
	[tilespmem:$0x660] =	vst v1;
	v1 =	vadd.s32 v0, v49  }
0xd9: {  	v53 =	vld [tilespmem:$0x6D0];
	[tilespmem:$0x670] =	vst v1;
	v1 =	vadd.s32 v0, v50  }
0xda: {  	[tilespmem:$0x680] =	vst v1;
	v1 =	vadd.s32 v0, v2;
	v2 =	vld [tilespmem:$0x6E0]  }
0xdb: {  	[tilespmem:$0x690] =	vst v1;
	v1 =	vadd.s32 v0, v3;
	v3 =	vld [tilespmem:$0x6F0]  }
0xdc: {  	v54 =	vld [tilespmem:$0x700];
	[tilespmem:$0x6A0] =	vst v1;
	v1 =	vadd.s32 v0, v51  }
0xdd: {  	v55 =	vld [tilespmem:$0x710];
	[tilespmem:$0x6B0] =	vst v1;
	v1 =	vadd.s32 v0, v52  }
0xde: {  	v56 =	vld [tilespmem:$0x720];
	[tilespmem:$0x6C0] =	vst v1;
	v1 =	vadd.s32 v0, v53  }
0xdf: {  	[tilespmem:$0x6D0] =	vst v1;
	v1 =	vadd.s32 v0, v2;
	v2 =	vld [tilespmem:$0x730]  }
0xe0: {  	[tilespmem:$0x6E0] =	vst v1;
	v1 =	vadd.s32 v0, v3;
	v3 =	vld [tilespmem:$0x740]  }
0xe1: {  	v57 =	vld [tilespmem:$0x750];
	[tilespmem:$0x6F0] =	vst v1;
	v1 =	vadd.s32 v0, v54  }
0xe2: {  	v58 =	vld [tilespmem:$0x760];
	[tilespmem:$0x700] =	vst v1;
	v1 =	vadd.s32 v0, v55  }
0xe3: {  	v59 =	vld [tilespmem:$0x770];
	[tilespmem:$0x710] =	vst v1;
	v1 =	vadd.s32 v0, v56  }
0xe4: {  	[tilespmem:$0x720] =	vst v1;
	v1 =	vadd.s32 v0, v2;
	v2 =	vld [tilespmem:$0x780]  }
0xe5: {  	[tilespmem:$0x730] =	vst v1;
	v1 =	vadd.s32 v0, v3;
	v3 =	vld [tilespmem:$0x790]  }
0xe6: {  	v60 =	vld [tilespmem:$0x7A0];
	[tilespmem:$0x740] =	vst v1;
	v1 =	vadd.s32 v0, v57  }
0xe7: {  	v61 =	vld [tilespmem:$0x7B0];
	[tilespmem:$0x750] =	vst v1;
	v1 =	vadd.s32 v0, v58  }
0xe8: {  	v62 =	vld [tilespmem:$0x7C0];
	[tilespmem:$0x760] =	vst v1;
	v1 =	vadd.s32 v0, v59  }
0xe9: {  	[tilespmem:$0x770] =	vst v1;
	v1 =	vadd.s32 v0, v2;
	v2 =	vld [tilespmem:$0x7D0]  }
0xea: {  	[tilespmem:$0x780] =	vst v1;
	v1 =	vadd.s32 v0, v3;
	v3 =	vld [tilespmem:$0x7E0]  }
0xeb: {  	v63 =	vld [tilespmem:$0x7F0];
	[tilespmem:$0x790] =	vst v1;
	v1 =	vadd.s32 v0, v60  }
0xec: {  	[tilespmem:$0x7A0] =	vst v1;
	v1 =	vadd.s32 v0, v61  }
0xed: {  	[tilespmem:$0x7B0] =	vst v1;
	v1 =	vadd.s32 v0, v62  }
0xee: {  	[tilespmem:$0x7C0] =	vst v1;
	v1 =	vadd.s32 v0, v2  }
0xef: {  	[tilespmem:$0x7D0] =	vst v1;
	v1 =	vadd.s32 v0, v3  }
0xf0: {  	[tilespmem:$0x7E0] =	vst v1;
	v1 =	vadd.s32 v0, v63  }
0xf1: {  	[tilespmem:$0x7F0] =	vst v1  }
0xf2: {  	[tilespmem:s8], [sflag:$0x1] =	stream.indirect.gather [hbm4b:s3+s7], $0x40, s2, s7, $0xb8;
	[tilespmem:$0x10800] =	vst v63  }
0xf3: {  	_ = 	snop  }
0xf4: {  	[tilespmem:s9], [sflag:$0x1] =	stream.indirect.gather [hbm4b:s4+s7], $0x40, s2, s7, $0xb8;
	[tilespmem:$0x10800] =	vst v63  }
0xf5: {  	_ = 	snop  }
0xf6: {  	[tilespmem:s10], [sflag:$0x1] =	stream.indirect.gather [hbm4b:s3+s7], $0x40, s7, s7, $0xb8;
	[tilespmem:$0x10800] =	vst v63  }
0xf7: {  	_ = 	snop  }
0xf8: {  	[tilespmem:s11], [sflag:$0x1] =	stream.indirect.gather [hbm4b:s4+s7], $0x40, s7, s7, $0xb8;
	[tilespmem:$0x10800] =	vst v63  }
0xf9: {  	_ =	swait.ge [sflag:s12], $0x2000  }
0xfa: {  	[sflag:s12] =	ssyncset.done $0x0  }
0xfb: {  	[sflag:s12] =	ssyncadd.s32 $0xFFFFE000  }
0xfc: {  	_ =	swait.ge [sflag:s12], $0x2000  }
0xfd: {  	[sflag:s12] =	ssyncset.done $0x0  }
0xfe: {  	[sflag:s12] =	ssyncadd.s32 $0xFFFFE000  }
0xff: {  	_ =	swait.ge [sflag:s12], $0x2000  }
0x100: {  	[sflag:s12] =	ssyncset.done $0x0  }
0x101: {  	[sflag:s12] =	ssyncadd.s32 $0xFFFFE000  }
0x102: {  	_ =	swait.ge [sflag:s12], $0x2000  }
0x103: {  	[sflag:s12] =	ssyncset.done $0x0  }
0x104: {  	s13 =	rddreg [dreg:$0x6];
	[sflag:s12] =	ssyncadd.s32 $0xFFFFE000  }
0x105: {  	[hbm4b:s13+s2] =	stream.linear.scatter [tilespmem:s8], [sflag:$0x2], $0x4000, $0x38;
	[tilespmem:$0x10800] =	vst v63  }
0x106: {  	s16 =	rddreg [dreg:$0x7]  }
0x107: {  	[hbm4b:s16+s2] =	stream.linear.scatter [tilespmem:s9], [sflag:$0x2], $0x4000, $0x38;
	[tilespmem:$0x10800] =	vst v63  }
0x108: {  	s13 =	rddreg [dreg:$0x8]  }
0x109: {  	[hbm4b:s13+s2] =	stream.linear.scatter [tilespmem:s8], [sflag:$0x2], $0x4000, $0x38;
	[tilespmem:$0x10800] =	vst v63  }
0x10a: {  	s16 =	rddreg [dreg:$0x9]  }
0x10b: {  	[hbm4b:s16+s2] =	stream.linear.scatter [tilespmem:s9], [sflag:$0x2], $0x4000, $0x38;
	[tilespmem:$0x10800] =	vst v63  }
0x10c: {  	s13 =	rddreg [dreg:$0xa]  }
0x10d: {  	[hbm4b:s13+s2] =	stream.linear.scatter [tilespmem:s8], [sflag:$0x2], $0x4000, $0x38;
	[tilespmem:$0x10800] =	vst v63  }
0x10e: {  	s16 =	rddreg [dreg:$0xb]  }
0x10f: {  	[hbm4b:s16+s2] =	stream.linear.scatter [tilespmem:s9], [sflag:$0x2], $0x4000, $0x38;
	[tilespmem:$0x10800] =	vst v63  }
0x110: {  	s13 =	rddreg [dreg:$0xc]  }
0x111: {  	[hbm4b:s13+s2] =	stream.linear.scatter [tilespmem:s8], [sflag:$0x2], $0x4000, $0x38;
	[tilespmem:$0x10800] =	vst v63  }
0x112: {  	s16 =	rddreg [dreg:$0xd]  }
0x113: {  	[hbm4b:s16+s2] =	stream.linear.scatter [tilespmem:s9], [sflag:$0x2], $0x4000, $0x38;
	[tilespmem:$0x10800] =	vst v63  }
0x114: {  	s16 =	simm.s32 $0x100  }
0x115: {  	[tilespmem:s14], [sflag:$0x1] =	stream.indirect.gather [hbm4b:s3+s7], $0x40, s16, s7, $0xb8;
	[tilespmem:$0x10800] =	vst v63  }
0x116: {  	_ = 	snop  }
0x117: {  	[tilespmem:s15], [sflag:$0x1] =	stream.indirect.gather [hbm4b:s4+s7], $0x40, s16, s7, $0xb8;
	[tilespmem:$0x10800] =	vst v63  }
0x118: {  	s16 =	simm.s32 $0x180  }
0x119: {  	[tilespmem:s17], [sflag:$0x1] =	stream.indirect.gather [hbm4b:s3+s7], $0x40, s16, s7, $0xb8;
	[tilespmem:$0x10800] =	vst v63  }
0x11a: {  	_ = 	snop  }
0x11b: {  	[tilespmem:s18], [sflag:$0x1] =	stream.indirect.gather [hbm4b:s4+s7], $0x40, s16, s7, $0xb8;
	[tilespmem:$0x10800] =	vst v63  }
0x11c: {  	_ =	swait.ge [sflag:s12], $0x2000  }
0x11d: {  	[sflag:s12] =	ssyncset.done $0x0  }
0x11e: {  	[sflag:s12] =	ssyncadd.s32 $0xFFFFE000  }
0x11f: {  	_ =	swait.ge [sflag:s12], $0x2000  }
0x120: {  	[sflag:s12] =	ssyncset.done $0x0  }
0x121: {  	[sflag:s12] =	ssyncadd.s32 $0xFFFFE000  }
0x122: {  	_ =	swait.ge [sflag:s12], $0x2000  }
0x123: {  	[sflag:s12] =	ssyncset.done $0x0  }
0x124: {  	[sflag:s12] =	ssyncadd.s32 $0xFFFFE000  }
0x125: {  	_ =	swait.ge [sflag:s12], $0x2000  }
0x126: {  	[sflag:s12] =	ssyncset.done $0x0  }
0x127: {  	s13 =	rddreg [dreg:$0xe];
	[sflag:s12] =	ssyncadd.s32 $0xFFFFE000  }
0x128: {  	[hbm4b:s13+s2] =	stream.linear.scatter [tilespmem:s14], [sflag:$0x3], $0x4000, $0x38;
	[tilespmem:$0x10800] =	vst v63  }
0x129: {  	s16 =	rddreg [dreg:$0xf]  }
0x12a: {  	[hbm4b:s16+s2] =	stream.linear.scatter [tilespmem:s15], [sflag:$0x3], $0x4000, $0x38;
	[tilespmem:$0x10800] =	vst v63  }
0x12b: {  	s13 =	rddreg [dreg:$0x10]  }
0x12c: {  	[hbm4b:s13+s2] =	stream.linear.scatter [tilespmem:s14], [sflag:$0x3], $0x4000, $0x38;
	[tilespmem:$0x10800] =	vst v63  }
0x12d: {  	s16 =	rddreg [dreg:$0x11]  }
0x12e: {  	[hbm4b:s16+s2] =	stream.linear.scatter [tilespmem:s15], [sflag:$0x3], $0x4000, $0x38;
	[tilespmem:$0x10800] =	vst v63  }
0x12f: {  	s13 =	rddreg [dreg:$0x12]  }
0x130: {  	[hbm4b:s13+s2] =	stream.linear.scatter [tilespmem:s14], [sflag:$0x3], $0x4000, $0x38;
	[tilespmem:$0x10800] =	vst v63  }
0x131: {  	s16 =	rddreg [dreg:$0x13]  }
0x132: {  	[hbm4b:s16+s2] =	stream.linear.scatter [tilespmem:s15], [sflag:$0x3], $0x4000, $0x38;
	[tilespmem:$0x10800] =	vst v63  }
0x133: {  	s13 =	rddreg [dreg:$0x14]  }
0x134: {  	[hbm4b:s13+s2] =	stream.linear.scatter [tilespmem:s14], [sflag:$0x3], $0x4000, $0x38;
	[tilespmem:$0x10800] =	vst v63  }
0x135: {  	s16 =	rddreg [dreg:$0x15]  }
0x136: {  	[hbm4b:s16+s2] =	stream.linear.scatter [tilespmem:s15], [sflag:$0x3], $0x4000, $0x38;
	[tilespmem:$0x10800] =	vst v63  }
0x137: {  	_ =	swait.ge [sflag:s19], $0x4000  }
0x138: {  	[sflag:s19] =	ssyncset.done $0x0  }
0x139: {  	[sflag:s19] =	ssyncadd.s32 $0xFFFFC000  }
0x13a: {  	_ =	swait.ge [sflag:s19], $0x4000  }
0x13b: {  	[sflag:s19] =	ssyncset.done $0x0  }
0x13c: {  	[sflag:s19] =	ssyncadd.s32 $0xFFFFC000  }
0x13d: {  	_ =	swait.ge [sflag:s19], $0x4000  }
0x13e: {  	[sflag:s19] =	ssyncset.done $0x0  }
0x13f: {  	[sflag:s19] =	ssyncadd.s32 $0xFFFFC000  }
0x140: {  	_ =	swait.ge [sflag:s19], $0x4000  }
0x141: {  	[sflag:s19] =	ssyncset.done $0x0  }
0x142: {  	[sflag:s19] =	ssyncadd.s32 $0xFFFFC000  }
0x143: {  	_ =	swait.ge [sflag:s19], $0x4000  }
0x144: {  	[sflag:s19] =	ssyncset.done $0x0  }
0x145: {  	[sflag:s19] =	ssyncadd.s32 $0xFFFFC000  }
0x146: {  	_ =	swait.ge [sflag:s19], $0x4000  }
0x147: {  	[sflag:s19] =	ssyncset.done $0x0  }
0x148: {  	[sflag:s19] =	ssyncadd.s32 $0xFFFFC000  }
0x149: {  	_ =	swait.ge [sflag:s19], $0x4000  }
0x14a: {  	[sflag:s19] =	ssyncset.done $0x0  }
0x14b: {  	[sflag:s19] =	ssyncadd.s32 $0xFFFFC000  }
0x14c: {  	_ =	swait.ge [sflag:s19], $0x4000  }
0x14d: {  	[sflag:s19] =	ssyncset.done $0x0  }
0x14e: {  	[sflag:s19] =	ssyncadd.s32 $0xFFFFC000  }
0x14f: {  	[tilespmem:s8], [sflag:$0x1] =	stream.indirect.gather [hbm4b:s3+s7], $0x40, s20, s7, $0xb8;
	[tilespmem:$0x10800] =	vst v63  }
0x150: {  	_ = 	snop  }
0x151: {  	[tilespmem:s9], [sflag:$0x1] =	stream.indirect.gather [hbm4b:s4+s7], $0x40, s20, s7, $0xb8;
	[tilespmem:$0x10800] =	vst v63  }
0x152: {  	_ = 	snop  }
0x153: {  	[tilespmem:s10], [sflag:$0x1] =	stream.indirect.gather [hbm4b:s3+s7], $0x40, s21, s7, $0xb8;
	[tilespmem:$0x10800] =	vst v63  }
0x154: {  	_ = 	snop  }
0x155: {  	[tilespmem:s11], [sflag:$0x1] =	stream.indirect.gather [hbm4b:s4+s7], $0x40, s21, s7, $0xb8;
	[tilespmem:$0x10800] =	vst v63  }
0x156: {  	_ =	swait.ge [sflag:s12], $0x2000  }
0x157: {  	[sflag:s12] =	ssyncset.done $0x0  }
0x158: {  	[sflag:s12] =	ssyncadd.s32 $0xFFFFE000  }
0x159: {  	_ =	swait.ge [sflag:s12], $0x2000  }
0x15a: {  	[sflag:s12] =	ssyncset.done $0x0  }
0x15b: {  	[sflag:s12] =	ssyncadd.s32 $0xFFFFE000  }
0x15c: {  	_ =	swait.ge [sflag:s12], $0x2000  }
0x15d: {  	[sflag:s12] =	ssyncset.done $0x0  }
0x15e: {  	[sflag:s12] =	ssyncadd.s32 $0xFFFFE000  }
0x15f: {  	_ =	swait.ge [sflag:s12], $0x2000  }
0x160: {  	[sflag:s12] =	ssyncset.done $0x0  }
0x161: {  	s13 =	rddreg [dreg:$0x16];
	[sflag:s12] =	ssyncadd.s32 $0xFFFFE000  }
0x162: {  	[hbm4b:s13+s2] =	stream.linear.scatter [tilespmem:s8], [sflag:$0x2], $0x4000, $0x38;
	[tilespmem:$0x10800] =	vst v63  }
0x163: {  	s16 =	rddreg [dreg:$0x17]  }
0x164: {  	[hbm4b:s16+s2] =	stream.linear.scatter [tilespmem:s9], [sflag:$0x2], $0x4000, $0x38;
	[tilespmem:$0x10800] =	vst v63  }
0x165: {  	s13 =	rddreg [dreg:$0x18]  }
0x166: {  	[hbm4b:s13+s2] =	stream.linear.scatter [tilespmem:s8], [sflag:$0x2], $0x4000, $0x38;
	[tilespmem:$0x10800] =	vst v63  }
0x167: {  	s16 =	rddreg [dreg:$0x19]  }
0x168: {  	[hbm4b:s16+s2] =	stream.linear.scatter [tilespmem:s9], [sflag:$0x2], $0x4000, $0x38;
	[tilespmem:$0x10800] =	vst v63  }
0x169: {  	s13 =	rddreg [dreg:$0x1a]  }
0x16a: {  	[hbm4b:s13+s2] =	stream.linear.scatter [tilespmem:s8], [sflag:$0x2], $0x4000, $0x38;
	[tilespmem:$0x10800] =	vst v63  }
0x16b: {  	s16 =	rddreg [dreg:$0x1b]  }
0x16c: {  	[hbm4b:s16+s2] =	stream.linear.scatter [tilespmem:s9], [sflag:$0x2], $0x4000, $0x38;
	[tilespmem:$0x10800] =	vst v63  }
0x16d: {  	s13 =	rddreg [dreg:$0x1c]  }
0x16e: {  	[hbm4b:s13+s2] =	stream.linear.scatter [tilespmem:s8], [sflag:$0x2], $0x4000, $0x38;
	[tilespmem:$0x10800] =	vst v63  }
0x16f: {  	s16 =	rddreg [dreg:$0x1d]  }
0x170: {  	[hbm4b:s16+s2] =	stream.linear.scatter [tilespmem:s9], [sflag:$0x2], $0x4000, $0x38;
	[tilespmem:$0x10800] =	vst v63  }
0x171: {  	_ =	swait.ge [sflag:s22], $0x4000  }
0x172: {  	[sflag:s22] =	ssyncset.done $0x0  }
0x173: {  	[sflag:s22] =	ssyncadd.s32 $0xFFFFC000  }
0x174: {  	_ =	swait.ge [sflag:s22], $0x4000  }
0x175: {  	[sflag:s22] =	ssyncset.done $0x0  }
0x176: {  	[sflag:s22] =	ssyncadd.s32 $0xFFFFC000  }
0x177: {  	_ =	swait.ge [sflag:s22], $0x4000  }
0x178: {  	[sflag:s22] =	ssyncset.done $0x0  }
0x179: {  	[sflag:s22] =	ssyncadd.s32 $0xFFFFC000  }
0x17a: {  	_ =	swait.ge [sflag:s22], $0x4000  }
0x17b: {  	[sflag:s22] =	ssyncset.done $0x0  }
0x17c: {  	[sflag:s22] =	ssyncadd.s32 $0xFFFFC000  }
0x17d: {  	_ =	swait.ge [sflag:s22], $0x4000  }
0x17e: {  	[sflag:s22] =	ssyncset.done $0x0  }
0x17f: {  	[sflag:s22] =	ssyncadd.s32 $0xFFFFC000  }
0x180: {  	_ =	swait.ge [sflag:s22], $0x4000  }
0x181: {  	[sflag:s22] =	ssyncset.done $0x0  }
0x182: {  	[sflag:s22] =	ssyncadd.s32 $0xFFFFC000  }
0x183: {  	_ =	swait.ge [sflag:s22], $0x4000  }
0x184: {  	[sflag:s22] =	ssyncset.done $0x0  }
0x185: {  	[sflag:s22] =	ssyncadd.s32 $0xFFFFC000  }
0x186: {  	_ =	swait.ge [sflag:s22], $0x4000  }
0x187: {  	[sflag:s22] =	ssyncset.done $0x0  }
0x188: {  	[sflag:s22] =	ssyncadd.s32 $0xFFFFC000  }
0x189: {  	[tilespmem:s14], [sflag:$0x1] =	stream.indirect.gather [hbm4b:s3+s7], $0x40, s23, s7, $0xb8;
	[tilespmem:$0x10800] =	vst v63  }
0x18a: {  	_ = 	snop  }
0x18b: {  	[tilespmem:s15], [sflag:$0x1] =	stream.indirect.gather [hbm4b:s4+s7], $0x40, s23, s7, $0xb8;
	[tilespmem:$0x10800] =	vst v63  }
0x18c: {  	_ = 	snop  }
0x18d: {  	[tilespmem:s17], [sflag:$0x1] =	stream.indirect.gather [hbm4b:s3+s7], $0x40, s24, s7, $0xb8;
	[tilespmem:$0x10800] =	vst v63  }
0x18e: {  	_ = 	snop  }
0x18f: {  	[tilespmem:s18], [sflag:$0x1] =	stream.indirect.gather [hbm4b:s4+s7], $0x40, s24, s7, $0xb8;
	[tilespmem:$0x10800] =	vst v63  }
0x190: {  	_ =	swait.ge [sflag:s12], $0x2000  }
0x191: {  	[sflag:s12] =	ssyncset.done $0x0  }
0x192: {  	[sflag:s12] =	ssyncadd.s32 $0xFFFFE000  }
0x193: {  	_ =	swait.ge [sflag:s12], $0x2000  }
0x194: {  	[sflag:s12] =	ssyncset.done $0x0  }
0x195: {  	[sflag:s12] =	ssyncadd.s32 $0xFFFFE000  }
0x196: {  	_ =	swait.ge [sflag:s12], $0x2000  }
0x197: {  	[sflag:s12] =	ssyncset.done $0x0  }
0x198: {  	[sflag:s12] =	ssyncadd.s32 $0xFFFFE000  }
0x199: {  	_ =	swait.ge [sflag:s12], $0x2000  }
0x19a: {  	s13 =	rddreg [dreg:$0x1e];
	[sflag:s12] =	ssyncset.done $0x0  }
0x19b: {  	s16 =	rddreg [dreg:$0x1f];
	[sflag:s12] =	ssyncadd.s32 $0xFFFFE000  }
0x19c: {  	[hbm4b:s13+s2] =	stream.linear.scatter [tilespmem:s14], [sflag:$0x3], $0x4000, $0x38;
	[tilespmem:$0x10800] =	vst v63  }
0x19d: {  	s13 =	sld [smem:$0x7D8]  }
0x19e: {  	[hbm4b:s16+s2] =	stream.linear.scatter [tilespmem:s15], [sflag:$0x3], $0x4000, $0x38;
	[tilespmem:$0x10800] =	vst v63  }
0x19f: {  	s16 =	sld [smem:$0x7D9]  }
0x1a0: {  	[hbm4b:s13+s2] =	stream.linear.scatter [tilespmem:s14], [sflag:$0x3], $0x4000, $0x38;
	[tilespmem:$0x10800] =	vst v63  }
0x1a1: {  	s13 =	sld [smem:$0x7DA]  }
0x1a2: {  	[hbm4b:s16+s2] =	stream.linear.scatter [tilespmem:s15], [sflag:$0x3], $0x4000, $0x38;
	[tilespmem:$0x10800] =	vst v63  }
0x1a3: {  	s16 =	sld [smem:$0x7DB]  }
0x1a4: {  	[hbm4b:s13+s2] =	stream.linear.scatter [tilespmem:s14], [sflag:$0x3], $0x4000, $0x38;
	[tilespmem:$0x10800] =	vst v63  }
0x1a5: {  	s13 =	sld [smem:$0x7DC]  }
0x1a6: {  	[hbm4b:s16+s2] =	stream.linear.scatter [tilespmem:s15], [sflag:$0x3], $0x4000, $0x38;
	[tilespmem:$0x10800] =	vst v63  }
0x1a7: {  	s16 =	sld [smem:$0x7DD]  }
0x1a8: {  	[hbm4b:s13+s2] =	stream.linear.scatter [tilespmem:s14], [sflag:$0x3], $0x4000, $0x38;
	[tilespmem:$0x10800] =	vst v63  }
0x1a9: {  	_ = 	snop  }
0x1aa: {  	[hbm4b:s16+s2] =	stream.linear.scatter [tilespmem:s15], [sflag:$0x3], $0x4000, $0x38;
	[tilespmem:$0x10800] =	vst v63  }
0x1ab: {  	_ =	swait.ge [sflag:s19], $0x4000  }
0x1ac: {  	[sflag:s19] =	ssyncset.done $0x0  }
0x1ad: {  	[sflag:s19] =	ssyncadd.s32 $0xFFFFC000  }
0x1ae: {  	_ =	swait.ge [sflag:s19], $0x4000  }
0x1af: {  	[sflag:s19] =	ssyncset.done $0x0  }
0x1b0: {  	[sflag:s19] =	ssyncadd.s32 $0xFFFFC000  }
0x1b1: {  	_ =	swait.ge [sflag:s19], $0x4000  }
0x1b2: {  	[sflag:s19] =	ssyncset.done $0x0  }
0x1b3: {  	[sflag:s19] =	ssyncadd.s32 $0xFFFFC000  }
0x1b4: {  	_ =	swait.ge [sflag:s19], $0x4000  }
0x1b5: {  	[sflag:s19] =	ssyncset.done $0x0  }
0x1b6: {  	[sflag:s19] =	ssyncadd.s32 $0xFFFFC000  }
0x1b7: {  	_ =	swait.ge [sflag:s19], $0x4000  }
0x1b8: {  	[sflag:s19] =	ssyncset.done $0x0  }
0x1b9: {  	[sflag:s19] =	ssyncadd.s32 $0xFFFFC000  }
0x1ba: {  	_ =	swait.ge [sflag:s19], $0x4000  }
0x1bb: {  	[sflag:s19] =	ssyncset.done $0x0  }
0x1bc: {  	[sflag:s19] =	ssyncadd.s32 $0xFFFFC000  }
0x1bd: {  	_ =	swait.ge [sflag:s19], $0x4000  }
0x1be: {  	[sflag:s19] =	ssyncset.done $0x0  }
0x1bf: {  	[sflag:s19] =	ssyncadd.s32 $0xFFFFC000  }
0x1c0: {  	_ =	swait.ge [sflag:s19], $0x4000  }
0x1c1: {  	[sflag:s19] =	ssyncset.done $0x0  }
0x1c2: {  	[sflag:s19] =	ssyncadd.s32 $0xFFFFC000  }
0x1c3: {  	[tilespmem:s8], [sflag:$0x1] =	stream.indirect.gather [hbm4b:s3+s7], $0x40, s25, s7, $0xb8;
	[tilespmem:$0x10800] =	vst v63  }
0x1c4: {  	_ = 	snop  }
0x1c5: {  	[tilespmem:s9], [sflag:$0x1] =	stream.indirect.gather [hbm4b:s4+s7], $0x40, s25, s7, $0xb8;
	[tilespmem:$0x10800] =	vst v63  }
0x1c6: {  	_ = 	snop  }
0x1c7: {  	[tilespmem:s10], [sflag:$0x1] =	stream.indirect.gather [hbm4b:s3+s7], $0x40, s26, s7, $0xb8;
	[tilespmem:$0x10800] =	vst v63  }
0x1c8: {  	_ = 	snop  }
0x1c9: {  	[tilespmem:s11], [sflag:$0x1] =	stream.indirect.gather [hbm4b:s4+s7], $0x40, s26, s7, $0xb8;
	[tilespmem:$0x10800] =	vst v63  }
0x1ca: {  	_ =	swait.ge [sflag:s12], $0x2000  }
0x1cb: {  	[sflag:s12] =	ssyncset.done $0x0  }
0x1cc: {  	[sflag:s12] =	ssyncadd.s32 $0xFFFFE000  }
0x1cd: {  	_ =	swait.ge [sflag:s12], $0x2000  }
0x1ce: {  	[sflag:s12] =	ssyncset.done $0x0  }
0x1cf: {  	[sflag:s12] =	ssyncadd.s32 $0xFFFFE000  }
0x1d0: {  	_ =	swait.ge [sflag:s12], $0x2000  }
0x1d1: {  	[sflag:s12] =	ssyncset.done $0x0  }
0x1d2: {  	[sflag:s12] =	ssyncadd.s32 $0xFFFFE000  }
0x1d3: {  	_ =	swait.ge [sflag:s12], $0x2000  }
0x1d4: {  	s13 =	sld [smem:$0x7DE]  }
0x1d5: {  	[sflag:s12] =	ssyncset.done $0x0  }
0x1d6: {  	s16 =	sld [smem:$0x7DF];
	[sflag:s12] =	ssyncadd.s32 $0xFFFFE000  }
0x1d7: {  	[hbm4b:s13+s2] =	stream.linear.scatter [tilespmem:s8], [sflag:$0x2], $0x4000, $0x38;
	[tilespmem:$0x10800] =	vst v63  }
0x1d8: {  	s13 =	sld [smem:$0x7E0]  }
0x1d9: {  	[hbm4b:s16+s2] =	stream.linear.scatter [tilespmem:s9], [sflag:$0x2], $0x4000, $0x38;
	[tilespmem:$0x10800] =	vst v63  }
0x1da: {  	s16 =	sld [smem:$0x7E1]  }
0x1db: {  	[hbm4b:s13+s2] =	stream.linear.scatter [tilespmem:s8], [sflag:$0x2], $0x4000, $0x38;
	[tilespmem:$0x10800] =	vst v63  }
0x1dc: {  	s13 =	sld [smem:$0x7E2]  }
0x1dd: {  	[hbm4b:s16+s2] =	stream.linear.scatter [tilespmem:s9], [sflag:$0x2], $0x4000, $0x38;
	[tilespmem:$0x10800] =	vst v63  }
0x1de: {  	s16 =	sld [smem:$0x7E3]  }
0x1df: {  	[hbm4b:s13+s2] =	stream.linear.scatter [tilespmem:s8], [sflag:$0x2], $0x4000, $0x38;
	[tilespmem:$0x10800] =	vst v63  }
0x1e0: {  	s13 =	sld [smem:$0x7E4]  }
0x1e1: {  	[hbm4b:s16+s2] =	stream.linear.scatter [tilespmem:s9], [sflag:$0x2], $0x4000, $0x38;
	[tilespmem:$0x10800] =	vst v63  }
0x1e2: {  	s16 =	sld [smem:$0x7E5]  }
0x1e3: {  	[hbm4b:s13+s2] =	stream.linear.scatter [tilespmem:s8], [sflag:$0x2], $0x4000, $0x38;
	[tilespmem:$0x10800] =	vst v63  }
0x1e4: {  	_ = 	snop  }
0x1e5: {  	[hbm4b:s16+s2] =	stream.linear.scatter [tilespmem:s9], [sflag:$0x2], $0x4000, $0x38;
	[tilespmem:$0x10800] =	vst v63  }
0x1e6: {  	_ =	swait.ge [sflag:s22], $0x4000  }
0x1e7: {  	[sflag:s22] =	ssyncset.done $0x0  }
0x1e8: {  	[sflag:s22] =	ssyncadd.s32 $0xFFFFC000  }
0x1e9: {  	_ =	swait.ge [sflag:s22], $0x4000  }
0x1ea: {  	[sflag:s22] =	ssyncset.done $0x0  }
0x1eb: {  	[sflag:s22] =	ssyncadd.s32 $0xFFFFC000  }
0x1ec: {  	_ =	swait.ge [sflag:s22], $0x4000  }
0x1ed: {  	[sflag:s22] =	ssyncset.done $0x0  }
0x1ee: {  	[sflag:s22] =	ssyncadd.s32 $0xFFFFC000  }
0x1ef: {  	_ =	swait.ge [sflag:s22], $0x4000  }
0x1f0: {  	[sflag:s22] =	ssyncset.done $0x0  }
0x1f1: {  	[sflag:s22] =	ssyncadd.s32 $0xFFFFC000  }
0x1f2: {  	_ =	swait.ge [sflag:s22], $0x4000  }
0x1f3: {  	[sflag:s22] =	ssyncset.done $0x0  }
0x1f4: {  	[sflag:s22] =	ssyncadd.s32 $0xFFFFC000  }
0x1f5: {  	_ =	swait.ge [sflag:s22], $0x4000  }
0x1f6: {  	[sflag:s22] =	ssyncset.done $0x0  }
0x1f7: {  	[sflag:s22] =	ssyncadd.s32 $0xFFFFC000  }
0x1f8: {  	_ =	swait.ge [sflag:s22], $0x4000  }
0x1f9: {  	[sflag:s22] =	ssyncset.done $0x0  }
0x1fa: {  	[sflag:s22] =	ssyncadd.s32 $0xFFFFC000  }
0x1fb: {  	_ =	swait.ge [sflag:s22], $0x4000  }
0x1fc: {  	[sflag:s22] =	ssyncset.done $0x0  }
0x1fd: {  	[sflag:s22] =	ssyncadd.s32 $0xFFFFC000  }
0x1fe: {  	[tilespmem:s14], [sflag:$0x1] =	stream.indirect.gather [hbm4b:s3+s7], $0x40, s28, s7, $0xb8;
	[tilespmem:$0x10800] =	vst v63  }
0x1ff: {  	_ = 	snop  }
0x200: {  	[tilespmem:s15], [sflag:$0x1] =	stream.indirect.gather [hbm4b:s4+s7], $0x40, s28, s7, $0xb8;
	[tilespmem:$0x10800] =	vst v63  }
0x201: {  	_ = 	snop  }
0x202: {  	[tilespmem:s17], [sflag:$0x1] =	stream.indirect.gather [hbm4b:s3+s7], $0x40, s29, s7, $0xb8;
	[tilespmem:$0x10800] =	vst v63  }
0x203: {  	_ = 	snop  }
0x204: {  	[tilespmem:s18], [sflag:$0x1] =	stream.indirect.gather [hbm4b:s4+s7], $0x40, s29, s7, $0xb8;
	[tilespmem:$0x10800] =	vst v63  }
0x205: {  	_ =	swait.ge [sflag:s12], $0x2000  }
0x206: {  	[sflag:s12] =	ssyncset.done $0x0  }
0x207: {  	[sflag:s12] =	ssyncadd.s32 $0xFFFFE000  }
0x208: {  	_ =	swait.ge [sflag:s12], $0x2000  }
0x209: {  	[sflag:s12] =	ssyncset.done $0x0  }
0x20a: {  	[sflag:s12] =	ssyncadd.s32 $0xFFFFE000  }
0x20b: {  	_ =	swait.ge [sflag:s12], $0x2000  }
0x20c: {  	[sflag:s12] =	ssyncset.done $0x0  }
0x20d: {  	[sflag:s12] =	ssyncadd.s32 $0xFFFFE000  }
0x20e: {  	_ =	swait.ge [sflag:s12], $0x2000  }
0x20f: {  	s13 =	sld [smem:$0x7E6]  }
0x210: {  	[sflag:s12] =	ssyncset.done $0x0  }
0x211: {  	s16 =	sld [smem:$0x7E7];
	[sflag:s12] =	ssyncadd.s32 $0xFFFFE000  }
0x212: {  	[hbm4b:s13+s2] =	stream.linear.scatter [tilespmem:s14], [sflag:$0x3], $0x4000, $0x38;
	[tilespmem:$0x10800] =	vst v63  }
0x213: {  	s13 =	sld [smem:$0x7E8]  }
0x214: {  	[hbm4b:s16+s2] =	stream.linear.scatter [tilespmem:s15], [sflag:$0x3], $0x4000, $0x38;
	[tilespmem:$0x10800] =	vst v63  }
0x215: {  	s16 =	sld [smem:$0x7E9]  }
0x216: {  	[hbm4b:s13+s2] =	stream.linear.scatter [tilespmem:s14], [sflag:$0x3], $0x4000, $0x38;
	[tilespmem:$0x10800] =	vst v63  }
0x217: {  	s13 =	sld [smem:$0x7EA]  }
0x218: {  	[hbm4b:s16+s2] =	stream.linear.scatter [tilespmem:s15], [sflag:$0x3], $0x4000, $0x38;
	[tilespmem:$0x10800] =	vst v63  }
0x219: {  	s16 =	sld [smem:$0x7EB]  }
0x21a: {  	[hbm4b:s13+s2] =	stream.linear.scatter [tilespmem:s14], [sflag:$0x3], $0x4000, $0x38;
	[tilespmem:$0x10800] =	vst v63  }
0x21b: {  	s13 =	sld [smem:$0x7EC]  }
0x21c: {  	[hbm4b:s16+s2] =	stream.linear.scatter [tilespmem:s15], [sflag:$0x3], $0x4000, $0x38;
	[tilespmem:$0x10800] =	vst v63  }
0x21d: {  	s16 =	sld [smem:$0x7ED]  }
0x21e: {  	[hbm4b:s13+s2] =	stream.linear.scatter [tilespmem:s14], [sflag:$0x3], $0x4000, $0x38;
	[tilespmem:$0x10800] =	vst v63  }
0x21f: {  	_ = 	snop  }
0x220: {  	[hbm4b:s16+s2] =	stream.linear.scatter [tilespmem:s15], [sflag:$0x3], $0x4000, $0x38;
	[tilespmem:$0x10800] =	vst v63  }
0x221: {  	_ =	swait.ge [sflag:s19], $0x4000  }
0x222: {  	[sflag:s19] =	ssyncset.done $0x0  }
0x223: {  	[sflag:s19] =	ssyncadd.s32 $0xFFFFC000  }
0x224: {  	_ =	swait.ge [sflag:s19], $0x4000  }
0x225: {  	[sflag:s19] =	ssyncset.done $0x0  }
0x226: {  	[sflag:s19] =	ssyncadd.s32 $0xFFFFC000  }
0x227: {  	_ =	swait.ge [sflag:s19], $0x4000  }
0x228: {  	[sflag:s19] =	ssyncset.done $0x0  }
0x229: {  	[sflag:s19] =	ssyncadd.s32 $0xFFFFC000  }
0x22a: {  	_ =	swait.ge [sflag:s19], $0x4000  }
0x22b: {  	[sflag:s19] =	ssyncset.done $0x0  }
0x22c: {  	[sflag:s19] =	ssyncadd.s32 $0xFFFFC000  }
0x22d: {  	_ =	swait.ge [sflag:s19], $0x4000  }
0x22e: {  	[sflag:s19] =	ssyncset.done $0x0  }
0x22f: {  	[sflag:s19] =	ssyncadd.s32 $0xFFFFC000  }
0x230: {  	_ =	swait.ge [sflag:s19], $0x4000  }
0x231: {  	[sflag:s19] =	ssyncset.done $0x0  }
0x232: {  	[sflag:s19] =	ssyncadd.s32 $0xFFFFC000  }
0x233: {  	_ =	swait.ge [sflag:s19], $0x4000  }
0x234: {  	[sflag:s19] =	ssyncset.done $0x0  }
0x235: {  	[sflag:s19] =	ssyncadd.s32 $0xFFFFC000  }
0x236: {  	_ =	swait.ge [sflag:s19], $0x4000  }
0x237: {  	[sflag:s19] =	ssyncset.done $0x0  }
0x238: {  	[sflag:s19] =	ssyncadd.s32 $0xFFFFC000  }
0x239: {  	[tilespmem:s8], [sflag:$0x1] =	stream.indirect.gather [hbm4b:s3+s7], $0x40, s30, s7, $0xb8;
	[tilespmem:$0x10800] =	vst v63  }
0x23a: {  	_ = 	snop  }
0x23b: {  	[tilespmem:s9], [sflag:$0x1] =	stream.indirect.gather [hbm4b:s4+s7], $0x40, s30, s7, $0xb8;
	[tilespmem:$0x10800] =	vst v63  }
0x23c: {  	_ = 	snop  }
0x23d: {  	[tilespmem:s10], [sflag:$0x1] =	stream.indirect.gather [hbm4b:s3+s7], $0x40, s31, s7, $0xb8;
	[tilespmem:$0x10800] =	vst v63  }
0x23e: {  	_ = 	snop  }
0x23f: {  	[tilespmem:s11], [sflag:$0x1] =	stream.indirect.gather [hbm4b:s4+s7], $0x40, s31, s7, $0xb8;
	[tilespmem:$0x10800] =	vst v63  }
0x240: {  	_ =	swait.ge [sflag:s12], $0x2000  }
0x241: {  	[sflag:s12] =	ssyncset.done $0x0  }
0x242: {  	[sflag:s12] =	ssyncadd.s32 $0xFFFFE000  }
0x243: {  	_ =	swait.ge [sflag:s12], $0x2000  }
0x244: {  	[sflag:s12] =	ssyncset.done $0x0  }
0x245: {  	[sflag:s12] =	ssyncadd.s32 $0xFFFFE000  }
0x246: {  	_ =	swait.ge [sflag:s12], $0x2000  }
0x247: {  	[sflag:s12] =	ssyncset.done $0x0  }
0x248: {  	[sflag:s12] =	ssyncadd.s32 $0xFFFFE000  }
0x249: {  	_ =	swait.ge [sflag:s12], $0x2000  }
0x24a: {  	s13 =	sld [smem:$0x7EE]  }
0x24b: {  	[sflag:s12] =	ssyncset.done $0x0  }
0x24c: {  	s16 =	sld [smem:$0x7EF];
	[sflag:s12] =	ssyncadd.s32 $0xFFFFE000  }
0x24d: {  	[hbm4b:s13+s2] =	stream.linear.scatter [tilespmem:s8], [sflag:$0x2], $0x4000, $0x38;
	[tilespmem:$0x10800] =	vst v63  }
0x24e: {  	s13 =	sld [smem:$0x7F0]  }
0x24f: {  	[hbm4b:s16+s2] =	stream.linear.scatter [tilespmem:s9], [sflag:$0x2], $0x4000, $0x38;
	[tilespmem:$0x10800] =	vst v63  }
0x250: {  	s16 =	sld [smem:$0x7F1]  }
0x251: {  	[hbm4b:s13+s2] =	stream.linear.scatter [tilespmem:s8], [sflag:$0x2], $0x4000, $0x38;
	[tilespmem:$0x10800] =	vst v63  }
0x252: {  	s13 =	sld [smem:$0x7F2]  }
0x253: {  	[hbm4b:s16+s2] =	stream.linear.scatter [tilespmem:s9], [sflag:$0x2], $0x4000, $0x38;
	[tilespmem:$0x10800] =	vst v63  }
0x254: {  	s16 =	sld [smem:$0x7F3]  }
0x255: {  	[hbm4b:s13+s2] =	stream.linear.scatter [tilespmem:s8], [sflag:$0x2], $0x4000, $0x38;
	[tilespmem:$0x10800] =	vst v63  }
0x256: {  	s13 =	sld [smem:$0x7F4]  }
0x257: {  	[hbm4b:s16+s2] =	stream.linear.scatter [tilespmem:s9], [sflag:$0x2], $0x4000, $0x38;
	[tilespmem:$0x10800] =	vst v63  }
0x258: {  	s16 =	sld [smem:$0x7F5]  }
0x259: {  	[hbm4b:s13+s2] =	stream.linear.scatter [tilespmem:s8], [sflag:$0x2], $0x4000, $0x38;
	[tilespmem:$0x10800] =	vst v63  }
0x25a: {  	_ = 	snop  }
0x25b: {  	[hbm4b:s16+s2] =	stream.linear.scatter [tilespmem:s9], [sflag:$0x2], $0x4000, $0x38;
	[tilespmem:$0x10800] =	vst v63  }
0x25c: {  	_ =	swait.ge [sflag:s22], $0x4000  }
0x25d: {  	[sflag:s22] =	ssyncset.done $0x0  }
0x25e: {  	[sflag:s22] =	ssyncadd.s32 $0xFFFFC000  }
0x25f: {  	_ =	swait.ge [sflag:s22], $0x4000  }
0x260: {  	[sflag:s22] =	ssyncset.done $0x0  }
0x261: {  	[sflag:s22] =	ssyncadd.s32 $0xFFFFC000  }
0x262: {  	_ =	swait.ge [sflag:s22], $0x4000  }
0x263: {  	[sflag:s22] =	ssyncset.done $0x0  }
0x264: {  	[sflag:s22] =	ssyncadd.s32 $0xFFFFC000  }
0x265: {  	_ =	swait.ge [sflag:s22], $0x4000  }
0x266: {  	[sflag:s22] =	ssyncset.done $0x0  }
0x267: {  	[sflag:s22] =	ssyncadd.s32 $0xFFFFC000  }
0x268: {  	_ =	swait.ge [sflag:s22], $0x4000  }
0x269: {  	[sflag:s22] =	ssyncset.done $0x0  }
0x26a: {  	[sflag:s22] =	ssyncadd.s32 $0xFFFFC000  }
0x26b: {  	_ =	swait.ge [sflag:s22], $0x4000  }
0x26c: {  	[sflag:s22] =	ssyncset.done $0x0  }
0x26d: {  	[sflag:s22] =	ssyncadd.s32 $0xFFFFC000  }
0x26e: {  	_ =	swait.ge [sflag:s22], $0x4000  }
0x26f: {  	[sflag:s22] =	ssyncset.done $0x0  }
0x270: {  	[sflag:s22] =	ssyncadd.s32 $0xFFFFC000  }
0x271: {  	_ =	swait.ge [sflag:s22], $0x4000  }
0x272: {  	[sflag:s22] =	ssyncset.done $0x0  }
0x273: {  	[sflag:s22] =	ssyncadd.s32 $0xFFFFC000  }
0x274: {  	[tilespmem:s14], [sflag:$0x1] =	stream.indirect.gather [hbm4b:s3+s7], $0x40, s0, s7, $0xb8;
	[tilespmem:$0x10800] =	vst v63  }
0x275: {  	_ = 	snop  }
0x276: {  	[tilespmem:s15], [sflag:$0x1] =	stream.indirect.gather [hbm4b:s4+s7], $0x40, s0, s7, $0xb8;
	[tilespmem:$0x10800] =	vst v63  }
0x277: {  	_ = 	snop  }
0x278: {  	[tilespmem:s17], [sflag:$0x1] =	stream.indirect.gather [hbm4b:s3+s7], $0x40, s1, s7, $0xb8;
	[tilespmem:$0x10800] =	vst v63  }
0x279: {  	_ = 	snop  }
0x27a: {  	[tilespmem:s18], [sflag:$0x1] =	stream.indirect.gather [hbm4b:s4+s7], $0x40, s1, s7, $0xb8;
	[tilespmem:$0x10800] =	vst v63  }
0x27b: {  	_ =	swait.ge [sflag:s12], $0x2000  }
0x27c: {  	[sflag:s12] =	ssyncset.done $0x0  }
0x27d: {  	[sflag:s12] =	ssyncadd.s32 $0xFFFFE000  }
0x27e: {  	_ =	swait.ge [sflag:s12], $0x2000  }
0x27f: {  	[sflag:s12] =	ssyncset.done $0x0  }
0x280: {  	[sflag:s12] =	ssyncadd.s32 $0xFFFFE000  }
0x281: {  	_ =	swait.ge [sflag:s12], $0x2000  }
0x282: {  	[sflag:s12] =	ssyncset.done $0x0  }
0x283: {  	[sflag:s12] =	ssyncadd.s32 $0xFFFFE000  }
0x284: {  	_ =	swait.ge [sflag:s12], $0x2000  }
0x285: {  	s13 =	sld [smem:$0x7F6]  }
0x286: {  	[sflag:s12] =	ssyncset.done $0x0  }
0x287: {  	s16 =	sld [smem:$0x7F7];
	[sflag:s12] =	ssyncadd.s32 $0xFFFFE000  }
0x288: {  	[hbm4b:s13+s2] =	stream.linear.scatter [tilespmem:s14], [sflag:$0x3], $0x4000, $0x38;
	[tilespmem:$0x10800] =	vst v63  }
0x289: {  	s13 =	sld [smem:$0x7F8]  }
0x28a: {  	[hbm4b:s16+s2] =	stream.linear.scatter [tilespmem:s15], [sflag:$0x3], $0x4000, $0x38;
	[tilespmem:$0x10800] =	vst v63  }
0x28b: {  	s16 =	sld [smem:$0x7F9]  }
0x28c: {  	[hbm4b:s13+s2] =	stream.linear.scatter [tilespmem:s14], [sflag:$0x3], $0x4000, $0x38;
	[tilespmem:$0x10800] =	vst v63  }
0x28d: {  	s13 =	sld [smem:$0x7FA]  }
0x28e: {  	[hbm4b:s16+s2] =	stream.linear.scatter [tilespmem:s15], [sflag:$0x3], $0x4000, $0x38;
	[tilespmem:$0x10800] =	vst v63  }
0x28f: {  	s16 =	sld [smem:$0x7FB]  }
0x290: {  	[hbm4b:s13+s2] =	stream.linear.scatter [tilespmem:s14], [sflag:$0x3], $0x4000, $0x38;
	[tilespmem:$0x10800] =	vst v63  }
0x291: {  	s13 =	sld [smem:$0x7FC]  }
0x292: {  	[hbm4b:s16+s2] =	stream.linear.scatter [tilespmem:s15], [sflag:$0x3], $0x4000, $0x38;
	[tilespmem:$0x10800] =	vst v63  }
0x293: {  	s16 =	sld [smem:$0x7FD]  }
0x294: {  	[hbm4b:s13+s2] =	stream.linear.scatter [tilespmem:s14], [sflag:$0x3], $0x4000, $0x38;
	[tilespmem:$0x10800] =	vst v63  }
0x295: {  	_ = 	snop  }
0x296: {  	[hbm4b:s16+s2] =	stream.linear.scatter [tilespmem:s15], [sflag:$0x3], $0x4000, $0x38;
	[tilespmem:$0x10800] =	vst v63  }
0x297: {  	_ =	swait.ge [sflag:s19], $0x4000  }
0x298: {  	[sflag:s19] =	ssyncset.done $0x0  }
0x299: {  	[sflag:s19] =	ssyncadd.s32 $0xFFFFC000  }
0x29a: {  	_ =	swait.ge [sflag:s19], $0x4000  }
0x29b: {  	[sflag:s19] =	ssyncset.done $0x0  }
0x29c: {  	[sflag:s19] =	ssyncadd.s32 $0xFFFFC000  }
0x29d: {  	_ =	swait.ge [sflag:s19], $0x4000  }
0x29e: {  	[sflag:s19] =	ssyncset.done $0x0  }
0x29f: {  	[sflag:s19] =	ssyncadd.s32 $0xFFFFC000  }
0x2a0: {  	_ =	swait.ge [sflag:s19], $0x4000  }
0x2a1: {  	[sflag:s19] =	ssyncset.done $0x0  }
0x2a2: {  	[sflag:s19] =	ssyncadd.s32 $0xFFFFC000  }
0x2a3: {  	_ =	swait.ge [sflag:s19], $0x4000  }
0x2a4: {  	[sflag:s19] =	ssyncset.done $0x0  }
0x2a5: {  	[sflag:s19] =	ssyncadd.s32 $0xFFFFC000  }
0x2a6: {  	_ =	swait.ge [sflag:s19], $0x4000  }
0x2a7: {  	[sflag:s19] =	ssyncset.done $0x0  }
0x2a8: {  	[sflag:s19] =	ssyncadd.s32 $0xFFFFC000  }
0x2a9: {  	_ =	swait.ge [sflag:s19], $0x4000  }
0x2aa: {  	[sflag:s19] =	ssyncset.done $0x0  }
0x2ab: {  	[sflag:s19] =	ssyncadd.s32 $0xFFFFC000  }
0x2ac: {  	_ =	swait.ge [sflag:s19], $0x4000  }
0x2ad: {  	[sflag:s19] =	ssyncset.done $0x0  }
0x2ae: {  	[sflag:s19] =	ssyncadd.s32 $0xFFFFC000  }
0x2af: {  	_ =	swait.ge [sflag:s22], $0x4000  }
0x2b0: {  	[sflag:s22] =	ssyncset.done $0x0  }
0x2b1: {  	[sflag:s22] =	ssyncadd.s32 $0xFFFFC000  }
0x2b2: {  	_ =	swait.ge [sflag:s22], $0x4000  }
0x2b3: {  	[sflag:s22] =	ssyncset.done $0x0  }
0x2b4: {  	[sflag:s22] =	ssyncadd.s32 $0xFFFFC000  }
0x2b5: {  	_ =	swait.ge [sflag:s22], $0x4000  }
0x2b6: {  	[sflag:s22] =	ssyncset.done $0x0  }
0x2b7: {  	[sflag:s22] =	ssyncadd.s32 $0xFFFFC000  }
0x2b8: {  	_ =	swait.ge [sflag:s22], $0x4000  }
0x2b9: {  	[sflag:s22] =	ssyncset.done $0x0  }
0x2ba: {  	[sflag:s22] =	ssyncadd.s32 $0xFFFFC000  }
0x2bb: {  	_ =	swait.ge [sflag:s22], $0x4000  }
0x2bc: {  	[sflag:s22] =	ssyncset.done $0x0  }
0x2bd: {  	[sflag:s22] =	ssyncadd.s32 $0xFFFFC000  }
0x2be: {  	_ =	swait.ge [sflag:s22], $0x4000  }
0x2bf: {  	[sflag:s22] =	ssyncset.done $0x0  }
0x2c0: {  	[sflag:s22] =	ssyncadd.s32 $0xFFFFC000  }
0x2c1: {  	p0 =	sne.s32 s5, $0x1;
	_ =	swait.ge [sflag:s22], $0x4000  }
.Ltmp0:
0x2c2: {  	[sflag:s22] =	ssyncset.done $0x0;
	(pc) =	sbr.rel @p0 .LBB2_1-.Ltmp0, $4  }
0x2c3: {  	[sflag:s22] =	ssyncadd.s32 $0xFFFFC000  }
0x2c4: {  	_ =	swait.ge [sflag:s22], $0x4000  }
0x2c5: {  	[sflag:s22] =	ssyncset.done $0x0  }
0x2c6: {  	s5 =	sadd.s32 $0xFFFFFFFF, s5;
	[sflag:s22] =	ssyncadd.s32 $0xFFFFC000  }
0x2c7: {  	_ =	sfence.sel $0x180000  }
0x2c8: {  	[bflag:$0x0] =	sbarrier.arrive $0xFFFF  }
0x2c9: {  	_ =	strace $0x90000047  }
0x2ca: {  	s0 =	stileid.u32;
	[bflag:$0x2] =	sbarrier.arrive $0xFFFF  }
0x2cb: {  	p0 =	sne.s32 s0, $0x0;
	s0 =	rddreg [dreg:$0x4]  }
0x2cc: {  	s0 =	sadd.s32 @!p0 $0x100000, s0  }
0x2cd: {  	[sflag:s0] =	ssyncadd.tile.s32 @!p0 $0x1;
	_ =	shalt  }
.Lfunc_end2:
_tile_overlayer_lowered:
.L_overlay_start_2:
0x2ce: {  	(tag) =	ssettag $0x2  }
0x2cf: {  	s0 =	rddreg [dreg:$0x0];
	s2 =	stileid.u32  }
0x2d0: {  	s1 =	rddreg [dreg:$0x1];
	p0 =	sne.s32 s2, $0x0  }
0x2d1: {  	s3 =	rddreg [dreg:$0x2];
	[bflag:$0x3] =	sbarrier.arrive $0xFFFF;
	s2 =	simm.s32 @!p0 $0x1C04  }
0x2d2: {  	[timem:s3], [sflag:s2] =	dma.local @!p0 [hbm:s0], s1  }
0x2d3: {  	s0 =	simm.s32 @!p0 $0x4  }
0x2d4: {  	_ =	swait.ge @!p0 [sflag:s0], s1  }
0x2d5: {  	s1 =	ssub.s32 @!p0 $0x0, s1;
	[sflag:s0] =	ssyncset.done @!p0 $0x0  }
0x2d6: {  	[sflag:s0] =	ssyncadd.s32 @!p0 s1  }
0x2d7: {  	[bflag:$0x3] =	sbarrier.arrive $0xFFFF  }
0x2d8: {  	_ =	shalt  }

// kernel: sparse-core-data-format-call.1.cloned.1.call-start
scs
called_computation.1_lowered:
.L_overlay_start_0:
0x0: {  	s2 =	sld [smem:$0x3FD9]  }
0x1: {  	s3 =	sld [smem:$0x3FFE];
	_ =	sdelay $0x1  }
0x2: {  	s1 =	srdreg.scid  }
0x3: {  	s0 =	sand.u32 $0x1, s1  }
0x4: {  	s15 =	sshll.u32 s0, $0xA;
	s2 =	sadd.s32 s3, s2  }
0x5: {  	s2 =	sadd.s32 s2, s15  }
0x6: {  	[smem:$0x3FC5] =	sst s2  }
0x7: {  	_ = 	snop  }
0x8: {  	s2 =	sld [smem:$0x3FD0];
	_ =	sdelay $0x2  }
0x9: {  	s16 =	simm.s32 $0xB;
	s4 =	simm.s32 $0x10  }
0xa: {  	[smem:s4], [sflag:s16] =	dma.local [hbm:s2], $0x1  }
0xb: {  	_ =	swait.eq [sflag:s16], $0x1  }
0xc: {  	[sflag:s16] =	ssyncset.done $0x0  }
0xd: {  	[sflag:s16] =	ssyncadd.s32 $0xFFFFFFFF  }
0xe: {  	s17 =	sld [smem:$0x10];
	(tm) =	ssettm $0x1  }
0xf: {  	s18 =	sld [smem:$0x3FFB];
	_ =	sdelay $0x3  }
0x10: {  	_ =	strace s18  }
0x11: {  	s3 =	sld [smem:$0x3FFC];
	_ =	sdelay $0x3  }
0x12: {  	_ =	strace s3  }
0x13: {  	s3 =	sld [smem:$0x3FFD];
	_ =	sdelay $0x3  }
0x14: {  	_ =	strace s3  }
0x15: {  	_ =	strace $0x8FFFFFFF  }
0x16: {  	s19 =	sld [smem:$0x3FDB];
	_ =	sdelay $0x1  }
0x17: {  	s20 =	simm.s32 $_scs_section_size  }
0x18: {  	s5 =	simm.s32 $_size__tile_overlayer_lowered;
	s6 =	simm.s32 $_tile_overlayer_lowered  }
0x19: {  	s23 =	simm.s32 $0x1BFF;
	s22 =	sshll.u32 s6, $0x1;
	s3 =	sadd.s32 s20, s19  }
0x1a: {  	s7 =	simm.s32 $0x0;
	s21 =	sshll.u32 s5, $0x1;
	s5 =	sadd.s32 s22, s3  }
0x1b: {  	[timem:s7], [sflag:s23] =	dma.local [hbm:s5], s21  }
0x1c: {  	_ =	swait.ge [sflag:s23], s21  }
0x1d: {  	s4 =	ssub.s32 $0x0, s21;
	[sflag:s23] =	ssyncset.done $0x0  }
0x1e: {  	[sflag:s23] =	ssyncadd.s32 s4;
	_ =	sdelay $0x1  }
0x1f: {  	s24 =	simm.s32 $0x1B8B  }
0x20: {  	_ =	swait.ge [sflag:s24], $0x1  }
0x21: {  	[sflag:s24] =	ssyncset.done $0x0  }
0x22: {  	s26 =	simm.s32 $0x1B8E;
	s25 =	sld [smem:$0x3FFE];
	[sflag:s24] =	ssyncadd.s32 $0xFFFFFFFF  }
0x23: {  	s27 =	simm.s32 $execute0_lowered;
	[smem:$0x3FD2] =	sst s26  }
0x24: {  	s5 =	sshll.u32 s27, $0x1;
	_ =	strace $0x80000049;
	[dreg:$0x1] =	wrdreg $0xFFFFFFFF  }
0x25: {  	s28 =	simm.s32 $_size_execute0_lowered;
	s3 =	sadd.s32 s3, s5;
	[dreg:$0x0] =	wrdreg $0x0  }
0x26: {  	s5 =	sshll.u32 s28, $0x1;
	[dreg:$0x2] =	wrdreg s3  }
0x27: {  	[dreg:$0x3] =	wrdreg s5  }
0x28: {  	[dreg:$0x4] =	wrdreg $0xC0  }
0x29: {  	_ =	task [dreg:s7], $0x5FFFF  }
0x2a: {  	[dreg:$0x1] =	wrdreg $0xFFFFFFFF  }
0x2b: {  	[dreg:$0x0] =	wrdreg $0x60  }
0x2c: {  	[dreg:$0x2] =	wrdreg s25  }
0x2d: {  	[dreg:$0x3] =	wrdreg s17  }
0x2e: {  	[dreg:$0x4] =	wrdreg $0xA  }
0x2f: {  	_ =	task.clear_ibuf [dreg:s7], $0x5FFFF;
	_ =	strace $0x90000049  }
0x30: {  	s29 =	simm.s32 $0xA;
	_ =	strace $0x8000004B  }
0x31: {  	_ =	swait.ge [sflag:s29], $0x1  }
0x32: {  	[sflag:s29] =	ssyncadd.s32 $0xFFFFFFFF  }
0x33: {  	_ =	strace $0x9000004B  }
0x34: {  	_ =	sfence  }
0x35: {  	s30 =	sld [smem:$0x0];
	_ =	sdelay $0x2  }
0x36: {  	s31 =	sshll.u32 s1, $0xD;
	s1 =	sshrl.u32 s1, $0x2  }
0x37: {  	s3 =	sand.u32 $0x4000, s31;
	s1 =	sadd.s32 s1, s30  }
0x38: {  	s0 =	sor.u32 s3, s0;
	s1 =	sshll.u32 s1, $0x11  }
0x39: {  	s0 =	sor.u32 s1, s0  }
0x3a: {  	s0 =	sadd.s32 $0x8F2B, s0  }
0x3b: {  	[sflag:s0] =	ssyncadd.remote.s32 $0x1  }
0x3c: {  	_ =	sfence.sel $0xFFFF  }
0x3d: {  	[dreg:$0x0] =	wrdreg $0xFFFFFFFF;
	(pc) =	sbr.abs _section_cstart, $3  }
0x3e: {  	[dreg:$0x1] =	wrdreg $0xFFFFFFFF  }
0x3f: {  	_ =	task.clear_ibuf [dreg:s7], $0x2FFFF;
	_ =	strace $0x9FFFFFFF  }
0x40: {  	(tm) =	ssettm $0x7FFFFFFF  }
0x41: {  	_ =	shalt  }
tec
execute0_lowered:
.L_overlay_start_1:
0x0: {  	(tag) =	ssettag $0x1  }
0x1: {  	s0 =	srdreg.scid  }
0x2: {  	s1 =	sshll.u32 s0, $0x4  }
0x3: {  	s4 =	rddreg [dreg:$0x0];
	s0 =	stileid.u32;
	s1 =	sand.u32 $0x10, s1  }
0x4: {  	s2 =	rddreg [dreg:$0x1];
	s7 =	simm.s32 $0x1;
	s1 =	sor.u32 s0, s1  }
0x5: {  	s8 =	simm.s32 $0x2;
	s11 =	simm.s32 $0x0;
	s3 =	sshll.u32 s1, $0x7  }
0x6: {  	s10 =	simm.s32 $0x0;
	s4 =	sadd.s32 $0x1000, s4;
	s6 =	ssub.s32 $0x40000, s3  }
.Ltmp0:
0x7: {  	s1 =	rddreg [dreg:$0x2];
	s5 =	sand.u32 $0xF80, s6;
	(pc) =	sbr.rel .LBB1_1-.Ltmp0, $4  }
0x8: {  	_ =	strace $0x8000004A;
	s9 =	smov.u32 s3;
	p0 =	sne.s32 s5, $0x0  }
0x9: {  	s6 =	sshrl.u32 s6, $0xC;
	s5 =	simm.s32 $0x1;
	s7 =	simm.s32 @!p0 $0x0  }
0xa: {  	[sflag:s5] =	ssyncpa.u1 $0x0;
	p0 =	por $0x0, $0x0;
	s6 =	sadd.s32 s7, s6  }
0xb: {  	[sflag:s8] =	ssyncpa.u1 $0x0;
	s8 =	simm.s32 $0x200000;
	s7 =	sadd.s32 $0x1, s6  }
.LBB1_4:
0xc: {  	s14 =	sshll.u32 s11, $0x3  }
0xd: {  	s15 =	sand.u32 $0x78, s11;
	s14 =	sand.u32 $0x3FC00, s14  }
0xe: {  	[tilespmem:s13+$0x810 ss:$0x81] =	vst.msk $0xffff, v2;
	s29 =	sand.u32 $0x1F8000, s11;
	s30 =	sand.u32 $0x7, s11;
	s14 =	sor.u32 s15, s14  }
0xf: {  	[tilespmem:s13+$0x1020 ss:$0x81] =	vst.msk $0xffff, v0;
	s11 =	sshll.u32 s30, $0x12;
	s15 =	sadd.s32 s2, s29;
	s14 =	sshrl.u32 s14, $0x3  }
0x10: {  	[tilespmem:s13+$0x0 ss:$0x81] =	vst.msk $0xffff, v1;
	s11 =	sor.u32 $0x400, s11;
	s31 =	sadd.s32 s14, s15  }
0x11: {  	[hbm4b:s31+s11] =	stream.strided.scatter [tilespmem:s12], [sflag:$0x2], $0x2000, s8, s11, $0x20;
	[tilespmem:$0x8080] =	vst v63  }
.LBB1_5:
0x12: {  	s13 =	sadd.s32 $0x1000, s9  }
0x13: {  	p2 =	sgt.s32 s13, $0x3FFFF  }
0x14: {  	s13 =	smov.u32 @p2 s3;
	p2 =	sne.s32 s10, s7  }
.Ltmp1:
0x15: {  	p1 =	slt.u32 s10, $0x2;
	(pc) =	sbr.rel @!p2 .LBB1_6-.Ltmp1, $4  }
0x16: {  	s12 =	simm.s32 @!p1 $0x2  }
0x17: {  	s14 =	sadd.s32 $0x1, s10;
	_ =	swait.ge @!p1 [sflag:s12], $0x2000  }
0x18: {  	s11 =	smov.u32 s9;
	p0 =	por !p0, !p0;
	[sflag:s12] =	ssyncset.done @!p1 $0x0  }
0x19: {  	s10 =	smov.u32 s14;
	s9 =	smov.u32 s13;
	[sflag:s12] =	ssyncadd.s32 @!p1 $0xFFFFE000  }
.LBB1_1:
0x1a: {  	p1 =	sge.u32 s10, s6  }
0x1b: {  	s31 =	sadd.s32 $0xFFFFFFFF, s10;
	s12 =	sxor.u32 @!p1 $0xFFFFFFFF, s10;
	s13 =	sshll.u32 @!p1 s9, $0x4  }
0x1c: {  	s14 =	simm.s32 @!p1 $0x40;
	s12 =	sshll.u32 @!p1 s12, $0xD;
	s13 =	sand.u32 @!p1 $0x3FFFF0, s13  }
0x1d: {  	s15 =	simm.s32 @!p1 $0x80;
	s12 =	sand.u32 @!p1 $0x2000, s12;
	s13 =	sadd.s32 @!p1 s4, s13  }
0x1e: {  	[tilespmem:s12], [sflag:$0x1] =	stream.strided.gather @!p1 [hbm4b:s13+s14], $0x2000, s15, s14, $0x38;
	[tilespmem:$0x8080] =	vst v63  }
0x1f: {  	p1 =	sge.u32 s31, s6  }
.Ltmp2:
0x20: {  	_ = 	snop;
	(pc) =	sbr.rel @p1 .LBB1_5-.Ltmp2, $1  }
0x21: {  	_ =	sdelay $0x3  }
0x22: {  	s12 =	simm.s32 $0x1  }
0x23: {  	_ =	swait.ge [sflag:s5], $0x2000;
	s12 =	simm.s32 @!p0 $0x0  }
0x24: {  	[sflag:s5] =	ssyncset.done $0x0;
	s13 =	sshll.u32 s12, $0xD  }
0x25: {  	[sflag:s5] =	ssyncadd.s32 $0xFFFFE000;
	s16 =	sor.u32 $0x20, s13  }
0x26: {  	s12 =	smul.u32 $0x8100, s12;
	v3 =	vld [tilespmem:s16+$0x10]  }
0x27: {  	s30 =	sand.u32 $0x1, s10;
	v2 =	vld [tilespmem:s16+$0xFFFFFFF0]  }
0x28: {  	s13 =	smul.u32 $0x8100, s30;
	s12 =	sshrl.u32 s12, $0x2;
	v0 =	vld [tilespmem:s16+$0x0]  }
0x29: {  	v1 =	vld [tilespmem:s16+$0xFFFFFFE0];
	s14 =	sor.u32 $0x4000, s12  }
0x2a: {  	s31 =	sshrl.u32 s13, $0x2;
	s13 =	sadd.s32 $0x0, s14  }
0x2b: {  	s15 =	simm.s32 $0x4;
	s16 =	sadd.s32 $0x40, s16;
	s12 =	sor.u32 $0x4000, s31;
	[tilespmem:s13+$0x1830 ss:$0x81] =	vst.msk $0xffff, v3  }
.LBB1_3:
0x2c: {  	v3 =	vld [tilespmem:s16+$0x10];
	p1 =	sne.s32 s15, $0x1FC;
	[tilespmem:s13+$0x810 ss:$0x81] =	vst.msk $0xffff, v2;
	s17 =	smov.u32 s15;
	s15 =	sadd.s32 $0x4, s15  }
.Ltmp3:
0x2d: {  	v2 =	vld [tilespmem:s16+$0xFFFFFFF0];
	[tilespmem:s13+$0x1020 ss:$0x81] =	vst.msk $0xffff, v0;
	(pc) =	sbr.rel @p1 .LBB1_3-.Ltmp3, $4  }
0x2e: {  	v0 =	vld [tilespmem:s16+$0x0];
	[tilespmem:s13+$0x0 ss:$0x81] =	vst.msk $0xffff, v1  }
0x2f: {  	s13 =	sshra.s32 s17, $0x2;
	v1 =	vld [tilespmem:s16+$0xFFFFFFE0]  }
0x30: {  	s13 =	sadd.s32 s13, s14  }
0x31: {  	s16 =	sadd.s32 $0x40, s16;
	[tilespmem:s13+$0x1830 ss:$0x81] =	vst.msk $0xffff, v3  }
.Ltmp4:
0x32: {  	_ = 	snop;
	(pc) =	sbr.rel .LBB1_4-.Ltmp4, $1  }
0x33: {  	_ =	sdelay $0x3  }
.LBB1_6:
0x34: {  	_ =	sfence.sel $0x180000  }
0x35: {  	s2 =	simm.s32 $0x1;
	[bflag:$0x0] =	sbarrier.arrive $0xFFFF  }
0x36: {  	s31 =	simm.s32 $0x2;
	[sflag:s2] =	ssyncpa.u1 $0x1  }
0x37: {  	[sflag:s31] =	ssyncpa.u1 $0x1  }
0x38: {  	p0 =	sne.s32 s0, $0x0;
	_ =	strace $0x9000004A  }
0x39: {  	s0 =	sadd.s32 @!p0 $0x100000, s1;
	[bflag:$0x2] =	sbarrier.arrive $0xFFFF  }
0x3a: {  	[sflag:s0] =	ssyncadd.tile.s32 @!p0 $0x1;
	_ =	shalt  }
.Lfunc_end1:
_tile_overlayer_lowered:
.L_overlay_start_2:
0x3b: {  	(tag) =	ssettag $0x2  }
0x3c: {  	s0 =	rddreg [dreg:$0x0];
	s2 =	stileid.u32  }
0x3d: {  	s1 =	rddreg [dreg:$0x1];
	p0 =	sne.s32 s2, $0x0  }
0x3e: {  	s3 =	rddreg [dreg:$0x2];
	[bflag:$0x3] =	sbarrier.arrive $0xFFFF;
	s2 =	simm.s32 @!p0 $0x1C01  }
0x3f: {  	[timem:s3], [sflag:s2] =	dma.local @!p0 [hbm:s0], s1  }
0x40: {  	s0 =	simm.s32 @!p0 $0x1  }
0x41: {  	_ =	swait.ge @!p0 [sflag:s0], s1  }
0x42: {  	s1 =	ssub.s32 @!p0 $0x0, s1;
	[sflag:s0] =	ssyncset.done @!p0 $0x0  }
0x43: {  	[sflag:s0] =	ssyncadd.s32 @!p0 s1  }
0x44: {  	[bflag:$0x3] =	sbarrier.arrive $0xFFFF  }
0x45: {  	_ =	shalt  }

// kernel: sparse-core-data-format-call.cloned.1.call-start
scs
called_computation_lowered:
.L_overlay_start_0:
0x0: {  	s2 =	sld [smem:$0x3FD9]  }
0x1: {  	s3 =	sld [smem:$0x3FFE];
	_ =	sdelay $0x1  }
0x2: {  	s1 =	srdreg.scid  }
0x3: {  	s0 =	sand.u32 $0x1, s1  }
0x4: {  	s16 =	sshll.u32 s0, $0xA;
	s2 =	sadd.s32 s3, s2  }
0x5: {  	s2 =	sadd.s32 s2, s16  }
0x6: {  	[smem:$0x3FC5] =	sst s2  }
0x7: {  	_ = 	snop  }
0x8: {  	s2 =	sld [smem:$0x3FD0];
	_ =	sdelay $0x2  }
0x9: {  	s17 =	simm.s32 $0xB;
	s4 =	simm.s32 $0x10  }
0xa: {  	[smem:s4], [sflag:s17] =	dma.local [hbm:s2], $0x1  }
0xb: {  	_ =	swait.eq [sflag:s17], $0x1  }
0xc: {  	[sflag:s17] =	ssyncset.done $0x0  }
0xd: {  	[sflag:s17] =	ssyncadd.s32 $0xFFFFFFFF  }
0xe: {  	s18 =	sld [smem:$0x11];
	(tm) =	ssettm $0x1  }
0xf: {  	s19 =	sld [smem:$0x3FFB];
	_ =	sdelay $0x3  }
0x10: {  	_ =	strace s19  }
0x11: {  	s2 =	sld [smem:$0x3FFC];
	_ =	sdelay $0x3  }
0x12: {  	_ =	strace s2  }
0x13: {  	s2 =	sld [smem:$0x3FFD];
	_ =	sdelay $0x3  }
0x14: {  	_ =	strace s2  }
0x15: {  	_ =	strace $0x8FFFFFFF  }
0x16: {  	s20 =	sld [smem:$0x3FDB];
	_ =	sdelay $0x1  }
0x17: {  	s21 =	simm.s32 $_scs_section_size  }
0x18: {  	s5 =	simm.s32 $_size__tile_overlayer_lowered;
	s6 =	simm.s32 $_tile_overlayer_lowered  }
0x19: {  	s7 =	simm.s32 $0x1BFF;
	s22 =	sshll.u32 s6, $0x1;
	s4 =	sadd.s32 s21, s20  }
0x1a: {  	s23 =	simm.s32 $0x0;
	s5 =	sshll.u32 s5, $0x1;
	s6 =	sadd.s32 s22, s4  }
0x1b: {  	[timem:s23], [sflag:s7] =	dma.local [hbm:s6], s5  }
0x1c: {  	_ =	swait.ge [sflag:s7], s5  }
0x1d: {  	s5 =	ssub.s32 $0x0, s5;
	[sflag:s7] =	ssyncset.done $0x0  }
0x1e: {  	[sflag:s7] =	ssyncadd.s32 s5;
	_ =	sdelay $0x1  }
0x1f: {  	s24 =	simm.s32 $0x1B8B  }
0x20: {  	_ =	swait.ge [sflag:s24], $0x1  }
0x21: {  	[sflag:s24] =	ssyncset.done $0x0  }
0x22: {  	[sflag:s24] =	ssyncadd.s32 $0xFFFFFFFF  }
0x23: {  	s5 =	sld [smem:$0x0]  }
0x24: {  	s6 =	sand.u32 $0xFFFFFFFE, s1  }
0x25: {  	p0 =	sne.s32 s1, s6  }
0x26: {  	s6 =	sshll.u32 @p0 s6, $0xE  }
0x27: {  	s6 =	sadd.s32 @p0 $0x11B8D, s6;
	s7 =	sshll.u32 @p0 s5, $0x11  }
0x28: {  	s6 =	sor.u32 @p0 s7, s6  }
0x29: {  	[sflag:s6] =	ssyncadd.remote.s32 @p0 $0x1;
	_ =	sdelay $0x1  }
0x2a: {  	s6 =	simm.s32 @p0 $0x1B8D  }
0x2b: {  	_ =	swait.eq @p0 [sflag:s6], $0x1  }
0x2c: {  	[sflag:s6] =	ssyncadd.s32 @p0 $0xFFFFFFFF  }
0x2d: {  	s7 =	sshll.u32 @!p0 s1, $0xE  }
0x2e: {  	s7 =	sor.u32 @!p0 $0x4000, s7;
	s6 =	simm.s32 @!p0 $0x1B8D  }
0x2f: {  	s5 =	sshll.u32 @!p0 s5, $0x11;
	s7 =	sadd.s32 @!p0 $0x11B8D, s7;
	_ =	swait.eq @!p0 [sflag:s6], $0x1  }
0x30: {  	s5 =	sor.u32 @!p0 s5, s7;
	[sflag:s6] =	ssyncadd.s32 @!p0 $0xFFFFFFFF  }
0x31: {  	s26 =	simm.s32 $0x1B8E;
	s25 =	sld [smem:$0x3FFE];
	[sflag:s5] =	ssyncadd.remote.s32 @!p0 $0x1  }
0x32: {  	s27 =	simm.s32 $execute0_lowered;
	[smem:$0x3FD2] =	sst s26  }
0x33: {  	s6 =	sshll.u32 s27, $0x1;
	_ =	strace $0x8000004C;
	[dreg:$0x1] =	wrdreg $0xFFFFFFFF  }
0x34: {  	s28 =	simm.s32 $_size_execute0_lowered;
	s4 =	sadd.s32 s4, s6;
	[dreg:$0x0] =	wrdreg $0x0  }
0x35: {  	s6 =	sshll.u32 s28, $0x1;
	[dreg:$0x2] =	wrdreg s4  }
0x36: {  	[dreg:$0x3] =	wrdreg s6  }
0x37: {  	[dreg:$0x4] =	wrdreg $0xC0  }
0x38: {  	_ =	task [dreg:s23], $0x5FFFF  }
0x39: {  	[dreg:$0x1] =	wrdreg $0xFFFFFFFF  }
0x3a: {  	[dreg:$0x0] =	wrdreg $0x60  }
0x3b: {  	[dreg:$0x2] =	wrdreg s25  }
0x3c: {  	[dreg:$0x3] =	wrdreg s18  }
0x3d: {  	[dreg:$0x4] =	wrdreg $0x9  }
0x3e: {  	_ =	task.clear_ibuf [dreg:s23], $0x5FFFF;
	_ =	strace $0x9000004C  }
0x3f: {  	s29 =	simm.s32 $0x9;
	_ =	strace $0x8000004E  }
0x40: {  	_ =	swait.ge [sflag:s29], $0x1  }
0x41: {  	[sflag:s29] =	ssyncadd.s32 $0xFFFFFFFF  }
0x42: {  	_ =	strace $0x9000004E  }
0x43: {  	_ =	sfence  }
0x44: {  	s30 =	sld [smem:$0x0];
	_ =	sdelay $0x2  }
0x45: {  	s31 =	sshll.u32 s1, $0xD;
	s1 =	sshrl.u32 s1, $0x2  }
0x46: {  	s4 =	sand.u32 $0x4000, s31;
	s1 =	sadd.s32 s1, s30  }
0x47: {  	s0 =	sor.u32 s4, s0;
	s1 =	sshll.u32 s1, $0x11  }
0x48: {  	s0 =	sor.u32 s1, s0  }
0x49: {  	s0 =	sadd.s32 $0x8F2B, s0  }
0x4a: {  	[sflag:s0] =	ssyncadd.remote.s32 $0x1  }
0x4b: {  	_ =	sfence.sel $0xFFFF  }
0x4c: {  	[dreg:$0x0] =	wrdreg $0xFFFFFFFF;
	(pc) =	sbr.abs _section_cstart, $3  }
0x4d: {  	[dreg:$0x1] =	wrdreg $0xFFFFFFFF  }
0x4e: {  	_ =	task.clear_ibuf [dreg:s23], $0x2FFFF;
	_ =	strace $0x9FFFFFFF  }
0x4f: {  	(tm) =	ssettm $0x7FFFFFFF  }
tec
execute0_lowered:
.L_overlay_start_1:
0x0: {  	(tag) =	ssettag $0x1  }
0x1: {  	s0 =	srdreg.scid  }
0x2: {  	s1 =	sshll.u32 s0, $0x4  }
0x3: {  	s4 =	rddreg [dreg:$0x0];
	s0 =	stileid.u32;
	s1 =	sand.u32 $0x10, s1  }
0x4: {  	s2 =	rddreg [dreg:$0x1];
	s7 =	simm.s32 $0x1;
	s1 =	sor.u32 s0, s1  }
0x5: {  	s8 =	simm.s32 $0x2;
	s11 =	simm.s32 $0x0;
	s3 =	sshll.u32 s1, $0x7  }
0x6: {  	s10 =	simm.s32 $0x0;
	s4 =	sadd.s32 $0x401000, s4;
	s6 =	ssub.s32 $0x40000, s3  }
.Ltmp0:
0x7: {  	s1 =	rddreg [dreg:$0x2];
	s5 =	sand.u32 $0xF80, s6;
	(pc) =	sbr.rel .LBB1_1-.Ltmp0, $4  }
0x8: {  	_ =	strace $0x8000004D;
	s9 =	smov.u32 s3;
	p0 =	sne.s32 s5, $0x0  }
0x9: {  	s6 =	sshrl.u32 s6, $0xC;
	s5 =	simm.s32 $0x1;
	s7 =	simm.s32 @!p0 $0x0  }
0xa: {  	[sflag:s5] =	ssyncpa.u1 $0x0;
	p0 =	por $0x0, $0x0;
	s6 =	sadd.s32 s7, s6  }
0xb: {  	[sflag:s8] =	ssyncpa.u1 $0x0;
	s8 =	simm.s32 $0x200000;
	s7 =	sadd.s32 $0x1, s6  }
.LBB1_4:
0xc: {  	s14 =	sshll.u32 s11, $0x3  }
0xd: {  	s15 =	sand.u32 $0x78, s11;
	s14 =	sand.u32 $0x3FC00, s14  }
0xe: {  	[tilespmem:s13+$0x810 ss:$0x81] =	vst.msk $0xffff, v2;
	s29 =	sand.u32 $0x1F8000, s11;
	s30 =	sand.u32 $0x7, s11;
	s14 =	sor.u32 s15, s14  }
0xf: {  	[tilespmem:s13+$0x1020 ss:$0x81] =	vst.msk $0xffff, v0;
	s11 =	sshll.u32 s30, $0x12;
	s15 =	sadd.s32 s2, s29;
	s14 =	sshrl.u32 s14, $0x3  }
0x10: {  	[tilespmem:s13+$0x0 ss:$0x81] =	vst.msk $0xffff, v1;
	s11 =	sor.u32 $0x400, s11;
	s31 =	sadd.s32 s14, s15  }
0x11: {  	[hbm4b:s31+s11] =	stream.strided.scatter [tilespmem:s12], [sflag:$0x2], $0x2000, s8, s11, $0x20;
	[tilespmem:$0x8080] =	vst v63  }
.LBB1_5:
0x12: {  	s13 =	sadd.s32 $0x1000, s9  }
0x13: {  	p2 =	sgt.s32 s13, $0x3FFFF  }
0x14: {  	s13 =	smov.u32 @p2 s3;
	p2 =	sne.s32 s10, s7  }
.Ltmp1:
0x15: {  	p1 =	slt.u32 s10, $0x2;
	(pc) =	sbr.rel @!p2 .LBB1_6-.Ltmp1, $4  }
0x16: {  	s12 =	simm.s32 @!p1 $0x2  }
0x17: {  	s14 =	sadd.s32 $0x1, s10;
	_ =	swait.ge @!p1 [sflag:s12], $0x2000  }
0x18: {  	s11 =	smov.u32 s9;
	p0 =	por !p0, !p0;
	[sflag:s12] =	ssyncset.done @!p1 $0x0  }
0x19: {  	s10 =	smov.u32 s14;
	s9 =	smov.u32 s13;
	[sflag:s12] =	ssyncadd.s32 @!p1 $0xFFFFE000  }
.LBB1_1:
0x1a: {  	p1 =	sge.u32 s10, s6  }
0x1b: {  	s31 =	sadd.s32 $0xFFFFFFFF, s10;
	s12 =	sxor.u32 @!p1 $0xFFFFFFFF, s10;
	s13 =	sshll.u32 @!p1 s9, $0x4  }
0x1c: {  	s14 =	simm.s32 @!p1 $0x40;
	s12 =	sshll.u32 @!p1 s12, $0xD;
	s13 =	sand.u32 @!p1 $0x3FFFF0, s13  }
0x1d: {  	s15 =	simm.s32 @!p1 $0x80;
	s12 =	sand.u32 @!p1 $0x2000, s12;
	s13 =	sadd.s32 @!p1 s4, s13  }
0x1e: {  	[tilespmem:s12], [sflag:$0x1] =	stream.strided.gather @!p1 [hbm4b:s13+s14], $0x2000, s15, s14, $0x38;
	[tilespmem:$0x8080] =	vst v63  }
0x1f: {  	p1 =	sge.u32 s31, s6  }
.Ltmp2:
0x20: {  	_ = 	snop;
	(pc) =	sbr.rel @p1 .LBB1_5-.Ltmp2, $1  }
0x21: {  	_ =	sdelay $0x3  }
0x22: {  	s12 =	simm.s32 $0x1  }
0x23: {  	_ =	swait.ge [sflag:s5], $0x2000;
	s12 =	simm.s32 @!p0 $0x0  }
0x24: {  	[sflag:s5] =	ssyncset.done $0x0;
	s13 =	sshll.u32 s12, $0xD  }
0x25: {  	[sflag:s5] =	ssyncadd.s32 $0xFFFFE000;
	s16 =	sor.u32 $0x20, s13  }
0x26: {  	s12 =	smul.u32 $0x8100, s12;
	v3 =	vld [tilespmem:s16+$0x10]  }
0x27: {  	s30 =	sand.u32 $0x1, s10;
	v2 =	vld [tilespmem:s16+$0xFFFFFFF0]  }
0x28: {  	s13 =	smul.u32 $0x8100, s30;
	s12 =	sshrl.u32 s12, $0x2;
	v0 =	vld [tilespmem:s16+$0x0]  }
0x29: {  	v1 =	vld [tilespmem:s16+$0xFFFFFFE0];
	s14 =	sor.u32 $0x4000, s12  }
0x2a: {  	s31 =	sshrl.u32 s13, $0x2;
	s13 =	sadd.s32 $0x0, s14  }
0x2b: {  	s15 =	simm.s32 $0x4;
	s16 =	sadd.s32 $0x40, s16;
	s12 =	sor.u32 $0x4000, s31;
	[tilespmem:s13+$0x1830 ss:$0x81] =	vst.msk $0xffff, v3  }
.LBB1_3:
0x2c: {  	v3 =	vld [tilespmem:s16+$0x10];
	p1 =	sne.s32 s15, $0x1FC;
	[tilespmem:s13+$0x810 ss:$0x81] =	vst.msk $0xffff, v2;
	s17 =	smov.u32 s15;
	s15 =	sadd.s32 $0x4, s15  }
.Ltmp3:
0x2d: {  	v2 =	vld [tilespmem:s16+$0xFFFFFFF0];
	[tilespmem:s13+$0x1020 ss:$0x81] =	vst.msk $0xffff, v0;
	(pc) =	sbr.rel @p1 .LBB1_3-.Ltmp3, $4  }
0x2e: {  	v0 =	vld [tilespmem:s16+$0x0];
	[tilespmem:s13+$0x0 ss:$0x81] =	vst.msk $0xffff, v1  }
0x2f: {  	s13 =	sshra.s32 s17, $0x2;
	v1 =	vld [tilespmem:s16+$0xFFFFFFE0]  }
0x30: {  	s13 =	sadd.s32 s13, s14  }
0x31: {  	s16 =	sadd.s32 $0x40, s16;
	[tilespmem:s13+$0x1830 ss:$0x81] =	vst.msk $0xffff, v3  }
.Ltmp4:
0x32: {  	_ = 	snop;
	(pc) =	sbr.rel .LBB1_4-.Ltmp4, $1  }
0x33: {  	_ =	sdelay $0x3  }
.LBB1_6:
0x34: {  	_ =	sfence.sel $0x180000  }
0x35: {  	s2 =	simm.s32 $0x1;
	[bflag:$0x0] =	sbarrier.arrive $0xFFFF  }
0x36: {  	s31 =	simm.s32 $0x2;
	[sflag:s2] =	ssyncpa.u1 $0x1  }
0x37: {  	[sflag:s31] =	ssyncpa.u1 $0x1  }
0x38: {  	p0 =	sne.s32 s0, $0x0;
	_ =	strace $0x9000004D  }
0x39: {  	s0 =	sadd.s32 @!p0 $0x100000, s1;
	[bflag:$0x2] =	sbarrier.arrive $0xFFFF  }
0x3a: {  	[sflag:s0] =	ssyncadd.tile.s32 @!p0 $0x1;
	_ =	shalt  }
.Lfunc_end1:
_tile_overlayer_lowered:
.L_overlay_start_2:
0x3b: {  	(tag) =	ssettag $0x2  }
0x3c: {  	s0 =	rddreg [dreg:$0x0];
	s2 =	stileid.u32  }
0x3d: {  	s1 =	rddreg [dreg:$0x1];
	p0 =	sne.s32 s2, $0x0  }
0x3e: {  	s3 =	rddreg [dreg:$0x2];
	[bflag:$0x3] =	sbarrier.arrive $0xFFFF;
	s2 =	simm.s32 @!p0 $0x1C01  }
0x3f: {  	[timem:s3], [sflag:s2] =	dma.local @!p0 [hbm:s0], s1  }
0x40: {  	s0 =	simm.s32 @!p0 $0x1  }
0x41: {  	_ =	swait.ge @!p0 [sflag:s0], s1  }
0x42: {  	s1 =	ssub.s32 @!p0 $0x0, s1;
	[sflag:s0] =	ssyncset.done @!p0 $0x0  }
0x43: {  	[sflag:s0] =	ssyncadd.s32 @!p0 s1  }
0x44: {  	[bflag:$0x3] =	sbarrier.arrive $0xFFFF  }
0x45: {  	_ =	shalt  }

</sc_bundles>
